<compile_context>
chip_gen: v7x
topology: tpu7x:2x2x1
jax: 0.10.2.dev20260603
libtpu: 0.0.44.dev20260713+nightly
codegen_flags: <defaults>
</compile_context>

<pallas_src>
import jax
import jax.numpy as jnp
from jax import lax
from jax.experimental import pallas as pl
from jax.experimental.pallas import tpu as pltpu
from jax.experimental.pallas import tpu_sc as plsc

MU = 0.5
TEMP = 0.1
B = 4096
D = 64
NPAIR = 8192
EPS = 1e-12

NC = 2
NS = 16
NL = 16
NW = NC * NS
CHUNK = 128

f32 = jnp.float32
i32 = jnp.int32



D2 = 2 * D


def _sc_mesh():
    return plsc.VectorSubcoreMesh(core_axis_name="c", subcore_axis_name="s",
                                  num_cores=NC, num_subcores=NS)


NBUF = 8


def _sc_stripe_body(uid_h, iid_h, eid_h, tu_h, ti_h, te_h,
                    pu_h, pi_h, pe_h, idx_v, t0_v, t1_v, t2_v, t3_v,
                    t4_v, t5_v, t6_v, t7_v,
                    pack_v, s0, s1, s2, s3, s4, s5, s6, s7):
    wid = lax.axis_index("s") * NC + lax.axis_index("c")
    base = wid * (B // NW)
    lanes = lax.broadcasted_iota(i32, (NL,), 0)
    bufs = (t0_v, t1_v, t2_v, t3_v, t4_v, t5_v, t6_v, t7_v)
    sems = (s0, s1, s2, s3, s4, s5, s6, s7)
    for ids_h, t_h, o_h in ((uid_h, tu_h, pu_h), (iid_h, ti_h, pi_h),
                            (eid_h, te_h, pe_h)):
        pltpu.sync_copy(ids_h.at[pl.ds(base, CHUNK)], idx_v.at[pl.ds(0, CHUNK)])

        def issue(k, buf, sem):
            i = idx_v[pl.ds(k, NL)][0]
            col0 = pl.multiple_of((i >> 7) << 7, D2)
            pltpu.async_copy(t_h.at[:, pl.ds(col0, D2)], buf, sem)

        for b in range(NBUF):
            issue(b, bufs[b], sems[b])

        def grp(g, _):
            for b in range(NBUF):
                k = g * NBUF + b
                pltpu.make_async_copy(t_h.at[:, pl.ds(0, D2)], bufs[b],
                                      sems[b]).wait()
                i = idx_v[pl.ds(k, NL)][0]
                col0 = pl.multiple_of((i >> 7) << 7, D2)
                ii = jnp.broadcast_to(i - col0, (NL,))
                p = k >> 1
                off = (k & 1) * D
                for g2 in range(D // NL):
                    vals = plsc.load_gather(bufs[b], [lanes + g2 * NL, ii])
                    pack_v[p, pl.ds(off + g2 * NL, NL)] = vals

                @pl.when(k + NBUF < CHUNK)
                def _():
                    issue(k + NBUF, bufs[b], sems[b])
            return 0

        lax.fori_loop(0, CHUNK // NBUF, grp, 0)
        pltpu.sync_copy(pack_v, o_h.at[pl.ds(wid * (CHUNK // 2), CHUNK // 2)])


def _sc_stripe(uid, iid, eid, tu, ti, te):
    out_type = (
        jax.ShapeDtypeStruct((B // 2, D2), f32),
        jax.ShapeDtypeStruct((B // 2, D2), f32),
        jax.ShapeDtypeStruct((B // 2, D2), f32),
    )
    scratch_types = [
        pltpu.VMEM((CHUNK + NL,), i32),
        pltpu.VMEM((D, D2), f32),
        pltpu.VMEM((D, D2), f32),
        pltpu.VMEM((D, D2), f32),
        pltpu.VMEM((D, D2), f32),
        pltpu.VMEM((D, D2), f32),
        pltpu.VMEM((D, D2), f32),
        pltpu.VMEM((D, D2), f32),
        pltpu.VMEM((D, D2), f32),
        pltpu.VMEM((CHUNK // 2, D2), f32),
        pltpu.SemaphoreType.DMA,
        pltpu.SemaphoreType.DMA,
        pltpu.SemaphoreType.DMA,
        pltpu.SemaphoreType.DMA,
        pltpu.SemaphoreType.DMA,
        pltpu.SemaphoreType.DMA,
        pltpu.SemaphoreType.DMA,
        pltpu.SemaphoreType.DMA,
    ]
    fn = pl.kernel(_sc_stripe_body, out_type=out_type, mesh=_sc_mesh(),
                   scratch_types=scratch_types,
                   compiler_params=pltpu.CompilerParams(
                       needs_layout_passes=False,
                       use_tc_tiling_on_sc=True))
    return fn(uid, iid, eid, tu, ti, te)


def _sc_pair_body(p0_h, p1_h, pu_h, pi_h, pe_h, u2_h, i2_h, e2_h,
                  idx_v, idxs_v, rows_v, sem):
    wid = lax.axis_index("s") * NC + lax.axis_index("c")
    for p_h, src_h, out_h in ((p0_h, pu_h, u2_h), (p0_h, pi_h, i2_h),
                              (p1_h, pe_h, e2_h)):
        for c in range(NPAIR // NW // CHUNK):
            base = wid * (NPAIR // NW) + c * CHUNK
            pltpu.sync_copy(p_h.at[pl.ds(base, CHUNK)], idx_v)
            for g in range(CHUNK // NL):
                idxs_v[pl.ds(g * NL, NL)] = idx_v[pl.ds(g * NL, NL)] >> 1
            pltpu.async_copy(src_h.at[idxs_v], rows_v, sem).wait()
            pltpu.sync_copy(rows_v, out_h.at[pl.ds(base, CHUNK)])


def _sc_pair(p0, p1, pu, pi_, pe):
    out_type = (
        jax.ShapeDtypeStruct((NPAIR, D2), f32),
        jax.ShapeDtypeStruct((NPAIR, D2), f32),
        jax.ShapeDtypeStruct((NPAIR, D2), f32),
    )
    scratch_types = [
        pltpu.VMEM((CHUNK,), i32),
        pltpu.VMEM((CHUNK,), i32),
        pltpu.VMEM((CHUNK, D2), f32),
        pltpu.SemaphoreType.DMA,
    ]
    fn = pl.kernel(_sc_pair_body, out_type=out_type, mesh=_sc_mesh(),
                   scratch_types=scratch_types,
                   compiler_params=pltpu.CompilerParams(
                       needs_layout_passes=False,
                       use_tc_tiling_on_sc=True))
    return fn(p0, p1, pu, pi_, pe)



def _halfsel(packed, par):
    return jnp.where((par & 1) == 1, packed[:, D:], packed[:, :D])


def _prep_body(u_ref, i_ref, e_ref, u2_ref, i2_ref, e2_ref,
               p0c_ref, p1c_ref, ui_ref, en_ref, zd_ref, zp_ref):
    mix = MU * u_ref[...] + (1.0 - MU) * i_ref[...]
    nm = jnp.sqrt(jnp.sum(mix * mix, axis=1, keepdims=True))
    ui = mix / jnp.maximum(nm, EPS)
    ex = e_ref[...]
    ne = jnp.sqrt(jnp.sum(ex * ex, axis=1, keepdims=True))
    en = ex / jnp.maximum(ne, EPS)
    ui_ref[...] = ui
    en_ref[...] = en
    zd_ref[...] = jnp.sum(ui * en, axis=1, keepdims=True) / TEMP

    u2 = _halfsel(u2_ref[...], p0c_ref[...])
    i2 = _halfsel(i2_ref[...], p0c_ref[...])
    e2 = _halfsel(e2_ref[...], p1c_ref[...])
    mix2 = MU * u2 + (1.0 - MU) * i2
    n1 = jnp.maximum(jnp.sqrt(jnp.sum(mix2 * mix2, axis=1, keepdims=True)), EPS)
    n2 = jnp.maximum(jnp.sqrt(jnp.sum(e2 * e2, axis=1, keepdims=True)), EPS)
    dt = jnp.sum(mix2 * e2, axis=1, keepdims=True)
    zp_ref[...] = dt / (n1 * n2) / TEMP


def _tc_prep(u_rows, i_rows, e_rows, u2, i2, e2, p0c, p1c):
    G = 8
    RB = B // G
    PB = NPAIR // G
    return pl.pallas_call(
        _prep_body,
        grid=(G,),
        in_specs=[
            pl.BlockSpec((RB, D), lambda g: (g, 0)),
            pl.BlockSpec((RB, D), lambda g: (g, 0)),
            pl.BlockSpec((RB, D), lambda g: (g, 0)),
            pl.BlockSpec((PB, D2), lambda g: (g, 0)),
            pl.BlockSpec((PB, D2), lambda g: (g, 0)),
            pl.BlockSpec((PB, D2), lambda g: (g, 0)),
            pl.BlockSpec((PB, 1), lambda g: (g, 0)),
            pl.BlockSpec((PB, 1), lambda g: (g, 0)),
        ],
        out_specs=[
            pl.BlockSpec((RB, D), lambda g: (g, 0)),
            pl.BlockSpec((RB, D), lambda g: (g, 0)),
            pl.BlockSpec((RB, 1), lambda g: (g, 0)),
            pl.BlockSpec((PB, 1), lambda g: (g, 0)),
        ],
        out_shape=[
            jax.ShapeDtypeStruct((B, D), f32),
            jax.ShapeDtypeStruct((B, D), f32),
            jax.ShapeDtypeStruct((B, 1), f32),
            jax.ShapeDtypeStruct((NPAIR, 1), f32),
        ],
    )(u_rows, i_rows, e_rows, u2, i2, e2, p0c, p1c)



_ZT = 512


def _zpass_body(ui_ref, en_ref, rse_ref, rsz_ref, cse_ref):
    i = pl.program_id(0)
    j = pl.program_id(1)
    zt = lax.dot_general(ui_ref[...].astype(jnp.bfloat16),
                         en_ref[...].astype(jnp.bfloat16),
                         (((1,), (1,)), ((), ())),
                         preferred_element_type=f32) * (1.0 / TEMP)
    ez = jnp.exp(zt)
    rse_part = jnp.sum(ez, axis=1, keepdims=True)
    rsz_part = jnp.sum(zt, axis=1, keepdims=True)
    cse_part = jnp.sum(ez, axis=0, keepdims=True)

    @pl.when(j == 0)
    def _():
        rse_ref[...] = rse_part
        rsz_ref[...] = rsz_part

    @pl.when(j != 0)
    def _():
        rse_ref[...] += rse_part
        rsz_ref[...] += rsz_part

    @pl.when(i == 0)
    def _():
        cse_ref[:, pl.ds(j * _ZT, _ZT)] = cse_part

    @pl.when(i != 0)
    def _():
        cse_ref[:, pl.ds(j * _ZT, _ZT)] += cse_part


def _tc_zpass(ui_n, e_n):
    G = B // _ZT
    return pl.pallas_call(
        _zpass_body,
        grid=(G, G),
        in_specs=[
            pl.BlockSpec((_ZT, D), lambda i, j: (i, 0)),
            pl.BlockSpec((_ZT, D), lambda i, j: (j, 0)),
        ],
        out_specs=[
            pl.BlockSpec((_ZT, 1), lambda i, j: (i, 0)),
            pl.BlockSpec((_ZT, 1), lambda i, j: (i, 0)),
            pl.BlockSpec((1, B), lambda i, j: (0, 0)),
        ],
        out_shape=[
            jax.ShapeDtypeStruct((B, 1), f32),
            jax.ShapeDtypeStruct((B, 1), f32),
            jax.ShapeDtypeStruct((1, B), f32),
        ],
        compiler_params=pltpu.CompilerParams(
            dimension_semantics=("arbitrary", "arbitrary")),
    )(ui_n, e_n)



_PT = 1024
_CT = 512


def _cnt_body(p0c_ref, p1c_ref, p0r_ref, p1r_ref, cnt_ref):
    j = pl.program_id(1)
    p0c = p0c_ref[...]
    p1c = p1c_ref[...]
    keyc = p0c * B + p1c
    keyr = p0r_ref[...] * B + p1r_ref[...]
    eq = jnp.where(keyc == keyr, 1.0, 0.0)
    cnt_part = jnp.sum(eq, axis=1, keepdims=True)

    @pl.when(j == 0)
    def _():
        cnt_ref[...] = cnt_part + jnp.where(p0c == p1c, 1.0, 0.0)

    @pl.when(j != 0)
    def _():
        cnt_ref[...] += cnt_part


def _tc_cnt(p0c, p1c, p0r, p1r):
    G = NPAIR // _PT
    return pl.pallas_call(
        _cnt_body,
        grid=(G, G),
        in_specs=[
            pl.BlockSpec((_PT, 1), lambda i, j: (i, 0)),
            pl.BlockSpec((_PT, 1), lambda i, j: (i, 0)),
            pl.BlockSpec((1, _PT), lambda i, j: (0, j)),
            pl.BlockSpec((1, _PT), lambda i, j: (0, j)),
        ],
        out_specs=pl.BlockSpec((_PT, 1), lambda i, j: (i, 0)),
        out_shape=jax.ShapeDtypeStruct((NPAIR, 1), f32),
        compiler_params=pltpu.CompilerParams(
            dimension_semantics=("arbitrary", "arbitrary")),
    )(p0c, p1c, p0r, p1r)


def _pairs_body(p0c_ref, p1c_ref, zp_ref, cnt_ref, cse_ref,
                lsep_ref, lsec_ref, w3_ref):
    i = pl.program_id(0)
    j = pl.program_id(1)
    nj = pl.num_programs(1)
    p0c = p0c_ref[...]
    p1c = p1c_ref[...]
    lse_g = jnp.log(cse_ref[...])

    cols_g = lax.broadcasted_iota(i32, (1, _PT), 1) + j * _PT
    g_part = jnp.sum(jnp.where(p1c == cols_g, lse_g, 0.0),
                     axis=1, keepdims=True)

    @pl.when(j == 0)
    def _():
        lsep_ref[...] = g_part

    @pl.when(j != 0)
    def _():
        lsep_ref[...] += g_part

    rows_t = lax.broadcasted_iota(i32, (_CT, 1), 0) + i * _CT
    t_part = jnp.sum(jnp.where(rows_t == cols_g, lse_g, 0.0),
                     axis=1, keepdims=True)

    @pl.when(j == 0)
    def _():
        lsec_ref[...] = t_part

    @pl.when(j != 0)
    def _():
        lsec_ref[...] += t_part

    @pl.when(j == nj - 1)
    def _():
        w = 1.0 / cnt_ref[...]
        v = w * (2.0 * zp_ref[...] - lsep_ref[...])
        d = jnp.where(p0c == p1c, 1.0, 0.0)
        w3_ref[...] = jnp.concatenate([w, v, d, jnp.zeros_like(w)], axis=1)


def _tc_pairs(p0c, p1c, z_p, cnt, c_se):
    GI = NPAIR // _PT
    GJ = B // _PT
    return pl.pallas_call(
        _pairs_body,
        grid=(GI, GJ),
        in_specs=[
            pl.BlockSpec((_PT, 1), lambda i, j: (i, 0)),
            pl.BlockSpec((_PT, 1), lambda i, j: (i, 0)),
            pl.BlockSpec((_PT, 1), lambda i, j: (i, 0)),
            pl.BlockSpec((_PT, 1), lambda i, j: (i, 0)),
            pl.BlockSpec((1, _PT), lambda i, j: (0, j)),
        ],
        out_specs=[
            pl.BlockSpec((_PT, 1), lambda i, j: (i, 0)),
            pl.BlockSpec((_CT, 1), lambda i, j: (i, 0)),
            pl.BlockSpec((_PT, 4), lambda i, j: (i, 0)),
        ],
        out_shape=[
            jax.ShapeDtypeStruct((NPAIR, 1), f32),
            jax.ShapeDtypeStruct((B, 1), f32),
            jax.ShapeDtypeStruct((NPAIR, 4), f32),
        ],
        compiler_params=pltpu.CompilerParams(
            dimension_semantics=("arbitrary", "arbitrary")),
    )(p0c, p1c, z_p, cnt, c_se)



_AT = 1024


def _agg_body(p0r_ref, w3_ref, agg_ref):
    t = pl.program_id(0)
    k = pl.program_id(1)
    bf16 = jnp.bfloat16
    rows = lax.broadcasted_iota(i32, (_AT, 1), 0) + t * _AT
    oht = jnp.where(rows == p0r_ref[...], 1.0, 0.0).astype(bf16)
    part = lax.dot_general(oht, w3_ref[...].astype(bf16),
                           (((1,), (0,)), ((), ())),
                           preferred_element_type=f32)

    @pl.when(k == 0)
    def _():
        agg_ref[...] = part

    @pl.when(k != 0)
    def _():
        agg_ref[...] += part


def _tc_agg(p0r, w3):
    GT = B // _AT
    GK = NPAIR // _PT
    return pl.pallas_call(
        _agg_body,
        grid=(GT, GK),
        in_specs=[
            pl.BlockSpec((1, _PT), lambda t, k: (0, k)),
            pl.BlockSpec((_PT, 4), lambda t, k: (k, 0)),
        ],
        out_specs=pl.BlockSpec((_AT, 4), lambda t, k: (t, 0)),
        out_shape=jax.ShapeDtypeStruct((B, 4), f32),
        compiler_params=pltpu.CompilerParams(
            dimension_semantics=("arbitrary", "arbitrary")),
    )(p0r, w3)



def _final_body(a_ref, bv_ref, m_ref, rse_ref, rsz_ref, zd_ref, lsec_ref,
                out_ref):
    a = a_ref[...]
    bv = bv_ref[...]
    m = m_ref[...]
    lse_row = jnp.log(rse_ref[...])
    rs_z = rsz_ref[...]
    z_diag = zd_ref[...]
    lse_col = lsec_ref[...]
    s_col = jnp.sum(lse_col)

    w_d = 1.0 / (1.0 + m)
    num_pos = a + w_d
    loss_pos = bv - a * lse_row + w_d * (2.0 * z_diag - lse_row - lse_col)
    rowsum_ls = 2.0 * rs_z - float(B) * lse_row - s_col
    loss_neg = rowsum_ls - loss_pos
    num_neg = float(B) - num_pos
    loss = -jnp.sum(loss_pos / num_pos + loss_neg / num_neg) / float(B)
    out_ref[...] = loss * jnp.ones((1, 1), f32)


def _tc_final(agg, r_se, rs_z, z_diag, lse_col_c):
    lane = (32, 128)
    args = [
        agg[:, 0:1].reshape(lane), agg[:, 1:2].reshape(lane),
        agg[:, 2:3].reshape(lane), r_se.reshape(lane), rs_z.reshape(lane),
        z_diag.reshape(lane), lse_col_c.reshape(lane),
    ]
    return pl.pallas_call(
        _final_body,
        out_shape=jax.ShapeDtypeStruct((1, 1), f32),
    )(*args)



def kernel(user_ids, item_ids, exp_ids, pos_indices, user_table, item_table,
           exp_table):
    uid = user_ids.astype(i32)
    iid = item_ids.astype(i32)
    eid = exp_ids.astype(i32)
    p0 = pos_indices[:, 0].astype(i32)
    p1 = pos_indices[:, 1].astype(i32)

    p0c = p0.reshape(NPAIR, 1)
    p1c = p1.reshape(NPAIR, 1)
    p0r0 = p0.reshape(1, NPAIR)
    p1r0 = p1.reshape(1, NPAIR)
    cnt = _tc_cnt(p0c, p1c, p0r0, p1r0)

    pu, pi_, pe = _sc_stripe(uid, iid, eid, user_table.T, item_table.T,
                             exp_table.T)
    u2, i2, e2 = _sc_pair(p0, p1, pu, pi_, pe)
    ui_n, e_n, z_diag, z_p = _tc_prep(
        pu.reshape(B, D), pi_.reshape(B, D), pe.reshape(B, D),
        u2, i2, e2, p0c, p1c)
    r_se, rs_z, c_se = _tc_zpass(ui_n, e_n)

    lse_p, lse_col_c, w3 = _tc_pairs(p0c, p1c, z_p, cnt, c_se)
    agg = _tc_agg(p0r0, w3)
    out = _tc_final(agg, r_se, rs_z, z_diag, lse_col_c)
    return out[0, 0]

# --- scband reference (transcript-rebuilt; emitter-appended) ---
"""Pipeline reference for scband-pytorch-cler-28887950033476 (READ-ONLY COPY).

The authoritative reference and input builder live on the scoring server;
editing this copy changes nothing except your own understanding.
"""

import jax, jax.numpy as jnp
import numpy as np

MU = 0.5
TEMPERATURE = 0.1

def _normalize(x, eps=1e-12):
    n = jnp.linalg.norm(x, axis=-1, keepdims=True)
    return x / jnp.maximum(n, eps)

def setup_inputs(seed=0):
    key = jax.random.key(seed)
    ks = jax.random.split(key, 7)
    B = 4096
    user_ids = jax.random.randint(ks[0], (B,), 0, 1000000)
    item_ids = jax.random.randint(ks[1], (B,), 0, 1000000)
    exp_ids = jax.random.randint(ks[2], (B,), 0, 100000)
    pos_indices = jax.random.randint(ks[3], (8192, 2), 0, B)
    user_table = jax.random.uniform(ks[4], (1000000, 64), minval=-0.005, maxval=0.005, dtype=jnp.float32)
    item_table = jax.random.uniform(ks[5], (1000000, 64), minval=-0.005, maxval=0.005, dtype=jnp.float32)
    exp_table = jax.random.uniform(ks[6], (100000, 64), minval=-0.005, maxval=0.005, dtype=jnp.float32)
    return {"user_ids": user_ids, "item_ids": item_ids, "exp_ids": exp_ids, "pos_indices": pos_indices, "user_table": user_table, "item_table": item_table, "exp_table": exp_table}

def _nt_bxent_loss(matrix, pos_indices, temperature):
    B = matrix.shape[0]
    diag = jnp.broadcast_to(jnp.arange(B).reshape(B, 1), (B, 2))
    pos = jnp.concatenate([pos_indices, diag], axis=0)
    target = jnp.zeros((B, B), dtype=matrix.dtype).at[pos[:, 0], pos[:, 1]].set(1.0)
    ls = jax.nn.log_softmax(matrix / temperature, axis=0) + jax.nn.log_softmax(matrix / temperature, axis=1)
    # masked_scatter with identical mask positions == elementwise mask-multiply
    loss_pos = (ls * target).sum(axis=1)
    loss_neg = (ls * (1.0 - target)).sum(axis=1)
    num_pos = target.sum(axis=1)
    num_neg = B - num_pos
    return -(loss_pos / num_pos + loss_neg / num_neg).mean()

def reference(user_ids, item_ids, exp_ids, pos_indices, user_table, item_table, exp_table):
    # dropout_rate = 0.0 -> identity
    user_emb = jnp.take(user_table, user_ids, axis=0)
    item_emb = jnp.take(item_table, item_ids, axis=0)
    exp_emb = _normalize(jnp.take(exp_table, exp_ids, axis=0))
    ui = _normalize(user_emb * MU + item_emb * (1.0 - MU))
    logits = ui @ exp_emb.T
    return _nt_bxent_loss(logits, pos_indices, TEMPERATURE)

if __name__ == "__main__":
    import jax
    _d = setup_inputs()
    print(jax.jit(kernel)(*tuple(_d.values())))

</pallas_src>

<mosaic_0001>
#map = affine_map<(d0, d1) -> (0)>
#map1 = affine_map<(d0, d1) -> (0, 0)>
module attributes {stable_mosaic.version = 14 : i64} {
  func.func @_sc_pair_body(%arg0: i32, %arg1: i32, %arg2: memref<8192xi32, #tpu.memory_space<hbm>>, %arg3: memref<8192xi32, #tpu.memory_space<hbm>>, %arg4: memref<2048x128xf32, #tpu.memory_space<hbm>>, %arg5: memref<2048x128xf32, #tpu.memory_space<hbm>>, %arg6: memref<2048x128xf32, #tpu.memory_space<hbm>>, %arg7: memref<8192x128xf32, #tpu.memory_space<hbm>>, %arg8: memref<8192x128xf32, #tpu.memory_space<hbm>>, %arg9: memref<8192x128xf32, #tpu.memory_space<hbm>>, %arg10: memref<128xi32, #tpu.memory_space<vmem>>, %arg11: memref<128xi32, #tpu.memory_space<vmem>>, %arg12: memref<128x128xf32, #tpu.memory_space<vmem>>, %arg13: memref<!tpu.dma_semaphore, #tpu.memory_space<semaphore_mem>>) attributes {dimension_semantics = [#tpu.dimension_semantics<core_parallel>, #tpu.dimension_semantics<subcore_parallel>], iteration_bounds = array<i64: 2, 16>, scalar_prefetch = 0 : i64, scratch_operands = 4 : i64, tpu.core_type = #tpu.core_type<sc_vector_subcore>, window_params = [{transform_indices = #map}, {transform_indices = #map}, {transform_indices = #map1}, {transform_indices = #map1}, {transform_indices = #map1}, {transform_indices = #map1}, {transform_indices = #map1}, {transform_indices = #map1}]} {
    %mul3A = arith.constant 2 : i32
    %mul3A_0 = arith.muli %arg1, %mul3A : i32
    %add3A = arith.addi %mul3A_0, %arg0 : i32
    %mul3A_1 = arith.constant 256 : i32
    %mul3A_2 = arith.muli %add3A, %mul3A_1 : i32
    %add3A_3 = arith.constant 0 : i32
    %add3A_4 = arith.addi %mul3A_2, %add3A_3 : i32
    "tpu.region"() ({
      %run_scoped3A = tpu.sem_alloc : memref<!tpu.dma_semaphore, #tpu.memory_space<semaphore_mem>>
      %dma_start3A_392 = tpu.memref_slice %arg2[%add3A_4] : memref<8192xi32, #tpu.memory_space<hbm>> -> memref<128xi32, #tpu.memory_space<hbm>>
      %dma_start3A_393 = tpu.memref_slice %arg2[%add3A_4] : memref<8192xi32, #tpu.memory_space<hbm>> -> memref<128xi32, #tpu.memory_space<hbm>>
      tpu.enqueue_dma source(%dma_start3A_393 : memref<128xi32, #tpu.memory_space<hbm>>) target(%arg10 : memref<128xi32, #tpu.memory_space<vmem>>) target_semaphore(%run_scoped3A : memref<!tpu.dma_semaphore, #tpu.memory_space<semaphore_mem>>)
      %dma_wait3A_394 = tpu.memref_slice %arg2[%add3A_4] : memref<8192xi32, #tpu.memory_space<hbm>> -> memref<128xi32, #tpu.memory_space<hbm>>
      %dma_wait3A_395 = tpu.memref_slice %arg2[%add3A_4] : memref<8192xi32, #tpu.memory_space<hbm>> -> memref<128xi32, #tpu.memory_space<hbm>>
      tpu.wait_dma2 semaphore(%run_scoped3A : memref<!tpu.dma_semaphore, #tpu.memory_space<semaphore_mem>>) src(%dma_wait3A_395 : memref<128xi32, #tpu.memory_space<hbm>>) dst(%arg10 : memref<128xi32, #tpu.memory_space<vmem>>)
      tpu.yield
    }) : () -> ()
    %get3A = arith.constant 0 : index
    %get3A_5 = tpu.vector_load %arg10[%get3A] {strides = array<i32>} : memref<128xi32, #tpu.memory_space<vmem>>, vector<16xi32>,
    %shift_right_arithmetic3A = arith.constant 1 : i32
    %shift_right_arithmetic3A_6 = vector.broadcast %shift_right_arithmetic3A : i32 to vector<16xi32>
    %shift_right_arithmetic3A_7 = arith.shrsi %get3A_5, %shift_right_arithmetic3A_6 : vector<16xi32>
    %swap3A = arith.constant 0 : index
    %swap3A_8 = tpu.vector_load %arg11[%swap3A] {strides = array<i32>} : memref<128xi32, #tpu.memory_space<vmem>>, vector<16xi32>,
    tpu.vector_store %arg11[%swap3A], %shift_right_arithmetic3A_7 {strides = array<i32>} : memref<128xi32, #tpu.memory_space<vmem>>, vector<16xi32>,
    %get3A_9 = arith.constant 16 : index
    %get3A_10 = tpu.vector_load %arg10[%get3A_9] {strides = array<i32>} : memref<128xi32, #tpu.memory_space<vmem>>, vector<16xi32>,
    %shift_right_arithmetic3A_11 = arith.constant 1 : i32
    %shift_right_arithmetic3A_12 = vector.broadcast %shift_right_arithmetic3A_11 : i32 to vector<16xi32>
    %shift_right_arithmetic3A_13 = arith.shrsi %get3A_10, %shift_right_arithmetic3A_12 : vector<16xi32>
    %swap3A_14 = arith.constant 16 : index
    %swap3A_15 = tpu.vector_load %arg11[%swap3A_14] {strides = array<i32>} : memref<128xi32, #tpu.memory_space<vmem>>, vector<16xi32>,
    tpu.vector_store %arg11[%swap3A_14], %shift_right_arithmetic3A_13 {strides = array<i32>} : memref<128xi32, #tpu.memory_space<vmem>>, vector<16xi32>,
    %get3A_16 = arith.constant 32 : index
    %get3A_17 = tpu.vector_load %arg10[%get3A_16] {strides = array<i32>} : memref<128xi32, #tpu.memory_space<vmem>>, vector<16xi32>,
    %shift_right_arithmetic3A_18 = arith.constant 1 : i32
    %shift_right_arithmetic3A_19 = vector.broadcast %shift_right_arithmetic3A_18 : i32 to vector<16xi32>
    %shift_right_arithmetic3A_20 = arith.shrsi %get3A_17, %shift_right_arithmetic3A_19 : vector<16xi32>
    %swap3A_21 = arith.constant 32 : index
    %swap3A_22 = tpu.vector_load %arg11[%swap3A_21] {strides = array<i32>} : memref<128xi32, #tpu.memory_space<vmem>>, vector<16xi32>,
    tpu.vector_store %arg11[%swap3A_21], %shift_right_arithmetic3A_20 {strides = array<i32>} : memref<128xi32, #tpu.memory_space<vmem>>, vector<16xi32>,
    %get3A_23 = arith.constant 48 : index
    %get3A_24 = tpu.vector_load %arg10[%get3A_23] {strides = array<i32>} : memref<128xi32, #tpu.memory_space<vmem>>, vector<16xi32>,
    %shift_right_arithmetic3A_25 = arith.constant 1 : i32
    %shift_right_arithmetic3A_26 = vector.broadcast %shift_right_arithmetic3A_25 : i32 to vector<16xi32>
    %shift_right_arithmetic3A_27 = arith.shrsi %get3A_24, %shift_right_arithmetic3A_26 : vector<16xi32>
    %swap3A_28 = arith.constant 48 : index
    %swap3A_29 = tpu.vector_load %arg11[%swap3A_28] {strides = array<i32>} : memref<128xi32, #tpu.memory_space<vmem>>, vector<16xi32>,
    tpu.vector_store %arg11[%swap3A_28], %shift_right_arithmetic3A_27 {strides = array<i32>} : memref<128xi32, #tpu.memory_space<vmem>>, vector<16xi32>,
    %get3A_30 = arith.constant 64 : index
    %get3A_31 = tpu.vector_load %arg10[%get3A_30] {strides = array<i32>} : memref<128xi32, #tpu.memory_space<vmem>>, vector<16xi32>,
    %shift_right_arithmetic3A_32 = arith.constant 1 : i32
    %shift_right_arithmetic3A_33 = vector.broadcast %shift_right_arithmetic3A_32 : i32 to vector<16xi32>
    %shift_right_arithmetic3A_34 = arith.shrsi %get3A_31, %shift_right_arithmetic3A_33 : vector<16xi32>
    %swap3A_35 = arith.constant 64 : index
    %swap3A_36 = tpu.vector_load %arg11[%swap3A_35] {strides = array<i32>} : memref<128xi32, #tpu.memory_space<vmem>>, vector<16xi32>,
    tpu.vector_store %arg11[%swap3A_35], %shift_right_arithmetic3A_34 {strides = array<i32>} : memref<128xi32, #tpu.memory_space<vmem>>, vector<16xi32>,
    %get3A_37 = arith.constant 80 : index
    %get3A_38 = tpu.vector_load %arg10[%get3A_37] {strides = array<i32>} : memref<128xi32, #tpu.memory_space<vmem>>, vector<16xi32>,
    %shift_right_arithmetic3A_39 = arith.constant 1 : i32
    %shift_right_arithmetic3A_40 = vector.broadcast %shift_right_arithmetic3A_39 : i32 to vector<16xi32>
    %shift_right_arithmetic3A_41 = arith.shrsi %get3A_38, %shift_right_arithmetic3A_40 : vector<16xi32>
    %swap3A_42 = arith.constant 80 : index
    %swap3A_43 = tpu.vector_load %arg11[%swap3A_42] {strides = array<i32>} : memref<128xi32, #tpu.memory_space<vmem>>, vector<16xi32>,
    tpu.vector_store %arg11[%swap3A_42], %shift_right_arithmetic3A_41 {strides = array<i32>} : memref<128xi32, #tpu.memory_space<vmem>>, vector<16xi32>,
    %get3A_44 = arith.constant 96 : index
    %get3A_45 = tpu.vector_load %arg10[%get3A_44] {strides = array<i32>} : memref<128xi32, #tpu.memory_space<vmem>>, vector<16xi32>,
    %shift_right_arithmetic3A_46 = arith.constant 1 : i32
    %shift_right_arithmetic3A_47 = vector.broadcast %shift_right_arithmetic3A_46 : i32 to vector<16xi32>
    %shift_right_arithmetic3A_48 = arith.shrsi %get3A_45, %shift_right_arithmetic3A_47 : vector<16xi32>
    %swap3A_49 = arith.constant 96 : index
    %swap3A_50 = tpu.vector_load %arg11[%swap3A_49] {strides = array<i32>} : memref<128xi32, #tpu.memory_space<vmem>>, vector<16xi32>,
    tpu.vector_store %arg11[%swap3A_49], %shift_right_arithmetic3A_48 {strides = array<i32>} : memref<128xi32, #tpu.memory_space<vmem>>, vector<16xi32>,
    %get3A_51 = arith.constant 112 : index
    %get3A_52 = tpu.vector_load %arg10[%get3A_51] {strides = array<i32>} : memref<128xi32, #tpu.memory_space<vmem>>, vector<16xi32>,
    %shift_right_arithmetic3A_53 = arith.constant 1 : i32
    %shift_right_arithmetic3A_54 = vector.broadcast %shift_right_arithmetic3A_53 : i32 to vector<16xi32>
    %shift_right_arithmetic3A_55 = arith.shrsi %get3A_52, %shift_right_arithmetic3A_54 : vector<16xi32>
    %swap3A_56 = arith.constant 112 : index
    %swap3A_57 = tpu.vector_load %arg11[%swap3A_56] {strides = array<i32>} : memref<128xi32, #tpu.memory_space<vmem>>, vector<16xi32>,
    tpu.vector_store %arg11[%swap3A_56], %shift_right_arithmetic3A_55 {strides = array<i32>} : memref<128xi32, #tpu.memory_space<vmem>>, vector<16xi32>,
    %dma_start3A = arith.constant 0 : i32
    %dma_start3A_58 = arith.constant 0 : i32
    %dma_start3A_59 = tpu.memref_slice %arg4[%dma_start3A, %dma_start3A_58] : memref<2048x128xf32, #tpu.memory_space<hbm>> -> memref<2048x128xf32, #tpu.memory_space<hbm>>
    tpu.enqueue_indirect_dma source(%dma_start3A_59 : memref<2048x128xf32, #tpu.memory_space<hbm>>) target(%arg12 : memref<128x128xf32, #tpu.memory_space<vmem>>) offsets(%arg11 : memref<128xi32, #tpu.memory_space<vmem>>) semaphore(%arg13 : memref<!tpu.dma_semaphore, #tpu.memory_space<semaphore_mem>>)
    %dma_wait3A = arith.constant 0 : i32
    %dma_wait3A_60 = arith.constant 0 : i32
    %dma_wait3A_61 = tpu.memref_slice %arg4[%dma_wait3A, %dma_wait3A_60] : memref<2048x128xf32, #tpu.memory_space<hbm>> -> memref<2048x128xf32, #tpu.memory_space<hbm>>
    tpu.wait_indirect_dma semaphore(%arg13 : memref<!tpu.dma_semaphore, #tpu.memory_space<semaphore_mem>>) src(%dma_wait3A_61 : memref<2048x128xf32, #tpu.memory_space<hbm>>) dst(%arg12 : memref<128x128xf32, #tpu.memory_space<vmem>>)
    "tpu.region"() ({
      %run_scoped3A = tpu.sem_alloc : memref<!tpu.dma_semaphore, #tpu.memory_space<semaphore_mem>>
      %dma_start3A_392 = arith.constant 0 : i32
      %dma_start3A_393 = tpu.memref_slice %arg7[%add3A_4, %dma_start3A_392] : memref<8192x128xf32, #tpu.memory_space<hbm>> -> memref<128x128xf32, #tpu.memory_space<hbm>>
      %dma_start3A_394 = arith.constant 0 : i32
      %dma_start3A_395 = tpu.memref_slice %arg7[%add3A_4, %dma_start3A_394] : memref<8192x128xf32, #tpu.memory_space<hbm>> -> memref<128x128xf32, #tpu.memory_space<hbm>>
      tpu.enqueue_dma source(%arg12 : memref<128x128xf32, #tpu.memory_space<vmem>>) target(%dma_start3A_395 : memref<128x128xf32, #tpu.memory_space<hbm>>) target_semaphore(%run_scoped3A : memref<!tpu.dma_semaphore, #tpu.memory_space<semaphore_mem>>)
      %dma_wait3A_396 = arith.constant 0 : i32
      %dma_wait3A_397 = tpu.memref_slice %arg7[%add3A_4, %dma_wait3A_396] : memref<8192x128xf32, #tpu.memory_space<hbm>> -> memref<128x128xf32, #tpu.memory_space<hbm>>
      %dma_wait3A_398 = arith.constant 0 : i32
      %dma_wait3A_399 = tpu.memref_slice %arg7[%add3A_4, %dma_wait3A_398] : memref<8192x128xf32, #tpu.memory_space<hbm>> -> memref<128x128xf32, #tpu.memory_space<hbm>>
      tpu.wait_dma2 semaphore(%run_scoped3A : memref<!tpu.dma_semaphore, #tpu.memory_space<semaphore_mem>>) src(%arg12 : memref<128x128xf32, #tpu.memory_space<vmem>>) dst(%dma_wait3A_399 : memref<128x128xf32, #tpu.memory_space<hbm>>)
      tpu.yield
    }) : () -> ()
    %mul3A_62 = arith.constant 256 : i32
    %mul3A_63 = arith.muli %add3A, %mul3A_62 : i32
    %add3A_64 = arith.constant 128 : i32
    %add3A_65 = arith.addi %mul3A_63, %add3A_64 : i32
    "tpu.region"() ({
      %run_scoped3A = tpu.sem_alloc : memref<!tpu.dma_semaphore, #tpu.memory_space<semaphore_mem>>
      %dma_start3A_392 = tpu.memref_slice %arg2[%add3A_65] : memref<8192xi32, #tpu.memory_space<hbm>> -> memref<128xi32, #tpu.memory_space<hbm>>
      %dma_start3A_393 = tpu.memref_slice %arg2[%add3A_65] : memref<8192xi32, #tpu.memory_space<hbm>> -> memref<128xi32, #tpu.memory_space<hbm>>
      tpu.enqueue_dma source(%dma_start3A_393 : memref<128xi32, #tpu.memory_space<hbm>>) target(%arg10 : memref<128xi32, #tpu.memory_space<vmem>>) target_semaphore(%run_scoped3A : memref<!tpu.dma_semaphore, #tpu.memory_space<semaphore_mem>>)
      %dma_wait3A_394 = tpu.memref_slice %arg2[%add3A_65] : memref<8192xi32, #tpu.memory_space<hbm>> -> memref<128xi32, #tpu.memory_space<hbm>>
      %dma_wait3A_395 = tpu.memref_slice %arg2[%add3A_65] : memref<8192xi32, #tpu.memory_space<hbm>> -> memref<128xi32, #tpu.memory_space<hbm>>
      tpu.wait_dma2 semaphore(%run_scoped3A : memref<!tpu.dma_semaphore, #tpu.memory_space<semaphore_mem>>) src(%dma_wait3A_395 : memref<128xi32, #tpu.memory_space<hbm>>) dst(%arg10 : memref<128xi32, #tpu.memory_space<vmem>>)
      tpu.yield
    }) : () -> ()
    %get3A_66 = arith.constant 0 : index
    %get3A_67 = tpu.vector_load %arg10[%get3A_66] {strides = array<i32>} : memref<128xi32, #tpu.memory_space<vmem>>, vector<16xi32>,
    %shift_right_arithmetic3A_68 = arith.constant 1 : i32
    %shift_right_arithmetic3A_69 = vector.broadcast %shift_right_arithmetic3A_68 : i32 to vector<16xi32>
    %shift_right_arithmetic3A_70 = arith.shrsi %get3A_67, %shift_right_arithmetic3A_69 : vector<16xi32>
    %swap3A_71 = arith.constant 0 : index
    %swap3A_72 = tpu.vector_load %arg11[%swap3A_71] {strides = array<i32>} : memref<128xi32, #tpu.memory_space<vmem>>, vector<16xi32>,
    tpu.vector_store %arg11[%swap3A_71], %shift_right_arithmetic3A_70 {strides = array<i32>} : memref<128xi32, #tpu.memory_space<vmem>>, vector<16xi32>,
    %get3A_73 = arith.constant 16 : index
    %get3A_74 = tpu.vector_load %arg10[%get3A_73] {strides = array<i32>} : memref<128xi32, #tpu.memory_space<vmem>>, vector<16xi32>,
    %shift_right_arithmetic3A_75 = arith.constant 1 : i32
    %shift_right_arithmetic3A_76 = vector.broadcast %shift_right_arithmetic3A_75 : i32 to vector<16xi32>
    %shift_right_arithmetic3A_77 = arith.shrsi %get3A_74, %shift_right_arithmetic3A_76 : vector<16xi32>
    %swap3A_78 = arith.constant 16 : index
    %swap3A_79 = tpu.vector_load %arg11[%swap3A_78] {strides = array<i32>} : memref<128xi32, #tpu.memory_space<vmem>>, vector<16xi32>,
    tpu.vector_store %arg11[%swap3A_78], %shift_right_arithmetic3A_77 {strides = array<i32>} : memref<128xi32, #tpu.memory_space<vmem>>, vector<16xi32>,
    %get3A_80 = arith.constant 32 : index
    %get3A_81 = tpu.vector_load %arg10[%get3A_80] {strides = array<i32>} : memref<128xi32, #tpu.memory_space<vmem>>, vector<16xi32>,
    %shift_right_arithmetic3A_82 = arith.constant 1 : i32
    %shift_right_arithmetic3A_83 = vector.broadcast %shift_right_arithmetic3A_82 : i32 to vector<16xi32>
    %shift_right_arithmetic3A_84 = arith.shrsi %get3A_81, %shift_right_arithmetic3A_83 : vector<16xi32>
    %swap3A_85 = arith.constant 32 : index
    %swap3A_86 = tpu.vector_load %arg11[%swap3A_85] {strides = array<i32>} : memref<128xi32, #tpu.memory_space<vmem>>, vector<16xi32>,
    tpu.vector_store %arg11[%swap3A_85], %shift_right_arithmetic3A_84 {strides = array<i32>} : memref<128xi32, #tpu.memory_space<vmem>>, vector<16xi32>,
    %get3A_87 = arith.constant 48 : index
    %get3A_88 = tpu.vector_load %arg10[%get3A_87] {strides = array<i32>} : memref<128xi32, #tpu.memory_space<vmem>>, vector<16xi32>,
    %shift_right_arithmetic3A_89 = arith.constant 1 : i32
    %shift_right_arithmetic3A_90 = vector.broadcast %shift_right_arithmetic3A_89 : i32 to vector<16xi32>
    %shift_right_arithmetic3A_91 = arith.shrsi %get3A_88, %shift_right_arithmetic3A_90 : vector<16xi32>
    %swap3A_92 = arith.constant 48 : index
    %swap3A_93 = tpu.vector_load %arg11[%swap3A_92] {strides = array<i32>} : memref<128xi32, #tpu.memory_space<vmem>>, vector<16xi32>,
    tpu.vector_store %arg11[%swap3A_92], %shift_right_arithmetic3A_91 {strides = array<i32>} : memref<128xi32, #tpu.memory_space<vmem>>, vector<16xi32>,
    %get3A_94 = arith.constant 64 : index
    %get3A_95 = tpu.vector_load %arg10[%get3A_94] {strides = array<i32>} : memref<128xi32, #tpu.memory_space<vmem>>, vector<16xi32>,
    %shift_right_arithmetic3A_96 = arith.constant 1 : i32
    %shift_right_arithmetic3A_97 = vector.broadcast %shift_right_arithmetic3A_96 : i32 to vector<16xi32>
    %shift_right_arithmetic3A_98 = arith.shrsi %get3A_95, %shift_right_arithmetic3A_97 : vector<16xi32>
    %swap3A_99 = arith.constant 64 : index
    %swap3A_100 = tpu.vector_load %arg11[%swap3A_99] {strides = array<i32>} : memref<128xi32, #tpu.memory_space<vmem>>, vector<16xi32>,
    tpu.vector_store %arg11[%swap3A_99], %shift_right_arithmetic3A_98 {strides = array<i32>} : memref<128xi32, #tpu.memory_space<vmem>>, vector<16xi32>,
    %get3A_101 = arith.constant 80 : index
    %get3A_102 = tpu.vector_load %arg10[%get3A_101] {strides = array<i32>} : memref<128xi32, #tpu.memory_space<vmem>>, vector<16xi32>,
    %shift_right_arithmetic3A_103 = arith.constant 1 : i32
    %shift_right_arithmetic3A_104 = vector.broadcast %shift_right_arithmetic3A_103 : i32 to vector<16xi32>
    %shift_right_arithmetic3A_105 = arith.shrsi %get3A_102, %shift_right_arithmetic3A_104 : vector<16xi32>
    %swap3A_106 = arith.constant 80 : index
    %swap3A_107 = tpu.vector_load %arg11[%swap3A_106] {strides = array<i32>} : memref<128xi32, #tpu.memory_space<vmem>>, vector<16xi32>,
    tpu.vector_store %arg11[%swap3A_106], %shift_right_arithmetic3A_105 {strides = array<i32>} : memref<128xi32, #tpu.memory_space<vmem>>, vector<16xi32>,
    %get3A_108 = arith.constant 96 : index
    %get3A_109 = tpu.vector_load %arg10[%get3A_108] {strides = array<i32>} : memref<128xi32, #tpu.memory_space<vmem>>, vector<16xi32>,
    %shift_right_arithmetic3A_110 = arith.constant 1 : i32
    %shift_right_arithmetic3A_111 = vector.broadcast %shift_right_arithmetic3A_110 : i32 to vector<16xi32>
    %shift_right_arithmetic3A_112 = arith.shrsi %get3A_109, %shift_right_arithmetic3A_111 : vector<16xi32>
    %swap3A_113 = arith.constant 96 : index
    %swap3A_114 = tpu.vector_load %arg11[%swap3A_113] {strides = array<i32>} : memref<128xi32, #tpu.memory_space<vmem>>, vector<16xi32>,
    tpu.vector_store %arg11[%swap3A_113], %shift_right_arithmetic3A_112 {strides = array<i32>} : memref<128xi32, #tpu.memory_space<vmem>>, vector<16xi32>,
    %get3A_115 = arith.constant 112 : index
    %get3A_116 = tpu.vector_load %arg10[%get3A_115] {strides = array<i32>} : memref<128xi32, #tpu.memory_space<vmem>>, vector<16xi32>,
    %shift_right_arithmetic3A_117 = arith.constant 1 : i32
    %shift_right_arithmetic3A_118 = vector.broadcast %shift_right_arithmetic3A_117 : i32 to vector<16xi32>
    %shift_right_arithmetic3A_119 = arith.shrsi %get3A_116, %shift_right_arithmetic3A_118 : vector<16xi32>
    %swap3A_120 = arith.constant 112 : index
    %swap3A_121 = tpu.vector_load %arg11[%swap3A_120] {strides = array<i32>} : memref<128xi32, #tpu.memory_space<vmem>>, vector<16xi32>,
    tpu.vector_store %arg11[%swap3A_120], %shift_right_arithmetic3A_119 {strides = array<i32>} : memref<128xi32, #tpu.memory_space<vmem>>, vector<16xi32>,
    %dma_start3A_122 = arith.constant 0 : i32
    %dma_start3A_123 = arith.constant 0 : i32
    %dma_start3A_124 = tpu.memref_slice %arg4[%dma_start3A_122, %dma_start3A_123] : memref<2048x128xf32, #tpu.memory_space<hbm>> -> memref<2048x128xf32, #tpu.memory_space<hbm>>
    tpu.enqueue_indirect_dma source(%dma_start3A_124 : memref<2048x128xf32, #tpu.memory_space<hbm>>) target(%arg12 : memref<128x128xf32, #tpu.memory_space<vmem>>) offsets(%arg11 : memref<128xi32, #tpu.memory_space<vmem>>) semaphore(%arg13 : memref<!tpu.dma_semaphore, #tpu.memory_space<semaphore_mem>>)
    %dma_wait3A_125 = arith.constant 0 : i32
    %dma_wait3A_126 = arith.constant 0 : i32
    %dma_wait3A_127 = tpu.memref_slice %arg4[%dma_wait3A_125, %dma_wait3A_126] : memref<2048x128xf32, #tpu.memory_space<hbm>> -> memref<2048x128xf32, #tpu.memory_space<hbm>>
    tpu.wait_indirect_dma semaphore(%arg13 : memref<!tpu.dma_semaphore, #tpu.memory_space<semaphore_mem>>) src(%dma_wait3A_127 : memref<2048x128xf32, #tpu.memory_space<hbm>>) dst(%arg12 : memref<128x128xf32, #tpu.memory_space<vmem>>)
    "tpu.region"() ({
      %run_scoped3A = tpu.sem_alloc : memref<!tpu.dma_semaphore, #tpu.memory_space<semaphore_mem>>
      %dma_start3A_392 = arith.constant 0 : i32
      %dma_start3A_393 = tpu.memref_slice %arg7[%add3A_65, %dma_start3A_392] : memref<8192x128xf32, #tpu.memory_space<hbm>> -> memref<128x128xf32, #tpu.memory_space<hbm>>
      %dma_start3A_394 = arith.constant 0 : i32
      %dma_start3A_395 = tpu.memref_slice %arg7[%add3A_65, %dma_start3A_394] : memref<8192x128xf32, #tpu.memory_space<hbm>> -> memref<128x128xf32, #tpu.memory_space<hbm>>
      tpu.enqueue_dma source(%arg12 : memref<128x128xf32, #tpu.memory_space<vmem>>) target(%dma_start3A_395 : memref<128x128xf32, #tpu.memory_space<hbm>>) target_semaphore(%run_scoped3A : memref<!tpu.dma_semaphore, #tpu.memory_space<semaphore_mem>>)
      %dma_wait3A_396 = arith.constant 0 : i32
      %dma_wait3A_397 = tpu.memref_slice %arg7[%add3A_65, %dma_wait3A_396] : memref<8192x128xf32, #tpu.memory_space<hbm>> -> memref<128x128xf32, #tpu.memory_space<hbm>>
      %dma_wait3A_398 = arith.constant 0 : i32
      %dma_wait3A_399 = tpu.memref_slice %arg7[%add3A_65, %dma_wait3A_398] : memref<8192x128xf32, #tpu.memory_space<hbm>> -> memref<128x128xf32, #tpu.memory_space<hbm>>
      tpu.wait_dma2 semaphore(%run_scoped3A : memref<!tpu.dma_semaphore, #tpu.memory_space<semaphore_mem>>) src(%arg12 : memref<128x128xf32, #tpu.memory_space<vmem>>) dst(%dma_wait3A_399 : memref<128x128xf32, #tpu.memory_space<hbm>>)
      tpu.yield
    }) : () -> ()
    %mul3A_128 = arith.constant 256 : i32
    %mul3A_129 = arith.muli %add3A, %mul3A_128 : i32
    %add3A_130 = arith.constant 0 : i32
    %add3A_131 = arith.addi %mul3A_129, %add3A_130 : i32
    "tpu.region"() ({
      %run_scoped3A = tpu.sem_alloc : memref<!tpu.dma_semaphore, #tpu.memory_space<semaphore_mem>>
      %dma_start3A_392 = tpu.memref_slice %arg2[%add3A_131] : memref<8192xi32, #tpu.memory_space<hbm>> -> memref<128xi32, #tpu.memory_space<hbm>>
      %dma_start3A_393 = tpu.memref_slice %arg2[%add3A_131] : memref<8192xi32, #tpu.memory_space<hbm>> -> memref<128xi32, #tpu.memory_space<hbm>>
      tpu.enqueue_dma source(%dma_start3A_393 : memref<128xi32, #tpu.memory_space<hbm>>) target(%arg10 : memref<128xi32, #tpu.memory_space<vmem>>) target_semaphore(%run_scoped3A : memref<!tpu.dma_semaphore, #tpu.memory_space<semaphore_mem>>)
      %dma_wait3A_394 = tpu.memref_slice %arg2[%add3A_131] : memref<8192xi32, #tpu.memory_space<hbm>> -> memref<128xi32, #tpu.memory_space<hbm>>
      %dma_wait3A_395 = tpu.memref_slice %arg2[%add3A_131] : memref<8192xi32, #tpu.memory_space<hbm>> -> memref<128xi32, #tpu.memory_space<hbm>>
      tpu.wait_dma2 semaphore(%run_scoped3A : memref<!tpu.dma_semaphore, #tpu.memory_space<semaphore_mem>>) src(%dma_wait3A_395 : memref<128xi32, #tpu.memory_space<hbm>>) dst(%arg10 : memref<128xi32, #tpu.memory_space<vmem>>)
      tpu.yield
    }) : () -> ()
    %get3A_132 = arith.constant 0 : index
    %get3A_133 = tpu.vector_load %arg10[%get3A_132] {strides = array<i32>} : memref<128xi32, #tpu.memory_space<vmem>>, vector<16xi32>,
    %shift_right_arithmetic3A_134 = arith.constant 1 : i32
    %shift_right_arithmetic3A_135 = vector.broadcast %shift_right_arithmetic3A_134 : i32 to vector<16xi32>
    %shift_right_arithmetic3A_136 = arith.shrsi %get3A_133, %shift_right_arithmetic3A_135 : vector<16xi32>
    %swap3A_137 = arith.constant 0 : index
    %swap3A_138 = tpu.vector_load %arg11[%swap3A_137] {strides = array<i32>} : memref<128xi32, #tpu.memory_space<vmem>>, vector<16xi32>,
    tpu.vector_store %arg11[%swap3A_137], %shift_right_arithmetic3A_136 {strides = array<i32>} : memref<128xi32, #tpu.memory_space<vmem>>, vector<16xi32>,
    %get3A_139 = arith.constant 16 : index
    %get3A_140 = tpu.vector_load %arg10[%get3A_139] {strides = array<i32>} : memref<128xi32, #tpu.memory_space<vmem>>, vector<16xi32>,
    %shift_right_arithmetic3A_141 = arith.constant 1 : i32
    %shift_right_arithmetic3A_142 = vector.broadcast %shift_right_arithmetic3A_141 : i32 to vector<16xi32>
    %shift_right_arithmetic3A_143 = arith.shrsi %get3A_140, %shift_right_arithmetic3A_142 : vector<16xi32>
    %swap3A_144 = arith.constant 16 : index
    %swap3A_145 = tpu.vector_load %arg11[%swap3A_144] {strides = array<i32>} : memref<128xi32, #tpu.memory_space<vmem>>, vector<16xi32>,
    tpu.vector_store %arg11[%swap3A_144], %shift_right_arithmetic3A_143 {strides = array<i32>} : memref<128xi32, #tpu.memory_space<vmem>>, vector<16xi32>,
    %get3A_146 = arith.constant 32 : index
    %get3A_147 = tpu.vector_load %arg10[%get3A_146] {strides = array<i32>} : memref<128xi32, #tpu.memory_space<vmem>>, vector<16xi32>,
    %shift_right_arithmetic3A_148 = arith.constant 1 : i32
    %shift_right_arithmetic3A_149 = vector.broadcast %shift_right_arithmetic3A_148 : i32 to vector<16xi32>
    %shift_right_arithmetic3A_150 = arith.shrsi %get3A_147, %shift_right_arithmetic3A_149 : vector<16xi32>
    %swap3A_151 = arith.constant 32 : index
    %swap3A_152 = tpu.vector_load %arg11[%swap3A_151] {strides = array<i32>} : memref<128xi32, #tpu.memory_space<vmem>>, vector<16xi32>,
    tpu.vector_store %arg11[%swap3A_151], %shift_right_arithmetic3A_150 {strides = array<i32>} : memref<128xi32, #tpu.memory_space<vmem>>, vector<16xi32>,
    %get3A_153 = arith.constant 48 : index
    %get3A_154 = tpu.vector_load %arg10[%get3A_153] {strides = array<i32>} : memref<128xi32, #tpu.memory_space<vmem>>, vector<16xi32>,
    %shift_right_arithmetic3A_155 = arith.constant 1 : i32
    %shift_right_arithmetic3A_156 = vector.broadcast %shift_right_arithmetic3A_155 : i32 to vector<16xi32>
    %shift_right_arithmetic3A_157 = arith.shrsi %get3A_154, %shift_right_arithmetic3A_156 : vector<16xi32>
    %swap3A_158 = arith.constant 48 : index
    %swap3A_159 = tpu.vector_load %arg11[%swap3A_158] {strides = array<i32>} : memref<128xi32, #tpu.memory_space<vmem>>, vector<16xi32>,
    tpu.vector_store %arg11[%swap3A_158], %shift_right_arithmetic3A_157 {strides = array<i32>} : memref<128xi32, #tpu.memory_space<vmem>>, vector<16xi32>,
    %get3A_160 = arith.constant 64 : index
    %get3A_161 = tpu.vector_load %arg10[%get3A_160] {strides = array<i32>} : memref<128xi32, #tpu.memory_space<vmem>>, vector<16xi32>,
    %shift_right_arithmetic3A_162 = arith.constant 1 : i32
    %shift_right_arithmetic3A_163 = vector.broadcast %shift_right_arithmetic3A_162 : i32 to vector<16xi32>
    %shift_right_arithmetic3A_164 = arith.shrsi %get3A_161, %shift_right_arithmetic3A_163 : vector<16xi32>
    %swap3A_165 = arith.constant 64 : index
    %swap3A_166 = tpu.vector_load %arg11[%swap3A_165] {strides = array<i32>} : memref<128xi32, #tpu.memory_space<vmem>>, vector<16xi32>,
    tpu.vector_store %arg11[%swap3A_165], %shift_right_arithmetic3A_164 {strides = array<i32>} : memref<128xi32, #tpu.memory_space<vmem>>, vector<16xi32>,
    %get3A_167 = arith.constant 80 : index
    %get3A_168 = tpu.vector_load %arg10[%get3A_167] {strides = array<i32>} : memref<128xi32, #tpu.memory_space<vmem>>, vector<16xi32>,
    %shift_right_arithmetic3A_169 = arith.constant 1 : i32
    %shift_right_arithmetic3A_170 = vector.broadcast %shift_right_arithmetic3A_169 : i32 to vector<16xi32>
    %shift_right_arithmetic3A_171 = arith.shrsi %get3A_168, %shift_right_arithmetic3A_170 : vector<16xi32>
    %swap3A_172 = arith.constant 80 : index
    %swap3A_173 = tpu.vector_load %arg11[%swap3A_172] {strides = array<i32>} : memref<128xi32, #tpu.memory_space<vmem>>, vector<16xi32>,
    tpu.vector_store %arg11[%swap3A_172], %shift_right_arithmetic3A_171 {strides = array<i32>} : memref<128xi32, #tpu.memory_space<vmem>>, vector<16xi32>,
    %get3A_174 = arith.constant 96 : index
    %get3A_175 = tpu.vector_load %arg10[%get3A_174] {strides = array<i32>} : memref<128xi32, #tpu.memory_space<vmem>>, vector<16xi32>,
    %shift_right_arithmetic3A_176 = arith.constant 1 : i32
    %shift_right_arithmetic3A_177 = vector.broadcast %shift_right_arithmetic3A_176 : i32 to vector<16xi32>
    %shift_right_arithmetic3A_178 = arith.shrsi %get3A_175, %shift_right_arithmetic3A_177 : vector<16xi32>
    %swap3A_179 = arith.constant 96 : index
    %swap3A_180 = tpu.vector_load %arg11[%swap3A_179] {strides = array<i32>} : memref<128xi32, #tpu.memory_space<vmem>>, vector<16xi32>,
    tpu.vector_store %arg11[%swap3A_179], %shift_right_arithmetic3A_178 {strides = array<i32>} : memref<128xi32, #tpu.memory_space<vmem>>, vector<16xi32>,
    %get3A_181 = arith.constant 112 : index
    %get3A_182 = tpu.vector_load %arg10[%get3A_181] {strides = array<i32>} : memref<128xi32, #tpu.memory_space<vmem>>, vector<16xi32>,
    %shift_right_arithmetic3A_183 = arith.constant 1 : i32
    %shift_right_arithmetic3A_184 = vector.broadcast %shift_right_arithmetic3A_183 : i32 to vector<16xi32>
    %shift_right_arithmetic3A_185 = arith.shrsi %get3A_182, %shift_right_arithmetic3A_184 : vector<16xi32>
    %swap3A_186 = arith.constant 112 : index
    %swap3A_187 = tpu.vector_load %arg11[%swap3A_186] {strides = array<i32>} : memref<128xi32, #tpu.memory_space<vmem>>, vector<16xi32>,
    tpu.vector_store %arg11[%swap3A_186], %shift_right_arithmetic3A_185 {strides = array<i32>} : memref<128xi32, #tpu.memory_space<vmem>>, vector<16xi32>,
    %dma_start3A_188 = arith.constant 0 : i32
    %dma_start3A_189 = arith.constant 0 : i32
    %dma_start3A_190 = tpu.memref_slice %arg5[%dma_start3A_188, %dma_start3A_189] : memref<2048x128xf32, #tpu.memory_space<hbm>> -> memref<2048x128xf32, #tpu.memory_space<hbm>>
    tpu.enqueue_indirect_dma source(%dma_start3A_190 : memref<2048x128xf32, #tpu.memory_space<hbm>>) target(%arg12 : memref<128x128xf32, #tpu.memory_space<vmem>>) offsets(%arg11 : memref<128xi32, #tpu.memory_space<vmem>>) semaphore(%arg13 : memref<!tpu.dma_semaphore, #tpu.memory_space<semaphore_mem>>)
    %dma_wait3A_191 = arith.constant 0 : i32
    %dma_wait3A_192 = arith.constant 0 : i32
    %dma_wait3A_193 = tpu.memref_slice %arg5[%dma_wait3A_191, %dma_wait3A_192] : memref<2048x128xf32, #tpu.memory_space<hbm>> -> memref<2048x128xf32, #tpu.memory_space<hbm>>
    tpu.wait_indirect_dma semaphore(%arg13 : memref<!tpu.dma_semaphore, #tpu.memory_space<semaphore_mem>>) src(%dma_wait3A_193 : memref<2048x128xf32, #tpu.memory_space<hbm>>) dst(%arg12 : memref<128x128xf32, #tpu.memory_space<vmem>>)
    "tpu.region"() ({
      %run_scoped3A = tpu.sem_alloc : memref<!tpu.dma_semaphore, #tpu.memory_space<semaphore_mem>>
      %dma_start3A_392 = arith.constant 0 : i32
      %dma_start3A_393 = tpu.memref_slice %arg8[%add3A_131, %dma_start3A_392] : memref<8192x128xf32, #tpu.memory_space<hbm>> -> memref<128x128xf32, #tpu.memory_space<hbm>>
      %dma_start3A_394 = arith.constant 0 : i32
      %dma_start3A_395 = tpu.memref_slice %arg8[%add3A_131, %dma_start3A_394] : memref<8192x128xf32, #tpu.memory_space<hbm>> -> memref<128x128xf32, #tpu.memory_space<hbm>>
      tpu.enqueue_dma source(%arg12 : memref<128x128xf32, #tpu.memory_space<vmem>>) target(%dma_start3A_395 : memref<128x128xf32, #tpu.memory_space<hbm>>) target_semaphore(%run_scoped3A : memref<!tpu.dma_semaphore, #tpu.memory_space<semaphore_mem>>)
      %dma_wait3A_396 = arith.constant 0 : i32
      %dma_wait3A_397 = tpu.memref_slice %arg8[%add3A_131, %dma_wait3A_396] : memref<8192x128xf32, #tpu.memory_space<hbm>> -> memref<128x128xf32, #tpu.memory_space<hbm>>
      %dma_wait3A_398 = arith.constant 0 : i32
      %dma_wait3A_399 = tpu.memref_slice %arg8[%add3A_131, %dma_wait3A_398] : memref<8192x128xf32, #tpu.memory_space<hbm>> -> memref<128x128xf32, #tpu.memory_space<hbm>>
      tpu.wait_dma2 semaphore(%run_scoped3A : memref<!tpu.dma_semaphore, #tpu.memory_space<semaphore_mem>>) src(%arg12 : memref<128x128xf32, #tpu.memory_space<vmem>>) dst(%dma_wait3A_399 : memref<128x128xf32, #tpu.memory_space<hbm>>)
      tpu.yield
    }) : () -> ()
    %mul3A_194 = arith.constant 256 : i32
    %mul3A_195 = arith.muli %add3A, %mul3A_194 : i32
    %add3A_196 = arith.constant 128 : i32
    %add3A_197 = arith.addi %mul3A_195, %add3A_196 : i32
    "tpu.region"() ({
      %run_scoped3A = tpu.sem_alloc : memref<!tpu.dma_semaphore, #tpu.memory_space<semaphore_mem>>
      %dma_start3A_392 = tpu.memref_slice %arg2[%add3A_197] : memref<8192xi32, #tpu.memory_space<hbm>> -> memref<128xi32, #tpu.memory_space<hbm>>
      %dma_start3A_393 = tpu.memref_slice %arg2[%add3A_197] : memref<8192xi32, #tpu.memory_space<hbm>> -> memref<128xi32, #tpu.memory_space<hbm>>
      tpu.enqueue_dma source(%dma_start3A_393 : memref<128xi32, #tpu.memory_space<hbm>>) target(%arg10 : memref<128xi32, #tpu.memory_space<vmem>>) target_semaphore(%run_scoped3A : memref<!tpu.dma_semaphore, #tpu.memory_space<semaphore_mem>>)
      %dma_wait3A_394 = tpu.memref_slice %arg2[%add3A_197] : memref<8192xi32, #tpu.memory_space<hbm>> -> memref<128xi32, #tpu.memory_space<hbm>>
      %dma_wait3A_395 = tpu.memref_slice %arg2[%add3A_197] : memref<8192xi32, #tpu.memory_space<hbm>> -> memref<128xi32, #tpu.memory_space<hbm>>
      tpu.wait_dma2 semaphore(%run_scoped3A : memref<!tpu.dma_semaphore, #tpu.memory_space<semaphore_mem>>) src(%dma_wait3A_395 : memref<128xi32, #tpu.memory_space<hbm>>) dst(%arg10 : memref<128xi32, #tpu.memory_space<vmem>>)
      tpu.yield
    }) : () -> ()
    %get3A_198 = arith.constant 0 : index
    %get3A_199 = tpu.vector_load %arg10[%get3A_198] {strides = array<i32>} : memref<128xi32, #tpu.memory_space<vmem>>, vector<16xi32>,
    %shift_right_arithmetic3A_200 = arith.constant 1 : i32
    %shift_right_arithmetic3A_201 = vector.broadcast %shift_right_arithmetic3A_200 : i32 to vector<16xi32>
    %shift_right_arithmetic3A_202 = arith.shrsi %get3A_199, %shift_right_arithmetic3A_201 : vector<16xi32>
    %swap3A_203 = arith.constant 0 : index
    %swap3A_204 = tpu.vector_load %arg11[%swap3A_203] {strides = array<i32>} : memref<128xi32, #tpu.memory_space<vmem>>, vector<16xi32>,
    tpu.vector_store %arg11[%swap3A_203], %shift_right_arithmetic3A_202 {strides = array<i32>} : memref<128xi32, #tpu.memory_space<vmem>>, vector<16xi32>,
    %get3A_205 = arith.constant 16 : index
    %get3A_206 = tpu.vector_load %arg10[%get3A_205] {strides = array<i32>} : memref<128xi32, #tpu.memory_space<vmem>>, vector<16xi32>,
    %shift_right_arithmetic3A_207 = arith.constant 1 : i32
    %shift_right_arithmetic3A_208 = vector.broadcast %shift_right_arithmetic3A_207 : i32 to vector<16xi32>
    %shift_right_arithmetic3A_209 = arith.shrsi %get3A_206, %shift_right_arithmetic3A_208 : vector<16xi32>
    %swap3A_210 = arith.constant 16 : index
    %swap3A_211 = tpu.vector_load %arg11[%swap3A_210] {strides = array<i32>} : memref<128xi32, #tpu.memory_space<vmem>>, vector<16xi32>,
    tpu.vector_store %arg11[%swap3A_210], %shift_right_arithmetic3A_209 {strides = array<i32>} : memref<128xi32, #tpu.memory_space<vmem>>, vector<16xi32>,
    %get3A_212 = arith.constant 32 : index
    %get3A_213 = tpu.vector_load %arg10[%get3A_212] {strides = array<i32>} : memref<128xi32, #tpu.memory_space<vmem>>, vector<16xi32>,
    %shift_right_arithmetic3A_214 = arith.constant 1 : i32
    %shift_right_arithmetic3A_215 = vector.broadcast %shift_right_arithmetic3A_214 : i32 to vector<16xi32>
    %shift_right_arithmetic3A_216 = arith.shrsi %get3A_213, %shift_right_arithmetic3A_215 : vector<16xi32>
    %swap3A_217 = arith.constant 32 : index
    %swap3A_218 = tpu.vector_load %arg11[%swap3A_217] {strides = array<i32>} : memref<128xi32, #tpu.memory_space<vmem>>, vector<16xi32>,
    tpu.vector_store %arg11[%swap3A_217], %shift_right_arithmetic3A_216 {strides = array<i32>} : memref<128xi32, #tpu.memory_space<vmem>>, vector<16xi32>,
    %get3A_219 = arith.constant 48 : index
    %get3A_220 = tpu.vector_load %arg10[%get3A_219] {strides = array<i32>} : memref<128xi32, #tpu.memory_space<vmem>>, vector<16xi32>,
    %shift_right_arithmetic3A_221 = arith.constant 1 : i32
    %shift_right_arithmetic3A_222 = vector.broadcast %shift_right_arithmetic3A_221 : i32 to vector<16xi32>
    %shift_right_arithmetic3A_223 = arith.shrsi %get3A_220, %shift_right_arithmetic3A_222 : vector<16xi32>
    %swap3A_224 = arith.constant 48 : index
    %swap3A_225 = tpu.vector_load %arg11[%swap3A_224] {strides = array<i32>} : memref<128xi32, #tpu.memory_space<vmem>>, vector<16xi32>,
    tpu.vector_store %arg11[%swap3A_224], %shift_right_arithmetic3A_223 {strides = array<i32>} : memref<128xi32, #tpu.memory_space<vmem>>, vector<16xi32>,
    %get3A_226 = arith.constant 64 : index
    %get3A_227 = tpu.vector_load %arg10[%get3A_226] {strides = array<i32>} : memref<128xi32, #tpu.memory_space<vmem>>, vector<16xi32>,
    %shift_right_arithmetic3A_228 = arith.constant 1 : i32
    %shift_right_arithmetic3A_229 = vector.broadcast %shift_right_arithmetic3A_228 : i32 to vector<16xi32>
    %shift_right_arithmetic3A_230 = arith.shrsi %get3A_227, %shift_right_arithmetic3A_229 : vector<16xi32>
    %swap3A_231 = arith.constant 64 : index
    %swap3A_232 = tpu.vector_load %arg11[%swap3A_231] {strides = array<i32>} : memref<128xi32, #tpu.memory_space<vmem>>, vector<16xi32>,
    tpu.vector_store %arg11[%swap3A_231], %shift_right_arithmetic3A_230 {strides = array<i32>} : memref<128xi32, #tpu.memory_space<vmem>>, vector<16xi32>,
    %get3A_233 = arith.constant 80 : index
    %get3A_234 = tpu.vector_load %arg10[%get3A_233] {strides = array<i32>} : memref<128xi32, #tpu.memory_space<vmem>>, vector<16xi32>,
    %shift_right_arithmetic3A_235 = arith.constant 1 : i32
    %shift_right_arithmetic3A_236 = vector.broadcast %shift_right_arithmetic3A_235 : i32 to vector<16xi32>
    %shift_right_arithmetic3A_237 = arith.shrsi %get3A_234, %shift_right_arithmetic3A_236 : vector<16xi32>
    %swap3A_238 = arith.constant 80 : index
    %swap3A_239 = tpu.vector_load %arg11[%swap3A_238] {strides = array<i32>} : memref<128xi32, #tpu.memory_space<vmem>>, vector<16xi32>,
    tpu.vector_store %arg11[%swap3A_238], %shift_right_arithmetic3A_237 {strides = array<i32>} : memref<128xi32, #tpu.memory_space<vmem>>, vector<16xi32>,
    %get3A_240 = arith.constant 96 : index
    %get3A_241 = tpu.vector_load %arg10[%get3A_240] {strides = array<i32>} : memref<128xi32, #tpu.memory_space<vmem>>, vector<16xi32>,
    %shift_right_arithmetic3A_242 = arith.constant 1 : i32
    %shift_right_arithmetic3A_243 = vector.broadcast %shift_right_arithmetic3A_242 : i32 to vector<16xi32>
    %shift_right_arithmetic3A_244 = arith.shrsi %get3A_241, %shift_right_arithmetic3A_243 : vector<16xi32>
    %swap3A_245 = arith.constant 96 : index
    %swap3A_246 = tpu.vector_load %arg11[%swap3A_245] {strides = array<i32>} : memref<128xi32, #tpu.memory_space<vmem>>, vector<16xi32>,
    tpu.vector_store %arg11[%swap3A_245], %shift_right_arithmetic3A_244 {strides = array<i32>} : memref<128xi32, #tpu.memory_space<vmem>>, vector<16xi32>,
    %get3A_247 = arith.constant 112 : index
    %get3A_248 = tpu.vector_load %arg10[%get3A_247] {strides = array<i32>} : memref<128xi32, #tpu.memory_space<vmem>>, vector<16xi32>,
    %shift_right_arithmetic3A_249 = arith.constant 1 : i32
    %shift_right_arithmetic3A_250 = vector.broadcast %shift_right_arithmetic3A_249 : i32 to vector<16xi32>
    %shift_right_arithmetic3A_251 = arith.shrsi %get3A_248, %shift_right_arithmetic3A_250 : vector<16xi32>
    %swap3A_252 = arith.constant 112 : index
    %swap3A_253 = tpu.vector_load %arg11[%swap3A_252] {strides = array<i32>} : memref<128xi32, #tpu.memory_space<vmem>>, vector<16xi32>,
    tpu.vector_store %arg11[%swap3A_252], %shift_right_arithmetic3A_251 {strides = array<i32>} : memref<128xi32, #tpu.memory_space<vmem>>, vector<16xi32>,
    %dma_start3A_254 = arith.constant 0 : i32
    %dma_start3A_255 = arith.constant 0 : i32
    %dma_start3A_256 = tpu.memref_slice %arg5[%dma_start3A_254, %dma_start3A_255] : memref<2048x128xf32, #tpu.memory_space<hbm>> -> memref<2048x128xf32, #tpu.memory_space<hbm>>
    tpu.enqueue_indirect_dma source(%dma_start3A_256 : memref<2048x128xf32, #tpu.memory_space<hbm>>) target(%arg12 : memref<128x128xf32, #tpu.memory_space<vmem>>) offsets(%arg11 : memref<128xi32, #tpu.memory_space<vmem>>) semaphore(%arg13 : memref<!tpu.dma_semaphore, #tpu.memory_space<semaphore_mem>>)
    %dma_wait3A_257 = arith.constant 0 : i32
    %dma_wait3A_258 = arith.constant 0 : i32
    %dma_wait3A_259 = tpu.memref_slice %arg5[%dma_wait3A_257, %dma_wait3A_258] : memref<2048x128xf32, #tpu.memory_space<hbm>> -> memref<2048x128xf32, #tpu.memory_space<hbm>>
    tpu.wait_indirect_dma semaphore(%arg13 : memref<!tpu.dma_semaphore, #tpu.memory_space<semaphore_mem>>) src(%dma_wait3A_259 : memref<2048x128xf32, #tpu.memory_space<hbm>>) dst(%arg12 : memref<128x128xf32, #tpu.memory_space<vmem>>)
    "tpu.region"() ({
      %run_scoped3A = tpu.sem_alloc : memref<!tpu.dma_semaphore, #tpu.memory_space<semaphore_mem>>
      %dma_start3A_392 = arith.constant 0 : i32
      %dma_start3A_393 = tpu.memref_slice %arg8[%add3A_197, %dma_start3A_392] : memref<8192x128xf32, #tpu.memory_space<hbm>> -> memref<128x128xf32, #tpu.memory_space<hbm>>
      %dma_start3A_394 = arith.constant 0 : i32
      %dma_start3A_395 = tpu.memref_slice %arg8[%add3A_197, %dma_start3A_394] : memref<8192x128xf32, #tpu.memory_space<hbm>> -> memref<128x128xf32, #tpu.memory_space<hbm>>
      tpu.enqueue_dma source(%arg12 : memref<128x128xf32, #tpu.memory_space<vmem>>) target(%dma_start3A_395 : memref<128x128xf32, #tpu.memory_space<hbm>>) target_semaphore(%run_scoped3A : memref<!tpu.dma_semaphore, #tpu.memory_space<semaphore_mem>>)
      %dma_wait3A_396 = arith.constant 0 : i32
      %dma_wait3A_397 = tpu.memref_slice %arg8[%add3A_197, %dma_wait3A_396] : memref<8192x128xf32, #tpu.memory_space<hbm>> -> memref<128x128xf32, #tpu.memory_space<hbm>>
      %dma_wait3A_398 = arith.constant 0 : i32
      %dma_wait3A_399 = tpu.memref_slice %arg8[%add3A_197, %dma_wait3A_398] : memref<8192x128xf32, #tpu.memory_space<hbm>> -> memref<128x128xf32, #tpu.memory_space<hbm>>
      tpu.wait_dma2 semaphore(%run_scoped3A : memref<!tpu.dma_semaphore, #tpu.memory_space<semaphore_mem>>) src(%arg12 : memref<128x128xf32, #tpu.memory_space<vmem>>) dst(%dma_wait3A_399 : memref<128x128xf32, #tpu.memory_space<hbm>>)
      tpu.yield
    }) : () -> ()
    %mul3A_260 = arith.constant 256 : i32
    %mul3A_261 = arith.muli %add3A, %mul3A_260 : i32
    %add3A_262 = arith.constant 0 : i32
    %add3A_263 = arith.addi %mul3A_261, %add3A_262 : i32
    "tpu.region"() ({
      %run_scoped3A = tpu.sem_alloc : memref<!tpu.dma_semaphore, #tpu.memory_space<semaphore_mem>>
      %dma_start3A_392 = tpu.memref_slice %arg3[%add3A_263] : memref<8192xi32, #tpu.memory_space<hbm>> -> memref<128xi32, #tpu.memory_space<hbm>>
      %dma_start3A_393 = tpu.memref_slice %arg3[%add3A_263] : memref<8192xi32, #tpu.memory_space<hbm>> -> memref<128xi32, #tpu.memory_space<hbm>>
      tpu.enqueue_dma source(%dma_start3A_393 : memref<128xi32, #tpu.memory_space<hbm>>) target(%arg10 : memref<128xi32, #tpu.memory_space<vmem>>) target_semaphore(%run_scoped3A : memref<!tpu.dma_semaphore, #tpu.memory_space<semaphore_mem>>)
      %dma_wait3A_394 = tpu.memref_slice %arg3[%add3A_263] : memref<8192xi32, #tpu.memory_space<hbm>> -> memref<128xi32, #tpu.memory_space<hbm>>
      %dma_wait3A_395 = tpu.memref_slice %arg3[%add3A_263] : memref<8192xi32, #tpu.memory_space<hbm>> -> memref<128xi32, #tpu.memory_space<hbm>>
      tpu.wait_dma2 semaphore(%run_scoped3A : memref<!tpu.dma_semaphore, #tpu.memory_space<semaphore_mem>>) src(%dma_wait3A_395 : memref<128xi32, #tpu.memory_space<hbm>>) dst(%arg10 : memref<128xi32, #tpu.memory_space<vmem>>)
      tpu.yield
    }) : () -> ()
    %get3A_264 = arith.constant 0 : index
    %get3A_265 = tpu.vector_load %arg10[%get3A_264] {strides = array<i32>} : memref<128xi32, #tpu.memory_space<vmem>>, vector<16xi32>,
    %shift_right_arithmetic3A_266 = arith.constant 1 : i32
    %shift_right_arithmetic3A_267 = vector.broadcast %shift_right_arithmetic3A_266 : i32 to vector<16xi32>
    %shift_right_arithmetic3A_268 = arith.shrsi %get3A_265, %shift_right_arithmetic3A_267 : vector<16xi32>
    %swap3A_269 = arith.constant 0 : index
    %swap3A_270 = tpu.vector_load %arg11[%swap3A_269] {strides = array<i32>} : memref<128xi32, #tpu.memory_space<vmem>>, vector<16xi32>,
    tpu.vector_store %arg11[%swap3A_269], %shift_right_arithmetic3A_268 {strides = array<i32>} : memref<128xi32, #tpu.memory_space<vmem>>, vector<16xi32>,
    %get3A_271 = arith.constant 16 : index
    %get3A_272 = tpu.vector_load %arg10[%get3A_271] {strides = array<i32>} : memref<128xi32, #tpu.memory_space<vmem>>, vector<16xi32>,
    %shift_right_arithmetic3A_273 = arith.constant 1 : i32
    %shift_right_arithmetic3A_274 = vector.broadcast %shift_right_arithmetic3A_273 : i32 to vector<16xi32>
    %shift_right_arithmetic3A_275 = arith.shrsi %get3A_272, %shift_right_arithmetic3A_274 : vector<16xi32>
    %swap3A_276 = arith.constant 16 : index
    %swap3A_277 = tpu.vector_load %arg11[%swap3A_276] {strides = array<i32>} : memref<128xi32, #tpu.memory_space<vmem>>, vector<16xi32>,
    tpu.vector_store %arg11[%swap3A_276], %shift_right_arithmetic3A_275 {strides = array<i32>} : memref<128xi32, #tpu.memory_space<vmem>>, vector<16xi32>,
    %get3A_278 = arith.constant 32 : index
    %get3A_279 = tpu.vector_load %arg10[%get3A_278] {strides = array<i32>} : memref<128xi32, #tpu.memory_space<vmem>>, vector<16xi32>,
    %shift_right_arithmetic3A_280 = arith.constant 1 : i32
    %shift_right_arithmetic3A_281 = vector.broadcast %shift_right_arithmetic3A_280 : i32 to vector<16xi32>
    %shift_right_arithmetic3A_282 = arith.shrsi %get3A_279, %shift_right_arithmetic3A_281 : vector<16xi32>
    %swap3A_283 = arith.constant 32 : index
    %swap3A_284 = tpu.vector_load %arg11[%swap3A_283] {strides = array<i32>} : memref<128xi32, #tpu.memory_space<vmem>>, vector<16xi32>,
    tpu.vector_store %arg11[%swap3A_283], %shift_right_arithmetic3A_282 {strides = array<i32>} : memref<128xi32, #tpu.memory_space<vmem>>, vector<16xi32>,
    %get3A_285 = arith.constant 48 : index
    %get3A_286 = tpu.vector_load %arg10[%get3A_285] {strides = array<i32>} : memref<128xi32, #tpu.memory_space<vmem>>, vector<16xi32>,
    %shift_right_arithmetic3A_287 = arith.constant 1 : i32
    %shift_right_arithmetic3A_288 = vector.broadcast %shift_right_arithmetic3A_287 : i32 to vector<16xi32>
    %shift_right_arithmetic3A_289 = arith.shrsi %get3A_286, %shift_right_arithmetic3A_288 : vector<16xi32>
    %swap3A_290 = arith.constant 48 : index
    %swap3A_291 = tpu.vector_load %arg11[%swap3A_290] {strides = array<i32>} : memref<128xi32, #tpu.memory_space<vmem>>, vector<16xi32>,
    tpu.vector_store %arg11[%swap3A_290], %shift_right_arithmetic3A_289 {strides = array<i32>} : memref<128xi32, #tpu.memory_space<vmem>>, vector<16xi32>,
    %get3A_292 = arith.constant 64 : index
    %get3A_293 = tpu.vector_load %arg10[%get3A_292] {strides = array<i32>} : memref<128xi32, #tpu.memory_space<vmem>>, vector<16xi32>,
    %shift_right_arithmetic3A_294 = arith.constant 1 : i32
    %shift_right_arithmetic3A_295 = vector.broadcast %shift_right_arithmetic3A_294 : i32 to vector<16xi32>
    %shift_right_arithmetic3A_296 = arith.shrsi %get3A_293, %shift_right_arithmetic3A_295 : vector<16xi32>
    %swap3A_297 = arith.constant 64 : index
    %swap3A_298 = tpu.vector_load %arg11[%swap3A_297] {strides = array<i32>} : memref<128xi32, #tpu.memory_space<vmem>>, vector<16xi32>,
    tpu.vector_store %arg11[%swap3A_297], %shift_right_arithmetic3A_296 {strides = array<i32>} : memref<128xi32, #tpu.memory_space<vmem>>, vector<16xi32>,
    %get3A_299 = arith.constant 80 : index
    %get3A_300 = tpu.vector_load %arg10[%get3A_299] {strides = array<i32>} : memref<128xi32, #tpu.memory_space<vmem>>, vector<16xi32>,
    %shift_right_arithmetic3A_301 = arith.constant 1 : i32
    %shift_right_arithmetic3A_302 = vector.broadcast %shift_right_arithmetic3A_301 : i32 to vector<16xi32>
    %shift_right_arithmetic3A_303 = arith.shrsi %get3A_300, %shift_right_arithmetic3A_302 : vector<16xi32>
    %swap3A_304 = arith.constant 80 : index
    %swap3A_305 = tpu.vector_load %arg11[%swap3A_304] {strides = array<i32>} : memref<128xi32, #tpu.memory_space<vmem>>, vector<16xi32>,
    tpu.vector_store %arg11[%swap3A_304], %shift_right_arithmetic3A_303 {strides = array<i32>} : memref<128xi32, #tpu.memory_space<vmem>>, vector<16xi32>,
    %get3A_306 = arith.constant 96 : index
    %get3A_307 = tpu.vector_load %arg10[%get3A_306] {strides = array<i32>} : memref<128xi32, #tpu.memory_space<vmem>>, vector<16xi32>,
    %shift_right_arithmetic3A_308 = arith.constant 1 : i32
    %shift_right_arithmetic3A_309 = vector.broadcast %shift_right_arithmetic3A_308 : i32 to vector<16xi32>
    %shift_right_arithmetic3A_310 = arith.shrsi %get3A_307, %shift_right_arithmetic3A_309 : vector<16xi32>
    %swap3A_311 = arith.constant 96 : index
    %swap3A_312 = tpu.vector_load %arg11[%swap3A_311] {strides = array<i32>} : memref<128xi32, #tpu.memory_space<vmem>>, vector<16xi32>,
    tpu.vector_store %arg11[%swap3A_311], %shift_right_arithmetic3A_310 {strides = array<i32>} : memref<128xi32, #tpu.memory_space<vmem>>, vector<16xi32>,
    %get3A_313 = arith.constant 112 : index
    %get3A_314 = tpu.vector_load %arg10[%get3A_313] {strides = array<i32>} : memref<128xi32, #tpu.memory_space<vmem>>, vector<16xi32>,
    %shift_right_arithmetic3A_315 = arith.constant 1 : i32
    %shift_right_arithmetic3A_316 = vector.broadcast %shift_right_arithmetic3A_315 : i32 to vector<16xi32>
    %shift_right_arithmetic3A_317 = arith.shrsi %get3A_314, %shift_right_arithmetic3A_316 : vector<16xi32>
    %swap3A_318 = arith.constant 112 : index
    %swap3A_319 = tpu.vector_load %arg11[%swap3A_318] {strides = array<i32>} : memref<128xi32, #tpu.memory_space<vmem>>, vector<16xi32>,
    tpu.vector_store %arg11[%swap3A_318], %shift_right_arithmetic3A_317 {strides = array<i32>} : memref<128xi32, #tpu.memory_space<vmem>>, vector<16xi32>,
    %dma_start3A_320 = arith.constant 0 : i32
    %dma_start3A_321 = arith.constant 0 : i32
    %dma_start3A_322 = tpu.memref_slice %arg6[%dma_start3A_320, %dma_start3A_321] : memref<2048x128xf32, #tpu.memory_space<hbm>> -> memref<2048x128xf32, #tpu.memory_space<hbm>>
    tpu.enqueue_indirect_dma source(%dma_start3A_322 : memref<2048x128xf32, #tpu.memory_space<hbm>>) target(%arg12 : memref<128x128xf32, #tpu.memory_space<vmem>>) offsets(%arg11 : memref<128xi32, #tpu.memory_space<vmem>>) semaphore(%arg13 : memref<!tpu.dma_semaphore, #tpu.memory_space<semaphore_mem>>)
    %dma_wait3A_323 = arith.constant 0 : i32
    %dma_wait3A_324 = arith.constant 0 : i32
    %dma_wait3A_325 = tpu.memref_slice %arg6[%dma_wait3A_323, %dma_wait3A_324] : memref<2048x128xf32, #tpu.memory_space<hbm>> -> memref<2048x128xf32, #tpu.memory_space<hbm>>
    tpu.wait_indirect_dma semaphore(%arg13 : memref<!tpu.dma_semaphore, #tpu.memory_space<semaphore_mem>>) src(%dma_wait3A_325 : memref<2048x128xf32, #tpu.memory_space<hbm>>) dst(%arg12 : memref<128x128xf32, #tpu.memory_space<vmem>>)
    "tpu.region"() ({
      %run_scoped3A = tpu.sem_alloc : memref<!tpu.dma_semaphore, #tpu.memory_space<semaphore_mem>>
      %dma_start3A_392 = arith.constant 0 : i32
      %dma_start3A_393 = tpu.memref_slice %arg9[%add3A_263, %dma_start3A_392] : memref<8192x128xf32, #tpu.memory_space<hbm>> -> memref<128x128xf32, #tpu.memory_space<hbm>>
      %dma_start3A_394 = arith.constant 0 : i32
      %dma_start3A_395 = tpu.memref_slice %arg9[%add3A_263, %dma_start3A_394] : memref<8192x128xf32, #tpu.memory_space<hbm>> -> memref<128x128xf32, #tpu.memory_space<hbm>>
      tpu.enqueue_dma source(%arg12 : memref<128x128xf32, #tpu.memory_space<vmem>>) target(%dma_start3A_395 : memref<128x128xf32, #tpu.memory_space<hbm>>) target_semaphore(%run_scoped3A : memref<!tpu.dma_semaphore, #tpu.memory_space<semaphore_mem>>)
      %dma_wait3A_396 = arith.constant 0 : i32
      %dma_wait3A_397 = tpu.memref_slice %arg9[%add3A_263, %dma_wait3A_396] : memref<8192x128xf32, #tpu.memory_space<hbm>> -> memref<128x128xf32, #tpu.memory_space<hbm>>
      %dma_wait3A_398 = arith.constant 0 : i32
      %dma_wait3A_399 = tpu.memref_slice %arg9[%add3A_263, %dma_wait3A_398] : memref<8192x128xf32, #tpu.memory_space<hbm>> -> memref<128x128xf32, #tpu.memory_space<hbm>>
      tpu.wait_dma2 semaphore(%run_scoped3A : memref<!tpu.dma_semaphore, #tpu.memory_space<semaphore_mem>>) src(%arg12 : memref<128x128xf32, #tpu.memory_space<vmem>>) dst(%dma_wait3A_399 : memref<128x128xf32, #tpu.memory_space<hbm>>)
      tpu.yield
    }) : () -> ()
    %mul3A_326 = arith.constant 256 : i32
    %mul3A_327 = arith.muli %add3A, %mul3A_326 : i32
    %add3A_328 = arith.constant 128 : i32
    %add3A_329 = arith.addi %mul3A_327, %add3A_328 : i32
    "tpu.region"() ({
      %run_scoped3A = tpu.sem_alloc : memref<!tpu.dma_semaphore, #tpu.memory_space<semaphore_mem>>
      %dma_start3A_392 = tpu.memref_slice %arg3[%add3A_329] : memref<8192xi32, #tpu.memory_space<hbm>> -> memref<128xi32, #tpu.memory_space<hbm>>
      %dma_start3A_393 = tpu.memref_slice %arg3[%add3A_329] : memref<8192xi32, #tpu.memory_space<hbm>> -> memref<128xi32, #tpu.memory_space<hbm>>
      tpu.enqueue_dma source(%dma_start3A_393 : memref<128xi32, #tpu.memory_space<hbm>>) target(%arg10 : memref<128xi32, #tpu.memory_space<vmem>>) target_semaphore(%run_scoped3A : memref<!tpu.dma_semaphore, #tpu.memory_space<semaphore_mem>>)
      %dma_wait3A_394 = tpu.memref_slice %arg3[%add3A_329] : memref<8192xi32, #tpu.memory_space<hbm>> -> memref<128xi32, #tpu.memory_space<hbm>>
      %dma_wait3A_395 = tpu.memref_slice %arg3[%add3A_329] : memref<8192xi32, #tpu.memory_space<hbm>> -> memref<128xi32, #tpu.memory_space<hbm>>
      tpu.wait_dma2 semaphore(%run_scoped3A : memref<!tpu.dma_semaphore, #tpu.memory_space<semaphore_mem>>) src(%dma_wait3A_395 : memref<128xi32, #tpu.memory_space<hbm>>) dst(%arg10 : memref<128xi32, #tpu.memory_space<vmem>>)
      tpu.yield
    }) : () -> ()
    %get3A_330 = arith.constant 0 : index
    %get3A_331 = tpu.vector_load %arg10[%get3A_330] {strides = array<i32>} : memref<128xi32, #tpu.memory_space<vmem>>, vector<16xi32>,
    %shift_right_arithmetic3A_332 = arith.constant 1 : i32
    %shift_right_arithmetic3A_333 = vector.broadcast %shift_right_arithmetic3A_332 : i32 to vector<16xi32>
    %shift_right_arithmetic3A_334 = arith.shrsi %get3A_331, %shift_right_arithmetic3A_333 : vector<16xi32>
    %swap3A_335 = arith.constant 0 : index
    %swap3A_336 = tpu.vector_load %arg11[%swap3A_335] {strides = array<i32>} : memref<128xi32, #tpu.memory_space<vmem>>, vector<16xi32>,
    tpu.vector_store %arg11[%swap3A_335], %shift_right_arithmetic3A_334 {strides = array<i32>} : memref<128xi32, #tpu.memory_space<vmem>>, vector<16xi32>,
    %get3A_337 = arith.constant 16 : index
    %get3A_338 = tpu.vector_load %arg10[%get3A_337] {strides = array<i32>} : memref<128xi32, #tpu.memory_space<vmem>>, vector<16xi32>,
    %shift_right_arithmetic3A_339 = arith.constant 1 : i32
    %shift_right_arithmetic3A_340 = vector.broadcast %shift_right_arithmetic3A_339 : i32 to vector<16xi32>
    %shift_right_arithmetic3A_341 = arith.shrsi %get3A_338, %shift_right_arithmetic3A_340 : vector<16xi32>
    %swap3A_342 = arith.constant 16 : index
    %swap3A_343 = tpu.vector_load %arg11[%swap3A_342] {strides = array<i32>} : memref<128xi32, #tpu.memory_space<vmem>>, vector<16xi32>,
    tpu.vector_store %arg11[%swap3A_342], %shift_right_arithmetic3A_341 {strides = array<i32>} : memref<128xi32, #tpu.memory_space<vmem>>, vector<16xi32>,
    %get3A_344 = arith.constant 32 : index
    %get3A_345 = tpu.vector_load %arg10[%get3A_344] {strides = array<i32>} : memref<128xi32, #tpu.memory_space<vmem>>, vector<16xi32>,
    %shift_right_arithmetic3A_346 = arith.constant 1 : i32
    %shift_right_arithmetic3A_347 = vector.broadcast %shift_right_arithmetic3A_346 : i32 to vector<16xi32>
    %shift_right_arithmetic3A_348 = arith.shrsi %get3A_345, %shift_right_arithmetic3A_347 : vector<16xi32>
    %swap3A_349 = arith.constant 32 : index
    %swap3A_350 = tpu.vector_load %arg11[%swap3A_349] {strides = array<i32>} : memref<128xi32, #tpu.memory_space<vmem>>, vector<16xi32>,
    tpu.vector_store %arg11[%swap3A_349], %shift_right_arithmetic3A_348 {strides = array<i32>} : memref<128xi32, #tpu.memory_space<vmem>>, vector<16xi32>,
    %get3A_351 = arith.constant 48 : index
    %get3A_352 = tpu.vector_load %arg10[%get3A_351] {strides = array<i32>} : memref<128xi32, #tpu.memory_space<vmem>>, vector<16xi32>,
    %shift_right_arithmetic3A_353 = arith.constant 1 : i32
    %shift_right_arithmetic3A_354 = vector.broadcast %shift_right_arithmetic3A_353 : i32 to vector<16xi32>
    %shift_right_arithmetic3A_355 = arith.shrsi %get3A_352, %shift_right_arithmetic3A_354 : vector<16xi32>
    %swap3A_356 = arith.constant 48 : index
    %swap3A_357 = tpu.vector_load %arg11[%swap3A_356] {strides = array<i32>} : memref<128xi32, #tpu.memory_space<vmem>>, vector<16xi32>,
    tpu.vector_store %arg11[%swap3A_356], %shift_right_arithmetic3A_355 {strides = array<i32>} : memref<128xi32, #tpu.memory_space<vmem>>, vector<16xi32>,
    %get3A_358 = arith.constant 64 : index
    %get3A_359 = tpu.vector_load %arg10[%get3A_358] {strides = array<i32>} : memref<128xi32, #tpu.memory_space<vmem>>, vector<16xi32>,
    %shift_right_arithmetic3A_360 = arith.constant 1 : i32
    %shift_right_arithmetic3A_361 = vector.broadcast %shift_right_arithmetic3A_360 : i32 to vector<16xi32>
    %shift_right_arithmetic3A_362 = arith.shrsi %get3A_359, %shift_right_arithmetic3A_361 : vector<16xi32>
    %swap3A_363 = arith.constant 64 : index
    %swap3A_364 = tpu.vector_load %arg11[%swap3A_363] {strides = array<i32>} : memref<128xi32, #tpu.memory_space<vmem>>, vector<16xi32>,
    tpu.vector_store %arg11[%swap3A_363], %shift_right_arithmetic3A_362 {strides = array<i32>} : memref<128xi32, #tpu.memory_space<vmem>>, vector<16xi32>,
    %get3A_365 = arith.constant 80 : index
    %get3A_366 = tpu.vector_load %arg10[%get3A_365] {strides = array<i32>} : memref<128xi32, #tpu.memory_space<vmem>>, vector<16xi32>,
    %shift_right_arithmetic3A_367 = arith.constant 1 : i32
    %shift_right_arithmetic3A_368 = vector.broadcast %shift_right_arithmetic3A_367 : i32 to vector<16xi32>
    %shift_right_arithmetic3A_369 = arith.shrsi %get3A_366, %shift_right_arithmetic3A_368 : vector<16xi32>
    %swap3A_370 = arith.constant 80 : index
    %swap3A_371 = tpu.vector_load %arg11[%swap3A_370] {strides = array<i32>} : memref<128xi32, #tpu.memory_space<vmem>>, vector<16xi32>,
    tpu.vector_store %arg11[%swap3A_370], %shift_right_arithmetic3A_369 {strides = array<i32>} : memref<128xi32, #tpu.memory_space<vmem>>, vector<16xi32>,
    %get3A_372 = arith.constant 96 : index
    %get3A_373 = tpu.vector_load %arg10[%get3A_372] {strides = array<i32>} : memref<128xi32, #tpu.memory_space<vmem>>, vector<16xi32>,
    %shift_right_arithmetic3A_374 = arith.constant 1 : i32
    %shift_right_arithmetic3A_375 = vector.broadcast %shift_right_arithmetic3A_374 : i32 to vector<16xi32>
    %shift_right_arithmetic3A_376 = arith.shrsi %get3A_373, %shift_right_arithmetic3A_375 : vector<16xi32>
    %swap3A_377 = arith.constant 96 : index
    %swap3A_378 = tpu.vector_load %arg11[%swap3A_377] {strides = array<i32>} : memref<128xi32, #tpu.memory_space<vmem>>, vector<16xi32>,
    tpu.vector_store %arg11[%swap3A_377], %shift_right_arithmetic3A_376 {strides = array<i32>} : memref<128xi32, #tpu.memory_space<vmem>>, vector<16xi32>,
    %get3A_379 = arith.constant 112 : index
    %get3A_380 = tpu.vector_load %arg10[%get3A_379] {strides = array<i32>} : memref<128xi32, #tpu.memory_space<vmem>>, vector<16xi32>,
    %shift_right_arithmetic3A_381 = arith.constant 1 : i32
    %shift_right_arithmetic3A_382 = vector.broadcast %shift_right_arithmetic3A_381 : i32 to vector<16xi32>
    %shift_right_arithmetic3A_383 = arith.shrsi %get3A_380, %shift_right_arithmetic3A_382 : vector<16xi32>
    %swap3A_384 = arith.constant 112 : index
    %swap3A_385 = tpu.vector_load %arg11[%swap3A_384] {strides = array<i32>} : memref<128xi32, #tpu.memory_space<vmem>>, vector<16xi32>,
    tpu.vector_store %arg11[%swap3A_384], %shift_right_arithmetic3A_383 {strides = array<i32>} : memref<128xi32, #tpu.memory_space<vmem>>, vector<16xi32>,
    %dma_start3A_386 = arith.constant 0 : i32
    %dma_start3A_387 = arith.constant 0 : i32
    %dma_start3A_388 = tpu.memref_slice %arg6[%dma_start3A_386, %dma_start3A_387] : memref<2048x128xf32, #tpu.memory_space<hbm>> -> memref<2048x128xf32, #tpu.memory_space<hbm>>
    tpu.enqueue_indirect_dma source(%dma_start3A_388 : memref<2048x128xf32, #tpu.memory_space<hbm>>) target(%arg12 : memref<128x128xf32, #tpu.memory_space<vmem>>) offsets(%arg11 : memref<128xi32, #tpu.memory_space<vmem>>) semaphore(%arg13 : memref<!tpu.dma_semaphore, #tpu.memory_space<semaphore_mem>>)
    %dma_wait3A_389 = arith.constant 0 : i32
    %dma_wait3A_390 = arith.constant 0 : i32
    %dma_wait3A_391 = tpu.memref_slice %arg6[%dma_wait3A_389, %dma_wait3A_390] : memref<2048x128xf32, #tpu.memory_space<hbm>> -> memref<2048x128xf32, #tpu.memory_space<hbm>>
    tpu.wait_indirect_dma semaphore(%arg13 : memref<!tpu.dma_semaphore, #tpu.memory_space<semaphore_mem>>) src(%dma_wait3A_391 : memref<2048x128xf32, #tpu.memory_space<hbm>>) dst(%arg12 : memref<128x128xf32, #tpu.memory_space<vmem>>)
    "tpu.region"() ({
      %run_scoped3A = tpu.sem_alloc : memref<!tpu.dma_semaphore, #tpu.memory_space<semaphore_mem>>
      %dma_start3A_392 = arith.constant 0 : i32
      %dma_start3A_393 = tpu.memref_slice %arg9[%add3A_329, %dma_start3A_392] : memref<8192x128xf32, #tpu.memory_space<hbm>> -> memref<128x128xf32, #tpu.memory_space<hbm>>
      %dma_start3A_394 = arith.constant 0 : i32
      %dma_start3A_395 = tpu.memref_slice %arg9[%add3A_329, %dma_start3A_394] : memref<8192x128xf32, #tpu.memory_space<hbm>> -> memref<128x128xf32, #tpu.memory_space<hbm>>
      tpu.enqueue_dma source(%arg12 : memref<128x128xf32, #tpu.memory_space<vmem>>) target(%dma_start3A_395 : memref<128x128xf32, #tpu.memory_space<hbm>>) target_semaphore(%run_scoped3A : memref<!tpu.dma_semaphore, #tpu.memory_space<semaphore_mem>>)
      %dma_wait3A_396 = arith.constant 0 : i32
      %dma_wait3A_397 = tpu.memref_slice %arg9[%add3A_329, %dma_wait3A_396] : memref<8192x128xf32, #tpu.memory_space<hbm>> -> memref<128x128xf32, #tpu.memory_space<hbm>>
      %dma_wait3A_398 = arith.constant 0 : i32
      %dma_wait3A_399 = tpu.memref_slice %arg9[%add3A_329, %dma_wait3A_398] : memref<8192x128xf32, #tpu.memory_space<hbm>> -> memref<128x128xf32, #tpu.memory_space<hbm>>
      tpu.wait_dma2 semaphore(%run_scoped3A : memref<!tpu.dma_semaphore, #tpu.memory_space<semaphore_mem>>) src(%arg12 : memref<128x128xf32, #tpu.memory_space<vmem>>) dst(%dma_wait3A_399 : memref<128x128xf32, #tpu.memory_space<hbm>>)
      tpu.yield
    }) : () -> ()
    return
  }
}

#map = affine_map<(d0, d1) -> (0)>
#map1 = affine_map<(d0, d1) -> (0, 0)>
module attributes {stable_mosaic.version = 14 : i64} {
  func.func @_sc_stripe_body(%arg0: i32, %arg1: i32, %arg2: memref<4096xi32, #tpu.memory_space<hbm>>, %arg3: memref<4096xi32, #tpu.memory_space<hbm>>, %arg4: memref<4096xi32, #tpu.memory_space<hbm>>, %arg5: memref<64x1000000xf32, #tpu.memory_space<hbm>>, %arg6: memref<64x1000000xf32, #tpu.memory_space<hbm>>, %arg7: memref<64x100000xf32, #tpu.memory_space<hbm>>, %arg8: memref<2048x128xf32, #tpu.memory_space<hbm>>, %arg9: memref<2048x128xf32, #tpu.memory_space<hbm>>, %arg10: memref<2048x128xf32, #tpu.memory_space<hbm>>, %arg11: memref<144xi32, #tpu.memory_space<vmem>>, %arg12: memref<64x128xf32, #tpu.memory_space<vmem>>, %arg13: memref<64x128xf32, #tpu.memory_space<vmem>>, %arg14: memref<64x128xf32, #tpu.memory_space<vmem>>, %arg15: memref<64x128xf32, #tpu.memory_space<vmem>>, %arg16: memref<64x128xf32, #tpu.memory_space<vmem>>, %arg17: memref<64x128xf32, #tpu.memory_space<vmem>>, %arg18: memref<64x128xf32, #tpu.memory_space<vmem>>, %arg19: memref<64x128xf32, #tpu.memory_space<vmem>>, %arg20: memref<64x128xf32, #tpu.memory_space<vmem>>, %arg21: memref<!tpu.dma_semaphore, #tpu.memory_space<semaphore_mem>>, %arg22: memref<!tpu.dma_semaphore, #tpu.memory_space<semaphore_mem>>, %arg23: memref<!tpu.dma_semaphore, #tpu.memory_space<semaphore_mem>>, %arg24: memref<!tpu.dma_semaphore, #tpu.memory_space<semaphore_mem>>, %arg25: memref<!tpu.dma_semaphore, #tpu.memory_space<semaphore_mem>>, %arg26: memref<!tpu.dma_semaphore, #tpu.memory_space<semaphore_mem>>, %arg27: memref<!tpu.dma_semaphore, #tpu.memory_space<semaphore_mem>>, %arg28: memref<!tpu.dma_semaphore, #tpu.memory_space<semaphore_mem>>) attributes {dimension_semantics = [#tpu.dimension_semantics<core_parallel>, #tpu.dimension_semantics<subcore_parallel>], iteration_bounds = array<i64: 2, 16>, scalar_prefetch = 0 : i64, scratch_operands = 18 : i64, tpu.core_type = #tpu.core_type<sc_vector_subcore>, window_params = [{transform_indices = #map}, {transform_indices = #map}, {transform_indices = #map}, {transform_indices = #map1}, {transform_indices = #map1}, {transform_indices = #map1}, {transform_indices = #map1}, {transform_indices = #map1}, {transform_indices = #map1}]} {
    %mul3A = arith.constant 2 : i32
    %mul3A_0 = arith.muli %arg1, %mul3A : i32
    %add3A = arith.addi %mul3A_0, %arg0 : i32
    %mul3A_1 = arith.constant 128 : i32
    %mul3A_2 = arith.muli %add3A, %mul3A_1 : i32
    %iota3A = tpu.iota {dimensions = array<i32: 0>} : vector<16xi32>
    "tpu.region"() ({
      %run_scoped3A = tpu.sem_alloc : memref<!tpu.dma_semaphore, #tpu.memory_space<semaphore_mem>>
      %dma_start3A_334 = arith.constant 0 : i32
      %dma_start3A_335 = tpu.memref_slice %arg11[%dma_start3A_334] : memref<144xi32, #tpu.memory_space<vmem>> -> memref<128xi32, #tpu.memory_space<vmem>>
      %dma_start3A_336 = tpu.memref_slice %arg2[%mul3A_2] : memref<4096xi32, #tpu.memory_space<hbm>> -> memref<128xi32, #tpu.memory_space<hbm>>
      %dma_start3A_337 = arith.constant 0 : i32
      %dma_start3A_338 = tpu.memref_slice %arg11[%dma_start3A_337] : memref<144xi32, #tpu.memory_space<vmem>> -> memref<128xi32, #tpu.memory_space<vmem>>
      %dma_start3A_339 = tpu.memref_slice %arg2[%mul3A_2] : memref<4096xi32, #tpu.memory_space<hbm>> -> memref<128xi32, #tpu.memory_space<hbm>>
      tpu.enqueue_dma source(%dma_start3A_339 : memref<128xi32, #tpu.memory_space<hbm>>) target(%dma_start3A_338 : memref<128xi32, #tpu.memory_space<vmem>>) target_semaphore(%run_scoped3A : memref<!tpu.dma_semaphore, #tpu.memory_space<semaphore_mem>>)
      %dma_wait3A = arith.constant 0 : i32
      %dma_wait3A_340 = tpu.memref_slice %arg11[%dma_wait3A] : memref<144xi32, #tpu.memory_space<vmem>> -> memref<128xi32, #tpu.memory_space<vmem>>
      %dma_wait3A_341 = tpu.memref_slice %arg2[%mul3A_2] : memref<4096xi32, #tpu.memory_space<hbm>> -> memref<128xi32, #tpu.memory_space<hbm>>
      %dma_wait3A_342 = arith.constant 0 : i32
      %dma_wait3A_343 = tpu.memref_slice %arg11[%dma_wait3A_342] : memref<144xi32, #tpu.memory_space<vmem>> -> memref<128xi32, #tpu.memory_space<vmem>>
      %dma_wait3A_344 = tpu.memref_slice %arg2[%mul3A_2] : memref<4096xi32, #tpu.memory_space<hbm>> -> memref<128xi32, #tpu.memory_space<hbm>>
      tpu.wait_dma2 semaphore(%run_scoped3A : memref<!tpu.dma_semaphore, #tpu.memory_space<semaphore_mem>>) src(%dma_wait3A_344 : memref<128xi32, #tpu.memory_space<hbm>>) dst(%dma_wait3A_343 : memref<128xi32, #tpu.memory_space<vmem>>)
      tpu.yield
    }) : () -> ()
    %get3A = arith.constant 0 : index
    %get3A_3 = tpu.vector_load %arg11[%get3A] {strides = array<i32>} : memref<144xi32, #tpu.memory_space<vmem>>, vector<16xi32>,
    %slice3A = vector.extract_strided_slice %get3A_3 {offsets = [0], sizes = [1], strides = [1]} : vector<16xi32> to vector<1xi32>
    %squeeze3A = vector.extract %slice3A[0] : i32 from vector<1xi32>
    %shift_right_arithmetic3A = arith.constant 7 : i32
    %shift_right_arithmetic3A_4 = arith.shrsi %squeeze3A, %shift_right_arithmetic3A : i32
    %shift_left3A = arith.constant 7 : i32
    %shift_left3A_5 = arith.shli %shift_right_arithmetic3A_4, %shift_left3A : i32
    %multiple_of3A = tpu.assume_multiple %shift_left3A_5, 128 : i32
    %dma_start3A = arith.constant 0 : i32
    %dma_start3A_6 = tpu.memref_slice %arg5[%dma_start3A, %multiple_of3A] : memref<64x1000000xf32, #tpu.memory_space<hbm>> -> memref<64x128xf32, #tpu.memory_space<hbm>>
    %dma_start3A_7 = arith.constant 0 : i32
    %dma_start3A_8 = tpu.memref_slice %arg5[%dma_start3A_7, %multiple_of3A] : memref<64x1000000xf32, #tpu.memory_space<hbm>> -> memref<64x128xf32, #tpu.memory_space<hbm>>
    tpu.enqueue_dma source(%dma_start3A_8 : memref<64x128xf32, #tpu.memory_space<hbm>>) target(%arg12 : memref<64x128xf32, #tpu.memory_space<vmem>>) target_semaphore(%arg21 : memref<!tpu.dma_semaphore, #tpu.memory_space<semaphore_mem>>)
    %get3A_9 = arith.constant 1 : index
    %get3A_10 = tpu.vector_load %arg11[%get3A_9] {strides = array<i32>} : memref<144xi32, #tpu.memory_space<vmem>>, vector<16xi32>,
    %slice3A_11 = vector.extract_strided_slice %get3A_10 {offsets = [0], sizes = [1], strides = [1]} : vector<16xi32> to vector<1xi32>
    %squeeze3A_12 = vector.extract %slice3A_11[0] : i32 from vector<1xi32>
    %shift_right_arithmetic3A_13 = arith.constant 7 : i32
    %shift_right_arithmetic3A_14 = arith.shrsi %squeeze3A_12, %shift_right_arithmetic3A_13 : i32
    %shift_left3A_15 = arith.constant 7 : i32
    %shift_left3A_16 = arith.shli %shift_right_arithmetic3A_14, %shift_left3A_15 : i32
    %multiple_of3A_17 = tpu.assume_multiple %shift_left3A_16, 128 : i32
    %dma_start3A_18 = arith.constant 0 : i32
    %dma_start3A_19 = tpu.memref_slice %arg5[%dma_start3A_18, %multiple_of3A_17] : memref<64x1000000xf32, #tpu.memory_space<hbm>> -> memref<64x128xf32, #tpu.memory_space<hbm>>
    %dma_start3A_20 = arith.constant 0 : i32
    %dma_start3A_21 = tpu.memref_slice %arg5[%dma_start3A_20, %multiple_of3A_17] : memref<64x1000000xf32, #tpu.memory_space<hbm>> -> memref<64x128xf32, #tpu.memory_space<hbm>>
    tpu.enqueue_dma source(%dma_start3A_21 : memref<64x128xf32, #tpu.memory_space<hbm>>) target(%arg13 : memref<64x128xf32, #tpu.memory_space<vmem>>) target_semaphore(%arg22 : memref<!tpu.dma_semaphore, #tpu.memory_space<semaphore_mem>>)
    %get3A_22 = arith.constant 2 : index
    %get3A_23 = tpu.vector_load %arg11[%get3A_22] {strides = array<i32>} : memref<144xi32, #tpu.memory_space<vmem>>, vector<16xi32>,
    %slice3A_24 = vector.extract_strided_slice %get3A_23 {offsets = [0], sizes = [1], strides = [1]} : vector<16xi32> to vector<1xi32>
    %squeeze3A_25 = vector.extract %slice3A_24[0] : i32 from vector<1xi32>
    %shift_right_arithmetic3A_26 = arith.constant 7 : i32
    %shift_right_arithmetic3A_27 = arith.shrsi %squeeze3A_25, %shift_right_arithmetic3A_26 : i32
    %shift_left3A_28 = arith.constant 7 : i32
    %shift_left3A_29 = arith.shli %shift_right_arithmetic3A_27, %shift_left3A_28 : i32
    %multiple_of3A_30 = tpu.assume_multiple %shift_left3A_29, 128 : i32
    %dma_start3A_31 = arith.constant 0 : i32
    %dma_start3A_32 = tpu.memref_slice %arg5[%dma_start3A_31, %multiple_of3A_30] : memref<64x1000000xf32, #tpu.memory_space<hbm>> -> memref<64x128xf32, #tpu.memory_space<hbm>>
    %dma_start3A_33 = arith.constant 0 : i32
    %dma_start3A_34 = tpu.memref_slice %arg5[%dma_start3A_33, %multiple_of3A_30] : memref<64x1000000xf32, #tpu.memory_space<hbm>> -> memref<64x128xf32, #tpu.memory_space<hbm>>
    tpu.enqueue_dma source(%dma_start3A_34 : memref<64x128xf32, #tpu.memory_space<hbm>>) target(%arg14 : memref<64x128xf32, #tpu.memory_space<vmem>>) target_semaphore(%arg23 : memref<!tpu.dma_semaphore, #tpu.memory_space<semaphore_mem>>)
    %get3A_35 = arith.constant 3 : index
    %get3A_36 = tpu.vector_load %arg11[%get3A_35] {strides = array<i32>} : memref<144xi32, #tpu.memory_space<vmem>>, vector<16xi32>,
    %slice3A_37 = vector.extract_strided_slice %get3A_36 {offsets = [0], sizes = [1], strides = [1]} : vector<16xi32> to vector<1xi32>
    %squeeze3A_38 = vector.extract %slice3A_37[0] : i32 from vector<1xi32>
    %shift_right_arithmetic3A_39 = arith.constant 7 : i32
    %shift_right_arithmetic3A_40 = arith.shrsi %squeeze3A_38, %shift_right_arithmetic3A_39 : i32
    %shift_left3A_41 = arith.constant 7 : i32
    %shift_left3A_42 = arith.shli %shift_right_arithmetic3A_40, %shift_left3A_41 : i32
    %multiple_of3A_43 = tpu.assume_multiple %shift_left3A_42, 128 : i32
    %dma_start3A_44 = arith.constant 0 : i32
    %dma_start3A_45 = tpu.memref_slice %arg5[%dma_start3A_44, %multiple_of3A_43] : memref<64x1000000xf32, #tpu.memory_space<hbm>> -> memref<64x128xf32, #tpu.memory_space<hbm>>
    %dma_start3A_46 = arith.constant 0 : i32
    %dma_start3A_47 = tpu.memref_slice %arg5[%dma_start3A_46, %multiple_of3A_43] : memref<64x1000000xf32, #tpu.memory_space<hbm>> -> memref<64x128xf32, #tpu.memory_space<hbm>>
    tpu.enqueue_dma source(%dma_start3A_47 : memref<64x128xf32, #tpu.memory_space<hbm>>) target(%arg15 : memref<64x128xf32, #tpu.memory_space<vmem>>) target_semaphore(%arg24 : memref<!tpu.dma_semaphore, #tpu.memory_space<semaphore_mem>>)
    %get3A_48 = arith.constant 4 : index
    %get3A_49 = tpu.vector_load %arg11[%get3A_48] {strides = array<i32>} : memref<144xi32, #tpu.memory_space<vmem>>, vector<16xi32>,
    %slice3A_50 = vector.extract_strided_slice %get3A_49 {offsets = [0], sizes = [1], strides = [1]} : vector<16xi32> to vector<1xi32>
    %squeeze3A_51 = vector.extract %slice3A_50[0] : i32 from vector<1xi32>
    %shift_right_arithmetic3A_52 = arith.constant 7 : i32
    %shift_right_arithmetic3A_53 = arith.shrsi %squeeze3A_51, %shift_right_arithmetic3A_52 : i32
    %shift_left3A_54 = arith.constant 7 : i32
    %shift_left3A_55 = arith.shli %shift_right_arithmetic3A_53, %shift_left3A_54 : i32
    %multiple_of3A_56 = tpu.assume_multiple %shift_left3A_55, 128 : i32
    %dma_start3A_57 = arith.constant 0 : i32
    %dma_start3A_58 = tpu.memref_slice %arg5[%dma_start3A_57, %multiple_of3A_56] : memref<64x1000000xf32, #tpu.memory_space<hbm>> -> memref<64x128xf32, #tpu.memory_space<hbm>>
    %dma_start3A_59 = arith.constant 0 : i32
    %dma_start3A_60 = tpu.memref_slice %arg5[%dma_start3A_59, %multiple_of3A_56] : memref<64x1000000xf32, #tpu.memory_space<hbm>> -> memref<64x128xf32, #tpu.memory_space<hbm>>
    tpu.enqueue_dma source(%dma_start3A_60 : memref<64x128xf32, #tpu.memory_space<hbm>>) target(%arg16 : memref<64x128xf32, #tpu.memory_space<vmem>>) target_semaphore(%arg25 : memref<!tpu.dma_semaphore, #tpu.memory_space<semaphore_mem>>)
    %get3A_61 = arith.constant 5 : index
    %get3A_62 = tpu.vector_load %arg11[%get3A_61] {strides = array<i32>} : memref<144xi32, #tpu.memory_space<vmem>>, vector<16xi32>,
    %slice3A_63 = vector.extract_strided_slice %get3A_62 {offsets = [0], sizes = [1], strides = [1]} : vector<16xi32> to vector<1xi32>
    %squeeze3A_64 = vector.extract %slice3A_63[0] : i32 from vector<1xi32>
    %shift_right_arithmetic3A_65 = arith.constant 7 : i32
    %shift_right_arithmetic3A_66 = arith.shrsi %squeeze3A_64, %shift_right_arithmetic3A_65 : i32
    %shift_left3A_67 = arith.constant 7 : i32
    %shift_left3A_68 = arith.shli %shift_right_arithmetic3A_66, %shift_left3A_67 : i32
    %multiple_of3A_69 = tpu.assume_multiple %shift_left3A_68, 128 : i32
    %dma_start3A_70 = arith.constant 0 : i32
    %dma_start3A_71 = tpu.memref_slice %arg5[%dma_start3A_70, %multiple_of3A_69] : memref<64x1000000xf32, #tpu.memory_space<hbm>> -> memref<64x128xf32, #tpu.memory_space<hbm>>
    %dma_start3A_72 = arith.constant 0 : i32
    %dma_start3A_73 = tpu.memref_slice %arg5[%dma_start3A_72, %multiple_of3A_69] : memref<64x1000000xf32, #tpu.memory_space<hbm>> -> memref<64x128xf32, #tpu.memory_space<hbm>>
    tpu.enqueue_dma source(%dma_start3A_73 : memref<64x128xf32, #tpu.memory_space<hbm>>) target(%arg17 : memref<64x128xf32, #tpu.memory_space<vmem>>) target_semaphore(%arg26 : memref<!tpu.dma_semaphore, #tpu.memory_space<semaphore_mem>>)
    %get3A_74 = arith.constant 6 : index
    %get3A_75 = tpu.vector_load %arg11[%get3A_74] {strides = array<i32>} : memref<144xi32, #tpu.memory_space<vmem>>, vector<16xi32>,
    %slice3A_76 = vector.extract_strided_slice %get3A_75 {offsets = [0], sizes = [1], strides = [1]} : vector<16xi32> to vector<1xi32>
    %squeeze3A_77 = vector.extract %slice3A_76[0] : i32 from vector<1xi32>
    %shift_right_arithmetic3A_78 = arith.constant 7 : i32
    %shift_right_arithmetic3A_79 = arith.shrsi %squeeze3A_77, %shift_right_arithmetic3A_78 : i32
    %shift_left3A_80 = arith.constant 7 : i32
    %shift_left3A_81 = arith.shli %shift_right_arithmetic3A_79, %shift_left3A_80 : i32
    %multiple_of3A_82 = tpu.assume_multiple %shift_left3A_81, 128 : i32
    %dma_start3A_83 = arith.constant 0 : i32
    %dma_start3A_84 = tpu.memref_slice %arg5[%dma_start3A_83, %multiple_of3A_82] : memref<64x1000000xf32, #tpu.memory_space<hbm>> -> memref<64x128xf32, #tpu.memory_space<hbm>>
    %dma_start3A_85 = arith.constant 0 : i32
    %dma_start3A_86 = tpu.memref_slice %arg5[%dma_start3A_85, %multiple_of3A_82] : memref<64x1000000xf32, #tpu.memory_space<hbm>> -> memref<64x128xf32, #tpu.memory_space<hbm>>
    tpu.enqueue_dma source(%dma_start3A_86 : memref<64x128xf32, #tpu.memory_space<hbm>>) target(%arg18 : memref<64x128xf32, #tpu.memory_space<vmem>>) target_semaphore(%arg27 : memref<!tpu.dma_semaphore, #tpu.memory_space<semaphore_mem>>)
    %get3A_87 = arith.constant 7 : index
    %get3A_88 = tpu.vector_load %arg11[%get3A_87] {strides = array<i32>} : memref<144xi32, #tpu.memory_space<vmem>>, vector<16xi32>,
    %slice3A_89 = vector.extract_strided_slice %get3A_88 {offsets = [0], sizes = [1], strides = [1]} : vector<16xi32> to vector<1xi32>
    %squeeze3A_90 = vector.extract %slice3A_89[0] : i32 from vector<1xi32>
    %shift_right_arithmetic3A_91 = arith.constant 7 : i32
    %shift_right_arithmetic3A_92 = arith.shrsi %squeeze3A_90, %shift_right_arithmetic3A_91 : i32
    %shift_left3A_93 = arith.constant 7 : i32
    %shift_left3A_94 = arith.shli %shift_right_arithmetic3A_92, %shift_left3A_93 : i32
    %multiple_of3A_95 = tpu.assume_multiple %shift_left3A_94, 128 : i32
    %dma_start3A_96 = arith.constant 0 : i32
    %dma_start3A_97 = tpu.memref_slice %arg5[%dma_start3A_96, %multiple_of3A_95] : memref<64x1000000xf32, #tpu.memory_space<hbm>> -> memref<64x128xf32, #tpu.memory_space<hbm>>
    %dma_start3A_98 = arith.constant 0 : i32
    %dma_start3A_99 = tpu.memref_slice %arg5[%dma_start3A_98, %multiple_of3A_95] : memref<64x1000000xf32, #tpu.memory_space<hbm>> -> memref<64x128xf32, #tpu.memory_space<hbm>>
    tpu.enqueue_dma source(%dma_start3A_99 : memref<64x128xf32, #tpu.memory_space<hbm>>) target(%arg19 : memref<64x128xf32, #tpu.memory_space<vmem>>) target_semaphore(%arg28 : memref<!tpu.dma_semaphore, #tpu.memory_space<semaphore_mem>>)
    %scan3A = arith.constant 0 : i32
    %scan3A_100 = arith.constant 0 : i32
    %scan3A_101 = arith.constant 16 : i32
    %scan3A_102 = arith.addi %scan3A_100, %scan3A_101 : i32
    %scan3A_103 = arith.constant 1 : i32
    %scan3A_104 = scf.for %scan3A_334 = %scan3A_100 to %scan3A_102 step %scan3A_103 iter_args(%scan3A_335 = %scan3A) -> (i32)  : i32 {
      %mul3A_336 = arith.constant 8 : i32
      %mul3A_337 = arith.muli %scan3A_334, %mul3A_336 : i32
      %add3A_338 = arith.constant 0 : i32
      %add3A_339 = arith.addi %mul3A_337, %add3A_338 : i32
      %dma_wait3A = arith.constant 0 : i32
      %dma_wait3A_340 = arith.constant 0 : i32
      %dma_wait3A_341 = tpu.memref_slice %arg5[%dma_wait3A, %dma_wait3A_340] : memref<64x1000000xf32, #tpu.memory_space<hbm>> -> memref<64x128xf32, #tpu.memory_space<hbm>>
      %dma_wait3A_342 = arith.constant 0 : i32
      %dma_wait3A_343 = arith.constant 0 : i32
      %dma_wait3A_344 = tpu.memref_slice %arg5[%dma_wait3A_342, %dma_wait3A_343] : memref<64x1000000xf32, #tpu.memory_space<hbm>> -> memref<64x128xf32, #tpu.memory_space<hbm>>
      tpu.wait_dma2 semaphore(%arg21 : memref<!tpu.dma_semaphore, #tpu.memory_space<semaphore_mem>>) src(%dma_wait3A_344 : memref<64x128xf32, #tpu.memory_space<hbm>>) dst(%arg12 : memref<64x128xf32, #tpu.memory_space<vmem>>)
      %get3A_345 = arith.index_cast %add3A_339 : i32 to index
      %get3A_346 = tpu.vector_load %arg11[%get3A_345] {strides = array<i32>} : memref<144xi32, #tpu.memory_space<vmem>>, vector<16xi32>,
      %slice3A_347 = vector.extract_strided_slice %get3A_346 {offsets = [0], sizes = [1], strides = [1]} : vector<16xi32> to vector<1xi32>
      %squeeze3A_348 = vector.extract %slice3A_347[0] : i32 from vector<1xi32>
      %shift_right_arithmetic3A_349 = arith.constant 7 : i32
      %shift_right_arithmetic3A_350 = arith.shrsi %squeeze3A_348, %shift_right_arithmetic3A_349 : i32
      %shift_left3A_351 = arith.constant 7 : i32
      %shift_left3A_352 = arith.shli %shift_right_arithmetic3A_350, %shift_left3A_351 : i32
      %multiple_of3A_353 = tpu.assume_multiple %shift_left3A_352, 128 : i32
      %sub3A = arith.subi %squeeze3A_348, %multiple_of3A_353 : i32
      %broadcast_in_dim3A = vector.broadcast %sub3A : i32 to vector<16xi32>
      %shift_right_arithmetic3A_354 = arith.constant 1 : i32
      %shift_right_arithmetic3A_355 = arith.shrsi %add3A_339, %shift_right_arithmetic3A_354 : i32
      %and3A = arith.constant 1 : i32
      %and3A_356 = arith.andi %add3A_339, %and3A : i32
      %mul3A_357 = arith.constant 64 : i32
      %mul3A_358 = arith.muli %and3A_356, %mul3A_357 : i32
      %add3A_359 = arith.constant 0 : i32
      %add3A_360 = vector.broadcast %add3A_359 : i32 to vector<16xi32>
      %add3A_361 = arith.addi %iota3A, %add3A_360 : vector<16xi32>
      %gather3A = tpu.vector_load_idx %arg12[%add3A_361, %broadcast_in_dim3A] : memref<64x128xf32, #tpu.memory_space<vmem>>[vector<16xi32>, vector<16xi32>], vector<16xf32>,
      %add3A_362 = arith.constant 0 : i32
      %add3A_363 = arith.addi %mul3A_358, %add3A_362 : i32
      %swap3A = arith.index_cast %shift_right_arithmetic3A_355 : i32 to index
      %swap3A_364 = arith.index_cast %add3A_363 : i32 to index
      %swap3A_365 = tpu.vector_load %arg20[%swap3A, %swap3A_364] {strides = array<i32>} : memref<64x128xf32, #tpu.memory_space<vmem>>, vector<16xf32>,
      tpu.vector_store %arg20[%swap3A, %swap3A_364], %gather3A {strides = array<i32>} : memref<64x128xf32, #tpu.memory_space<vmem>>, vector<16xf32>,
      %add3A_366 = arith.constant 16 : i32
      %add3A_367 = vector.broadcast %add3A_366 : i32 to vector<16xi32>
      %add3A_368 = arith.addi %iota3A, %add3A_367 : vector<16xi32>
      %gather3A_369 = tpu.vector_load_idx %arg12[%add3A_368, %broadcast_in_dim3A] : memref<64x128xf32, #tpu.memory_space<vmem>>[vector<16xi32>, vector<16xi32>], vector<16xf32>,
      %add3A_370 = arith.constant 16 : i32
      %add3A_371 = arith.addi %mul3A_358, %add3A_370 : i32
      %swap3A_372 = arith.index_cast %shift_right_arithmetic3A_355 : i32 to index
      %swap3A_373 = arith.index_cast %add3A_371 : i32 to index
      %swap3A_374 = tpu.vector_load %arg20[%swap3A_372, %swap3A_373] {strides = array<i32>} : memref<64x128xf32, #tpu.memory_space<vmem>>, vector<16xf32>,
      tpu.vector_store %arg20[%swap3A_372, %swap3A_373], %gather3A_369 {strides = array<i32>} : memref<64x128xf32, #tpu.memory_space<vmem>>, vector<16xf32>,
      %add3A_375 = arith.constant 32 : i32
      %add3A_376 = vector.broadcast %add3A_375 : i32 to vector<16xi32>
      %add3A_377 = arith.addi %iota3A, %add3A_376 : vector<16xi32>
      %gather3A_378 = tpu.vector_load_idx %arg12[%add3A_377, %broadcast_in_dim3A] : memref<64x128xf32, #tpu.memory_space<vmem>>[vector<16xi32>, vector<16xi32>], vector<16xf32>,
      %add3A_379 = arith.constant 32 : i32
      %add3A_380 = arith.addi %mul3A_358, %add3A_379 : i32
      %swap3A_381 = arith.index_cast %shift_right_arithmetic3A_355 : i32 to index
      %swap3A_382 = arith.index_cast %add3A_380 : i32 to index
      %swap3A_383 = tpu.vector_load %arg20[%swap3A_381, %swap3A_382] {strides = array<i32>} : memref<64x128xf32, #tpu.memory_space<vmem>>, vector<16xf32>,
      tpu.vector_store %arg20[%swap3A_381, %swap3A_382], %gather3A_378 {strides = array<i32>} : memref<64x128xf32, #tpu.memory_space<vmem>>, vector<16xf32>,
      %add3A_384 = arith.constant 48 : i32
      %add3A_385 = vector.broadcast %add3A_384 : i32 to vector<16xi32>
      %add3A_386 = arith.addi %iota3A, %add3A_385 : vector<16xi32>
      %gather3A_387 = tpu.vector_load_idx %arg12[%add3A_386, %broadcast_in_dim3A] : memref<64x128xf32, #tpu.memory_space<vmem>>[vector<16xi32>, vector<16xi32>], vector<16xf32>,
      %add3A_388 = arith.constant 48 : i32
      %add3A_389 = arith.addi %mul3A_358, %add3A_388 : i32
      %swap3A_390 = arith.index_cast %shift_right_arithmetic3A_355 : i32 to index
      %swap3A_391 = arith.index_cast %add3A_389 : i32 to index
      %swap3A_392 = tpu.vector_load %arg20[%swap3A_390, %swap3A_391] {strides = array<i32>} : memref<64x128xf32, #tpu.memory_space<vmem>>, vector<16xf32>,
      tpu.vector_store %arg20[%swap3A_390, %swap3A_391], %gather3A_387 {strides = array<i32>} : memref<64x128xf32, #tpu.memory_space<vmem>>, vector<16xf32>,
      %add3A_393 = arith.constant 8 : i32
      %add3A_394 = arith.addi %add3A_339, %add3A_393 : i32
      %lt3A = arith.constant 128 : i32
      %lt3A_395 = arith.cmpi slt, %add3A_394, %lt3A : i32
      %convert_element_type3A = arith.extui %lt3A_395 : i1 to i32
      %cond3A = arith.constant 0 : i32
      %cond3A_396 = arith.cmpi ne, %convert_element_type3A, %cond3A : i32
      scf.if %cond3A_396 {
        %add3A_888 = arith.constant 8 : i32
        %add3A_889 = arith.addi %add3A_339, %add3A_888 : i32
        %get3A_890 = arith.index_cast %add3A_889 : i32 to index
        %get3A_891 = tpu.vector_load %arg11[%get3A_890] {strides = array<i32>} : memref<144xi32, #tpu.memory_space<vmem>>, vector<16xi32>,
        %slice3A_892 = vector.extract_strided_slice %get3A_891 {offsets = [0], sizes = [1], strides = [1]} : vector<16xi32> to vector<1xi32>
        %squeeze3A_893 = vector.extract %slice3A_892[0] : i32 from vector<1xi32>
        %shift_right_arithmetic3A_894 = arith.constant 7 : i32
        %shift_right_arithmetic3A_895 = arith.shrsi %squeeze3A_893, %shift_right_arithmetic3A_894 : i32
        %shift_left3A_896 = arith.constant 7 : i32
        %shift_left3A_897 = arith.shli %shift_right_arithmetic3A_895, %shift_left3A_896 : i32
        %multiple_of3A_898 = tpu.assume_multiple %shift_left3A_897, 128 : i32
        %dma_start3A_899 = arith.constant 0 : i32
        %dma_start3A_900 = tpu.memref_slice %arg5[%dma_start3A_899, %multiple_of3A_898] : memref<64x1000000xf32, #tpu.memory_space<hbm>> -> memref<64x128xf32, #tpu.memory_space<hbm>>
        %dma_start3A_901 = arith.constant 0 : i32
        %dma_start3A_902 = tpu.memref_slice %arg5[%dma_start3A_901, %multiple_of3A_898] : memref<64x1000000xf32, #tpu.memory_space<hbm>> -> memref<64x128xf32, #tpu.memory_space<hbm>>
        tpu.enqueue_dma source(%dma_start3A_902 : memref<64x128xf32, #tpu.memory_space<hbm>>) target(%arg12 : memref<64x128xf32, #tpu.memory_space<vmem>>) target_semaphore(%arg21 : memref<!tpu.dma_semaphore, #tpu.memory_space<semaphore_mem>>)
      } else {
      }
      %mul3A_397 = arith.constant 8 : i32
      %mul3A_398 = arith.muli %scan3A_334, %mul3A_397 : i32
      %add3A_399 = arith.constant 1 : i32
      %add3A_400 = arith.addi %mul3A_398, %add3A_399 : i32
      %dma_wait3A_401 = arith.constant 0 : i32
      %dma_wait3A_402 = arith.constant 0 : i32
      %dma_wait3A_403 = tpu.memref_slice %arg5[%dma_wait3A_401, %dma_wait3A_402] : memref<64x1000000xf32, #tpu.memory_space<hbm>> -> memref<64x128xf32, #tpu.memory_space<hbm>>
      %dma_wait3A_404 = arith.constant 0 : i32
      %dma_wait3A_405 = arith.constant 0 : i32
      %dma_wait3A_406 = tpu.memref_slice %arg5[%dma_wait3A_404, %dma_wait3A_405] : memref<64x1000000xf32, #tpu.memory_space<hbm>> -> memref<64x128xf32, #tpu.memory_space<hbm>>
      tpu.wait_dma2 semaphore(%arg22 : memref<!tpu.dma_semaphore, #tpu.memory_space<semaphore_mem>>) src(%dma_wait3A_406 : memref<64x128xf32, #tpu.memory_space<hbm>>) dst(%arg13 : memref<64x128xf32, #tpu.memory_space<vmem>>)
      %get3A_407 = arith.index_cast %add3A_400 : i32 to index
      %get3A_408 = tpu.vector_load %arg11[%get3A_407] {strides = array<i32>} : memref<144xi32, #tpu.memory_space<vmem>>, vector<16xi32>,
      %slice3A_409 = vector.extract_strided_slice %get3A_408 {offsets = [0], sizes = [1], strides = [1]} : vector<16xi32> to vector<1xi32>
      %squeeze3A_410 = vector.extract %slice3A_409[0] : i32 from vector<1xi32>
      %shift_right_arithmetic3A_411 = arith.constant 7 : i32
      %shift_right_arithmetic3A_412 = arith.shrsi %squeeze3A_410, %shift_right_arithmetic3A_411 : i32
      %shift_left3A_413 = arith.constant 7 : i32
      %shift_left3A_414 = arith.shli %shift_right_arithmetic3A_412, %shift_left3A_413 : i32
      %multiple_of3A_415 = tpu.assume_multiple %shift_left3A_414, 128 : i32
      %sub3A_416 = arith.subi %squeeze3A_410, %multiple_of3A_415 : i32
      %broadcast_in_dim3A_417 = vector.broadcast %sub3A_416 : i32 to vector<16xi32>
      %shift_right_arithmetic3A_418 = arith.constant 1 : i32
      %shift_right_arithmetic3A_419 = arith.shrsi %add3A_400, %shift_right_arithmetic3A_418 : i32
      %and3A_420 = arith.constant 1 : i32
      %and3A_421 = arith.andi %add3A_400, %and3A_420 : i32
      %mul3A_422 = arith.constant 64 : i32
      %mul3A_423 = arith.muli %and3A_421, %mul3A_422 : i32
      %add3A_424 = arith.constant 0 : i32
      %add3A_425 = vector.broadcast %add3A_424 : i32 to vector<16xi32>
      %add3A_426 = arith.addi %iota3A, %add3A_425 : vector<16xi32>
      %gather3A_427 = tpu.vector_load_idx %arg13[%add3A_426, %broadcast_in_dim3A_417] : memref<64x128xf32, #tpu.memory_space<vmem>>[vector<16xi32>, vector<16xi32>], vector<16xf32>,
      %add3A_428 = arith.constant 0 : i32
      %add3A_429 = arith.addi %mul3A_423, %add3A_428 : i32
      %swap3A_430 = arith.index_cast %shift_right_arithmetic3A_419 : i32 to index
      %swap3A_431 = arith.index_cast %add3A_429 : i32 to index
      %swap3A_432 = tpu.vector_load %arg20[%swap3A_430, %swap3A_431] {strides = array<i32>} : memref<64x128xf32, #tpu.memory_space<vmem>>, vector<16xf32>,
      tpu.vector_store %arg20[%swap3A_430, %swap3A_431], %gather3A_427 {strides = array<i32>} : memref<64x128xf32, #tpu.memory_space<vmem>>, vector<16xf32>,
      %add3A_433 = arith.constant 16 : i32
      %add3A_434 = vector.broadcast %add3A_433 : i32 to vector<16xi32>
      %add3A_435 = arith.addi %iota3A, %add3A_434 : vector<16xi32>
      %gather3A_436 = tpu.vector_load_idx %arg13[%add3A_435, %broadcast_in_dim3A_417] : memref<64x128xf32, #tpu.memory_space<vmem>>[vector<16xi32>, vector<16xi32>], vector<16xf32>,
      %add3A_437 = arith.constant 16 : i32
      %add3A_438 = arith.addi %mul3A_423, %add3A_437 : i32
      %swap3A_439 = arith.index_cast %shift_right_arithmetic3A_419 : i32 to index
      %swap3A_440 = arith.index_cast %add3A_438 : i32 to index
      %swap3A_441 = tpu.vector_load %arg20[%swap3A_439, %swap3A_440] {strides = array<i32>} : memref<64x128xf32, #tpu.memory_space<vmem>>, vector<16xf32>,
      tpu.vector_store %arg20[%swap3A_439, %swap3A_440], %gather3A_436 {strides = array<i32>} : memref<64x128xf32, #tpu.memory_space<vmem>>, vector<16xf32>,
      %add3A_442 = arith.constant 32 : i32
      %add3A_443 = vector.broadcast %add3A_442 : i32 to vector<16xi32>
      %add3A_444 = arith.addi %iota3A, %add3A_443 : vector<16xi32>
      %gather3A_445 = tpu.vector_load_idx %arg13[%add3A_444, %broadcast_in_dim3A_417] : memref<64x128xf32, #tpu.memory_space<vmem>>[vector<16xi32>, vector<16xi32>], vector<16xf32>,
      %add3A_446 = arith.constant 32 : i32
      %add3A_447 = arith.addi %mul3A_423, %add3A_446 : i32
      %swap3A_448 = arith.index_cast %shift_right_arithmetic3A_419 : i32 to index
      %swap3A_449 = arith.index_cast %add3A_447 : i32 to index
      %swap3A_450 = tpu.vector_load %arg20[%swap3A_448, %swap3A_449] {strides = array<i32>} : memref<64x128xf32, #tpu.memory_space<vmem>>, vector<16xf32>,
      tpu.vector_store %arg20[%swap3A_448, %swap3A_449], %gather3A_445 {strides = array<i32>} : memref<64x128xf32, #tpu.memory_space<vmem>>, vector<16xf32>,
      %add3A_451 = arith.constant 48 : i32
      %add3A_452 = vector.broadcast %add3A_451 : i32 to vector<16xi32>
      %add3A_453 = arith.addi %iota3A, %add3A_452 : vector<16xi32>
      %gather3A_454 = tpu.vector_load_idx %arg13[%add3A_453, %broadcast_in_dim3A_417] : memref<64x128xf32, #tpu.memory_space<vmem>>[vector<16xi32>, vector<16xi32>], vector<16xf32>,
      %add3A_455 = arith.constant 48 : i32
      %add3A_456 = arith.addi %mul3A_423, %add3A_455 : i32
      %swap3A_457 = arith.index_cast %shift_right_arithmetic3A_419 : i32 to index
      %swap3A_458 = arith.index_cast %add3A_456 : i32 to index
      %swap3A_459 = tpu.vector_load %arg20[%swap3A_457, %swap3A_458] {strides = array<i32>} : memref<64x128xf32, #tpu.memory_space<vmem>>, vector<16xf32>,
      tpu.vector_store %arg20[%swap3A_457, %swap3A_458], %gather3A_454 {strides = array<i32>} : memref<64x128xf32, #tpu.memory_space<vmem>>, vector<16xf32>,
      %add3A_460 = arith.constant 8 : i32
      %add3A_461 = arith.addi %add3A_400, %add3A_460 : i32
      %lt3A_462 = arith.constant 128 : i32
      %lt3A_463 = arith.cmpi slt, %add3A_461, %lt3A_462 : i32
      %convert_element_type3A_464 = arith.extui %lt3A_463 : i1 to i32
      %cond3A_465 = arith.constant 0 : i32
      %cond3A_466 = arith.cmpi ne, %convert_element_type3A_464, %cond3A_465 : i32
      scf.if %cond3A_466 {
        %add3A_888 = arith.constant 8 : i32
        %add3A_889 = arith.addi %add3A_400, %add3A_888 : i32
        %get3A_890 = arith.index_cast %add3A_889 : i32 to index
        %get3A_891 = tpu.vector_load %arg11[%get3A_890] {strides = array<i32>} : memref<144xi32, #tpu.memory_space<vmem>>, vector<16xi32>,
        %slice3A_892 = vector.extract_strided_slice %get3A_891 {offsets = [0], sizes = [1], strides = [1]} : vector<16xi32> to vector<1xi32>
        %squeeze3A_893 = vector.extract %slice3A_892[0] : i32 from vector<1xi32>
        %shift_right_arithmetic3A_894 = arith.constant 7 : i32
        %shift_right_arithmetic3A_895 = arith.shrsi %squeeze3A_893, %shift_right_arithmetic3A_894 : i32
        %shift_left3A_896 = arith.constant 7 : i32
        %shift_left3A_897 = arith.shli %shift_right_arithmetic3A_895, %shift_left3A_896 : i32
        %multiple_of3A_898 = tpu.assume_multiple %shift_left3A_897, 128 : i32
        %dma_start3A_899 = arith.constant 0 : i32
        %dma_start3A_900 = tpu.memref_slice %arg5[%dma_start3A_899, %multiple_of3A_898] : memref<64x1000000xf32, #tpu.memory_space<hbm>> -> memref<64x128xf32, #tpu.memory_space<hbm>>
        %dma_start3A_901 = arith.constant 0 : i32
        %dma_start3A_902 = tpu.memref_slice %arg5[%dma_start3A_901, %multiple_of3A_898] : memref<64x1000000xf32, #tpu.memory_space<hbm>> -> memref<64x128xf32, #tpu.memory_space<hbm>>
        tpu.enqueue_dma source(%dma_start3A_902 : memref<64x128xf32, #tpu.memory_space<hbm>>) target(%arg13 : memref<64x128xf32, #tpu.memory_space<vmem>>) target_semaphore(%arg22 : memref<!tpu.dma_semaphore, #tpu.memory_space<semaphore_mem>>)
      } else {
      }
      %mul3A_467 = arith.constant 8 : i32
      %mul3A_468 = arith.muli %scan3A_334, %mul3A_467 : i32
      %add3A_469 = arith.constant 2 : i32
      %add3A_470 = arith.addi %mul3A_468, %add3A_469 : i32
      %dma_wait3A_471 = arith.constant 0 : i32
      %dma_wait3A_472 = arith.constant 0 : i32
      %dma_wait3A_473 = tpu.memref_slice %arg5[%dma_wait3A_471, %dma_wait3A_472] : memref<64x1000000xf32, #tpu.memory_space<hbm>> -> memref<64x128xf32, #tpu.memory_space<hbm>>
      %dma_wait3A_474 = arith.constant 0 : i32
      %dma_wait3A_475 = arith.constant 0 : i32
      %dma_wait3A_476 = tpu.memref_slice %arg5[%dma_wait3A_474, %dma_wait3A_475] : memref<64x1000000xf32, #tpu.memory_space<hbm>> -> memref<64x128xf32, #tpu.memory_space<hbm>>
      tpu.wait_dma2 semaphore(%arg23 : memref<!tpu.dma_semaphore, #tpu.memory_space<semaphore_mem>>) src(%dma_wait3A_476 : memref<64x128xf32, #tpu.memory_space<hbm>>) dst(%arg14 : memref<64x128xf32, #tpu.memory_space<vmem>>)
      %get3A_477 = arith.index_cast %add3A_470 : i32 to index
      %get3A_478 = tpu.vector_load %arg11[%get3A_477] {strides = array<i32>} : memref<144xi32, #tpu.memory_space<vmem>>, vector<16xi32>,
      %slice3A_479 = vector.extract_strided_slice %get3A_478 {offsets = [0], sizes = [1], strides = [1]} : vector<16xi32> to vector<1xi32>
      %squeeze3A_480 = vector.extract %slice3A_479[0] : i32 from vector<1xi32>
      %shift_right_arithmetic3A_481 = arith.constant 7 : i32
      %shift_right_arithmetic3A_482 = arith.shrsi %squeeze3A_480, %shift_right_arithmetic3A_481 : i32
      %shift_left3A_483 = arith.constant 7 : i32
      %shift_left3A_484 = arith.shli %shift_right_arithmetic3A_482, %shift_left3A_483 : i32
      %multiple_of3A_485 = tpu.assume_multiple %shift_left3A_484, 128 : i32
      %sub3A_486 = arith.subi %squeeze3A_480, %multiple_of3A_485 : i32
      %broadcast_in_dim3A_487 = vector.broadcast %sub3A_486 : i32 to vector<16xi32>
      %shift_right_arithmetic3A_488 = arith.constant 1 : i32
      %shift_right_arithmetic3A_489 = arith.shrsi %add3A_470, %shift_right_arithmetic3A_488 : i32
      %and3A_490 = arith.constant 1 : i32
      %and3A_491 = arith.andi %add3A_470, %and3A_490 : i32
      %mul3A_492 = arith.constant 64 : i32
      %mul3A_493 = arith.muli %and3A_491, %mul3A_492 : i32
      %add3A_494 = arith.constant 0 : i32
      %add3A_495 = vector.broadcast %add3A_494 : i32 to vector<16xi32>
      %add3A_496 = arith.addi %iota3A, %add3A_495 : vector<16xi32>
      %gather3A_497 = tpu.vector_load_idx %arg14[%add3A_496, %broadcast_in_dim3A_487] : memref<64x128xf32, #tpu.memory_space<vmem>>[vector<16xi32>, vector<16xi32>], vector<16xf32>,
      %add3A_498 = arith.constant 0 : i32
      %add3A_499 = arith.addi %mul3A_493, %add3A_498 : i32
      %swap3A_500 = arith.index_cast %shift_right_arithmetic3A_489 : i32 to index
      %swap3A_501 = arith.index_cast %add3A_499 : i32 to index
      %swap3A_502 = tpu.vector_load %arg20[%swap3A_500, %swap3A_501] {strides = array<i32>} : memref<64x128xf32, #tpu.memory_space<vmem>>, vector<16xf32>,
      tpu.vector_store %arg20[%swap3A_500, %swap3A_501], %gather3A_497 {strides = array<i32>} : memref<64x128xf32, #tpu.memory_space<vmem>>, vector<16xf32>,
      %add3A_503 = arith.constant 16 : i32
      %add3A_504 = vector.broadcast %add3A_503 : i32 to vector<16xi32>
      %add3A_505 = arith.addi %iota3A, %add3A_504 : vector<16xi32>
      %gather3A_506 = tpu.vector_load_idx %arg14[%add3A_505, %broadcast_in_dim3A_487] : memref<64x128xf32, #tpu.memory_space<vmem>>[vector<16xi32>, vector<16xi32>], vector<16xf32>,
      %add3A_507 = arith.constant 16 : i32
      %add3A_508 = arith.addi %mul3A_493, %add3A_507 : i32
      %swap3A_509 = arith.index_cast %shift_right_arithmetic3A_489 : i32 to index
      %swap3A_510 = arith.index_cast %add3A_508 : i32 to index
      %swap3A_511 = tpu.vector_load %arg20[%swap3A_509, %swap3A_510] {strides = array<i32>} : memref<64x128xf32, #tpu.memory_space<vmem>>, vector<16xf32>,
      tpu.vector_store %arg20[%swap3A_509, %swap3A_510], %gather3A_506 {strides = array<i32>} : memref<64x128xf32, #tpu.memory_space<vmem>>, vector<16xf32>,
      %add3A_512 = arith.constant 32 : i32
      %add3A_513 = vector.broadcast %add3A_512 : i32 to vector<16xi32>
      %add3A_514 = arith.addi %iota3A, %add3A_513 : vector<16xi32>
      %gather3A_515 = tpu.vector_load_idx %arg14[%add3A_514, %broadcast_in_dim3A_487] : memref<64x128xf32, #tpu.memory_space<vmem>>[vector<16xi32>, vector<16xi32>], vector<16xf32>,
      %add3A_516 = arith.constant 32 : i32
      %add3A_517 = arith.addi %mul3A_493, %add3A_516 : i32
      %swap3A_518 = arith.index_cast %shift_right_arithmetic3A_489 : i32 to index
      %swap3A_519 = arith.index_cast %add3A_517 : i32 to index
      %swap3A_520 = tpu.vector_load %arg20[%swap3A_518, %swap3A_519] {strides = array<i32>} : memref<64x128xf32, #tpu.memory_space<vmem>>, vector<16xf32>,
      tpu.vector_store %arg20[%swap3A_518, %swap3A_519], %gather3A_515 {strides = array<i32>} : memref<64x128xf32, #tpu.memory_space<vmem>>, vector<16xf32>,
      %add3A_521 = arith.constant 48 : i32
      %add3A_522 = vector.broadcast %add3A_521 : i32 to vector<16xi32>
      %add3A_523 = arith.addi %iota3A, %add3A_522 : vector<16xi32>
      %gather3A_524 = tpu.vector_load_idx %arg14[%add3A_523, %broadcast_in_dim3A_487] : memref<64x128xf32, #tpu.memory_space<vmem>>[vector<16xi32>, vector<16xi32>], vector<16xf32>,
      %add3A_525 = arith.constant 48 : i32
      %add3A_526 = arith.addi %mul3A_493, %add3A_525 : i32
      %swap3A_527 = arith.index_cast %shift_right_arithmetic3A_489 : i32 to index
      %swap3A_528 = arith.index_cast %add3A_526 : i32 to index
      %swap3A_529 = tpu.vector_load %arg20[%swap3A_527, %swap3A_528] {strides = array<i32>} : memref<64x128xf32, #tpu.memory_space<vmem>>, vector<16xf32>,
      tpu.vector_store %arg20[%swap3A_527, %swap3A_528], %gather3A_524 {strides = array<i32>} : memref<64x128xf32, #tpu.memory_space<vmem>>, vector<16xf32>,
      %add3A_530 = arith.constant 8 : i32
      %add3A_531 = arith.addi %add3A_470, %add3A_530 : i32
      %lt3A_532 = arith.constant 128 : i32
      %lt3A_533 = arith.cmpi slt, %add3A_531, %lt3A_532 : i32
      %convert_element_type3A_534 = arith.extui %lt3A_533 : i1 to i32
      %cond3A_535 = arith.constant 0 : i32
      %cond3A_536 = arith.cmpi ne, %convert_element_type3A_534, %cond3A_535 : i32
      scf.if %cond3A_536 {
        %add3A_888 = arith.constant 8 : i32
        %add3A_889 = arith.addi %add3A_470, %add3A_888 : i32
        %get3A_890 = arith.index_cast %add3A_889 : i32 to index
        %get3A_891 = tpu.vector_load %arg11[%get3A_890] {strides = array<i32>} : memref<144xi32, #tpu.memory_space<vmem>>, vector<16xi32>,
        %slice3A_892 = vector.extract_strided_slice %get3A_891 {offsets = [0], sizes = [1], strides = [1]} : vector<16xi32> to vector<1xi32>
        %squeeze3A_893 = vector.extract %slice3A_892[0] : i32 from vector<1xi32>
        %shift_right_arithmetic3A_894 = arith.constant 7 : i32
        %shift_right_arithmetic3A_895 = arith.shrsi %squeeze3A_893, %shift_right_arithmetic3A_894 : i32
        %shift_left3A_896 = arith.constant 7 : i32
        %shift_left3A_897 = arith.shli %shift_right_arithmetic3A_895, %shift_left3A_896 : i32
        %multiple_of3A_898 = tpu.assume_multiple %shift_left3A_897, 128 : i32
        %dma_start3A_899 = arith.constant 0 : i32
        %dma_start3A_900 = tpu.memref_slice %arg5[%dma_start3A_899, %multiple_of3A_898] : memref<64x1000000xf32, #tpu.memory_space<hbm>> -> memref<64x128xf32, #tpu.memory_space<hbm>>
        %dma_start3A_901 = arith.constant 0 : i32
        %dma_start3A_902 = tpu.memref_slice %arg5[%dma_start3A_901, %multiple_of3A_898] : memref<64x1000000xf32, #tpu.memory_space<hbm>> -> memref<64x128xf32, #tpu.memory_space<hbm>>
        tpu.enqueue_dma source(%dma_start3A_902 : memref<64x128xf32, #tpu.memory_space<hbm>>) target(%arg14 : memref<64x128xf32, #tpu.memory_space<vmem>>) target_semaphore(%arg23 : memref<!tpu.dma_semaphore, #tpu.memory_space<semaphore_mem>>)
      } else {
      }
      %mul3A_537 = arith.constant 8 : i32
      %mul3A_538 = arith.muli %scan3A_334, %mul3A_537 : i32
      %add3A_539 = arith.constant 3 : i32
      %add3A_540 = arith.addi %mul3A_538, %add3A_539 : i32
      %dma_wait3A_541 = arith.constant 0 : i32
      %dma_wait3A_542 = arith.constant 0 : i32
      %dma_wait3A_543 = tpu.memref_slice %arg5[%dma_wait3A_541, %dma_wait3A_542] : memref<64x1000000xf32, #tpu.memory_space<hbm>> -> memref<64x128xf32, #tpu.memory_space<hbm>>
      %dma_wait3A_544 = arith.constant 0 : i32
      %dma_wait3A_545 = arith.constant 0 : i32
      %dma_wait3A_546 = tpu.memref_slice %arg5[%dma_wait3A_544, %dma_wait3A_545] : memref<64x1000000xf32, #tpu.memory_space<hbm>> -> memref<64x128xf32, #tpu.memory_space<hbm>>
      tpu.wait_dma2 semaphore(%arg24 : memref<!tpu.dma_semaphore, #tpu.memory_space<semaphore_mem>>) src(%dma_wait3A_546 : memref<64x128xf32, #tpu.memory_space<hbm>>) dst(%arg15 : memref<64x128xf32, #tpu.memory_space<vmem>>)
      %get3A_547 = arith.index_cast %add3A_540 : i32 to index
      %get3A_548 = tpu.vector_load %arg11[%get3A_547] {strides = array<i32>} : memref<144xi32, #tpu.memory_space<vmem>>, vector<16xi32>,
      %slice3A_549 = vector.extract_strided_slice %get3A_548 {offsets = [0], sizes = [1], strides = [1]} : vector<16xi32> to vector<1xi32>
      %squeeze3A_550 = vector.extract %slice3A_549[0] : i32 from vector<1xi32>
      %shift_right_arithmetic3A_551 = arith.constant 7 : i32
      %shift_right_arithmetic3A_552 = arith.shrsi %squeeze3A_550, %shift_right_arithmetic3A_551 : i32
      %shift_left3A_553 = arith.constant 7 : i32
      %shift_left3A_554 = arith.shli %shift_right_arithmetic3A_552, %shift_left3A_553 : i32
      %multiple_of3A_555 = tpu.assume_multiple %shift_left3A_554, 128 : i32
      %sub3A_556 = arith.subi %squeeze3A_550, %multiple_of3A_555 : i32
      %broadcast_in_dim3A_557 = vector.broadcast %sub3A_556 : i32 to vector<16xi32>
      %shift_right_arithmetic3A_558 = arith.constant 1 : i32
      %shift_right_arithmetic3A_559 = arith.shrsi %add3A_540, %shift_right_arithmetic3A_558 : i32
      %and3A_560 = arith.constant 1 : i32
      %and3A_561 = arith.andi %add3A_540, %and3A_560 : i32
      %mul3A_562 = arith.constant 64 : i32
      %mul3A_563 = arith.muli %and3A_561, %mul3A_562 : i32
      %add3A_564 = arith.constant 0 : i32
      %add3A_565 = vector.broadcast %add3A_564 : i32 to vector<16xi32>
      %add3A_566 = arith.addi %iota3A, %add3A_565 : vector<16xi32>
      %gather3A_567 = tpu.vector_load_idx %arg15[%add3A_566, %broadcast_in_dim3A_557] : memref<64x128xf32, #tpu.memory_space<vmem>>[vector<16xi32>, vector<16xi32>], vector<16xf32>,
      %add3A_568 = arith.constant 0 : i32
      %add3A_569 = arith.addi %mul3A_563, %add3A_568 : i32
      %swap3A_570 = arith.index_cast %shift_right_arithmetic3A_559 : i32 to index
      %swap3A_571 = arith.index_cast %add3A_569 : i32 to index
      %swap3A_572 = tpu.vector_load %arg20[%swap3A_570, %swap3A_571] {strides = array<i32>} : memref<64x128xf32, #tpu.memory_space<vmem>>, vector<16xf32>,
      tpu.vector_store %arg20[%swap3A_570, %swap3A_571], %gather3A_567 {strides = array<i32>} : memref<64x128xf32, #tpu.memory_space<vmem>>, vector<16xf32>,
      %add3A_573 = arith.constant 16 : i32
      %add3A_574 = vector.broadcast %add3A_573 : i32 to vector<16xi32>
      %add3A_575 = arith.addi %iota3A, %add3A_574 : vector<16xi32>
      %gather3A_576 = tpu.vector_load_idx %arg15[%add3A_575, %broadcast_in_dim3A_557] : memref<64x128xf32, #tpu.memory_space<vmem>>[vector<16xi32>, vector<16xi32>], vector<16xf32>,
      %add3A_577 = arith.constant 16 : i32
      %add3A_578 = arith.addi %mul3A_563, %add3A_577 : i32
      %swap3A_579 = arith.index_cast %shift_right_arithmetic3A_559 : i32 to index
      %swap3A_580 = arith.index_cast %add3A_578 : i32 to index
      %swap3A_581 = tpu.vector_load %arg20[%swap3A_579, %swap3A_580] {strides = array<i32>} : memref<64x128xf32, #tpu.memory_space<vmem>>, vector<16xf32>,
      tpu.vector_store %arg20[%swap3A_579, %swap3A_580], %gather3A_576 {strides = array<i32>} : memref<64x128xf32, #tpu.memory_space<vmem>>, vector<16xf32>,
      %add3A_582 = arith.constant 32 : i32
      %add3A_583 = vector.broadcast %add3A_582 : i32 to vector<16xi32>
      %add3A_584 = arith.addi %iota3A, %add3A_583 : vector<16xi32>
      %gather3A_585 = tpu.vector_load_idx %arg15[%add3A_584, %broadcast_in_dim3A_557] : memref<64x128xf32, #tpu.memory_space<vmem>>[vector<16xi32>, vector<16xi32>], vector<16xf32>,
      %add3A_586 = arith.constant 32 : i32
      %add3A_587 = arith.addi %mul3A_563, %add3A_586 : i32
      %swap3A_588 = arith.index_cast %shift_right_arithmetic3A_559 : i32 to index
      %swap3A_589 = arith.index_cast %add3A_587 : i32 to index
      %swap3A_590 = tpu.vector_load %arg20[%swap3A_588, %swap3A_589] {strides = array<i32>} : memref<64x128xf32, #tpu.memory_space<vmem>>, vector<16xf32>,
      tpu.vector_store %arg20[%swap3A_588, %swap3A_589], %gather3A_585 {strides = array<i32>} : memref<64x128xf32, #tpu.memory_space<vmem>>, vector<16xf32>,
      %add3A_591 = arith.constant 48 : i32
      %add3A_592 = vector.broadcast %add3A_591 : i32 to vector<16xi32>
      %add3A_593 = arith.addi %iota3A, %add3A_592 : vector<16xi32>
      %gather3A_594 = tpu.vector_load_idx %arg15[%add3A_593, %broadcast_in_dim3A_557] : memref<64x128xf32, #tpu.memory_space<vmem>>[vector<16xi32>, vector<16xi32>], vector<16xf32>,
      %add3A_595 = arith.constant 48 : i32
      %add3A_596 = arith.addi %mul3A_563, %add3A_595 : i32
      %swap3A_597 = arith.index_cast %shift_right_arithmetic3A_559 : i32 to index
      %swap3A_598 = arith.index_cast %add3A_596 : i32 to index
      %swap3A_599 = tpu.vector_load %arg20[%swap3A_597, %swap3A_598] {strides = array<i32>} : memref<64x128xf32, #tpu.memory_space<vmem>>, vector<16xf32>,
      tpu.vector_store %arg20[%swap3A_597, %swap3A_598], %gather3A_594 {strides = array<i32>} : memref<64x128xf32, #tpu.memory_space<vmem>>, vector<16xf32>,
      %add3A_600 = arith.constant 8 : i32
      %add3A_601 = arith.addi %add3A_540, %add3A_600 : i32
      %lt3A_602 = arith.constant 128 : i32
      %lt3A_603 = arith.cmpi slt, %add3A_601, %lt3A_602 : i32
      %convert_element_type3A_604 = arith.extui %lt3A_603 : i1 to i32
      %cond3A_605 = arith.constant 0 : i32
      %cond3A_606 = arith.cmpi ne, %convert_element_type3A_604, %cond3A_605 : i32
      scf.if %cond3A_606 {
        %add3A_888 = arith.constant 8 : i32
        %add3A_889 = arith.addi %add3A_540, %add3A_888 : i32
        %get3A_890 = arith.index_cast %add3A_889 : i32 to index
        %get3A_891 = tpu.vector_load %arg11[%get3A_890] {strides = array<i32>} : memref<144xi32, #tpu.memory_space<vmem>>, vector<16xi32>,
        %slice3A_892 = vector.extract_strided_slice %get3A_891 {offsets = [0], sizes = [1], strides = [1]} : vector<16xi32> to vector<1xi32>
        %squeeze3A_893 = vector.extract %slice3A_892[0] : i32 from vector<1xi32>
        %shift_right_arithmetic3A_894 = arith.constant 7 : i32
        %shift_right_arithmetic3A_895 = arith.shrsi %squeeze3A_893, %shift_right_arithmetic3A_894 : i32
        %shift_left3A_896 = arith.constant 7 : i32
        %shift_left3A_897 = arith.shli %shift_right_arithmetic3A_895, %shift_left3A_896 : i32
        %multiple_of3A_898 = tpu.assume_multiple %shift_left3A_897, 128 : i32
        %dma_start3A_899 = arith.constant 0 : i32
        %dma_start3A_900 = tpu.memref_slice %arg5[%dma_start3A_899, %multiple_of3A_898] : memref<64x1000000xf32, #tpu.memory_space<hbm>> -> memref<64x128xf32, #tpu.memory_space<hbm>>
        %dma_start3A_901 = arith.constant 0 : i32
        %dma_start3A_902 = tpu.memref_slice %arg5[%dma_start3A_901, %multiple_of3A_898] : memref<64x1000000xf32, #tpu.memory_space<hbm>> -> memref<64x128xf32, #tpu.memory_space<hbm>>
        tpu.enqueue_dma source(%dma_start3A_902 : memref<64x128xf32, #tpu.memory_space<hbm>>) target(%arg15 : memref<64x128xf32, #tpu.memory_space<vmem>>) target_semaphore(%arg24 : memref<!tpu.dma_semaphore, #tpu.memory_space<semaphore_mem>>)
      } else {
      }
      %mul3A_607 = arith.constant 8 : i32
      %mul3A_608 = arith.muli %scan3A_334, %mul3A_607 : i32
      %add3A_609 = arith.constant 4 : i32
      %add3A_610 = arith.addi %mul3A_608, %add3A_609 : i32
      %dma_wait3A_611 = arith.constant 0 : i32
      %dma_wait3A_612 = arith.constant 0 : i32
      %dma_wait3A_613 = tpu.memref_slice %arg5[%dma_wait3A_611, %dma_wait3A_612] : memref<64x1000000xf32, #tpu.memory_space<hbm>> -> memref<64x128xf32, #tpu.memory_space<hbm>>
      %dma_wait3A_614 = arith.constant 0 : i32
      %dma_wait3A_615 = arith.constant 0 : i32
      %dma_wait3A_616 = tpu.memref_slice %arg5[%dma_wait3A_614, %dma_wait3A_615] : memref<64x1000000xf32, #tpu.memory_space<hbm>> -> memref<64x128xf32, #tpu.memory_space<hbm>>
      tpu.wait_dma2 semaphore(%arg25 : memref<!tpu.dma_semaphore, #tpu.memory_space<semaphore_mem>>) src(%dma_wait3A_616 : memref<64x128xf32, #tpu.memory_space<hbm>>) dst(%arg16 : memref<64x128xf32, #tpu.memory_space<vmem>>)
      %get3A_617 = arith.index_cast %add3A_610 : i32 to index
      %get3A_618 = tpu.vector_load %arg11[%get3A_617] {strides = array<i32>} : memref<144xi32, #tpu.memory_space<vmem>>, vector<16xi32>,
      %slice3A_619 = vector.extract_strided_slice %get3A_618 {offsets = [0], sizes = [1], strides = [1]} : vector<16xi32> to vector<1xi32>
      %squeeze3A_620 = vector.extract %slice3A_619[0] : i32 from vector<1xi32>
      %shift_right_arithmetic3A_621 = arith.constant 7 : i32
      %shift_right_arithmetic3A_622 = arith.shrsi %squeeze3A_620, %shift_right_arithmetic3A_621 : i32
      %shift_left3A_623 = arith.constant 7 : i32
      %shift_left3A_624 = arith.shli %shift_right_arithmetic3A_622, %shift_left3A_623 : i32
      %multiple_of3A_625 = tpu.assume_multiple %shift_left3A_624, 128 : i32
      %sub3A_626 = arith.subi %squeeze3A_620, %multiple_of3A_625 : i32
      %broadcast_in_dim3A_627 = vector.broadcast %sub3A_626 : i32 to vector<16xi32>
      %shift_right_arithmetic3A_628 = arith.constant 1 : i32
      %shift_right_arithmetic3A_629 = arith.shrsi %add3A_610, %shift_right_arithmetic3A_628 : i32
      %and3A_630 = arith.constant 1 : i32
      %and3A_631 = arith.andi %add3A_610, %and3A_630 : i32
      %mul3A_632 = arith.constant 64 : i32
      %mul3A_633 = arith.muli %and3A_631, %mul3A_632 : i32
      %add3A_634 = arith.constant 0 : i32
      %add3A_635 = vector.broadcast %add3A_634 : i32 to vector<16xi32>
      %add3A_636 = arith.addi %iota3A, %add3A_635 : vector<16xi32>
      %gather3A_637 = tpu.vector_load_idx %arg16[%add3A_636, %broadcast_in_dim3A_627] : memref<64x128xf32, #tpu.memory_space<vmem>>[vector<16xi32>, vector<16xi32>], vector<16xf32>,
      %add3A_638 = arith.constant 0 : i32
      %add3A_639 = arith.addi %mul3A_633, %add3A_638 : i32
      %swap3A_640 = arith.index_cast %shift_right_arithmetic3A_629 : i32 to index
      %swap3A_641 = arith.index_cast %add3A_639 : i32 to index
      %swap3A_642 = tpu.vector_load %arg20[%swap3A_640, %swap3A_641] {strides = array<i32>} : memref<64x128xf32, #tpu.memory_space<vmem>>, vector<16xf32>,
      tpu.vector_store %arg20[%swap3A_640, %swap3A_641], %gather3A_637 {strides = array<i32>} : memref<64x128xf32, #tpu.memory_space<vmem>>, vector<16xf32>,
      %add3A_643 = arith.constant 16 : i32
      %add3A_644 = vector.broadcast %add3A_643 : i32 to vector<16xi32>
      %add3A_645 = arith.addi %iota3A, %add3A_644 : vector<16xi32>
      %gather3A_646 = tpu.vector_load_idx %arg16[%add3A_645, %broadcast_in_dim3A_627] : memref<64x128xf32, #tpu.memory_space<vmem>>[vector<16xi32>, vector<16xi32>], vector<16xf32>,
      %add3A_647 = arith.constant 16 : i32
      %add3A_648 = arith.addi %mul3A_633, %add3A_647 : i32
      %swap3A_649 = arith.index_cast %shift_right_arithmetic3A_629 : i32 to index
      %swap3A_650 = arith.index_cast %add3A_648 : i32 to index
      %swap3A_651 = tpu.vector_load %arg20[%swap3A_649, %swap3A_650] {strides = array<i32>} : memref<64x128xf32, #tpu.memory_space<vmem>>, vector<16xf32>,
      tpu.vector_store %arg20[%swap3A_649, %swap3A_650], %gather3A_646 {strides = array<i32>} : memref<64x128xf32, #tpu.memory_space<vmem>>, vector<16xf32>,
      %add3A_652 = arith.constant 32 : i32
      %add3A_653 = vector.broadcast %add3A_652 : i32 to vector<16xi32>
      %add3A_654 = arith.addi %iota3A, %add3A_653 : vector<16xi32>
      %gather3A_655 = tpu.vector_load_idx %arg16[%add3A_654, %broadcast_in_dim3A_627] : memref<64x128xf32, #tpu.memory_space<vmem>>[vector<16xi32>, vector<16xi32>], vector<16xf32>,
      %add3A_656 = arith.constant 32 : i32
      %add3A_657 = arith.addi %mul3A_633, %add3A_656 : i32
      %swap3A_658 = arith.index_cast %shift_right_arithmetic3A_629 : i32 to index
      %swap3A_659 = arith.index_cast %add3A_657 : i32 to index
      %swap3A_660 = tpu.vector_load %arg20[%swap3A_658, %swap3A_659] {strides = array<i32>} : memref<64x128xf32, #tpu.memory_space<vmem>>, vector<16xf32>,
      tpu.vector_store %arg20[%swap3A_658, %swap3A_659], %gather3A_655 {strides = array<i32>} : memref<64x128xf32, #tpu.memory_space<vmem>>, vector<16xf32>,
      %add3A_661 = arith.constant 48 : i32
      %add3A_662 = vector.broadcast %add3A_661 : i32 to vector<16xi32>
      %add3A_663 = arith.addi %iota3A, %add3A_662 : vector<16xi32>
      %gather3A_664 = tpu.vector_load_idx %arg16[%add3A_663, %broadcast_in_dim3A_627] : memref<64x128xf32, #tpu.memory_space<vmem>>[vector<16xi32>, vector<16xi32>], vector<16xf32>,
      %add3A_665 = arith.constant 48 : i32
      %add3A_666 = arith.addi %mul3A_633, %add3A_665 : i32
      %swap3A_667 = arith.index_cast %shift_right_arithmetic3A_629 : i32 to index
      %swap3A_668 = arith.index_cast %add3A_666 : i32 to index
      %swap3A_669 = tpu.vector_load %arg20[%swap3A_667, %swap3A_668] {strides = array<i32>} : memref<64x128xf32, #tpu.memory_space<vmem>>, vector<16xf32>,
      tpu.vector_store %arg20[%swap3A_667, %swap3A_668], %gather3A_664 {strides = array<i32>} : memref<64x128xf32, #tpu.memory_space<vmem>>, vector<16xf32>,
      %add3A_670 = arith.constant 8 : i32
      %add3A_671 = arith.addi %add3A_610, %add3A_670 : i32
      %lt3A_672 = arith.constant 128 : i32
      %lt3A_673 = arith.cmpi slt, %add3A_671, %lt3A_672 : i32
      %convert_element_type3A_674 = arith.extui %lt3A_673 : i1 to i32
      %cond3A_675 = arith.constant 0 : i32
      %cond3A_676 = arith.cmpi ne, %convert_element_type3A_674, %cond3A_675 : i32
      scf.if %cond3A_676 {
        %add3A_888 = arith.constant 8 : i32
        %add3A_889 = arith.addi %add3A_610, %add3A_888 : i32
        %get3A_890 = arith.index_cast %add3A_889 : i32 to index
        %get3A_891 = tpu.vector_load %arg11[%get3A_890] {strides = array<i32>} : memref<144xi32, #tpu.memory_space<vmem>>, vector<16xi32>,
        %slice3A_892 = vector.extract_strided_slice %get3A_891 {offsets = [0], sizes = [1], strides = [1]} : vector<16xi32> to vector<1xi32>
        %squeeze3A_893 = vector.extract %slice3A_892[0] : i32 from vector<1xi32>
        %shift_right_arithmetic3A_894 = arith.constant 7 : i32
        %shift_right_arithmetic3A_895 = arith.shrsi %squeeze3A_893, %shift_right_arithmetic3A_894 : i32
        %shift_left3A_896 = arith.constant 7 : i32
        %shift_left3A_897 = arith.shli %shift_right_arithmetic3A_895, %shift_left3A_896 : i32
        %multiple_of3A_898 = tpu.assume_multiple %shift_left3A_897, 128 : i32
        %dma_start3A_899 = arith.constant 0 : i32
        %dma_start3A_900 = tpu.memref_slice %arg5[%dma_start3A_899, %multiple_of3A_898] : memref<64x1000000xf32, #tpu.memory_space<hbm>> -> memref<64x128xf32, #tpu.memory_space<hbm>>
        %dma_start3A_901 = arith.constant 0 : i32
        %dma_start3A_902 = tpu.memref_slice %arg5[%dma_start3A_901, %multiple_of3A_898] : memref<64x1000000xf32, #tpu.memory_space<hbm>> -> memref<64x128xf32, #tpu.memory_space<hbm>>
        tpu.enqueue_dma source(%dma_start3A_902 : memref<64x128xf32, #tpu.memory_space<hbm>>) target(%arg16 : memref<64x128xf32, #tpu.memory_space<vmem>>) target_semaphore(%arg25 : memref<!tpu.dma_semaphore, #tpu.memory_space<semaphore_mem>>)
      } else {
      }
      %mul3A_677 = arith.constant 8 : i32
      %mul3A_678 = arith.muli %scan3A_334, %mul3A_677 : i32
      %add3A_679 = arith.constant 5 : i32
      %add3A_680 = arith.addi %mul3A_678, %add3A_679 : i32
      %dma_wait3A_681 = arith.constant 0 : i32
      %dma_wait3A_682 = arith.constant 0 : i32
      %dma_wait3A_683 = tpu.memref_slice %arg5[%dma_wait3A_681, %dma_wait3A_682] : memref<64x1000000xf32, #tpu.memory_space<hbm>> -> memref<64x128xf32, #tpu.memory_space<hbm>>
      %dma_wait3A_684 = arith.constant 0 : i32
      %dma_wait3A_685 = arith.constant 0 : i32
      %dma_wait3A_686 = tpu.memref_slice %arg5[%dma_wait3A_684, %dma_wait3A_685] : memref<64x1000000xf32, #tpu.memory_space<hbm>> -> memref<64x128xf32, #tpu.memory_space<hbm>>
      tpu.wait_dma2 semaphore(%arg26 : memref<!tpu.dma_semaphore, #tpu.memory_space<semaphore_mem>>) src(%dma_wait3A_686 : memref<64x128xf32, #tpu.memory_space<hbm>>) dst(%arg17 : memref<64x128xf32, #tpu.memory_space<vmem>>)
      %get3A_687 = arith.index_cast %add3A_680 : i32 to index
      %get3A_688 = tpu.vector_load %arg11[%get3A_687] {strides = array<i32>} : memref<144xi32, #tpu.memory_space<vmem>>, vector<16xi32>,
      %slice3A_689 = vector.extract_strided_slice %get3A_688 {offsets = [0], sizes = [1], strides = [1]} : vector<16xi32> to vector<1xi32>
      %squeeze3A_690 = vector.extract %slice3A_689[0] : i32 from vector<1xi32>
      %shift_right_arithmetic3A_691 = arith.constant 7 : i32
      %shift_right_arithmetic3A_692 = arith.shrsi %squeeze3A_690, %shift_right_arithmetic3A_691 : i32
      %shift_left3A_693 = arith.constant 7 : i32
      %shift_left3A_694 = arith.shli %shift_right_arithmetic3A_692, %shift_left3A_693 : i32
      %multiple_of3A_695 = tpu.assume_multiple %shift_left3A_694, 128 : i32
      %sub3A_696 = arith.subi %squeeze3A_690, %multiple_of3A_695 : i32
      %broadcast_in_dim3A_697 = vector.broadcast %sub3A_696 : i32 to vector<16xi32>
      %shift_right_arithmetic3A_698 = arith.constant 1 : i32
      %shift_right_arithmetic3A_699 = arith.shrsi %add3A_680, %shift_right_arithmetic3A_698 : i32
      %and3A_700 = arith.constant 1 : i32
      %and3A_701 = arith.andi %add3A_680, %and3A_700 : i32
      %mul3A_702 = arith.constant 64 : i32
      %mul3A_703 = arith.muli %and3A_701, %mul3A_702 : i32
      %add3A_704 = arith.constant 0 : i32
      %add3A_705 = vector.broadcast %add3A_704 : i32 to vector<16xi32>
      %add3A_706 = arith.addi %iota3A, %add3A_705 : vector<16xi32>
      %gather3A_707 = tpu.vector_load_idx %arg17[%add3A_706, %broadcast_in_dim3A_697] : memref<64x128xf32, #tpu.memory_space<vmem>>[vector<16xi32>, vector<16xi32>], vector<16xf32>,
      %add3A_708 = arith.constant 0 : i32
      %add3A_709 = arith.addi %mul3A_703, %add3A_708 : i32
      %swap3A_710 = arith.index_cast %shift_right_arithmetic3A_699 : i32 to index
      %swap3A_711 = arith.index_cast %add3A_709 : i32 to index
      %swap3A_712 = tpu.vector_load %arg20[%swap3A_710, %swap3A_711] {strides = array<i32>} : memref<64x128xf32, #tpu.memory_space<vmem>>, vector<16xf32>,
      tpu.vector_store %arg20[%swap3A_710, %swap3A_711], %gather3A_707 {strides = array<i32>} : memref<64x128xf32, #tpu.memory_space<vmem>>, vector<16xf32>,
      %add3A_713 = arith.constant 16 : i32
      %add3A_714 = vector.broadcast %add3A_713 : i32 to vector<16xi32>
      %add3A_715 = arith.addi %iota3A, %add3A_714 : vector<16xi32>
      %gather3A_716 = tpu.vector_load_idx %arg17[%add3A_715, %broadcast_in_dim3A_697] : memref<64x128xf32, #tpu.memory_space<vmem>>[vector<16xi32>, vector<16xi32>], vector<16xf32>,
      %add3A_717 = arith.constant 16 : i32
      %add3A_718 = arith.addi %mul3A_703, %add3A_717 : i32
      %swap3A_719 = arith.index_cast %shift_right_arithmetic3A_699 : i32 to index
      %swap3A_720 = arith.index_cast %add3A_718 : i32 to index
      %swap3A_721 = tpu.vector_load %arg20[%swap3A_719, %swap3A_720] {strides = array<i32>} : memref<64x128xf32, #tpu.memory_space<vmem>>, vector<16xf32>,
      tpu.vector_store %arg20[%swap3A_719, %swap3A_720], %gather3A_716 {strides = array<i32>} : memref<64x128xf32, #tpu.memory_space<vmem>>, vector<16xf32>,
      %add3A_722 = arith.constant 32 : i32
      %add3A_723 = vector.broadcast %add3A_722 : i32 to vector<16xi32>
      %add3A_724 = arith.addi %iota3A, %add3A_723 : vector<16xi32>
      %gather3A_725 = tpu.vector_load_idx %arg17[%add3A_724, %broadcast_in_dim3A_697] : memref<64x128xf32, #tpu.memory_space<vmem>>[vector<16xi32>, vector<16xi32>], vector<16xf32>,
      %add3A_726 = arith.constant 32 : i32
      %add3A_727 = arith.addi %mul3A_703, %add3A_726 : i32
      %swap3A_728 = arith.index_cast %shift_right_arithmetic3A_699 : i32 to index
      %swap3A_729 = arith.index_cast %add3A_727 : i32 to index
      %swap3A_730 = tpu.vector_load %arg20[%swap3A_728, %swap3A_729] {strides = array<i32>} : memref<64x128xf32, #tpu.memory_space<vmem>>, vector<16xf32>,
      tpu.vector_store %arg20[%swap3A_728, %swap3A_729], %gather3A_725 {strides = array<i32>} : memref<64x128xf32, #tpu.memory_space<vmem>>, vector<16xf32>,
      %add3A_731 = arith.constant 48 : i32
      %add3A_732 = vector.broadcast %add3A_731 : i32 to vector<16xi32>
      %add3A_733 = arith.addi %iota3A, %add3A_732 : vector<16xi32>
      %gather3A_734 = tpu.vector_load_idx %arg17[%add3A_733, %broadcast_in_dim3A_697] : memref<64x128xf32, #tpu.memory_space<vmem>>[vector<16xi32>, vector<16xi32>], vector<16xf32>,
      %add3A_735 = arith.constant 48 : i32
      %add3A_736 = arith.addi %mul3A_703, %add3A_735 : i32
      %swap3A_737 = arith.index_cast %shift_right_arithmetic3A_699 : i32 to index
      %swap3A_738 = arith.index_cast %add3A_736 : i32 to index
      %swap3A_739 = tpu.vector_load %arg20[%swap3A_737, %swap3A_738] {strides = array<i32>} : memref<64x128xf32, #tpu.memory_space<vmem>>, vector<16xf32>,
      tpu.vector_store %arg20[%swap3A_737, %swap3A_738], %gather3A_734 {strides = array<i32>} : memref<64x128xf32, #tpu.memory_space<vmem>>, vector<16xf32>,
      %add3A_740 = arith.constant 8 : i32
      %add3A_741 = arith.addi %add3A_680, %add3A_740 : i32
      %lt3A_742 = arith.constant 128 : i32
      %lt3A_743 = arith.cmpi slt, %add3A_741, %lt3A_742 : i32
      %convert_element_type3A_744 = arith.extui %lt3A_743 : i1 to i32
      %cond3A_745 = arith.constant 0 : i32
      %cond3A_746 = arith.cmpi ne, %convert_element_type3A_744, %cond3A_745 : i32
      scf.if %cond3A_746 {
        %add3A_888 = arith.constant 8 : i32
        %add3A_889 = arith.addi %add3A_680, %add3A_888 : i32
        %get3A_890 = arith.index_cast %add3A_889 : i32 to index
        %get3A_891 = tpu.vector_load %arg11[%get3A_890] {strides = array<i32>} : memref<144xi32, #tpu.memory_space<vmem>>, vector<16xi32>,
        %slice3A_892 = vector.extract_strided_slice %get3A_891 {offsets = [0], sizes = [1], strides = [1]} : vector<16xi32> to vector<1xi32>
        %squeeze3A_893 = vector.extract %slice3A_892[0] : i32 from vector<1xi32>
        %shift_right_arithmetic3A_894 = arith.constant 7 : i32
        %shift_right_arithmetic3A_895 = arith.shrsi %squeeze3A_893, %shift_right_arithmetic3A_894 : i32
        %shift_left3A_896 = arith.constant 7 : i32
        %shift_left3A_897 = arith.shli %shift_right_arithmetic3A_895, %shift_left3A_896 : i32
        %multiple_of3A_898 = tpu.assume_multiple %shift_left3A_897, 128 : i32
        %dma_start3A_899 = arith.constant 0 : i32
        %dma_start3A_900 = tpu.memref_slice %arg5[%dma_start3A_899, %multiple_of3A_898] : memref<64x1000000xf32, #tpu.memory_space<hbm>> -> memref<64x128xf32, #tpu.memory_space<hbm>>
        %dma_start3A_901 = arith.constant 0 : i32
        %dma_start3A_902 = tpu.memref_slice %arg5[%dma_start3A_901, %multiple_of3A_898] : memref<64x1000000xf32, #tpu.memory_space<hbm>> -> memref<64x128xf32, #tpu.memory_space<hbm>>
        tpu.enqueue_dma source(%dma_start3A_902 : memref<64x128xf32, #tpu.memory_space<hbm>>) target(%arg17 : memref<64x128xf32, #tpu.memory_space<vmem>>) target_semaphore(%arg26 : memref<!tpu.dma_semaphore, #tpu.memory_space<semaphore_mem>>)
      } else {
      }
      %mul3A_747 = arith.constant 8 : i32
      %mul3A_748 = arith.muli %scan3A_334, %mul3A_747 : i32
      %add3A_749 = arith.constant 6 : i32
      %add3A_750 = arith.addi %mul3A_748, %add3A_749 : i32
      %dma_wait3A_751 = arith.constant 0 : i32
      %dma_wait3A_752 = arith.constant 0 : i32
      %dma_wait3A_753 = tpu.memref_slice %arg5[%dma_wait3A_751, %dma_wait3A_752] : memref<64x1000000xf32, #tpu.memory_space<hbm>> -> memref<64x128xf32, #tpu.memory_space<hbm>>
      %dma_wait3A_754 = arith.constant 0 : i32
      %dma_wait3A_755 = arith.constant 0 : i32
      %dma_wait3A_756 = tpu.memref_slice %arg5[%dma_wait3A_754, %dma_wait3A_755] : memref<64x1000000xf32, #tpu.memory_space<hbm>> -> memref<64x128xf32, #tpu.memory_space<hbm>>
      tpu.wait_dma2 semaphore(%arg27 : memref<!tpu.dma_semaphore, #tpu.memory_space<semaphore_mem>>) src(%dma_wait3A_756 : memref<64x128xf32, #tpu.memory_space<hbm>>) dst(%arg18 : memref<64x128xf32, #tpu.memory_space<vmem>>)
      %get3A_757 = arith.index_cast %add3A_750 : i32 to index
      %get3A_758 = tpu.vector_load %arg11[%get3A_757] {strides = array<i32>} : memref<144xi32, #tpu.memory_space<vmem>>, vector<16xi32>,
      %slice3A_759 = vector.extract_strided_slice %get3A_758 {offsets = [0], sizes = [1], strides = [1]} : vector<16xi32> to vector<1xi32>
      %squeeze3A_760 = vector.extract %slice3A_759[0] : i32 from vector<1xi32>
      %shift_right_arithmetic3A_761 = arith.constant 7 : i32
      %shift_right_arithmetic3A_762 = arith.shrsi %squeeze3A_760, %shift_right_arithmetic3A_761 : i32
      %shift_left3A_763 = arith.constant 7 : i32
      %shift_left3A_764 = arith.shli %shift_right_arithmetic3A_762, %shift_left3A_763 : i32
      %multiple_of3A_765 = tpu.assume_multiple %shift_left3A_764, 128 : i32
      %sub3A_766 = arith.subi %squeeze3A_760, %multiple_of3A_765 : i32
      %broadcast_in_dim3A_767 = vector.broadcast %sub3A_766 : i32 to vector<16xi32>
      %shift_right_arithmetic3A_768 = arith.constant 1 : i32
      %shift_right_arithmetic3A_769 = arith.shrsi %add3A_750, %shift_right_arithmetic3A_768 : i32
      %and3A_770 = arith.constant 1 : i32
      %and3A_771 = arith.andi %add3A_750, %and3A_770 : i32
      %mul3A_772 = arith.constant 64 : i32
      %mul3A_773 = arith.muli %and3A_771, %mul3A_772 : i32
      %add3A_774 = arith.constant 0 : i32
      %add3A_775 = vector.broadcast %add3A_774 : i32 to vector<16xi32>
      %add3A_776 = arith.addi %iota3A, %add3A_775 : vector<16xi32>
      %gather3A_777 = tpu.vector_load_idx %arg18[%add3A_776, %broadcast_in_dim3A_767] : memref<64x128xf32, #tpu.memory_space<vmem>>[vector<16xi32>, vector<16xi32>], vector<16xf32>,
      %add3A_778 = arith.constant 0 : i32
      %add3A_779 = arith.addi %mul3A_773, %add3A_778 : i32
      %swap3A_780 = arith.index_cast %shift_right_arithmetic3A_769 : i32 to index
      %swap3A_781 = arith.index_cast %add3A_779 : i32 to index
      %swap3A_782 = tpu.vector_load %arg20[%swap3A_780, %swap3A_781] {strides = array<i32>} : memref<64x128xf32, #tpu.memory_space<vmem>>, vector<16xf32>,
      tpu.vector_store %arg20[%swap3A_780, %swap3A_781], %gather3A_777 {strides = array<i32>} : memref<64x128xf32, #tpu.memory_space<vmem>>, vector<16xf32>,
      %add3A_783 = arith.constant 16 : i32
      %add3A_784 = vector.broadcast %add3A_783 : i32 to vector<16xi32>
      %add3A_785 = arith.addi %iota3A, %add3A_784 : vector<16xi32>
      %gather3A_786 = tpu.vector_load_idx %arg18[%add3A_785, %broadcast_in_dim3A_767] : memref<64x128xf32, #tpu.memory_space<vmem>>[vector<16xi32>, vector<16xi32>], vector<16xf32>,
      %add3A_787 = arith.constant 16 : i32
      %add3A_788 = arith.addi %mul3A_773, %add3A_787 : i32
      %swap3A_789 = arith.index_cast %shift_right_arithmetic3A_769 : i32 to index
      %swap3A_790 = arith.index_cast %add3A_788 : i32 to index
      %swap3A_791 = tpu.vector_load %arg20[%swap3A_789, %swap3A_790] {strides = array<i32>} : memref<64x128xf32, #tpu.memory_space<vmem>>, vector<16xf32>,
      tpu.vector_store %arg20[%swap3A_789, %swap3A_790], %gather3A_786 {strides = array<i32>} : memref<64x128xf32, #tpu.memory_space<vmem>>, vector<16xf32>,
      %add3A_792 = arith.constant 32 : i32
      %add3A_793 = vector.broadcast %add3A_792 : i32 to vector<16xi32>
      %add3A_794 = arith.addi %iota3A, %add3A_793 : vector<16xi32>
      %gather3A_795 = tpu.vector_load_idx %arg18[%add3A_794, %broadcast_in_dim3A_767] : memref<64x128xf32, #tpu.memory_space<vmem>>[vector<16xi32>, vector<16xi32>], vector<16xf32>,
      %add3A_796 = arith.constant 32 : i32
      %add3A_797 = arith.addi %mul3A_773, %add3A_796 : i32
      %swap3A_798 = arith.index_cast %shift_right_arithmetic3A_769 : i32 to index
      %swap3A_799 = arith.index_cast %add3A_797 : i32 to index
      %swap3A_800 = tpu.vector_load %arg20[%swap3A_798, %swap3A_799] {strides = array<i32>} : memref<64x128xf32, #tpu.memory_space<vmem>>, vector<16xf32>,
      tpu.vector_store %arg20[%swap3A_798, %swap3A_799], %gather3A_795 {strides = array<i32>} : memref<64x128xf32, #tpu.memory_space<vmem>>, vector<16xf32>,
      %add3A_801 = arith.constant 48 : i32
      %add3A_802 = vector.broadcast %add3A_801 : i32 to vector<16xi32>
      %add3A_803 = arith.addi %iota3A, %add3A_802 : vector<16xi32>
      %gather3A_804 = tpu.vector_load_idx %arg18[%add3A_803, %broadcast_in_dim3A_767] : memref<64x128xf32, #tpu.memory_space<vmem>>[vector<16xi32>, vector<16xi32>], vector<16xf32>,
      %add3A_805 = arith.constant 48 : i32
      %add3A_806 = arith.addi %mul3A_773, %add3A_805 : i32
      %swap3A_807 = arith.index_cast %shift_right_arithmetic3A_769 : i32 to index
      %swap3A_808 = arith.index_cast %add3A_806 : i32 to index
      %swap3A_809 = tpu.vector_load %arg20[%swap3A_807, %swap3A_808] {strides = array<i32>} : memref<64x128xf32, #tpu.memory_space<vmem>>, vector<16xf32>,
      tpu.vector_store %arg20[%swap3A_807, %swap3A_808], %gather3A_804 {strides = array<i32>} : memref<64x128xf32, #tpu.memory_space<vmem>>, vector<16xf32>,
      %add3A_810 = arith.constant 8 : i32
      %add3A_811 = arith.addi %add3A_750, %add3A_810 : i32
      %lt3A_812 = arith.constant 128 : i32
      %lt3A_813 = arith.cmpi slt, %add3A_811, %lt3A_812 : i32
      %convert_element_type3A_814 = arith.extui %lt3A_813 : i1 to i32
      %cond3A_815 = arith.constant 0 : i32
      %cond3A_816 = arith.cmpi ne, %convert_element_type3A_814, %cond3A_815 : i32
      scf.if %cond3A_816 {
        %add3A_888 = arith.constant 8 : i32
        %add3A_889 = arith.addi %add3A_750, %add3A_888 : i32
        %get3A_890 = arith.index_cast %add3A_889 : i32 to index
        %get3A_891 = tpu.vector_load %arg11[%get3A_890] {strides = array<i32>} : memref<144xi32, #tpu.memory_space<vmem>>, vector<16xi32>,
        %slice3A_892 = vector.extract_strided_slice %get3A_891 {offsets = [0], sizes = [1], strides = [1]} : vector<16xi32> to vector<1xi32>
        %squeeze3A_893 = vector.extract %slice3A_892[0] : i32 from vector<1xi32>
        %shift_right_arithmetic3A_894 = arith.constant 7 : i32
        %shift_right_arithmetic3A_895 = arith.shrsi %squeeze3A_893, %shift_right_arithmetic3A_894 : i32
        %shift_left3A_896 = arith.constant 7 : i32
        %shift_left3A_897 = arith.shli %shift_right_arithmetic3A_895, %shift_left3A_896 : i32
        %multiple_of3A_898 = tpu.assume_multiple %shift_left3A_897, 128 : i32
        %dma_start3A_899 = arith.constant 0 : i32
        %dma_start3A_900 = tpu.memref_slice %arg5[%dma_start3A_899, %multiple_of3A_898] : memref<64x1000000xf32, #tpu.memory_space<hbm>> -> memref<64x128xf32, #tpu.memory_space<hbm>>
        %dma_start3A_901 = arith.constant 0 : i32
        %dma_start3A_902 = tpu.memref_slice %arg5[%dma_start3A_901, %multiple_of3A_898] : memref<64x1000000xf32, #tpu.memory_space<hbm>> -> memref<64x128xf32, #tpu.memory_space<hbm>>
        tpu.enqueue_dma source(%dma_start3A_902 : memref<64x128xf32, #tpu.memory_space<hbm>>) target(%arg18 : memref<64x128xf32, #tpu.memory_space<vmem>>) target_semaphore(%arg27 : memref<!tpu.dma_semaphore, #tpu.memory_space<semaphore_mem>>)
      } else {
      }
      %mul3A_817 = arith.constant 8 : i32
      %mul3A_818 = arith.muli %scan3A_334, %mul3A_817 : i32
      %add3A_819 = arith.constant 7 : i32
      %add3A_820 = arith.addi %mul3A_818, %add3A_819 : i32
      %dma_wait3A_821 = arith.constant 0 : i32
      %dma_wait3A_822 = arith.constant 0 : i32
      %dma_wait3A_823 = tpu.memref_slice %arg5[%dma_wait3A_821, %dma_wait3A_822] : memref<64x1000000xf32, #tpu.memory_space<hbm>> -> memref<64x128xf32, #tpu.memory_space<hbm>>
      %dma_wait3A_824 = arith.constant 0 : i32
      %dma_wait3A_825 = arith.constant 0 : i32
      %dma_wait3A_826 = tpu.memref_slice %arg5[%dma_wait3A_824, %dma_wait3A_825] : memref<64x1000000xf32, #tpu.memory_space<hbm>> -> memref<64x128xf32, #tpu.memory_space<hbm>>
      tpu.wait_dma2 semaphore(%arg28 : memref<!tpu.dma_semaphore, #tpu.memory_space<semaphore_mem>>) src(%dma_wait3A_826 : memref<64x128xf32, #tpu.memory_space<hbm>>) dst(%arg19 : memref<64x128xf32, #tpu.memory_space<vmem>>)
      %get3A_827 = arith.index_cast %add3A_820 : i32 to index
      %get3A_828 = tpu.vector_load %arg11[%get3A_827] {strides = array<i32>} : memref<144xi32, #tpu.memory_space<vmem>>, vector<16xi32>,
      %slice3A_829 = vector.extract_strided_slice %get3A_828 {offsets = [0], sizes = [1], strides = [1]} : vector<16xi32> to vector<1xi32>
      %squeeze3A_830 = vector.extract %slice3A_829[0] : i32 from vector<1xi32>
      %shift_right_arithmetic3A_831 = arith.constant 7 : i32
      %shift_right_arithmetic3A_832 = arith.shrsi %squeeze3A_830, %shift_right_arithmetic3A_831 : i32
      %shift_left3A_833 = arith.constant 7 : i32
      %shift_left3A_834 = arith.shli %shift_right_arithmetic3A_832, %shift_left3A_833 : i32
      %multiple_of3A_835 = tpu.assume_multiple %shift_left3A_834, 128 : i32
      %sub3A_836 = arith.subi %squeeze3A_830, %multiple_of3A_835 : i32
      %broadcast_in_dim3A_837 = vector.broadcast %sub3A_836 : i32 to vector<16xi32>
      %shift_right_arithmetic3A_838 = arith.constant 1 : i32
      %shift_right_arithmetic3A_839 = arith.shrsi %add3A_820, %shift_right_arithmetic3A_838 : i32
      %and3A_840 = arith.constant 1 : i32
      %and3A_841 = arith.andi %add3A_820, %and3A_840 : i32
      %mul3A_842 = arith.constant 64 : i32
      %mul3A_843 = arith.muli %and3A_841, %mul3A_842 : i32
      %add3A_844 = arith.constant 0 : i32
      %add3A_845 = vector.broadcast %add3A_844 : i32 to vector<16xi32>
      %add3A_846 = arith.addi %iota3A, %add3A_845 : vector<16xi32>
      %gather3A_847 = tpu.vector_load_idx %arg19[%add3A_846, %broadcast_in_dim3A_837] : memref<64x128xf32, #tpu.memory_space<vmem>>[vector<16xi32>, vector<16xi32>], vector<16xf32>,
      %add3A_848 = arith.constant 0 : i32
      %add3A_849 = arith.addi %mul3A_843, %add3A_848 : i32
      %swap3A_850 = arith.index_cast %shift_right_arithmetic3A_839 : i32 to index
      %swap3A_851 = arith.index_cast %add3A_849 : i32 to index
      %swap3A_852 = tpu.vector_load %arg20[%swap3A_850, %swap3A_851] {strides = array<i32>} : memref<64x128xf32, #tpu.memory_space<vmem>>, vector<16xf32>,
      tpu.vector_store %arg20[%swap3A_850, %swap3A_851], %gather3A_847 {strides = array<i32>} : memref<64x128xf32, #tpu.memory_space<vmem>>, vector<16xf32>,
      %add3A_853 = arith.constant 16 : i32
      %add3A_854 = vector.broadcast %add3A_853 : i32 to vector<16xi32>
      %add3A_855 = arith.addi %iota3A, %add3A_854 : vector<16xi32>
      %gather3A_856 = tpu.vector_load_idx %arg19[%add3A_855, %broadcast_in_dim3A_837] : memref<64x128xf32, #tpu.memory_space<vmem>>[vector<16xi32>, vector<16xi32>], vector<16xf32>,
      %add3A_857 = arith.constant 16 : i32
      %add3A_858 = arith.addi %mul3A_843, %add3A_857 : i32
      %swap3A_859 = arith.index_cast %shift_right_arithmetic3A_839 : i32 to index
      %swap3A_860 = arith.index_cast %add3A_858 : i32 to index
      %swap3A_861 = tpu.vector_load %arg20[%swap3A_859, %swap3A_860] {strides = array<i32>} : memref<64x128xf32, #tpu.memory_space<vmem>>, vector<16xf32>,
      tpu.vector_store %arg20[%swap3A_859, %swap3A_860], %gather3A_856 {strides = array<i32>} : memref<64x128xf32, #tpu.memory_space<vmem>>, vector<16xf32>,
      %add3A_862 = arith.constant 32 : i32
      %add3A_863 = vector.broadcast %add3A_862 : i32 to vector<16xi32>
      %add3A_864 = arith.addi %iota3A, %add3A_863 : vector<16xi32>
      %gather3A_865 = tpu.vector_load_idx %arg19[%add3A_864, %broadcast_in_dim3A_837] : memref<64x128xf32, #tpu.memory_space<vmem>>[vector<16xi32>, vector<16xi32>], vector<16xf32>,
      %add3A_866 = arith.constant 32 : i32
      %add3A_867 = arith.addi %mul3A_843, %add3A_866 : i32
      %swap3A_868 = arith.index_cast %shift_right_arithmetic3A_839 : i32 to index
      %swap3A_869 = arith.index_cast %add3A_867 : i32 to index
      %swap3A_870 = tpu.vector_load %arg20[%swap3A_868, %swap3A_869] {strides = array<i32>} : memref<64x128xf32, #tpu.memory_space<vmem>>, vector<16xf32>,
      tpu.vector_store %arg20[%swap3A_868, %swap3A_869], %gather3A_865 {strides = array<i32>} : memref<64x128xf32, #tpu.memory_space<vmem>>, vector<16xf32>,
      %add3A_871 = arith.constant 48 : i32
      %add3A_872 = vector.broadcast %add3A_871 : i32 to vector<16xi32>
      %add3A_873 = arith.addi %iota3A, %add3A_872 : vector<16xi32>
      %gather3A_874 = tpu.vector_load_idx %arg19[%add3A_873, %broadcast_in_dim3A_837] : memref<64x128xf32, #tpu.memory_space<vmem>>[vector<16xi32>, vector<16xi32>], vector<16xf32>,
      %add3A_875 = arith.constant 48 : i32
      %add3A_876 = arith.addi %mul3A_843, %add3A_875 : i32
      %swap3A_877 = arith.index_cast %shift_right_arithmetic3A_839 : i32 to index
      %swap3A_878 = arith.index_cast %add3A_876 : i32 to index
      %swap3A_879 = tpu.vector_load %arg20[%swap3A_877, %swap3A_878] {strides = array<i32>} : memref<64x128xf32, #tpu.memory_space<vmem>>, vector<16xf32>,
      tpu.vector_store %arg20[%swap3A_877, %swap3A_878], %gather3A_874 {strides = array<i32>} : memref<64x128xf32, #tpu.memory_space<vmem>>, vector<16xf32>,
      %add3A_880 = arith.constant 8 : i32
      %add3A_881 = arith.addi %add3A_820, %add3A_880 : i32
      %lt3A_882 = arith.constant 128 : i32
      %lt3A_883 = arith.cmpi slt, %add3A_881, %lt3A_882 : i32
      %convert_element_type3A_884 = arith.extui %lt3A_883 : i1 to i32
      %cond3A_885 = arith.constant 0 : i32
      %cond3A_886 = arith.cmpi ne, %convert_element_type3A_884, %cond3A_885 : i32
      scf.if %cond3A_886 {
        %add3A_888 = arith.constant 8 : i32
        %add3A_889 = arith.addi %add3A_820, %add3A_888 : i32
        %get3A_890 = arith.index_cast %add3A_889 : i32 to index
        %get3A_891 = tpu.vector_load %arg11[%get3A_890] {strides = array<i32>} : memref<144xi32, #tpu.memory_space<vmem>>, vector<16xi32>,
        %slice3A_892 = vector.extract_strided_slice %get3A_891 {offsets = [0], sizes = [1], strides = [1]} : vector<16xi32> to vector<1xi32>
        %squeeze3A_893 = vector.extract %slice3A_892[0] : i32 from vector<1xi32>
        %shift_right_arithmetic3A_894 = arith.constant 7 : i32
        %shift_right_arithmetic3A_895 = arith.shrsi %squeeze3A_893, %shift_right_arithmetic3A_894 : i32
        %shift_left3A_896 = arith.constant 7 : i32
        %shift_left3A_897 = arith.shli %shift_right_arithmetic3A_895, %shift_left3A_896 : i32
        %multiple_of3A_898 = tpu.assume_multiple %shift_left3A_897, 128 : i32
        %dma_start3A_899 = arith.constant 0 : i32
        %dma_start3A_900 = tpu.memref_slice %arg5[%dma_start3A_899, %multiple_of3A_898] : memref<64x1000000xf32, #tpu.memory_space<hbm>> -> memref<64x128xf32, #tpu.memory_space<hbm>>
        %dma_start3A_901 = arith.constant 0 : i32
        %dma_start3A_902 = tpu.memref_slice %arg5[%dma_start3A_901, %multiple_of3A_898] : memref<64x1000000xf32, #tpu.memory_space<hbm>> -> memref<64x128xf32, #tpu.memory_space<hbm>>
        tpu.enqueue_dma source(%dma_start3A_902 : memref<64x128xf32, #tpu.memory_space<hbm>>) target(%arg19 : memref<64x128xf32, #tpu.memory_space<vmem>>) target_semaphore(%arg28 : memref<!tpu.dma_semaphore, #tpu.memory_space<semaphore_mem>>)
      } else {
      }
      %scan3A_887 = arith.constant 0 : i32
      scf.yield %scan3A_887 : i32
    }
    %scan3A_105 = arith.constant 16 : i32
    %mul3A_106 = arith.constant 64 : i32
    %mul3A_107 = arith.muli %add3A, %mul3A_106 : i32
    "tpu.region"() ({
      %run_scoped3A = tpu.sem_alloc : memref<!tpu.dma_semaphore, #tpu.memory_space<semaphore_mem>>
      %dma_start3A_334 = arith.constant 0 : i32
      %dma_start3A_335 = tpu.memref_slice %arg8[%mul3A_107, %dma_start3A_334] : memref<2048x128xf32, #tpu.memory_space<hbm>> -> memref<64x128xf32, #tpu.memory_space<hbm>>
      %dma_start3A_336 = arith.constant 0 : i32
      %dma_start3A_337 = tpu.memref_slice %arg8[%mul3A_107, %dma_start3A_336] : memref<2048x128xf32, #tpu.memory_space<hbm>> -> memref<64x128xf32, #tpu.memory_space<hbm>>
      tpu.enqueue_dma source(%arg20 : memref<64x128xf32, #tpu.memory_space<vmem>>) target(%dma_start3A_337 : memref<64x128xf32, #tpu.memory_space<hbm>>) target_semaphore(%run_scoped3A : memref<!tpu.dma_semaphore, #tpu.memory_space<semaphore_mem>>)
      %dma_wait3A = arith.constant 0 : i32
      %dma_wait3A_338 = tpu.memref_slice %arg8[%mul3A_107, %dma_wait3A] : memref<2048x128xf32, #tpu.memory_space<hbm>> -> memref<64x128xf32, #tpu.memory_space<hbm>>
      %dma_wait3A_339 = arith.constant 0 : i32
      %dma_wait3A_340 = tpu.memref_slice %arg8[%mul3A_107, %dma_wait3A_339] : memref<2048x128xf32, #tpu.memory_space<hbm>> -> memref<64x128xf32, #tpu.memory_space<hbm>>
      tpu.wait_dma2 semaphore(%run_scoped3A : memref<!tpu.dma_semaphore, #tpu.memory_space<semaphore_mem>>) src(%arg20 : memref<64x128xf32, #tpu.memory_space<vmem>>) dst(%dma_wait3A_340 : memref<64x128xf32, #tpu.memory_space<hbm>>)
      tpu.yield
    }) : () -> ()
    "tpu.region"() ({
      %run_scoped3A = tpu.sem_alloc : memref<!tpu.dma_semaphore, #tpu.memory_space<semaphore_mem>>
      %dma_start3A_334 = arith.constant 0 : i32
      %dma_start3A_335 = tpu.memref_slice %arg11[%dma_start3A_334] : memref<144xi32, #tpu.memory_space<vmem>> -> memref<128xi32, #tpu.memory_space<vmem>>
      %dma_start3A_336 = tpu.memref_slice %arg3[%mul3A_2] : memref<4096xi32, #tpu.memory_space<hbm>> -> memref<128xi32, #tpu.memory_space<hbm>>
      %dma_start3A_337 = arith.constant 0 : i32
      %dma_start3A_338 = tpu.memref_slice %arg11[%dma_start3A_337] : memref<144xi32, #tpu.memory_space<vmem>> -> memref<128xi32, #tpu.memory_space<vmem>>
      %dma_start3A_339 = tpu.memref_slice %arg3[%mul3A_2] : memref<4096xi32, #tpu.memory_space<hbm>> -> memref<128xi32, #tpu.memory_space<hbm>>
      tpu.enqueue_dma source(%dma_start3A_339 : memref<128xi32, #tpu.memory_space<hbm>>) target(%dma_start3A_338 : memref<128xi32, #tpu.memory_space<vmem>>) target_semaphore(%run_scoped3A : memref<!tpu.dma_semaphore, #tpu.memory_space<semaphore_mem>>)
      %dma_wait3A = arith.constant 0 : i32
      %dma_wait3A_340 = tpu.memref_slice %arg11[%dma_wait3A] : memref<144xi32, #tpu.memory_space<vmem>> -> memref<128xi32, #tpu.memory_space<vmem>>
      %dma_wait3A_341 = tpu.memref_slice %arg3[%mul3A_2] : memref<4096xi32, #tpu.memory_space<hbm>> -> memref<128xi32, #tpu.memory_space<hbm>>
      %dma_wait3A_342 = arith.constant 0 : i32
      %dma_wait3A_343 = tpu.memref_slice %arg11[%dma_wait3A_342] : memref<144xi32, #tpu.memory_space<vmem>> -> memref<128xi32, #tpu.memory_space<vmem>>
      %dma_wait3A_344 = tpu.memref_slice %arg3[%mul3A_2] : memref<4096xi32, #tpu.memory_space<hbm>> -> memref<128xi32, #tpu.memory_space<hbm>>
      tpu.wait_dma2 semaphore(%run_scoped3A : memref<!tpu.dma_semaphore, #tpu.memory_space<semaphore_mem>>) src(%dma_wait3A_344 : memref<128xi32, #tpu.memory_space<hbm>>) dst(%dma_wait3A_343 : memref<128xi32, #tpu.memory_space<vmem>>)
      tpu.yield
    }) : () -> ()
    %get3A_108 = arith.constant 0 : index
    %get3A_109 = tpu.vector_load %arg11[%get3A_108] {strides = array<i32>} : memref<144xi32, #tpu.memory_space<vmem>>, vector<16xi32>,
    %slice3A_110 = vector.extract_strided_slice %get3A_109 {offsets = [0], sizes = [1], strides = [1]} : vector<16xi32> to vector<1xi32>
    %squeeze3A_111 = vector.extract %slice3A_110[0] : i32 from vector<1xi32>
    %shift_right_arithmetic3A_112 = arith.constant 7 : i32
    %shift_right_arithmetic3A_113 = arith.shrsi %squeeze3A_111, %shift_right_arithmetic3A_112 : i32
    %shift_left3A_114 = arith.constant 7 : i32
    %shift_left3A_115 = arith.shli %shift_right_arithmetic3A_113, %shift_left3A_114 : i32
    %multiple_of3A_116 = tpu.assume_multiple %shift_left3A_115, 128 : i32
    %dma_start3A_117 = arith.constant 0 : i32
    %dma_start3A_118 = tpu.memref_slice %arg6[%dma_start3A_117, %multiple_of3A_116] : memref<64x1000000xf32, #tpu.memory_space<hbm>> -> memref<64x128xf32, #tpu.memory_space<hbm>>
    %dma_start3A_119 = arith.constant 0 : i32
    %dma_start3A_120 = tpu.memref_slice %arg6[%dma_start3A_119, %multiple_of3A_116] : memref<64x1000000xf32, #tpu.memory_space<hbm>> -> memref<64x128xf32, #tpu.memory_space<hbm>>
    tpu.enqueue_dma source(%dma_start3A_120 : memref<64x128xf32, #tpu.memory_space<hbm>>) target(%arg12 : memref<64x128xf32, #tpu.memory_space<vmem>>) target_semaphore(%arg21 : memref<!tpu.dma_semaphore, #tpu.memory_space<semaphore_mem>>)
    %get3A_121 = arith.constant 1 : index
    %get3A_122 = tpu.vector_load %arg11[%get3A_121] {strides = array<i32>} : memref<144xi32, #tpu.memory_space<vmem>>, vector<16xi32>,
    %slice3A_123 = vector.extract_strided_slice %get3A_122 {offsets = [0], sizes = [1], strides = [1]} : vector<16xi32> to vector<1xi32>
    %squeeze3A_124 = vector.extract %slice3A_123[0] : i32 from vector<1xi32>
    %shift_right_arithmetic3A_125 = arith.constant 7 : i32
    %shift_right_arithmetic3A_126 = arith.shrsi %squeeze3A_124, %shift_right_arithmetic3A_125 : i32
    %shift_left3A_127 = arith.constant 7 : i32
    %shift_left3A_128 = arith.shli %shift_right_arithmetic3A_126, %shift_left3A_127 : i32
    %multiple_of3A_129 = tpu.assume_multiple %shift_left3A_128, 128 : i32
    %dma_start3A_130 = arith.constant 0 : i32
    %dma_start3A_131 = tpu.memref_slice %arg6[%dma_start3A_130, %multiple_of3A_129] : memref<64x1000000xf32, #tpu.memory_space<hbm>> -> memref<64x128xf32, #tpu.memory_space<hbm>>
    %dma_start3A_132 = arith.constant 0 : i32
    %dma_start3A_133 = tpu.memref_slice %arg6[%dma_start3A_132, %multiple_of3A_129] : memref<64x1000000xf32, #tpu.memory_space<hbm>> -> memref<64x128xf32, #tpu.memory_space<hbm>>
    tpu.enqueue_dma source(%dma_start3A_133 : memref<64x128xf32, #tpu.memory_space<hbm>>) target(%arg13 : memref<64x128xf32, #tpu.memory_space<vmem>>) target_semaphore(%arg22 : memref<!tpu.dma_semaphore, #tpu.memory_space<semaphore_mem>>)
    %get3A_134 = arith.constant 2 : index
    %get3A_135 = tpu.vector_load %arg11[%get3A_134] {strides = array<i32>} : memref<144xi32, #tpu.memory_space<vmem>>, vector<16xi32>,
    %slice3A_136 = vector.extract_strided_slice %get3A_135 {offsets = [0], sizes = [1], strides = [1]} : vector<16xi32> to vector<1xi32>
    %squeeze3A_137 = vector.extract %slice3A_136[0] : i32 from vector<1xi32>
    %shift_right_arithmetic3A_138 = arith.constant 7 : i32
    %shift_right_arithmetic3A_139 = arith.shrsi %squeeze3A_137, %shift_right_arithmetic3A_138 : i32
    %shift_left3A_140 = arith.constant 7 : i32
    %shift_left3A_141 = arith.shli %shift_right_arithmetic3A_139, %shift_left3A_140 : i32
    %multiple_of3A_142 = tpu.assume_multiple %shift_left3A_141, 128 : i32
    %dma_start3A_143 = arith.constant 0 : i32
    %dma_start3A_144 = tpu.memref_slice %arg6[%dma_start3A_143, %multiple_of3A_142] : memref<64x1000000xf32, #tpu.memory_space<hbm>> -> memref<64x128xf32, #tpu.memory_space<hbm>>
    %dma_start3A_145 = arith.constant 0 : i32
    %dma_start3A_146 = tpu.memref_slice %arg6[%dma_start3A_145, %multiple_of3A_142] : memref<64x1000000xf32, #tpu.memory_space<hbm>> -> memref<64x128xf32, #tpu.memory_space<hbm>>
    tpu.enqueue_dma source(%dma_start3A_146 : memref<64x128xf32, #tpu.memory_space<hbm>>) target(%arg14 : memref<64x128xf32, #tpu.memory_space<vmem>>) target_semaphore(%arg23 : memref<!tpu.dma_semaphore, #tpu.memory_space<semaphore_mem>>)
    %get3A_147 = arith.constant 3 : index
    %get3A_148 = tpu.vector_load %arg11[%get3A_147] {strides = array<i32>} : memref<144xi32, #tpu.memory_space<vmem>>, vector<16xi32>,
    %slice3A_149 = vector.extract_strided_slice %get3A_148 {offsets = [0], sizes = [1], strides = [1]} : vector<16xi32> to vector<1xi32>
    %squeeze3A_150 = vector.extract %slice3A_149[0] : i32 from vector<1xi32>
    %shift_right_arithmetic3A_151 = arith.constant 7 : i32
    %shift_right_arithmetic3A_152 = arith.shrsi %squeeze3A_150, %shift_right_arithmetic3A_151 : i32
    %shift_left3A_153 = arith.constant 7 : i32
    %shift_left3A_154 = arith.shli %shift_right_arithmetic3A_152, %shift_left3A_153 : i32
    %multiple_of3A_155 = tpu.assume_multiple %shift_left3A_154, 128 : i32
    %dma_start3A_156 = arith.constant 0 : i32
    %dma_start3A_157 = tpu.memref_slice %arg6[%dma_start3A_156, %multiple_of3A_155] : memref<64x1000000xf32, #tpu.memory_space<hbm>> -> memref<64x128xf32, #tpu.memory_space<hbm>>
    %dma_start3A_158 = arith.constant 0 : i32
    %dma_start3A_159 = tpu.memref_slice %arg6[%dma_start3A_158, %multiple_of3A_155] : memref<64x1000000xf32, #tpu.memory_space<hbm>> -> memref<64x128xf32, #tpu.memory_space<hbm>>
    tpu.enqueue_dma source(%dma_start3A_159 : memref<64x128xf32, #tpu.memory_space<hbm>>) target(%arg15 : memref<64x128xf32, #tpu.memory_space<vmem>>) target_semaphore(%arg24 : memref<!tpu.dma_semaphore, #tpu.memory_space<semaphore_mem>>)
    %get3A_160 = arith.constant 4 : index
    %get3A_161 = tpu.vector_load %arg11[%get3A_160] {strides = array<i32>} : memref<144xi32, #tpu.memory_space<vmem>>, vector<16xi32>,
    %slice3A_162 = vector.extract_strided_slice %get3A_161 {offsets = [0], sizes = [1], strides = [1]} : vector<16xi32> to vector<1xi32>
    %squeeze3A_163 = vector.extract %slice3A_162[0] : i32 from vector<1xi32>
    %shift_right_arithmetic3A_164 = arith.constant 7 : i32
    %shift_right_arithmetic3A_165 = arith.shrsi %squeeze3A_163, %shift_right_arithmetic3A_164 : i32
    %shift_left3A_166 = arith.constant 7 : i32
    %shift_left3A_167 = arith.shli %shift_right_arithmetic3A_165, %shift_left3A_166 : i32
    %multiple_of3A_168 = tpu.assume_multiple %shift_left3A_167, 128 : i32
    %dma_start3A_169 = arith.constant 0 : i32
    %dma_start3A_170 = tpu.memref_slice %arg6[%dma_start3A_169, %multiple_of3A_168] : memref<64x1000000xf32, #tpu.memory_space<hbm>> -> memref<64x128xf32, #tpu.memory_space<hbm>>
    %dma_start3A_171 = arith.constant 0 : i32
    %dma_start3A_172 = tpu.memref_slice %arg6[%dma_start3A_171, %multiple_of3A_168] : memref<64x1000000xf32, #tpu.memory_space<hbm>> -> memref<64x128xf32, #tpu.memory_space<hbm>>
    tpu.enqueue_dma source(%dma_start3A_172 : memref<64x128xf32, #tpu.memory_space<hbm>>) target(%arg16 : memref<64x128xf32, #tpu.memory_space<vmem>>) target_semaphore(%arg25 : memref<!tpu.dma_semaphore, #tpu.memory_space<semaphore_mem>>)
    %get3A_173 = arith.constant 5 : index
    %get3A_174 = tpu.vector_load %arg11[%get3A_173] {strides = array<i32>} : memref<144xi32, #tpu.memory_space<vmem>>, vector<16xi32>,
    %slice3A_175 = vector.extract_strided_slice %get3A_174 {offsets = [0], sizes = [1], strides = [1]} : vector<16xi32> to vector<1xi32>
    %squeeze3A_176 = vector.extract %slice3A_175[0] : i32 from vector<1xi32>
    %shift_right_arithmetic3A_177 = arith.constant 7 : i32
    %shift_right_arithmetic3A_178 = arith.shrsi %squeeze3A_176, %shift_right_arithmetic3A_177 : i32
    %shift_left3A_179 = arith.constant 7 : i32
    %shift_left3A_180 = arith.shli %shift_right_arithmetic3A_178, %shift_left3A_179 : i32
    %multiple_of3A_181 = tpu.assume_multiple %shift_left3A_180, 128 : i32
    %dma_start3A_182 = arith.constant 0 : i32
    %dma_start3A_183 = tpu.memref_slice %arg6[%dma_start3A_182, %multiple_of3A_181] : memref<64x1000000xf32, #tpu.memory_space<hbm>> -> memref<64x128xf32, #tpu.memory_space<hbm>>
    %dma_start3A_184 = arith.constant 0 : i32
    %dma_start3A_185 = tpu.memref_slice %arg6[%dma_start3A_184, %multiple_of3A_181] : memref<64x1000000xf32, #tpu.memory_space<hbm>> -> memref<64x128xf32, #tpu.memory_space<hbm>>
    tpu.enqueue_dma source(%dma_start3A_185 : memref<64x128xf32, #tpu.memory_space<hbm>>) target(%arg17 : memref<64x128xf32, #tpu.memory_space<vmem>>) target_semaphore(%arg26 : memref<!tpu.dma_semaphore, #tpu.memory_space<semaphore_mem>>)
    %get3A_186 = arith.constant 6 : index
    %get3A_187 = tpu.vector_load %arg11[%get3A_186] {strides = array<i32>} : memref<144xi32, #tpu.memory_space<vmem>>, vector<16xi32>,
    %slice3A_188 = vector.extract_strided_slice %get3A_187 {offsets = [0], sizes = [1], strides = [1]} : vector<16xi32> to vector<1xi32>
    %squeeze3A_189 = vector.extract %slice3A_188[0] : i32 from vector<1xi32>
    %shift_right_arithmetic3A_190 = arith.constant 7 : i32
    %shift_right_arithmetic3A_191 = arith.shrsi %squeeze3A_189, %shift_right_arithmetic3A_190 : i32
    %shift_left3A_192 = arith.constant 7 : i32
    %shift_left3A_193 = arith.shli %shift_right_arithmetic3A_191, %shift_left3A_192 : i32
    %multiple_of3A_194 = tpu.assume_multiple %shift_left3A_193, 128 : i32
    %dma_start3A_195 = arith.constant 0 : i32
    %dma_start3A_196 = tpu.memref_slice %arg6[%dma_start3A_195, %multiple_of3A_194] : memref<64x1000000xf32, #tpu.memory_space<hbm>> -> memref<64x128xf32, #tpu.memory_space<hbm>>
    %dma_start3A_197 = arith.constant 0 : i32
    %dma_start3A_198 = tpu.memref_slice %arg6[%dma_start3A_197, %multiple_of3A_194] : memref<64x1000000xf32, #tpu.memory_space<hbm>> -> memref<64x128xf32, #tpu.memory_space<hbm>>
    tpu.enqueue_dma source(%dma_start3A_198 : memref<64x128xf32, #tpu.memory_space<hbm>>) target(%arg18 : memref<64x128xf32, #tpu.memory_space<vmem>>) target_semaphore(%arg27 : memref<!tpu.dma_semaphore, #tpu.memory_space<semaphore_mem>>)
    %get3A_199 = arith.constant 7 : index
    %get3A_200 = tpu.vector_load %arg11[%get3A_199] {strides = array<i32>} : memref<144xi32, #tpu.memory_space<vmem>>, vector<16xi32>,
    %slice3A_201 = vector.extract_strided_slice %get3A_200 {offsets = [0], sizes = [1], strides = [1]} : vector<16xi32> to vector<1xi32>
    %squeeze3A_202 = vector.extract %slice3A_201[0] : i32 from vector<1xi32>
    %shift_right_arithmetic3A_203 = arith.constant 7 : i32
    %shift_right_arithmetic3A_204 = arith.shrsi %squeeze3A_202, %shift_right_arithmetic3A_203 : i32
    %shift_left3A_205 = arith.constant 7 : i32
    %shift_left3A_206 = arith.shli %shift_right_arithmetic3A_204, %shift_left3A_205 : i32
    %multiple_of3A_207 = tpu.assume_multiple %shift_left3A_206, 128 : i32
    %dma_start3A_208 = arith.constant 0 : i32
    %dma_start3A_209 = tpu.memref_slice %arg6[%dma_start3A_208, %multiple_of3A_207] : memref<64x1000000xf32, #tpu.memory_space<hbm>> -> memref<64x128xf32, #tpu.memory_space<hbm>>
    %dma_start3A_210 = arith.constant 0 : i32
    %dma_start3A_211 = tpu.memref_slice %arg6[%dma_start3A_210, %multiple_of3A_207] : memref<64x1000000xf32, #tpu.memory_space<hbm>> -> memref<64x128xf32, #tpu.memory_space<hbm>>
    tpu.enqueue_dma source(%dma_start3A_211 : memref<64x128xf32, #tpu.memory_space<hbm>>) target(%arg19 : memref<64x128xf32, #tpu.memory_space<vmem>>) target_semaphore(%arg28 : memref<!tpu.dma_semaphore, #tpu.memory_space<semaphore_mem>>)
    %scan3A_212 = arith.constant 0 : i32
    %scan3A_213 = arith.constant 0 : i32
    %scan3A_214 = arith.constant 16 : i32
    %scan3A_215 = arith.addi %scan3A_213, %scan3A_214 : i32
    %scan3A_216 = arith.constant 1 : i32
    %scan3A_217 = scf.for %scan3A_334 = %scan3A_213 to %scan3A_215 step %scan3A_216 iter_args(%scan3A_335 = %scan3A_212) -> (i32)  : i32 {
      %mul3A_336 = arith.constant 8 : i32
      %mul3A_337 = arith.muli %scan3A_334, %mul3A_336 : i32
      %add3A_338 = arith.constant 0 : i32
      %add3A_339 = arith.addi %mul3A_337, %add3A_338 : i32
      %dma_wait3A = arith.constant 0 : i32
      %dma_wait3A_340 = arith.constant 0 : i32
      %dma_wait3A_341 = tpu.memref_slice %arg6[%dma_wait3A, %dma_wait3A_340] : memref<64x1000000xf32, #tpu.memory_space<hbm>> -> memref<64x128xf32, #tpu.memory_space<hbm>>
      %dma_wait3A_342 = arith.constant 0 : i32
      %dma_wait3A_343 = arith.constant 0 : i32
      %dma_wait3A_344 = tpu.memref_slice %arg6[%dma_wait3A_342, %dma_wait3A_343] : memref<64x1000000xf32, #tpu.memory_space<hbm>> -> memref<64x128xf32, #tpu.memory_space<hbm>>
      tpu.wait_dma2 semaphore(%arg21 : memref<!tpu.dma_semaphore, #tpu.memory_space<semaphore_mem>>) src(%dma_wait3A_344 : memref<64x128xf32, #tpu.memory_space<hbm>>) dst(%arg12 : memref<64x128xf32, #tpu.memory_space<vmem>>)
      %get3A_345 = arith.index_cast %add3A_339 : i32 to index
      %get3A_346 = tpu.vector_load %arg11[%get3A_345] {strides = array<i32>} : memref<144xi32, #tpu.memory_space<vmem>>, vector<16xi32>,
      %slice3A_347 = vector.extract_strided_slice %get3A_346 {offsets = [0], sizes = [1], strides = [1]} : vector<16xi32> to vector<1xi32>
      %squeeze3A_348 = vector.extract %slice3A_347[0] : i32 from vector<1xi32>
      %shift_right_arithmetic3A_349 = arith.constant 7 : i32
      %shift_right_arithmetic3A_350 = arith.shrsi %squeeze3A_348, %shift_right_arithmetic3A_349 : i32
      %shift_left3A_351 = arith.constant 7 : i32
      %shift_left3A_352 = arith.shli %shift_right_arithmetic3A_350, %shift_left3A_351 : i32
      %multiple_of3A_353 = tpu.assume_multiple %shift_left3A_352, 128 : i32
      %sub3A = arith.subi %squeeze3A_348, %multiple_of3A_353 : i32
      %broadcast_in_dim3A = vector.broadcast %sub3A : i32 to vector<16xi32>
      %shift_right_arithmetic3A_354 = arith.constant 1 : i32
      %shift_right_arithmetic3A_355 = arith.shrsi %add3A_339, %shift_right_arithmetic3A_354 : i32
      %and3A = arith.constant 1 : i32
      %and3A_356 = arith.andi %add3A_339, %and3A : i32
      %mul3A_357 = arith.constant 64 : i32
      %mul3A_358 = arith.muli %and3A_356, %mul3A_357 : i32
      %add3A_359 = arith.constant 0 : i32
      %add3A_360 = vector.broadcast %add3A_359 : i32 to vector<16xi32>
      %add3A_361 = arith.addi %iota3A, %add3A_360 : vector<16xi32>
      %gather3A = tpu.vector_load_idx %arg12[%add3A_361, %broadcast_in_dim3A] : memref<64x128xf32, #tpu.memory_space<vmem>>[vector<16xi32>, vector<16xi32>], vector<16xf32>,
      %add3A_362 = arith.constant 0 : i32
      %add3A_363 = arith.addi %mul3A_358, %add3A_362 : i32
      %swap3A = arith.index_cast %shift_right_arithmetic3A_355 : i32 to index
      %swap3A_364 = arith.index_cast %add3A_363 : i32 to index
      %swap3A_365 = tpu.vector_load %arg20[%swap3A, %swap3A_364] {strides = array<i32>} : memref<64x128xf32, #tpu.memory_space<vmem>>, vector<16xf32>,
      tpu.vector_store %arg20[%swap3A, %swap3A_364], %gather3A {strides = array<i32>} : memref<64x128xf32, #tpu.memory_space<vmem>>, vector<16xf32>,
      %add3A_366 = arith.constant 16 : i32
      %add3A_367 = vector.broadcast %add3A_366 : i32 to vector<16xi32>
      %add3A_368 = arith.addi %iota3A, %add3A_367 : vector<16xi32>
      %gather3A_369 = tpu.vector_load_idx %arg12[%add3A_368, %broadcast_in_dim3A] : memref<64x128xf32, #tpu.memory_space<vmem>>[vector<16xi32>, vector<16xi32>], vector<16xf32>,
      %add3A_370 = arith.constant 16 : i32
      %add3A_371 = arith.addi %mul3A_358, %add3A_370 : i32
      %swap3A_372 = arith.index_cast %shift_right_arithmetic3A_355 : i32 to index
      %swap3A_373 = arith.index_cast %add3A_371 : i32 to index
      %swap3A_374 = tpu.vector_load %arg20[%swap3A_372, %swap3A_373] {strides = array<i32>} : memref<64x128xf32, #tpu.memory_space<vmem>>, vector<16xf32>,
      tpu.vector_store %arg20[%swap3A_372, %swap3A_373], %gather3A_369 {strides = array<i32>} : memref<64x128xf32, #tpu.memory_space<vmem>>, vector<16xf32>,
      %add3A_375 = arith.constant 32 : i32
      %add3A_376 = vector.broadcast %add3A_375 : i32 to vector<16xi32>
      %add3A_377 = arith.addi %iota3A, %add3A_376 : vector<16xi32>
      %gather3A_378 = tpu.vector_load_idx %arg12[%add3A_377, %broadcast_in_dim3A] : memref<64x128xf32, #tpu.memory_space<vmem>>[vector<16xi32>, vector<16xi32>], vector<16xf32>,
      %add3A_379 = arith.constant 32 : i32
      %add3A_380 = arith.addi %mul3A_358, %add3A_379 : i32
      %swap3A_381 = arith.index_cast %shift_right_arithmetic3A_355 : i32 to index
      %swap3A_382 = arith.index_cast %add3A_380 : i32 to index
      %swap3A_383 = tpu.vector_load %arg20[%swap3A_381, %swap3A_382] {strides = array<i32>} : memref<64x128xf32, #tpu.memory_space<vmem>>, vector<16xf32>,
      tpu.vector_store %arg20[%swap3A_381, %swap3A_382], %gather3A_378 {strides = array<i32>} : memref<64x128xf32, #tpu.memory_space<vmem>>, vector<16xf32>,
      %add3A_384 = arith.constant 48 : i32
      %add3A_385 = vector.broadcast %add3A_384 : i32 to vector<16xi32>
      %add3A_386 = arith.addi %iota3A, %add3A_385 : vector<16xi32>
      %gather3A_387 = tpu.vector_load_idx %arg12[%add3A_386, %broadcast_in_dim3A] : memref<64x128xf32, #tpu.memory_space<vmem>>[vector<16xi32>, vector<16xi32>], vector<16xf32>,
      %add3A_388 = arith.constant 48 : i32
      %add3A_389 = arith.addi %mul3A_358, %add3A_388 : i32
      %swap3A_390 = arith.index_cast %shift_right_arithmetic3A_355 : i32 to index
      %swap3A_391 = arith.index_cast %add3A_389 : i32 to index
      %swap3A_392 = tpu.vector_load %arg20[%swap3A_390, %swap3A_391] {strides = array<i32>} : memref<64x128xf32, #tpu.memory_space<vmem>>, vector<16xf32>,
      tpu.vector_store %arg20[%swap3A_390, %swap3A_391], %gather3A_387 {strides = array<i32>} : memref<64x128xf32, #tpu.memory_space<vmem>>, vector<16xf32>,
      %add3A_393 = arith.constant 8 : i32
      %add3A_394 = arith.addi %add3A_339, %add3A_393 : i32
      %lt3A = arith.constant 128 : i32
      %lt3A_395 = arith.cmpi slt, %add3A_394, %lt3A : i32
      %convert_element_type3A = arith.extui %lt3A_395 : i1 to i32
      %cond3A = arith.constant 0 : i32
      %cond3A_396 = arith.cmpi ne, %convert_element_type3A, %cond3A : i32
      scf.if %cond3A_396 {
        %add3A_888 = arith.constant 8 : i32
        %add3A_889 = arith.addi %add3A_339, %add3A_888 : i32
        %get3A_890 = arith.index_cast %add3A_889 : i32 to index
        %get3A_891 = tpu.vector_load %arg11[%get3A_890] {strides = array<i32>} : memref<144xi32, #tpu.memory_space<vmem>>, vector<16xi32>,
        %slice3A_892 = vector.extract_strided_slice %get3A_891 {offsets = [0], sizes = [1], strides = [1]} : vector<16xi32> to vector<1xi32>
        %squeeze3A_893 = vector.extract %slice3A_892[0] : i32 from vector<1xi32>
        %shift_right_arithmetic3A_894 = arith.constant 7 : i32
        %shift_right_arithmetic3A_895 = arith.shrsi %squeeze3A_893, %shift_right_arithmetic3A_894 : i32
        %shift_left3A_896 = arith.constant 7 : i32
        %shift_left3A_897 = arith.shli %shift_right_arithmetic3A_895, %shift_left3A_896 : i32
        %multiple_of3A_898 = tpu.assume_multiple %shift_left3A_897, 128 : i32
        %dma_start3A_899 = arith.constant 0 : i32
        %dma_start3A_900 = tpu.memref_slice %arg6[%dma_start3A_899, %multiple_of3A_898] : memref<64x1000000xf32, #tpu.memory_space<hbm>> -> memref<64x128xf32, #tpu.memory_space<hbm>>
        %dma_start3A_901 = arith.constant 0 : i32
        %dma_start3A_902 = tpu.memref_slice %arg6[%dma_start3A_901, %multiple_of3A_898] : memref<64x1000000xf32, #tpu.memory_space<hbm>> -> memref<64x128xf32, #tpu.memory_space<hbm>>
        tpu.enqueue_dma source(%dma_start3A_902 : memref<64x128xf32, #tpu.memory_space<hbm>>) target(%arg12 : memref<64x128xf32, #tpu.memory_space<vmem>>) target_semaphore(%arg21 : memref<!tpu.dma_semaphore, #tpu.memory_space<semaphore_mem>>)
      } else {
      }
      %mul3A_397 = arith.constant 8 : i32
      %mul3A_398 = arith.muli %scan3A_334, %mul3A_397 : i32
      %add3A_399 = arith.constant 1 : i32
      %add3A_400 = arith.addi %mul3A_398, %add3A_399 : i32
      %dma_wait3A_401 = arith.constant 0 : i32
      %dma_wait3A_402 = arith.constant 0 : i32
      %dma_wait3A_403 = tpu.memref_slice %arg6[%dma_wait3A_401, %dma_wait3A_402] : memref<64x1000000xf32, #tpu.memory_space<hbm>> -> memref<64x128xf32, #tpu.memory_space<hbm>>
      %dma_wait3A_404 = arith.constant 0 : i32
      %dma_wait3A_405 = arith.constant 0 : i32
      %dma_wait3A_406 = tpu.memref_slice %arg6[%dma_wait3A_404, %dma_wait3A_405] : memref<64x1000000xf32, #tpu.memory_space<hbm>> -> memref<64x128xf32, #tpu.memory_space<hbm>>
      tpu.wait_dma2 semaphore(%arg22 : memref<!tpu.dma_semaphore, #tpu.memory_space<semaphore_mem>>) src(%dma_wait3A_406 : memref<64x128xf32, #tpu.memory_space<hbm>>) dst(%arg13 : memref<64x128xf32, #tpu.memory_space<vmem>>)
      %get3A_407 = arith.index_cast %add3A_400 : i32 to index
      %get3A_408 = tpu.vector_load %arg11[%get3A_407] {strides = array<i32>} : memref<144xi32, #tpu.memory_space<vmem>>, vector<16xi32>,
      %slice3A_409 = vector.extract_strided_slice %get3A_408 {offsets = [0], sizes = [1], strides = [1]} : vector<16xi32> to vector<1xi32>
      %squeeze3A_410 = vector.extract %slice3A_409[0] : i32 from vector<1xi32>
      %shift_right_arithmetic3A_411 = arith.constant 7 : i32
      %shift_right_arithmetic3A_412 = arith.shrsi %squeeze3A_410, %shift_right_arithmetic3A_411 : i32
      %shift_left3A_413 = arith.constant 7 : i32
      %shift_left3A_414 = arith.shli %shift_right_arithmetic3A_412, %shift_left3A_413 : i32
      %multiple_of3A_415 = tpu.assume_multiple %shift_left3A_414, 128 : i32
      %sub3A_416 = arith.subi %squeeze3A_410, %multiple_of3A_415 : i32
      %broadcast_in_dim3A_417 = vector.broadcast %sub3A_416 : i32 to vector<16xi32>
      %shift_right_arithmetic3A_418 = arith.constant 1 : i32
      %shift_right_arithmetic3A_419 = arith.shrsi %add3A_400, %shift_right_arithmetic3A_418 : i32
      %and3A_420 = arith.constant 1 : i32
      %and3A_421 = arith.andi %add3A_400, %and3A_420 : i32
      %mul3A_422 = arith.constant 64 : i32
      %mul3A_423 = arith.muli %and3A_421, %mul3A_422 : i32
      %add3A_424 = arith.constant 0 : i32
      %add3A_425 = vector.broadcast %add3A_424 : i32 to vector<16xi32>
      %add3A_426 = arith.addi %iota3A, %add3A_425 : vector<16xi32>
      %gather3A_427 = tpu.vector_load_idx %arg13[%add3A_426, %broadcast_in_dim3A_417] : memref<64x128xf32, #tpu.memory_space<vmem>>[vector<16xi32>, vector<16xi32>], vector<16xf32>,
      %add3A_428 = arith.constant 0 : i32
      %add3A_429 = arith.addi %mul3A_423, %add3A_428 : i32
      %swap3A_430 = arith.index_cast %shift_right_arithmetic3A_419 : i32 to index
      %swap3A_431 = arith.index_cast %add3A_429 : i32 to index
      %swap3A_432 = tpu.vector_load %arg20[%swap3A_430, %swap3A_431] {strides = array<i32>} : memref<64x128xf32, #tpu.memory_space<vmem>>, vector<16xf32>,
      tpu.vector_store %arg20[%swap3A_430, %swap3A_431], %gather3A_427 {strides = array<i32>} : memref<64x128xf32, #tpu.memory_space<vmem>>, vector<16xf32>,
      %add3A_433 = arith.constant 16 : i32
      %add3A_434 = vector.broadcast %add3A_433 : i32 to vector<16xi32>
      %add3A_435 = arith.addi %iota3A, %add3A_434 : vector<16xi32>
      %gather3A_436 = tpu.vector_load_idx %arg13[%add3A_435, %broadcast_in_dim3A_417] : memref<64x128xf32, #tpu.memory_space<vmem>>[vector<16xi32>, vector<16xi32>], vector<16xf32>,
      %add3A_437 = arith.constant 16 : i32
      %add3A_438 = arith.addi %mul3A_423, %add3A_437 : i32
      %swap3A_439 = arith.index_cast %shift_right_arithmetic3A_419 : i32 to index
      %swap3A_440 = arith.index_cast %add3A_438 : i32 to index
      %swap3A_441 = tpu.vector_load %arg20[%swap3A_439, %swap3A_440] {strides = array<i32>} : memref<64x128xf32, #tpu.memory_space<vmem>>, vector<16xf32>,
      tpu.vector_store %arg20[%swap3A_439, %swap3A_440], %gather3A_436 {strides = array<i32>} : memref<64x128xf32, #tpu.memory_space<vmem>>, vector<16xf32>,
      %add3A_442 = arith.constant 32 : i32
      %add3A_443 = vector.broadcast %add3A_442 : i32 to vector<16xi32>
      %add3A_444 = arith.addi %iota3A, %add3A_443 : vector<16xi32>
      %gather3A_445 = tpu.vector_load_idx %arg13[%add3A_444, %broadcast_in_dim3A_417] : memref<64x128xf32, #tpu.memory_space<vmem>>[vector<16xi32>, vector<16xi32>], vector<16xf32>,
      %add3A_446 = arith.constant 32 : i32
      %add3A_447 = arith.addi %mul3A_423, %add3A_446 : i32
      %swap3A_448 = arith.index_cast %shift_right_arithmetic3A_419 : i32 to index
      %swap3A_449 = arith.index_cast %add3A_447 : i32 to index
      %swap3A_450 = tpu.vector_load %arg20[%swap3A_448, %swap3A_449] {strides = array<i32>} : memref<64x128xf32, #tpu.memory_space<vmem>>, vector<16xf32>,
      tpu.vector_store %arg20[%swap3A_448, %swap3A_449], %gather3A_445 {strides = array<i32>} : memref<64x128xf32, #tpu.memory_space<vmem>>, vector<16xf32>,
      %add3A_451 = arith.constant 48 : i32
      %add3A_452 = vector.broadcast %add3A_451 : i32 to vector<16xi32>
      %add3A_453 = arith.addi %iota3A, %add3A_452 : vector<16xi32>
      %gather3A_454 = tpu.vector_load_idx %arg13[%add3A_453, %broadcast_in_dim3A_417] : memref<64x128xf32, #tpu.memory_space<vmem>>[vector<16xi32>, vector<16xi32>], vector<16xf32>,
      %add3A_455 = arith.constant 48 : i32
      %add3A_456 = arith.addi %mul3A_423, %add3A_455 : i32
      %swap3A_457 = arith.index_cast %shift_right_arithmetic3A_419 : i32 to index
      %swap3A_458 = arith.index_cast %add3A_456 : i32 to index
      %swap3A_459 = tpu.vector_load %arg20[%swap3A_457, %swap3A_458] {strides = array<i32>} : memref<64x128xf32, #tpu.memory_space<vmem>>, vector<16xf32>,
      tpu.vector_store %arg20[%swap3A_457, %swap3A_458], %gather3A_454 {strides = array<i32>} : memref<64x128xf32, #tpu.memory_space<vmem>>, vector<16xf32>,
      %add3A_460 = arith.constant 8 : i32
      %add3A_461 = arith.addi %add3A_400, %add3A_460 : i32
      %lt3A_462 = arith.constant 128 : i32
      %lt3A_463 = arith.cmpi slt, %add3A_461, %lt3A_462 : i32
      %convert_element_type3A_464 = arith.extui %lt3A_463 : i1 to i32
      %cond3A_465 = arith.constant 0 : i32
      %cond3A_466 = arith.cmpi ne, %convert_element_type3A_464, %cond3A_465 : i32
      scf.if %cond3A_466 {
        %add3A_888 = arith.constant 8 : i32
        %add3A_889 = arith.addi %add3A_400, %add3A_888 : i32
        %get3A_890 = arith.index_cast %add3A_889 : i32 to index
        %get3A_891 = tpu.vector_load %arg11[%get3A_890] {strides = array<i32>} : memref<144xi32, #tpu.memory_space<vmem>>, vector<16xi32>,
        %slice3A_892 = vector.extract_strided_slice %get3A_891 {offsets = [0], sizes = [1], strides = [1]} : vector<16xi32> to vector<1xi32>
        %squeeze3A_893 = vector.extract %slice3A_892[0] : i32 from vector<1xi32>
        %shift_right_arithmetic3A_894 = arith.constant 7 : i32
        %shift_right_arithmetic3A_895 = arith.shrsi %squeeze3A_893, %shift_right_arithmetic3A_894 : i32
        %shift_left3A_896 = arith.constant 7 : i32
        %shift_left3A_897 = arith.shli %shift_right_arithmetic3A_895, %shift_left3A_896 : i32
        %multiple_of3A_898 = tpu.assume_multiple %shift_left3A_897, 128 : i32
        %dma_start3A_899 = arith.constant 0 : i32
        %dma_start3A_900 = tpu.memref_slice %arg6[%dma_start3A_899, %multiple_of3A_898] : memref<64x1000000xf32, #tpu.memory_space<hbm>> -> memref<64x128xf32, #tpu.memory_space<hbm>>
        %dma_start3A_901 = arith.constant 0 : i32
        %dma_start3A_902 = tpu.memref_slice %arg6[%dma_start3A_901, %multiple_of3A_898] : memref<64x1000000xf32, #tpu.memory_space<hbm>> -> memref<64x128xf32, #tpu.memory_space<hbm>>
        tpu.enqueue_dma source(%dma_start3A_902 : memref<64x128xf32, #tpu.memory_space<hbm>>) target(%arg13 : memref<64x128xf32, #tpu.memory_space<vmem>>) target_semaphore(%arg22 : memref<!tpu.dma_semaphore, #tpu.memory_space<semaphore_mem>>)
      } else {
      }
      %mul3A_467 = arith.constant 8 : i32
      %mul3A_468 = arith.muli %scan3A_334, %mul3A_467 : i32
      %add3A_469 = arith.constant 2 : i32
      %add3A_470 = arith.addi %mul3A_468, %add3A_469 : i32
      %dma_wait3A_471 = arith.constant 0 : i32
      %dma_wait3A_472 = arith.constant 0 : i32
      %dma_wait3A_473 = tpu.memref_slice %arg6[%dma_wait3A_471, %dma_wait3A_472] : memref<64x1000000xf32, #tpu.memory_space<hbm>> -> memref<64x128xf32, #tpu.memory_space<hbm>>
      %dma_wait3A_474 = arith.constant 0 : i32
      %dma_wait3A_475 = arith.constant 0 : i32
      %dma_wait3A_476 = tpu.memref_slice %arg6[%dma_wait3A_474, %dma_wait3A_475] : memref<64x1000000xf32, #tpu.memory_space<hbm>> -> memref<64x128xf32, #tpu.memory_space<hbm>>
      tpu.wait_dma2 semaphore(%arg23 : memref<!tpu.dma_semaphore, #tpu.memory_space<semaphore_mem>>) src(%dma_wait3A_476 : memref<64x128xf32, #tpu.memory_space<hbm>>) dst(%arg14 : memref<64x128xf32, #tpu.memory_space<vmem>>)
      %get3A_477 = arith.index_cast %add3A_470 : i32 to index
      %get3A_478 = tpu.vector_load %arg11[%get3A_477] {strides = array<i32>} : memref<144xi32, #tpu.memory_space<vmem>>, vector<16xi32>,
      %slice3A_479 = vector.extract_strided_slice %get3A_478 {offsets = [0], sizes = [1], strides = [1]} : vector<16xi32> to vector<1xi32>
      %squeeze3A_480 = vector.extract %slice3A_479[0] : i32 from vector<1xi32>
      %shift_right_arithmetic3A_481 = arith.constant 7 : i32
      %shift_right_arithmetic3A_482 = arith.shrsi %squeeze3A_480, %shift_right_arithmetic3A_481 : i32
      %shift_left3A_483 = arith.constant 7 : i32
      %shift_left3A_484 = arith.shli %shift_right_arithmetic3A_482, %shift_left3A_483 : i32
      %multiple_of3A_485 = tpu.assume_multiple %shift_left3A_484, 128 : i32
      %sub3A_486 = arith.subi %squeeze3A_480, %multiple_of3A_485 : i32
      %broadcast_in_dim3A_487 = vector.broadcast %sub3A_486 : i32 to vector<16xi32>
      %shift_right_arithmetic3A_488 = arith.constant 1 : i32
      %shift_right_arithmetic3A_489 = arith.shrsi %add3A_470, %shift_right_arithmetic3A_488 : i32
      %and3A_490 = arith.constant 1 : i32
      %and3A_491 = arith.andi %add3A_470, %and3A_490 : i32
      %mul3A_492 = arith.constant 64 : i32
      %mul3A_493 = arith.muli %and3A_491, %mul3A_492 : i32
      %add3A_494 = arith.constant 0 : i32
      %add3A_495 = vector.broadcast %add3A_494 : i32 to vector<16xi32>
      %add3A_496 = arith.addi %iota3A, %add3A_495 : vector<16xi32>
      %gather3A_497 = tpu.vector_load_idx %arg14[%add3A_496, %broadcast_in_dim3A_487] : memref<64x128xf32, #tpu.memory_space<vmem>>[vector<16xi32>, vector<16xi32>], vector<16xf32>,
      %add3A_498 = arith.constant 0 : i32
      %add3A_499 = arith.addi %mul3A_493, %add3A_498 : i32
      %swap3A_500 = arith.index_cast %shift_right_arithmetic3A_489 : i32 to index
      %swap3A_501 = arith.index_cast %add3A_499 : i32 to index
      %swap3A_502 = tpu.vector_load %arg20[%swap3A_500, %swap3A_501] {strides = array<i32>} : memref<64x128xf32, #tpu.memory_space<vmem>>, vector<16xf32>,
      tpu.vector_store %arg20[%swap3A_500, %swap3A_501], %gather3A_497 {strides = array<i32>} : memref<64x128xf32, #tpu.memory_space<vmem>>, vector<16xf32>,
      %add3A_503 = arith.constant 16 : i32
      %add3A_504 = vector.broadcast %add3A_503 : i32 to vector<16xi32>
      %add3A_505 = arith.addi %iota3A, %add3A_504 : vector<16xi32>
      %gather3A_506 = tpu.vector_load_idx %arg14[%add3A_505, %broadcast_in_dim3A_487] : memref<64x128xf32, #tpu.memory_space<vmem>>[vector<16xi32>, vector<16xi32>], vector<16xf32>,
      %add3A_507 = arith.constant 16 : i32
      %add3A_508 = arith.addi %mul3A_493, %add3A_507 : i32
      %swap3A_509 = arith.index_cast %shift_right_arithmetic3A_489 : i32 to index
      %swap3A_510 = arith.index_cast %add3A_508 : i32 to index
      %swap3A_511 = tpu.vector_load %arg20[%swap3A_509, %swap3A_510] {strides = array<i32>} : memref<64x128xf32, #tpu.memory_space<vmem>>, vector<16xf32>,
      tpu.vector_store %arg20[%swap3A_509, %swap3A_510], %gather3A_506 {strides = array<i32>} : memref<64x128xf32, #tpu.memory_space<vmem>>, vector<16xf32>,
      %add3A_512 = arith.constant 32 : i32
      %add3A_513 = vector.broadcast %add3A_512 : i32 to vector<16xi32>
      %add3A_514 = arith.addi %iota3A, %add3A_513 : vector<16xi32>
      %gather3A_515 = tpu.vector_load_idx %arg14[%add3A_514, %broadcast_in_dim3A_487] : memref<64x128xf32, #tpu.memory_space<vmem>>[vector<16xi32>, vector<16xi32>], vector<16xf32>,
      %add3A_516 = arith.constant 32 : i32
      %add3A_517 = arith.addi %mul3A_493, %add3A_516 : i32
      %swap3A_518 = arith.index_cast %shift_right_arithmetic3A_489 : i32 to index
      %swap3A_519 = arith.index_cast %add3A_517 : i32 to index
      %swap3A_520 = tpu.vector_load %arg20[%swap3A_518, %swap3A_519] {strides = array<i32>} : memref<64x128xf32, #tpu.memory_space<vmem>>, vector<16xf32>,
      tpu.vector_store %arg20[%swap3A_518, %swap3A_519], %gather3A_515 {strides = array<i32>} : memref<64x128xf32, #tpu.memory_space<vmem>>, vector<16xf32>,
      %add3A_521 = arith.constant 48 : i32
      %add3A_522 = vector.broadcast %add3A_521 : i32 to vector<16xi32>
      %add3A_523 = arith.addi %iota3A, %add3A_522 : vector<16xi32>
      %gather3A_524 = tpu.vector_load_idx %arg14[%add3A_523, %broadcast_in_dim3A_487] : memref<64x128xf32, #tpu.memory_space<vmem>>[vector<16xi32>, vector<16xi32>], vector<16xf32>,
      %add3A_525 = arith.constant 48 : i32
      %add3A_526 = arith.addi %mul3A_493, %add3A_525 : i32
      %swap3A_527 = arith.index_cast %shift_right_arithmetic3A_489 : i32 to index
      %swap3A_528 = arith.index_cast %add3A_526 : i32 to index
      %swap3A_529 = tpu.vector_load %arg20[%swap3A_527, %swap3A_528] {strides = array<i32>} : memref<64x128xf32, #tpu.memory_space<vmem>>, vector<16xf32>,
      tpu.vector_store %arg20[%swap3A_527, %swap3A_528], %gather3A_524 {strides = array<i32>} : memref<64x128xf32, #tpu.memory_space<vmem>>, vector<16xf32>,
      %add3A_530 = arith.constant 8 : i32
      %add3A_531 = arith.addi %add3A_470, %add3A_530 : i32
      %lt3A_532 = arith.constant 128 : i32
      %lt3A_533 = arith.cmpi slt, %add3A_531, %lt3A_532 : i32
      %convert_element_type3A_534 = arith.extui %lt3A_533 : i1 to i32
      %cond3A_535 = arith.constant 0 : i32
      %cond3A_536 = arith.cmpi ne, %convert_element_type3A_534, %cond3A_535 : i32
      scf.if %cond3A_536 {
        %add3A_888 = arith.constant 8 : i32
        %add3A_889 = arith.addi %add3A_470, %add3A_888 : i32
        %get3A_890 = arith.index_cast %add3A_889 : i32 to index
        %get3A_891 = tpu.vector_load %arg11[%get3A_890] {strides = array<i32>} : memref<144xi32, #tpu.memory_space<vmem>>, vector<16xi32>,
        %slice3A_892 = vector.extract_strided_slice %get3A_891 {offsets = [0], sizes = [1], strides = [1]} : vector<16xi32> to vector<1xi32>
        %squeeze3A_893 = vector.extract %slice3A_892[0] : i32 from vector<1xi32>
        %shift_right_arithmetic3A_894 = arith.constant 7 : i32
        %shift_right_arithmetic3A_895 = arith.shrsi %squeeze3A_893, %shift_right_arithmetic3A_894 : i32
        %shift_left3A_896 = arith.constant 7 : i32
        %shift_left3A_897 = arith.shli %shift_right_arithmetic3A_895, %shift_left3A_896 : i32
        %multiple_of3A_898 = tpu.assume_multiple %shift_left3A_897, 128 : i32
        %dma_start3A_899 = arith.constant 0 : i32
        %dma_start3A_900 = tpu.memref_slice %arg6[%dma_start3A_899, %multiple_of3A_898] : memref<64x1000000xf32, #tpu.memory_space<hbm>> -> memref<64x128xf32, #tpu.memory_space<hbm>>
        %dma_start3A_901 = arith.constant 0 : i32
        %dma_start3A_902 = tpu.memref_slice %arg6[%dma_start3A_901, %multiple_of3A_898] : memref<64x1000000xf32, #tpu.memory_space<hbm>> -> memref<64x128xf32, #tpu.memory_space<hbm>>
        tpu.enqueue_dma source(%dma_start3A_902 : memref<64x128xf32, #tpu.memory_space<hbm>>) target(%arg14 : memref<64x128xf32, #tpu.memory_space<vmem>>) target_semaphore(%arg23 : memref<!tpu.dma_semaphore, #tpu.memory_space<semaphore_mem>>)
      } else {
      }
      %mul3A_537 = arith.constant 8 : i32
      %mul3A_538 = arith.muli %scan3A_334, %mul3A_537 : i32
      %add3A_539 = arith.constant 3 : i32
      %add3A_540 = arith.addi %mul3A_538, %add3A_539 : i32
      %dma_wait3A_541 = arith.constant 0 : i32
      %dma_wait3A_542 = arith.constant 0 : i32
      %dma_wait3A_543 = tpu.memref_slice %arg6[%dma_wait3A_541, %dma_wait3A_542] : memref<64x1000000xf32, #tpu.memory_space<hbm>> -> memref<64x128xf32, #tpu.memory_space<hbm>>
      %dma_wait3A_544 = arith.constant 0 : i32
      %dma_wait3A_545 = arith.constant 0 : i32
      %dma_wait3A_546 = tpu.memref_slice %arg6[%dma_wait3A_544, %dma_wait3A_545] : memref<64x1000000xf32, #tpu.memory_space<hbm>> -> memref<64x128xf32, #tpu.memory_space<hbm>>
      tpu.wait_dma2 semaphore(%arg24 : memref<!tpu.dma_semaphore, #tpu.memory_space<semaphore_mem>>) src(%dma_wait3A_546 : memref<64x128xf32, #tpu.memory_space<hbm>>) dst(%arg15 : memref<64x128xf32, #tpu.memory_space<vmem>>)
      %get3A_547 = arith.index_cast %add3A_540 : i32 to index
      %get3A_548 = tpu.vector_load %arg11[%get3A_547] {strides = array<i32>} : memref<144xi32, #tpu.memory_space<vmem>>, vector<16xi32>,
      %slice3A_549 = vector.extract_strided_slice %get3A_548 {offsets = [0], sizes = [1], strides = [1]} : vector<16xi32> to vector<1xi32>
      %squeeze3A_550 = vector.extract %slice3A_549[0] : i32 from vector<1xi32>
      %shift_right_arithmetic3A_551 = arith.constant 7 : i32
      %shift_right_arithmetic3A_552 = arith.shrsi %squeeze3A_550, %shift_right_arithmetic3A_551 : i32
      %shift_left3A_553 = arith.constant 7 : i32
      %shift_left3A_554 = arith.shli %shift_right_arithmetic3A_552, %shift_left3A_553 : i32
      %multiple_of3A_555 = tpu.assume_multiple %shift_left3A_554, 128 : i32
      %sub3A_556 = arith.subi %squeeze3A_550, %multiple_of3A_555 : i32
      %broadcast_in_dim3A_557 = vector.broadcast %sub3A_556 : i32 to vector<16xi32>
      %shift_right_arithmetic3A_558 = arith.constant 1 : i32
      %shift_right_arithmetic3A_559 = arith.shrsi %add3A_540, %shift_right_arithmetic3A_558 : i32
      %and3A_560 = arith.constant 1 : i32
      %and3A_561 = arith.andi %add3A_540, %and3A_560 : i32
      %mul3A_562 = arith.constant 64 : i32
      %mul3A_563 = arith.muli %and3A_561, %mul3A_562 : i32
      %add3A_564 = arith.constant 0 : i32
      %add3A_565 = vector.broadcast %add3A_564 : i32 to vector<16xi32>
      %add3A_566 = arith.addi %iota3A, %add3A_565 : vector<16xi32>
      %gather3A_567 = tpu.vector_load_idx %arg15[%add3A_566, %broadcast_in_dim3A_557] : memref<64x128xf32, #tpu.memory_space<vmem>>[vector<16xi32>, vector<16xi32>], vector<16xf32>,
      %add3A_568 = arith.constant 0 : i32
      %add3A_569 = arith.addi %mul3A_563, %add3A_568 : i32
      %swap3A_570 = arith.index_cast %shift_right_arithmetic3A_559 : i32 to index
      %swap3A_571 = arith.index_cast %add3A_569 : i32 to index
      %swap3A_572 = tpu.vector_load %arg20[%swap3A_570, %swap3A_571] {strides = array<i32>} : memref<64x128xf32, #tpu.memory_space<vmem>>, vector<16xf32>,
      tpu.vector_store %arg20[%swap3A_570, %swap3A_571], %gather3A_567 {strides = array<i32>} : memref<64x128xf32, #tpu.memory_space<vmem>>, vector<16xf32>,
      %add3A_573 = arith.constant 16 : i32
      %add3A_574 = vector.broadcast %add3A_573 : i32 to vector<16xi32>
      %add3A_575 = arith.addi %iota3A, %add3A_574 : vector<16xi32>
      %gather3A_576 = tpu.vector_load_idx %arg15[%add3A_575, %broadcast_in_dim3A_557] : memref<64x128xf32, #tpu.memory_space<vmem>>[vector<16xi32>, vector<16xi32>], vector<16xf32>,
      %add3A_577 = arith.constant 16 : i32
      %add3A_578 = arith.addi %mul3A_563, %add3A_577 : i32
      %swap3A_579 = arith.index_cast %shift_right_arithmetic3A_559 : i32 to index
      %swap3A_580 = arith.index_cast %add3A_578 : i32 to index
      %swap3A_581 = tpu.vector_load %arg20[%swap3A_579, %swap3A_580] {strides = array<i32>} : memref<64x128xf32, #tpu.memory_space<vmem>>, vector<16xf32>,
      tpu.vector_store %arg20[%swap3A_579, %swap3A_580], %gather3A_576 {strides = array<i32>} : memref<64x128xf32, #tpu.memory_space<vmem>>, vector<16xf32>,
      %add3A_582 = arith.constant 32 : i32
      %add3A_583 = vector.broadcast %add3A_582 : i32 to vector<16xi32>
      %add3A_584 = arith.addi %iota3A, %add3A_583 : vector<16xi32>
      %gather3A_585 = tpu.vector_load_idx %arg15[%add3A_584, %broadcast_in_dim3A_557] : memref<64x128xf32, #tpu.memory_space<vmem>>[vector<16xi32>, vector<16xi32>], vector<16xf32>,
      %add3A_586 = arith.constant 32 : i32
      %add3A_587 = arith.addi %mul3A_563, %add3A_586 : i32
      %swap3A_588 = arith.index_cast %shift_right_arithmetic3A_559 : i32 to index
      %swap3A_589 = arith.index_cast %add3A_587 : i32 to index
      %swap3A_590 = tpu.vector_load %arg20[%swap3A_588, %swap3A_589] {strides = array<i32>} : memref<64x128xf32, #tpu.memory_space<vmem>>, vector<16xf32>,
      tpu.vector_store %arg20[%swap3A_588, %swap3A_589], %gather3A_585 {strides = array<i32>} : memref<64x128xf32, #tpu.memory_space<vmem>>, vector<16xf32>,
      %add3A_591 = arith.constant 48 : i32
      %add3A_592 = vector.broadcast %add3A_591 : i32 to vector<16xi32>
      %add3A_593 = arith.addi %iota3A, %add3A_592 : vector<16xi32>
      %gather3A_594 = tpu.vector_load_idx %arg15[%add3A_593, %broadcast_in_dim3A_557] : memref<64x128xf32, #tpu.memory_space<vmem>>[vector<16xi32>, vector<16xi32>], vector<16xf32>,
      %add3A_595 = arith.constant 48 : i32
      %add3A_596 = arith.addi %mul3A_563, %add3A_595 : i32
      %swap3A_597 = arith.index_cast %shift_right_arithmetic3A_559 : i32 to index
      %swap3A_598 = arith.index_cast %add3A_596 : i32 to index
      %swap3A_599 = tpu.vector_load %arg20[%swap3A_597, %swap3A_598] {strides = array<i32>} : memref<64x128xf32, #tpu.memory_space<vmem>>, vector<16xf32>,
      tpu.vector_store %arg20[%swap3A_597, %swap3A_598], %gather3A_594 {strides = array<i32>} : memref<64x128xf32, #tpu.memory_space<vmem>>, vector<16xf32>,
      %add3A_600 = arith.constant 8 : i32
      %add3A_601 = arith.addi %add3A_540, %add3A_600 : i32
      %lt3A_602 = arith.constant 128 : i32
      %lt3A_603 = arith.cmpi slt, %add3A_601, %lt3A_602 : i32
      %convert_element_type3A_604 = arith.extui %lt3A_603 : i1 to i32
      %cond3A_605 = arith.constant 0 : i32
      %cond3A_606 = arith.cmpi ne, %convert_element_type3A_604, %cond3A_605 : i32
      scf.if %cond3A_606 {
        %add3A_888 = arith.constant 8 : i32
        %add3A_889 = arith.addi %add3A_540, %add3A_888 : i32
        %get3A_890 = arith.index_cast %add3A_889 : i32 to index
        %get3A_891 = tpu.vector_load %arg11[%get3A_890] {strides = array<i32>} : memref<144xi32, #tpu.memory_space<vmem>>, vector<16xi32>,
        %slice3A_892 = vector.extract_strided_slice %get3A_891 {offsets = [0], sizes = [1], strides = [1]} : vector<16xi32> to vector<1xi32>
        %squeeze3A_893 = vector.extract %slice3A_892[0] : i32 from vector<1xi32>
        %shift_right_arithmetic3A_894 = arith.constant 7 : i32
        %shift_right_arithmetic3A_895 = arith.shrsi %squeeze3A_893, %shift_right_arithmetic3A_894 : i32
        %shift_left3A_896 = arith.constant 7 : i32
        %shift_left3A_897 = arith.shli %shift_right_arithmetic3A_895, %shift_left3A_896 : i32
        %multiple_of3A_898 = tpu.assume_multiple %shift_left3A_897, 128 : i32
        %dma_start3A_899 = arith.constant 0 : i32
        %dma_start3A_900 = tpu.memref_slice %arg6[%dma_start3A_899, %multiple_of3A_898] : memref<64x1000000xf32, #tpu.memory_space<hbm>> -> memref<64x128xf32, #tpu.memory_space<hbm>>
        %dma_start3A_901 = arith.constant 0 : i32
        %dma_start3A_902 = tpu.memref_slice %arg6[%dma_start3A_901, %multiple_of3A_898] : memref<64x1000000xf32, #tpu.memory_space<hbm>> -> memref<64x128xf32, #tpu.memory_space<hbm>>
        tpu.enqueue_dma source(%dma_start3A_902 : memref<64x128xf32, #tpu.memory_space<hbm>>) target(%arg15 : memref<64x128xf32, #tpu.memory_space<vmem>>) target_semaphore(%arg24 : memref<!tpu.dma_semaphore, #tpu.memory_space<semaphore_mem>>)
      } else {
      }
      %mul3A_607 = arith.constant 8 : i32
      %mul3A_608 = arith.muli %scan3A_334, %mul3A_607 : i32
      %add3A_609 = arith.constant 4 : i32
      %add3A_610 = arith.addi %mul3A_608, %add3A_609 : i32
      %dma_wait3A_611 = arith.constant 0 : i32
      %dma_wait3A_612 = arith.constant 0 : i32
      %dma_wait3A_613 = tpu.memref_slice %arg6[%dma_wait3A_611, %dma_wait3A_612] : memref<64x1000000xf32, #tpu.memory_space<hbm>> -> memref<64x128xf32, #tpu.memory_space<hbm>>
      %dma_wait3A_614 = arith.constant 0 : i32
      %dma_wait3A_615 = arith.constant 0 : i32
      %dma_wait3A_616 = tpu.memref_slice %arg6[%dma_wait3A_614, %dma_wait3A_615] : memref<64x1000000xf32, #tpu.memory_space<hbm>> -> memref<64x128xf32, #tpu.memory_space<hbm>>
      tpu.wait_dma2 semaphore(%arg25 : memref<!tpu.dma_semaphore, #tpu.memory_space<semaphore_mem>>) src(%dma_wait3A_616 : memref<64x128xf32, #tpu.memory_space<hbm>>) dst(%arg16 : memref<64x128xf32, #tpu.memory_space<vmem>>)
      %get3A_617 = arith.index_cast %add3A_610 : i32 to index
      %get3A_618 = tpu.vector_load %arg11[%get3A_617] {strides = array<i32>} : memref<144xi32, #tpu.memory_space<vmem>>, vector<16xi32>,
      %slice3A_619 = vector.extract_strided_slice %get3A_618 {offsets = [0], sizes = [1], strides = [1]} : vector<16xi32> to vector<1xi32>
      %squeeze3A_620 = vector.extract %slice3A_619[0] : i32 from vector<1xi32>
      %shift_right_arithmetic3A_621 = arith.constant 7 : i32
      %shift_right_arithmetic3A_622 = arith.shrsi %squeeze3A_620, %shift_right_arithmetic3A_621 : i32
      %shift_left3A_623 = arith.constant 7 : i32
      %shift_left3A_624 = arith.shli %shift_right_arithmetic3A_622, %shift_left3A_623 : i32
      %multiple_of3A_625 = tpu.assume_multiple %shift_left3A_624, 128 : i32
      %sub3A_626 = arith.subi %squeeze3A_620, %multiple_of3A_625 : i32
      %broadcast_in_dim3A_627 = vector.broadcast %sub3A_626 : i32 to vector<16xi32>
      %shift_right_arithmetic3A_628 = arith.constant 1 : i32
      %shift_right_arithmetic3A_629 = arith.shrsi %add3A_610, %shift_right_arithmetic3A_628 : i32
      %and3A_630 = arith.constant 1 : i32
      %and3A_631 = arith.andi %add3A_610, %and3A_630 : i32
      %mul3A_632 = arith.constant 64 : i32
      %mul3A_633 = arith.muli %and3A_631, %mul3A_632 : i32
      %add3A_634 = arith.constant 0 : i32
      %add3A_635 = vector.broadcast %add3A_634 : i32 to vector<16xi32>
      %add3A_636 = arith.addi %iota3A, %add3A_635 : vector<16xi32>
      %gather3A_637 = tpu.vector_load_idx %arg16[%add3A_636, %broadcast_in_dim3A_627] : memref<64x128xf32, #tpu.memory_space<vmem>>[vector<16xi32>, vector<16xi32>], vector<16xf32>,
      %add3A_638 = arith.constant 0 : i32
      %add3A_639 = arith.addi %mul3A_633, %add3A_638 : i32
      %swap3A_640 = arith.index_cast %shift_right_arithmetic3A_629 : i32 to index
      %swap3A_641 = arith.index_cast %add3A_639 : i32 to index
      %swap3A_642 = tpu.vector_load %arg20[%swap3A_640, %swap3A_641] {strides = array<i32>} : memref<64x128xf32, #tpu.memory_space<vmem>>, vector<16xf32>,
      tpu.vector_store %arg20[%swap3A_640, %swap3A_641], %gather3A_637 {strides = array<i32>} : memref<64x128xf32, #tpu.memory_space<vmem>>, vector<16xf32>,
      %add3A_643 = arith.constant 16 : i32
      %add3A_644 = vector.broadcast %add3A_643 : i32 to vector<16xi32>
      %add3A_645 = arith.addi %iota3A, %add3A_644 : vector<16xi32>
      %gather3A_646 = tpu.vector_load_idx %arg16[%add3A_645, %broadcast_in_dim3A_627] : memref<64x128xf32, #tpu.memory_space<vmem>>[vector<16xi32>, vector<16xi32>], vector<16xf32>,
      %add3A_647 = arith.constant 16 : i32
      %add3A_648 = arith.addi %mul3A_633, %add3A_647 : i32
      %swap3A_649 = arith.index_cast %shift_right_arithmetic3A_629 : i32 to index
      %swap3A_650 = arith.index_cast %add3A_648 : i32 to index
      %swap3A_651 = tpu.vector_load %arg20[%swap3A_649, %swap3A_650] {strides = array<i32>} : memref<64x128xf32, #tpu.memory_space<vmem>>, vector<16xf32>,
      tpu.vector_store %arg20[%swap3A_649, %swap3A_650], %gather3A_646 {strides = array<i32>} : memref<64x128xf32, #tpu.memory_space<vmem>>, vector<16xf32>,
      %add3A_652 = arith.constant 32 : i32
      %add3A_653 = vector.broadcast %add3A_652 : i32 to vector<16xi32>
      %add3A_654 = arith.addi %iota3A, %add3A_653 : vector<16xi32>
      %gather3A_655 = tpu.vector_load_idx %arg16[%add3A_654, %broadcast_in_dim3A_627] : memref<64x128xf32, #tpu.memory_space<vmem>>[vector<16xi32>, vector<16xi32>], vector<16xf32>,
      %add3A_656 = arith.constant 32 : i32
      %add3A_657 = arith.addi %mul3A_633, %add3A_656 : i32
      %swap3A_658 = arith.index_cast %shift_right_arithmetic3A_629 : i32 to index
      %swap3A_659 = arith.index_cast %add3A_657 : i32 to index
      %swap3A_660 = tpu.vector_load %arg20[%swap3A_658, %swap3A_659] {strides = array<i32>} : memref<64x128xf32, #tpu.memory_space<vmem>>, vector<16xf32>,
      tpu.vector_store %arg20[%swap3A_658, %swap3A_659], %gather3A_655 {strides = array<i32>} : memref<64x128xf32, #tpu.memory_space<vmem>>, vector<16xf32>,
      %add3A_661 = arith.constant 48 : i32
      %add3A_662 = vector.broadcast %add3A_661 : i32 to vector<16xi32>
      %add3A_663 = arith.addi %iota3A, %add3A_662 : vector<16xi32>
      %gather3A_664 = tpu.vector_load_idx %arg16[%add3A_663, %broadcast_in_dim3A_627] : memref<64x128xf32, #tpu.memory_space<vmem>>[vector<16xi32>, vector<16xi32>], vector<16xf32>,
      %add3A_665 = arith.constant 48 : i32
      %add3A_666 = arith.addi %mul3A_633, %add3A_665 : i32
      %swap3A_667 = arith.index_cast %shift_right_arithmetic3A_629 : i32 to index
      %swap3A_668 = arith.index_cast %add3A_666 : i32 to index
      %swap3A_669 = tpu.vector_load %arg20[%swap3A_667, %swap3A_668] {strides = array<i32>} : memref<64x128xf32, #tpu.memory_space<vmem>>, vector<16xf32>,
      tpu.vector_store %arg20[%swap3A_667, %swap3A_668], %gather3A_664 {strides = array<i32>} : memref<64x128xf32, #tpu.memory_space<vmem>>, vector<16xf32>,
      %add3A_670 = arith.constant 8 : i32
      %add3A_671 = arith.addi %add3A_610, %add3A_670 : i32
      %lt3A_672 = arith.constant 128 : i32
      %lt3A_673 = arith.cmpi slt, %add3A_671, %lt3A_672 : i32
      %convert_element_type3A_674 = arith.extui %lt3A_673 : i1 to i32
      %cond3A_675 = arith.constant 0 : i32
      %cond3A_676 = arith.cmpi ne, %convert_element_type3A_674, %cond3A_675 : i32
      scf.if %cond3A_676 {
        %add3A_888 = arith.constant 8 : i32
        %add3A_889 = arith.addi %add3A_610, %add3A_888 : i32
        %get3A_890 = arith.index_cast %add3A_889 : i32 to index
        %get3A_891 = tpu.vector_load %arg11[%get3A_890] {strides = array<i32>} : memref<144xi32, #tpu.memory_space<vmem>>, vector<16xi32>,
        %slice3A_892 = vector.extract_strided_slice %get3A_891 {offsets = [0], sizes = [1], strides = [1]} : vector<16xi32> to vector<1xi32>
        %squeeze3A_893 = vector.extract %slice3A_892[0] : i32 from vector<1xi32>
        %shift_right_arithmetic3A_894 = arith.constant 7 : i32
        %shift_right_arithmetic3A_895 = arith.shrsi %squeeze3A_893, %shift_right_arithmetic3A_894 : i32
        %shift_left3A_896 = arith.constant 7 : i32
        %shift_left3A_897 = arith.shli %shift_right_arithmetic3A_895, %shift_left3A_896 : i32
        %multiple_of3A_898 = tpu.assume_multiple %shift_left3A_897, 128 : i32
        %dma_start3A_899 = arith.constant 0 : i32
        %dma_start3A_900 = tpu.memref_slice %arg6[%dma_start3A_899, %multiple_of3A_898] : memref<64x1000000xf32, #tpu.memory_space<hbm>> -> memref<64x128xf32, #tpu.memory_space<hbm>>
        %dma_start3A_901 = arith.constant 0 : i32
        %dma_start3A_902 = tpu.memref_slice %arg6[%dma_start3A_901, %multiple_of3A_898] : memref<64x1000000xf32, #tpu.memory_space<hbm>> -> memref<64x128xf32, #tpu.memory_space<hbm>>
        tpu.enqueue_dma source(%dma_start3A_902 : memref<64x128xf32, #tpu.memory_space<hbm>>) target(%arg16 : memref<64x128xf32, #tpu.memory_space<vmem>>) target_semaphore(%arg25 : memref<!tpu.dma_semaphore, #tpu.memory_space<semaphore_mem>>)
      } else {
      }
      %mul3A_677 = arith.constant 8 : i32
      %mul3A_678 = arith.muli %scan3A_334, %mul3A_677 : i32
      %add3A_679 = arith.constant 5 : i32
      %add3A_680 = arith.addi %mul3A_678, %add3A_679 : i32
      %dma_wait3A_681 = arith.constant 0 : i32
      %dma_wait3A_682 = arith.constant 0 : i32
      %dma_wait3A_683 = tpu.memref_slice %arg6[%dma_wait3A_681, %dma_wait3A_682] : memref<64x1000000xf32, #tpu.memory_space<hbm>> -> memref<64x128xf32, #tpu.memory_space<hbm>>
      %dma_wait3A_684 = arith.constant 0 : i32
      %dma_wait3A_685 = arith.constant 0 : i32
      %dma_wait3A_686 = tpu.memref_slice %arg6[%dma_wait3A_684, %dma_wait3A_685] : memref<64x1000000xf32, #tpu.memory_space<hbm>> -> memref<64x128xf32, #tpu.memory_space<hbm>>
      tpu.wait_dma2 semaphore(%arg26 : memref<!tpu.dma_semaphore, #tpu.memory_space<semaphore_mem>>) src(%dma_wait3A_686 : memref<64x128xf32, #tpu.memory_space<hbm>>) dst(%arg17 : memref<64x128xf32, #tpu.memory_space<vmem>>)
      %get3A_687 = arith.index_cast %add3A_680 : i32 to index
      %get3A_688 = tpu.vector_load %arg11[%get3A_687] {strides = array<i32>} : memref<144xi32, #tpu.memory_space<vmem>>, vector<16xi32>,
      %slice3A_689 = vector.extract_strided_slice %get3A_688 {offsets = [0], sizes = [1], strides = [1]} : vector<16xi32> to vector<1xi32>
      %squeeze3A_690 = vector.extract %slice3A_689[0] : i32 from vector<1xi32>
      %shift_right_arithmetic3A_691 = arith.constant 7 : i32
      %shift_right_arithmetic3A_692 = arith.shrsi %squeeze3A_690, %shift_right_arithmetic3A_691 : i32
      %shift_left3A_693 = arith.constant 7 : i32
      %shift_left3A_694 = arith.shli %shift_right_arithmetic3A_692, %shift_left3A_693 : i32
      %multiple_of3A_695 = tpu.assume_multiple %shift_left3A_694, 128 : i32
      %sub3A_696 = arith.subi %squeeze3A_690, %multiple_of3A_695 : i32
      %broadcast_in_dim3A_697 = vector.broadcast %sub3A_696 : i32 to vector<16xi32>
      %shift_right_arithmetic3A_698 = arith.constant 1 : i32
      %shift_right_arithmetic3A_699 = arith.shrsi %add3A_680, %shift_right_arithmetic3A_698 : i32
      %and3A_700 = arith.constant 1 : i32
      %and3A_701 = arith.andi %add3A_680, %and3A_700 : i32
      %mul3A_702 = arith.constant 64 : i32
      %mul3A_703 = arith.muli %and3A_701, %mul3A_702 : i32
      %add3A_704 = arith.constant 0 : i32
      %add3A_705 = vector.broadcast %add3A_704 : i32 to vector<16xi32>
      %add3A_706 = arith.addi %iota3A, %add3A_705 : vector<16xi32>
      %gather3A_707 = tpu.vector_load_idx %arg17[%add3A_706, %broadcast_in_dim3A_697] : memref<64x128xf32, #tpu.memory_space<vmem>>[vector<16xi32>, vector<16xi32>], vector<16xf32>,
      %add3A_708 = arith.constant 0 : i32
      %add3A_709 = arith.addi %mul3A_703, %add3A_708 : i32
      %swap3A_710 = arith.index_cast %shift_right_arithmetic3A_699 : i32 to index
      %swap3A_711 = arith.index_cast %add3A_709 : i32 to index
      %swap3A_712 = tpu.vector_load %arg20[%swap3A_710, %swap3A_711] {strides = array<i32>} : memref<64x128xf32, #tpu.memory_space<vmem>>, vector<16xf32>,
      tpu.vector_store %arg20[%swap3A_710, %swap3A_711], %gather3A_707 {strides = array<i32>} : memref<64x128xf32, #tpu.memory_space<vmem>>, vector<16xf32>,
      %add3A_713 = arith.constant 16 : i32
      %add3A_714 = vector.broadcast %add3A_713 : i32 to vector<16xi32>
      %add3A_715 = arith.addi %iota3A, %add3A_714 : vector<16xi32>
      %gather3A_716 = tpu.vector_load_idx %arg17[%add3A_715, %broadcast_in_dim3A_697] : memref<64x128xf32, #tpu.memory_space<vmem>>[vector<16xi32>, vector<16xi32>], vector<16xf32>,
      %add3A_717 = arith.constant 16 : i32
      %add3A_718 = arith.addi %mul3A_703, %add3A_717 : i32
      %swap3A_719 = arith.index_cast %shift_right_arithmetic3A_699 : i32 to index
      %swap3A_720 = arith.index_cast %add3A_718 : i32 to index
      %swap3A_721 = tpu.vector_load %arg20[%swap3A_719, %swap3A_720] {strides = array<i32>} : memref<64x128xf32, #tpu.memory_space<vmem>>, vector<16xf32>,
      tpu.vector_store %arg20[%swap3A_719, %swap3A_720], %gather3A_716 {strides = array<i32>} : memref<64x128xf32, #tpu.memory_space<vmem>>, vector<16xf32>,
      %add3A_722 = arith.constant 32 : i32
      %add3A_723 = vector.broadcast %add3A_722 : i32 to vector<16xi32>
      %add3A_724 = arith.addi %iota3A, %add3A_723 : vector<16xi32>
      %gather3A_725 = tpu.vector_load_idx %arg17[%add3A_724, %broadcast_in_dim3A_697] : memref<64x128xf32, #tpu.memory_space<vmem>>[vector<16xi32>, vector<16xi32>], vector<16xf32>,
      %add3A_726 = arith.constant 32 : i32
      %add3A_727 = arith.addi %mul3A_703, %add3A_726 : i32
      %swap3A_728 = arith.index_cast %shift_right_arithmetic3A_699 : i32 to index
      %swap3A_729 = arith.index_cast %add3A_727 : i32 to index
      %swap3A_730 = tpu.vector_load %arg20[%swap3A_728, %swap3A_729] {strides = array<i32>} : memref<64x128xf32, #tpu.memory_space<vmem>>, vector<16xf32>,
      tpu.vector_store %arg20[%swap3A_728, %swap3A_729], %gather3A_725 {strides = array<i32>} : memref<64x128xf32, #tpu.memory_space<vmem>>, vector<16xf32>,
      %add3A_731 = arith.constant 48 : i32
      %add3A_732 = vector.broadcast %add3A_731 : i32 to vector<16xi32>
      %add3A_733 = arith.addi %iota3A, %add3A_732 : vector<16xi32>
      %gather3A_734 = tpu.vector_load_idx %arg17[%add3A_733, %broadcast_in_dim3A_697] : memref<64x128xf32, #tpu.memory_space<vmem>>[vector<16xi32>, vector<16xi32>], vector<16xf32>,
      %add3A_735 = arith.constant 48 : i32
      %add3A_736 = arith.addi %mul3A_703, %add3A_735 : i32
      %swap3A_737 = arith.index_cast %shift_right_arithmetic3A_699 : i32 to index
      %swap3A_738 = arith.index_cast %add3A_736 : i32 to index
      %swap3A_739 = tpu.vector_load %arg20[%swap3A_737, %swap3A_738] {strides = array<i32>} : memref<64x128xf32, #tpu.memory_space<vmem>>, vector<16xf32>,
      tpu.vector_store %arg20[%swap3A_737, %swap3A_738], %gather3A_734 {strides = array<i32>} : memref<64x128xf32, #tpu.memory_space<vmem>>, vector<16xf32>,
      %add3A_740 = arith.constant 8 : i32
      %add3A_741 = arith.addi %add3A_680, %add3A_740 : i32
      %lt3A_742 = arith.constant 128 : i32
      %lt3A_743 = arith.cmpi slt, %add3A_741, %lt3A_742 : i32
      %convert_element_type3A_744 = arith.extui %lt3A_743 : i1 to i32
      %cond3A_745 = arith.constant 0 : i32
      %cond3A_746 = arith.cmpi ne, %convert_element_type3A_744, %cond3A_745 : i32
      scf.if %cond3A_746 {
        %add3A_888 = arith.constant 8 : i32
        %add3A_889 = arith.addi %add3A_680, %add3A_888 : i32
        %get3A_890 = arith.index_cast %add3A_889 : i32 to index
        %get3A_891 = tpu.vector_load %arg11[%get3A_890] {strides = array<i32>} : memref<144xi32, #tpu.memory_space<vmem>>, vector<16xi32>,
        %slice3A_892 = vector.extract_strided_slice %get3A_891 {offsets = [0], sizes = [1], strides = [1]} : vector<16xi32> to vector<1xi32>
        %squeeze3A_893 = vector.extract %slice3A_892[0] : i32 from vector<1xi32>
        %shift_right_arithmetic3A_894 = arith.constant 7 : i32
        %shift_right_arithmetic3A_895 = arith.shrsi %squeeze3A_893, %shift_right_arithmetic3A_894 : i32
        %shift_left3A_896 = arith.constant 7 : i32
        %shift_left3A_897 = arith.shli %shift_right_arithmetic3A_895, %shift_left3A_896 : i32
        %multiple_of3A_898 = tpu.assume_multiple %shift_left3A_897, 128 : i32
        %dma_start3A_899 = arith.constant 0 : i32
        %dma_start3A_900 = tpu.memref_slice %arg6[%dma_start3A_899, %multiple_of3A_898] : memref<64x1000000xf32, #tpu.memory_space<hbm>> -> memref<64x128xf32, #tpu.memory_space<hbm>>
        %dma_start3A_901 = arith.constant 0 : i32
        %dma_start3A_902 = tpu.memref_slice %arg6[%dma_start3A_901, %multiple_of3A_898] : memref<64x1000000xf32, #tpu.memory_space<hbm>> -> memref<64x128xf32, #tpu.memory_space<hbm>>
        tpu.enqueue_dma source(%dma_start3A_902 : memref<64x128xf32, #tpu.memory_space<hbm>>) target(%arg17 : memref<64x128xf32, #tpu.memory_space<vmem>>) target_semaphore(%arg26 : memref<!tpu.dma_semaphore, #tpu.memory_space<semaphore_mem>>)
      } else {
      }
      %mul3A_747 = arith.constant 8 : i32
      %mul3A_748 = arith.muli %scan3A_334, %mul3A_747 : i32
      %add3A_749 = arith.constant 6 : i32
      %add3A_750 = arith.addi %mul3A_748, %add3A_749 : i32
      %dma_wait3A_751 = arith.constant 0 : i32
      %dma_wait3A_752 = arith.constant 0 : i32
      %dma_wait3A_753 = tpu.memref_slice %arg6[%dma_wait3A_751, %dma_wait3A_752] : memref<64x1000000xf32, #tpu.memory_space<hbm>> -> memref<64x128xf32, #tpu.memory_space<hbm>>
      %dma_wait3A_754 = arith.constant 0 : i32
      %dma_wait3A_755 = arith.constant 0 : i32
      %dma_wait3A_756 = tpu.memref_slice %arg6[%dma_wait3A_754, %dma_wait3A_755] : memref<64x1000000xf32, #tpu.memory_space<hbm>> -> memref<64x128xf32, #tpu.memory_space<hbm>>
      tpu.wait_dma2 semaphore(%arg27 : memref<!tpu.dma_semaphore, #tpu.memory_space<semaphore_mem>>) src(%dma_wait3A_756 : memref<64x128xf32, #tpu.memory_space<hbm>>) dst(%arg18 : memref<64x128xf32, #tpu.memory_space<vmem>>)
      %get3A_757 = arith.index_cast %add3A_750 : i32 to index
      %get3A_758 = tpu.vector_load %arg11[%get3A_757] {strides = array<i32>} : memref<144xi32, #tpu.memory_space<vmem>>, vector<16xi32>,
      %slice3A_759 = vector.extract_strided_slice %get3A_758 {offsets = [0], sizes = [1], strides = [1]} : vector<16xi32> to vector<1xi32>
      %squeeze3A_760 = vector.extract %slice3A_759[0] : i32 from vector<1xi32>
      %shift_right_arithmetic3A_761 = arith.constant 7 : i32
      %shift_right_arithmetic3A_762 = arith.shrsi %squeeze3A_760, %shift_right_arithmetic3A_761 : i32
      %shift_left3A_763 = arith.constant 7 : i32
      %shift_left3A_764 = arith.shli %shift_right_arithmetic3A_762, %shift_left3A_763 : i32
      %multiple_of3A_765 = tpu.assume_multiple %shift_left3A_764, 128 : i32
      %sub3A_766 = arith.subi %squeeze3A_760, %multiple_of3A_765 : i32
      %broadcast_in_dim3A_767 = vector.broadcast %sub3A_766 : i32 to vector<16xi32>
      %shift_right_arithmetic3A_768 = arith.constant 1 : i32
      %shift_right_arithmetic3A_769 = arith.shrsi %add3A_750, %shift_right_arithmetic3A_768 : i32
      %and3A_770 = arith.constant 1 : i32
      %and3A_771 = arith.andi %add3A_750, %and3A_770 : i32
      %mul3A_772 = arith.constant 64 : i32
      %mul3A_773 = arith.muli %and3A_771, %mul3A_772 : i32
      %add3A_774 = arith.constant 0 : i32
      %add3A_775 = vector.broadcast %add3A_774 : i32 to vector<16xi32>
      %add3A_776 = arith.addi %iota3A, %add3A_775 : vector<16xi32>
      %gather3A_777 = tpu.vector_load_idx %arg18[%add3A_776, %broadcast_in_dim3A_767] : memref<64x128xf32, #tpu.memory_space<vmem>>[vector<16xi32>, vector<16xi32>], vector<16xf32>,
      %add3A_778 = arith.constant 0 : i32
      %add3A_779 = arith.addi %mul3A_773, %add3A_778 : i32
      %swap3A_780 = arith.index_cast %shift_right_arithmetic3A_769 : i32 to index
      %swap3A_781 = arith.index_cast %add3A_779 : i32 to index
      %swap3A_782 = tpu.vector_load %arg20[%swap3A_780, %swap3A_781] {strides = array<i32>} : memref<64x128xf32, #tpu.memory_space<vmem>>, vector<16xf32>,
      tpu.vector_store %arg20[%swap3A_780, %swap3A_781], %gather3A_777 {strides = array<i32>} : memref<64x128xf32, #tpu.memory_space<vmem>>, vector<16xf32>,
      %add3A_783 = arith.constant 16 : i32
      %add3A_784 = vector.broadcast %add3A_783 : i32 to vector<16xi32>
      %add3A_785 = arith.addi %iota3A, %add3A_784 : vector<16xi32>
      %gather3A_786 = tpu.vector_load_idx %arg18[%add3A_785, %broadcast_in_dim3A_767] : memref<64x128xf32, #tpu.memory_space<vmem>>[vector<16xi32>, vector<16xi32>], vector<16xf32>,
      %add3A_787 = arith.constant 16 : i32
      %add3A_788 = arith.addi %mul3A_773, %add3A_787 : i32
      %swap3A_789 = arith.index_cast %shift_right_arithmetic3A_769 : i32 to index
      %swap3A_790 = arith.index_cast %add3A_788 : i32 to index
      %swap3A_791 = tpu.vector_load %arg20[%swap3A_789, %swap3A_790] {strides = array<i32>} : memref<64x128xf32, #tpu.memory_space<vmem>>, vector<16xf32>,
      tpu.vector_store %arg20[%swap3A_789, %swap3A_790], %gather3A_786 {strides = array<i32>} : memref<64x128xf32, #tpu.memory_space<vmem>>, vector<16xf32>,
      %add3A_792 = arith.constant 32 : i32
      %add3A_793 = vector.broadcast %add3A_792 : i32 to vector<16xi32>
      %add3A_794 = arith.addi %iota3A, %add3A_793 : vector<16xi32>
      %gather3A_795 = tpu.vector_load_idx %arg18[%add3A_794, %broadcast_in_dim3A_767] : memref<64x128xf32, #tpu.memory_space<vmem>>[vector<16xi32>, vector<16xi32>], vector<16xf32>,
      %add3A_796 = arith.constant 32 : i32
      %add3A_797 = arith.addi %mul3A_773, %add3A_796 : i32
      %swap3A_798 = arith.index_cast %shift_right_arithmetic3A_769 : i32 to index
      %swap3A_799 = arith.index_cast %add3A_797 : i32 to index
      %swap3A_800 = tpu.vector_load %arg20[%swap3A_798, %swap3A_799] {strides = array<i32>} : memref<64x128xf32, #tpu.memory_space<vmem>>, vector<16xf32>,
      tpu.vector_store %arg20[%swap3A_798, %swap3A_799], %gather3A_795 {strides = array<i32>} : memref<64x128xf32, #tpu.memory_space<vmem>>, vector<16xf32>,
      %add3A_801 = arith.constant 48 : i32
      %add3A_802 = vector.broadcast %add3A_801 : i32 to vector<16xi32>
      %add3A_803 = arith.addi %iota3A, %add3A_802 : vector<16xi32>
      %gather3A_804 = tpu.vector_load_idx %arg18[%add3A_803, %broadcast_in_dim3A_767] : memref<64x128xf32, #tpu.memory_space<vmem>>[vector<16xi32>, vector<16xi32>], vector<16xf32>,
      %add3A_805 = arith.constant 48 : i32
      %add3A_806 = arith.addi %mul3A_773, %add3A_805 : i32
      %swap3A_807 = arith.index_cast %shift_right_arithmetic3A_769 : i32 to index
      %swap3A_808 = arith.index_cast %add3A_806 : i32 to index
      %swap3A_809 = tpu.vector_load %arg20[%swap3A_807, %swap3A_808] {strides = array<i32>} : memref<64x128xf32, #tpu.memory_space<vmem>>, vector<16xf32>,
      tpu.vector_store %arg20[%swap3A_807, %swap3A_808], %gather3A_804 {strides = array<i32>} : memref<64x128xf32, #tpu.memory_space<vmem>>, vector<16xf32>,
      %add3A_810 = arith.constant 8 : i32
      %add3A_811 = arith.addi %add3A_750, %add3A_810 : i32
      %lt3A_812 = arith.constant 128 : i32
      %lt3A_813 = arith.cmpi slt, %add3A_811, %lt3A_812 : i32
      %convert_element_type3A_814 = arith.extui %lt3A_813 : i1 to i32
      %cond3A_815 = arith.constant 0 : i32
      %cond3A_816 = arith.cmpi ne, %convert_element_type3A_814, %cond3A_815 : i32
      scf.if %cond3A_816 {
        %add3A_888 = arith.constant 8 : i32
        %add3A_889 = arith.addi %add3A_750, %add3A_888 : i32
        %get3A_890 = arith.index_cast %add3A_889 : i32 to index
        %get3A_891 = tpu.vector_load %arg11[%get3A_890] {strides = array<i32>} : memref<144xi32, #tpu.memory_space<vmem>>, vector<16xi32>,
        %slice3A_892 = vector.extract_strided_slice %get3A_891 {offsets = [0], sizes = [1], strides = [1]} : vector<16xi32> to vector<1xi32>
        %squeeze3A_893 = vector.extract %slice3A_892[0] : i32 from vector<1xi32>
        %shift_right_arithmetic3A_894 = arith.constant 7 : i32
        %shift_right_arithmetic3A_895 = arith.shrsi %squeeze3A_893, %shift_right_arithmetic3A_894 : i32
        %shift_left3A_896 = arith.constant 7 : i32
        %shift_left3A_897 = arith.shli %shift_right_arithmetic3A_895, %shift_left3A_896 : i32
        %multiple_of3A_898 = tpu.assume_multiple %shift_left3A_897, 128 : i32
        %dma_start3A_899 = arith.constant 0 : i32
        %dma_start3A_900 = tpu.memref_slice %arg6[%dma_start3A_899, %multiple_of3A_898] : memref<64x1000000xf32, #tpu.memory_space<hbm>> -> memref<64x128xf32, #tpu.memory_space<hbm>>
        %dma_start3A_901 = arith.constant 0 : i32
        %dma_start3A_902 = tpu.memref_slice %arg6[%dma_start3A_901, %multiple_of3A_898] : memref<64x1000000xf32, #tpu.memory_space<hbm>> -> memref<64x128xf32, #tpu.memory_space<hbm>>
        tpu.enqueue_dma source(%dma_start3A_902 : memref<64x128xf32, #tpu.memory_space<hbm>>) target(%arg18 : memref<64x128xf32, #tpu.memory_space<vmem>>) target_semaphore(%arg27 : memref<!tpu.dma_semaphore, #tpu.memory_space<semaphore_mem>>)
      } else {
      }
      %mul3A_817 = arith.constant 8 : i32
      %mul3A_818 = arith.muli %scan3A_334, %mul3A_817 : i32
      %add3A_819 = arith.constant 7 : i32
      %add3A_820 = arith.addi %mul3A_818, %add3A_819 : i32
      %dma_wait3A_821 = arith.constant 0 : i32
      %dma_wait3A_822 = arith.constant 0 : i32
      %dma_wait3A_823 = tpu.memref_slice %arg6[%dma_wait3A_821, %dma_wait3A_822] : memref<64x1000000xf32, #tpu.memory_space<hbm>> -> memref<64x128xf32, #tpu.memory_space<hbm>>
      %dma_wait3A_824 = arith.constant 0 : i32
      %dma_wait3A_825 = arith.constant 0 : i32
      %dma_wait3A_826 = tpu.memref_slice %arg6[%dma_wait3A_824, %dma_wait3A_825] : memref<64x1000000xf32, #tpu.memory_space<hbm>> -> memref<64x128xf32, #tpu.memory_space<hbm>>
      tpu.wait_dma2 semaphore(%arg28 : memref<!tpu.dma_semaphore, #tpu.memory_space<semaphore_mem>>) src(%dma_wait3A_826 : memref<64x128xf32, #tpu.memory_space<hbm>>) dst(%arg19 : memref<64x128xf32, #tpu.memory_space<vmem>>)
      %get3A_827 = arith.index_cast %add3A_820 : i32 to index
      %get3A_828 = tpu.vector_load %arg11[%get3A_827] {strides = array<i32>} : memref<144xi32, #tpu.memory_space<vmem>>, vector<16xi32>,
      %slice3A_829 = vector.extract_strided_slice %get3A_828 {offsets = [0], sizes = [1], strides = [1]} : vector<16xi32> to vector<1xi32>
      %squeeze3A_830 = vector.extract %slice3A_829[0] : i32 from vector<1xi32>
      %shift_right_arithmetic3A_831 = arith.constant 7 : i32
      %shift_right_arithmetic3A_832 = arith.shrsi %squeeze3A_830, %shift_right_arithmetic3A_831 : i32
      %shift_left3A_833 = arith.constant 7 : i32
      %shift_left3A_834 = arith.shli %shift_right_arithmetic3A_832, %shift_left3A_833 : i32
      %multiple_of3A_835 = tpu.assume_multiple %shift_left3A_834, 128 : i32
      %sub3A_836 = arith.subi %squeeze3A_830, %multiple_of3A_835 : i32
      %broadcast_in_dim3A_837 = vector.broadcast %sub3A_836 : i32 to vector<16xi32>
      %shift_right_arithmetic3A_838 = arith.constant 1 : i32
      %shift_right_arithmetic3A_839 = arith.shrsi %add3A_820, %shift_right_arithmetic3A_838 : i32
      %and3A_840 = arith.constant 1 : i32
      %and3A_841 = arith.andi %add3A_820, %and3A_840 : i32
      %mul3A_842 = arith.constant 64 : i32
      %mul3A_843 = arith.muli %and3A_841, %mul3A_842 : i32
      %add3A_844 = arith.constant 0 : i32
      %add3A_845 = vector.broadcast %add3A_844 : i32 to vector<16xi32>
      %add3A_846 = arith.addi %iota3A, %add3A_845 : vector<16xi32>
      %gather3A_847 = tpu.vector_load_idx %arg19[%add3A_846, %broadcast_in_dim3A_837] : memref<64x128xf32, #tpu.memory_space<vmem>>[vector<16xi32>, vector<16xi32>], vector<16xf32>,
      %add3A_848 = arith.constant 0 : i32
      %add3A_849 = arith.addi %mul3A_843, %add3A_848 : i32
      %swap3A_850 = arith.index_cast %shift_right_arithmetic3A_839 : i32 to index
      %swap3A_851 = arith.index_cast %add3A_849 : i32 to index
      %swap3A_852 = tpu.vector_load %arg20[%swap3A_850, %swap3A_851] {strides = array<i32>} : memref<64x128xf32, #tpu.memory_space<vmem>>, vector<16xf32>,
      tpu.vector_store %arg20[%swap3A_850, %swap3A_851], %gather3A_847 {strides = array<i32>} : memref<64x128xf32, #tpu.memory_space<vmem>>, vector<16xf32>,
      %add3A_853 = arith.constant 16 : i32
      %add3A_854 = vector.broadcast %add3A_853 : i32 to vector<16xi32>
      %add3A_855 = arith.addi %iota3A, %add3A_854 : vector<16xi32>
      %gather3A_856 = tpu.vector_load_idx %arg19[%add3A_855, %broadcast_in_dim3A_837] : memref<64x128xf32, #tpu.memory_space<vmem>>[vector<16xi32>, vector<16xi32>], vector<16xf32>,
      %add3A_857 = arith.constant 16 : i32
      %add3A_858 = arith.addi %mul3A_843, %add3A_857 : i32
      %swap3A_859 = arith.index_cast %shift_right_arithmetic3A_839 : i32 to index
      %swap3A_860 = arith.index_cast %add3A_858 : i32 to index
      %swap3A_861 = tpu.vector_load %arg20[%swap3A_859, %swap3A_860] {strides = array<i32>} : memref<64x128xf32, #tpu.memory_space<vmem>>, vector<16xf32>,
      tpu.vector_store %arg20[%swap3A_859, %swap3A_860], %gather3A_856 {strides = array<i32>} : memref<64x128xf32, #tpu.memory_space<vmem>>, vector<16xf32>,
      %add3A_862 = arith.constant 32 : i32
      %add3A_863 = vector.broadcast %add3A_862 : i32 to vector<16xi32>
      %add3A_864 = arith.addi %iota3A, %add3A_863 : vector<16xi32>
      %gather3A_865 = tpu.vector_load_idx %arg19[%add3A_864, %broadcast_in_dim3A_837] : memref<64x128xf32, #tpu.memory_space<vmem>>[vector<16xi32>, vector<16xi32>], vector<16xf32>,
      %add3A_866 = arith.constant 32 : i32
      %add3A_867 = arith.addi %mul3A_843, %add3A_866 : i32
      %swap3A_868 = arith.index_cast %shift_right_arithmetic3A_839 : i32 to index
      %swap3A_869 = arith.index_cast %add3A_867 : i32 to index
      %swap3A_870 = tpu.vector_load %arg20[%swap3A_868, %swap3A_869] {strides = array<i32>} : memref<64x128xf32, #tpu.memory_space<vmem>>, vector<16xf32>,
      tpu.vector_store %arg20[%swap3A_868, %swap3A_869], %gather3A_865 {strides = array<i32>} : memref<64x128xf32, #tpu.memory_space<vmem>>, vector<16xf32>,
      %add3A_871 = arith.constant 48 : i32
      %add3A_872 = vector.broadcast %add3A_871 : i32 to vector<16xi32>
      %add3A_873 = arith.addi %iota3A, %add3A_872 : vector<16xi32>
      %gather3A_874 = tpu.vector_load_idx %arg19[%add3A_873, %broadcast_in_dim3A_837] : memref<64x128xf32, #tpu.memory_space<vmem>>[vector<16xi32>, vector<16xi32>], vector<16xf32>,
      %add3A_875 = arith.constant 48 : i32
      %add3A_876 = arith.addi %mul3A_843, %add3A_875 : i32
      %swap3A_877 = arith.index_cast %shift_right_arithmetic3A_839 : i32 to index
      %swap3A_878 = arith.index_cast %add3A_876 : i32 to index
      %swap3A_879 = tpu.vector_load %arg20[%swap3A_877, %swap3A_878] {strides = array<i32>} : memref<64x128xf32, #tpu.memory_space<vmem>>, vector<16xf32>,
      tpu.vector_store %arg20[%swap3A_877, %swap3A_878], %gather3A_874 {strides = array<i32>} : memref<64x128xf32, #tpu.memory_space<vmem>>, vector<16xf32>,
      %add3A_880 = arith.constant 8 : i32
      %add3A_881 = arith.addi %add3A_820, %add3A_880 : i32
      %lt3A_882 = arith.constant 128 : i32
      %lt3A_883 = arith.cmpi slt, %add3A_881, %lt3A_882 : i32
      %convert_element_type3A_884 = arith.extui %lt3A_883 : i1 to i32
      %cond3A_885 = arith.constant 0 : i32
      %cond3A_886 = arith.cmpi ne, %convert_element_type3A_884, %cond3A_885 : i32
      scf.if %cond3A_886 {
        %add3A_888 = arith.constant 8 : i32
        %add3A_889 = arith.addi %add3A_820, %add3A_888 : i32
        %get3A_890 = arith.index_cast %add3A_889 : i32 to index
        %get3A_891 = tpu.vector_load %arg11[%get3A_890] {strides = array<i32>} : memref<144xi32, #tpu.memory_space<vmem>>, vector<16xi32>,
        %slice3A_892 = vector.extract_strided_slice %get3A_891 {offsets = [0], sizes = [1], strides = [1]} : vector<16xi32> to vector<1xi32>
        %squeeze3A_893 = vector.extract %slice3A_892[0] : i32 from vector<1xi32>
        %shift_right_arithmetic3A_894 = arith.constant 7 : i32
        %shift_right_arithmetic3A_895 = arith.shrsi %squeeze3A_893, %shift_right_arithmetic3A_894 : i32
        %shift_left3A_896 = arith.constant 7 : i32
        %shift_left3A_897 = arith.shli %shift_right_arithmetic3A_895, %shift_left3A_896 : i32
        %multiple_of3A_898 = tpu.assume_multiple %shift_left3A_897, 128 : i32
        %dma_start3A_899 = arith.constant 0 : i32
        %dma_start3A_900 = tpu.memref_slice %arg6[%dma_start3A_899, %multiple_of3A_898] : memref<64x1000000xf32, #tpu.memory_space<hbm>> -> memref<64x128xf32, #tpu.memory_space<hbm>>
        %dma_start3A_901 = arith.constant 0 : i32
        %dma_start3A_902 = tpu.memref_slice %arg6[%dma_start3A_901, %multiple_of3A_898] : memref<64x1000000xf32, #tpu.memory_space<hbm>> -> memref<64x128xf32, #tpu.memory_space<hbm>>
        tpu.enqueue_dma source(%dma_start3A_902 : memref<64x128xf32, #tpu.memory_space<hbm>>) target(%arg19 : memref<64x128xf32, #tpu.memory_space<vmem>>) target_semaphore(%arg28 : memref<!tpu.dma_semaphore, #tpu.memory_space<semaphore_mem>>)
      } else {
      }
      %scan3A_887 = arith.constant 0 : i32
      scf.yield %scan3A_887 : i32
    }
    %scan3A_218 = arith.constant 16 : i32
    %mul3A_219 = arith.constant 64 : i32
    %mul3A_220 = arith.muli %add3A, %mul3A_219 : i32
    "tpu.region"() ({
      %run_scoped3A = tpu.sem_alloc : memref<!tpu.dma_semaphore, #tpu.memory_space<semaphore_mem>>
      %dma_start3A_334 = arith.constant 0 : i32
      %dma_start3A_335 = tpu.memref_slice %arg9[%mul3A_220, %dma_start3A_334] : memref<2048x128xf32, #tpu.memory_space<hbm>> -> memref<64x128xf32, #tpu.memory_space<hbm>>
      %dma_start3A_336 = arith.constant 0 : i32
      %dma_start3A_337 = tpu.memref_slice %arg9[%mul3A_220, %dma_start3A_336] : memref<2048x128xf32, #tpu.memory_space<hbm>> -> memref<64x128xf32, #tpu.memory_space<hbm>>
      tpu.enqueue_dma source(%arg20 : memref<64x128xf32, #tpu.memory_space<vmem>>) target(%dma_start3A_337 : memref<64x128xf32, #tpu.memory_space<hbm>>) target_semaphore(%run_scoped3A : memref<!tpu.dma_semaphore, #tpu.memory_space<semaphore_mem>>)
      %dma_wait3A = arith.constant 0 : i32
      %dma_wait3A_338 = tpu.memref_slice %arg9[%mul3A_220, %dma_wait3A] : memref<2048x128xf32, #tpu.memory_space<hbm>> -> memref<64x128xf32, #tpu.memory_space<hbm>>
      %dma_wait3A_339 = arith.constant 0 : i32
      %dma_wait3A_340 = tpu.memref_slice %arg9[%mul3A_220, %dma_wait3A_339] : memref<2048x128xf32, #tpu.memory_space<hbm>> -> memref<64x128xf32, #tpu.memory_space<hbm>>
      tpu.wait_dma2 semaphore(%run_scoped3A : memref<!tpu.dma_semaphore, #tpu.memory_space<semaphore_mem>>) src(%arg20 : memref<64x128xf32, #tpu.memory_space<vmem>>) dst(%dma_wait3A_340 : memref<64x128xf32, #tpu.memory_space<hbm>>)
      tpu.yield
    }) : () -> ()
    "tpu.region"() ({
      %run_scoped3A = tpu.sem_alloc : memref<!tpu.dma_semaphore, #tpu.memory_space<semaphore_mem>>
      %dma_start3A_334 = arith.constant 0 : i32
      %dma_start3A_335 = tpu.memref_slice %arg11[%dma_start3A_334] : memref<144xi32, #tpu.memory_space<vmem>> -> memref<128xi32, #tpu.memory_space<vmem>>
      %dma_start3A_336 = tpu.memref_slice %arg4[%mul3A_2] : memref<4096xi32, #tpu.memory_space<hbm>> -> memref<128xi32, #tpu.memory_space<hbm>>
      %dma_start3A_337 = arith.constant 0 : i32
      %dma_start3A_338 = tpu.memref_slice %arg11[%dma_start3A_337] : memref<144xi32, #tpu.memory_space<vmem>> -> memref<128xi32, #tpu.memory_space<vmem>>
      %dma_start3A_339 = tpu.memref_slice %arg4[%mul3A_2] : memref<4096xi32, #tpu.memory_space<hbm>> -> memref<128xi32, #tpu.memory_space<hbm>>
      tpu.enqueue_dma source(%dma_start3A_339 : memref<128xi32, #tpu.memory_space<hbm>>) target(%dma_start3A_338 : memref<128xi32, #tpu.memory_space<vmem>>) target_semaphore(%run_scoped3A : memref<!tpu.dma_semaphore, #tpu.memory_space<semaphore_mem>>)
      %dma_wait3A = arith.constant 0 : i32
      %dma_wait3A_340 = tpu.memref_slice %arg11[%dma_wait3A] : memref<144xi32, #tpu.memory_space<vmem>> -> memref<128xi32, #tpu.memory_space<vmem>>
      %dma_wait3A_341 = tpu.memref_slice %arg4[%mul3A_2] : memref<4096xi32, #tpu.memory_space<hbm>> -> memref<128xi32, #tpu.memory_space<hbm>>
      %dma_wait3A_342 = arith.constant 0 : i32
      %dma_wait3A_343 = tpu.memref_slice %arg11[%dma_wait3A_342] : memref<144xi32, #tpu.memory_space<vmem>> -> memref<128xi32, #tpu.memory_space<vmem>>
      %dma_wait3A_344 = tpu.memref_slice %arg4[%mul3A_2] : memref<4096xi32, #tpu.memory_space<hbm>> -> memref<128xi32, #tpu.memory_space<hbm>>
      tpu.wait_dma2 semaphore(%run_scoped3A : memref<!tpu.dma_semaphore, #tpu.memory_space<semaphore_mem>>) src(%dma_wait3A_344 : memref<128xi32, #tpu.memory_space<hbm>>) dst(%dma_wait3A_343 : memref<128xi32, #tpu.memory_space<vmem>>)
      tpu.yield
    }) : () -> ()
    %get3A_221 = arith.constant 0 : index
    %get3A_222 = tpu.vector_load %arg11[%get3A_221] {strides = array<i32>} : memref<144xi32, #tpu.memory_space<vmem>>, vector<16xi32>,
    %slice3A_223 = vector.extract_strided_slice %get3A_222 {offsets = [0], sizes = [1], strides = [1]} : vector<16xi32> to vector<1xi32>
    %squeeze3A_224 = vector.extract %slice3A_223[0] : i32 from vector<1xi32>
    %shift_right_arithmetic3A_225 = arith.constant 7 : i32
    %shift_right_arithmetic3A_226 = arith.shrsi %squeeze3A_224, %shift_right_arithmetic3A_225 : i32
    %shift_left3A_227 = arith.constant 7 : i32
    %shift_left3A_228 = arith.shli %shift_right_arithmetic3A_226, %shift_left3A_227 : i32
    %multiple_of3A_229 = tpu.assume_multiple %shift_left3A_228, 128 : i32
    %dma_start3A_230 = arith.constant 0 : i32
    %dma_start3A_231 = tpu.memref_slice %arg7[%dma_start3A_230, %multiple_of3A_229] : memref<64x100000xf32, #tpu.memory_space<hbm>> -> memref<64x128xf32, #tpu.memory_space<hbm>>
    %dma_start3A_232 = arith.constant 0 : i32
    %dma_start3A_233 = tpu.memref_slice %arg7[%dma_start3A_232, %multiple_of3A_229] : memref<64x100000xf32, #tpu.memory_space<hbm>> -> memref<64x128xf32, #tpu.memory_space<hbm>>
    tpu.enqueue_dma source(%dma_start3A_233 : memref<64x128xf32, #tpu.memory_space<hbm>>) target(%arg12 : memref<64x128xf32, #tpu.memory_space<vmem>>) target_semaphore(%arg21 : memref<!tpu.dma_semaphore, #tpu.memory_space<semaphore_mem>>)
    %get3A_234 = arith.constant 1 : index
    %get3A_235 = tpu.vector_load %arg11[%get3A_234] {strides = array<i32>} : memref<144xi32, #tpu.memory_space<vmem>>, vector<16xi32>,
    %slice3A_236 = vector.extract_strided_slice %get3A_235 {offsets = [0], sizes = [1], strides = [1]} : vector<16xi32> to vector<1xi32>
    %squeeze3A_237 = vector.extract %slice3A_236[0] : i32 from vector<1xi32>
    %shift_right_arithmetic3A_238 = arith.constant 7 : i32
    %shift_right_arithmetic3A_239 = arith.shrsi %squeeze3A_237, %shift_right_arithmetic3A_238 : i32
    %shift_left3A_240 = arith.constant 7 : i32
    %shift_left3A_241 = arith.shli %shift_right_arithmetic3A_239, %shift_left3A_240 : i32
    %multiple_of3A_242 = tpu.assume_multiple %shift_left3A_241, 128 : i32
    %dma_start3A_243 = arith.constant 0 : i32
    %dma_start3A_244 = tpu.memref_slice %arg7[%dma_start3A_243, %multiple_of3A_242] : memref<64x100000xf32, #tpu.memory_space<hbm>> -> memref<64x128xf32, #tpu.memory_space<hbm>>
    %dma_start3A_245 = arith.constant 0 : i32
    %dma_start3A_246 = tpu.memref_slice %arg7[%dma_start3A_245, %multiple_of3A_242] : memref<64x100000xf32, #tpu.memory_space<hbm>> -> memref<64x128xf32, #tpu.memory_space<hbm>>
    tpu.enqueue_dma source(%dma_start3A_246 : memref<64x128xf32, #tpu.memory_space<hbm>>) target(%arg13 : memref<64x128xf32, #tpu.memory_space<vmem>>) target_semaphore(%arg22 : memref<!tpu.dma_semaphore, #tpu.memory_space<semaphore_mem>>)
    %get3A_247 = arith.constant 2 : index
    %get3A_248 = tpu.vector_load %arg11[%get3A_247] {strides = array<i32>} : memref<144xi32, #tpu.memory_space<vmem>>, vector<16xi32>,
    %slice3A_249 = vector.extract_strided_slice %get3A_248 {offsets = [0], sizes = [1], strides = [1]} : vector<16xi32> to vector<1xi32>
    %squeeze3A_250 = vector.extract %slice3A_249[0] : i32 from vector<1xi32>
    %shift_right_arithmetic3A_251 = arith.constant 7 : i32
    %shift_right_arithmetic3A_252 = arith.shrsi %squeeze3A_250, %shift_right_arithmetic3A_251 : i32
    %shift_left3A_253 = arith.constant 7 : i32
    %shift_left3A_254 = arith.shli %shift_right_arithmetic3A_252, %shift_left3A_253 : i32
    %multiple_of3A_255 = tpu.assume_multiple %shift_left3A_254, 128 : i32
    %dma_start3A_256 = arith.constant 0 : i32
    %dma_start3A_257 = tpu.memref_slice %arg7[%dma_start3A_256, %multiple_of3A_255] : memref<64x100000xf32, #tpu.memory_space<hbm>> -> memref<64x128xf32, #tpu.memory_space<hbm>>
    %dma_start3A_258 = arith.constant 0 : i32
    %dma_start3A_259 = tpu.memref_slice %arg7[%dma_start3A_258, %multiple_of3A_255] : memref<64x100000xf32, #tpu.memory_space<hbm>> -> memref<64x128xf32, #tpu.memory_space<hbm>>
    tpu.enqueue_dma source(%dma_start3A_259 : memref<64x128xf32, #tpu.memory_space<hbm>>) target(%arg14 : memref<64x128xf32, #tpu.memory_space<vmem>>) target_semaphore(%arg23 : memref<!tpu.dma_semaphore, #tpu.memory_space<semaphore_mem>>)
    %get3A_260 = arith.constant 3 : index
    %get3A_261 = tpu.vector_load %arg11[%get3A_260] {strides = array<i32>} : memref<144xi32, #tpu.memory_space<vmem>>, vector<16xi32>,
    %slice3A_262 = vector.extract_strided_slice %get3A_261 {offsets = [0], sizes = [1], strides = [1]} : vector<16xi32> to vector<1xi32>
    %squeeze3A_263 = vector.extract %slice3A_262[0] : i32 from vector<1xi32>
    %shift_right_arithmetic3A_264 = arith.constant 7 : i32
    %shift_right_arithmetic3A_265 = arith.shrsi %squeeze3A_263, %shift_right_arithmetic3A_264 : i32
    %shift_left3A_266 = arith.constant 7 : i32
    %shift_left3A_267 = arith.shli %shift_right_arithmetic3A_265, %shift_left3A_266 : i32
    %multiple_of3A_268 = tpu.assume_multiple %shift_left3A_267, 128 : i32
    %dma_start3A_269 = arith.constant 0 : i32
    %dma_start3A_270 = tpu.memref_slice %arg7[%dma_start3A_269, %multiple_of3A_268] : memref<64x100000xf32, #tpu.memory_space<hbm>> -> memref<64x128xf32, #tpu.memory_space<hbm>>
    %dma_start3A_271 = arith.constant 0 : i32
    %dma_start3A_272 = tpu.memref_slice %arg7[%dma_start3A_271, %multiple_of3A_268] : memref<64x100000xf32, #tpu.memory_space<hbm>> -> memref<64x128xf32, #tpu.memory_space<hbm>>
    tpu.enqueue_dma source(%dma_start3A_272 : memref<64x128xf32, #tpu.memory_space<hbm>>) target(%arg15 : memref<64x128xf32, #tpu.memory_space<vmem>>) target_semaphore(%arg24 : memref<!tpu.dma_semaphore, #tpu.memory_space<semaphore_mem>>)
    %get3A_273 = arith.constant 4 : index
    %get3A_274 = tpu.vector_load %arg11[%get3A_273] {strides = array<i32>} : memref<144xi32, #tpu.memory_space<vmem>>, vector<16xi32>,
    %slice3A_275 = vector.extract_strided_slice %get3A_274 {offsets = [0], sizes = [1], strides = [1]} : vector<16xi32> to vector<1xi32>
    %squeeze3A_276 = vector.extract %slice3A_275[0] : i32 from vector<1xi32>
    %shift_right_arithmetic3A_277 = arith.constant 7 : i32
    %shift_right_arithmetic3A_278 = arith.shrsi %squeeze3A_276, %shift_right_arithmetic3A_277 : i32
    %shift_left3A_279 = arith.constant 7 : i32
    %shift_left3A_280 = arith.shli %shift_right_arithmetic3A_278, %shift_left3A_279 : i32
    %multiple_of3A_281 = tpu.assume_multiple %shift_left3A_280, 128 : i32
    %dma_start3A_282 = arith.constant 0 : i32
    %dma_start3A_283 = tpu.memref_slice %arg7[%dma_start3A_282, %multiple_of3A_281] : memref<64x100000xf32, #tpu.memory_space<hbm>> -> memref<64x128xf32, #tpu.memory_space<hbm>>
    %dma_start3A_284 = arith.constant 0 : i32
    %dma_start3A_285 = tpu.memref_slice %arg7[%dma_start3A_284, %multiple_of3A_281] : memref<64x100000xf32, #tpu.memory_space<hbm>> -> memref<64x128xf32, #tpu.memory_space<hbm>>
    tpu.enqueue_dma source(%dma_start3A_285 : memref<64x128xf32, #tpu.memory_space<hbm>>) target(%arg16 : memref<64x128xf32, #tpu.memory_space<vmem>>) target_semaphore(%arg25 : memref<!tpu.dma_semaphore, #tpu.memory_space<semaphore_mem>>)
    %get3A_286 = arith.constant 5 : index
    %get3A_287 = tpu.vector_load %arg11[%get3A_286] {strides = array<i32>} : memref<144xi32, #tpu.memory_space<vmem>>, vector<16xi32>,
    %slice3A_288 = vector.extract_strided_slice %get3A_287 {offsets = [0], sizes = [1], strides = [1]} : vector<16xi32> to vector<1xi32>
    %squeeze3A_289 = vector.extract %slice3A_288[0] : i32 from vector<1xi32>
    %shift_right_arithmetic3A_290 = arith.constant 7 : i32
    %shift_right_arithmetic3A_291 = arith.shrsi %squeeze3A_289, %shift_right_arithmetic3A_290 : i32
    %shift_left3A_292 = arith.constant 7 : i32
    %shift_left3A_293 = arith.shli %shift_right_arithmetic3A_291, %shift_left3A_292 : i32
    %multiple_of3A_294 = tpu.assume_multiple %shift_left3A_293, 128 : i32
    %dma_start3A_295 = arith.constant 0 : i32
    %dma_start3A_296 = tpu.memref_slice %arg7[%dma_start3A_295, %multiple_of3A_294] : memref<64x100000xf32, #tpu.memory_space<hbm>> -> memref<64x128xf32, #tpu.memory_space<hbm>>
    %dma_start3A_297 = arith.constant 0 : i32
    %dma_start3A_298 = tpu.memref_slice %arg7[%dma_start3A_297, %multiple_of3A_294] : memref<64x100000xf32, #tpu.memory_space<hbm>> -> memref<64x128xf32, #tpu.memory_space<hbm>>
    tpu.enqueue_dma source(%dma_start3A_298 : memref<64x128xf32, #tpu.memory_space<hbm>>) target(%arg17 : memref<64x128xf32, #tpu.memory_space<vmem>>) target_semaphore(%arg26 : memref<!tpu.dma_semaphore, #tpu.memory_space<semaphore_mem>>)
    %get3A_299 = arith.constant 6 : index
    %get3A_300 = tpu.vector_load %arg11[%get3A_299] {strides = array<i32>} : memref<144xi32, #tpu.memory_space<vmem>>, vector<16xi32>,
    %slice3A_301 = vector.extract_strided_slice %get3A_300 {offsets = [0], sizes = [1], strides = [1]} : vector<16xi32> to vector<1xi32>
    %squeeze3A_302 = vector.extract %slice3A_301[0] : i32 from vector<1xi32>
    %shift_right_arithmetic3A_303 = arith.constant 7 : i32
    %shift_right_arithmetic3A_304 = arith.shrsi %squeeze3A_302, %shift_right_arithmetic3A_303 : i32
    %shift_left3A_305 = arith.constant 7 : i32
    %shift_left3A_306 = arith.shli %shift_right_arithmetic3A_304, %shift_left3A_305 : i32
    %multiple_of3A_307 = tpu.assume_multiple %shift_left3A_306, 128 : i32
    %dma_start3A_308 = arith.constant 0 : i32
    %dma_start3A_309 = tpu.memref_slice %arg7[%dma_start3A_308, %multiple_of3A_307] : memref<64x100000xf32, #tpu.memory_space<hbm>> -> memref<64x128xf32, #tpu.memory_space<hbm>>
    %dma_start3A_310 = arith.constant 0 : i32
    %dma_start3A_311 = tpu.memref_slice %arg7[%dma_start3A_310, %multiple_of3A_307] : memref<64x100000xf32, #tpu.memory_space<hbm>> -> memref<64x128xf32, #tpu.memory_space<hbm>>
    tpu.enqueue_dma source(%dma_start3A_311 : memref<64x128xf32, #tpu.memory_space<hbm>>) target(%arg18 : memref<64x128xf32, #tpu.memory_space<vmem>>) target_semaphore(%arg27 : memref<!tpu.dma_semaphore, #tpu.memory_space<semaphore_mem>>)
    %get3A_312 = arith.constant 7 : index
    %get3A_313 = tpu.vector_load %arg11[%get3A_312] {strides = array<i32>} : memref<144xi32, #tpu.memory_space<vmem>>, vector<16xi32>,
    %slice3A_314 = vector.extract_strided_slice %get3A_313 {offsets = [0], sizes = [1], strides = [1]} : vector<16xi32> to vector<1xi32>
    %squeeze3A_315 = vector.extract %slice3A_314[0] : i32 from vector<1xi32>
    %shift_right_arithmetic3A_316 = arith.constant 7 : i32
    %shift_right_arithmetic3A_317 = arith.shrsi %squeeze3A_315, %shift_right_arithmetic3A_316 : i32
    %shift_left3A_318 = arith.constant 7 : i32
    %shift_left3A_319 = arith.shli %shift_right_arithmetic3A_317, %shift_left3A_318 : i32
    %multiple_of3A_320 = tpu.assume_multiple %shift_left3A_319, 128 : i32
    %dma_start3A_321 = arith.constant 0 : i32
    %dma_start3A_322 = tpu.memref_slice %arg7[%dma_start3A_321, %multiple_of3A_320] : memref<64x100000xf32, #tpu.memory_space<hbm>> -> memref<64x128xf32, #tpu.memory_space<hbm>>
    %dma_start3A_323 = arith.constant 0 : i32
    %dma_start3A_324 = tpu.memref_slice %arg7[%dma_start3A_323, %multiple_of3A_320] : memref<64x100000xf32, #tpu.memory_space<hbm>> -> memref<64x128xf32, #tpu.memory_space<hbm>>
    tpu.enqueue_dma source(%dma_start3A_324 : memref<64x128xf32, #tpu.memory_space<hbm>>) target(%arg19 : memref<64x128xf32, #tpu.memory_space<vmem>>) target_semaphore(%arg28 : memref<!tpu.dma_semaphore, #tpu.memory_space<semaphore_mem>>)
    %scan3A_325 = arith.constant 0 : i32
    %scan3A_326 = arith.constant 0 : i32
    %scan3A_327 = arith.constant 16 : i32
    %scan3A_328 = arith.addi %scan3A_326, %scan3A_327 : i32
    %scan3A_329 = arith.constant 1 : i32
    %scan3A_330 = scf.for %scan3A_334 = %scan3A_326 to %scan3A_328 step %scan3A_329 iter_args(%scan3A_335 = %scan3A_325) -> (i32)  : i32 {
      %mul3A_336 = arith.constant 8 : i32
      %mul3A_337 = arith.muli %scan3A_334, %mul3A_336 : i32
      %add3A_338 = arith.constant 0 : i32
      %add3A_339 = arith.addi %mul3A_337, %add3A_338 : i32
      %dma_wait3A = arith.constant 0 : i32
      %dma_wait3A_340 = arith.constant 0 : i32
      %dma_wait3A_341 = tpu.memref_slice %arg7[%dma_wait3A, %dma_wait3A_340] : memref<64x100000xf32, #tpu.memory_space<hbm>> -> memref<64x128xf32, #tpu.memory_space<hbm>>
      %dma_wait3A_342 = arith.constant 0 : i32
      %dma_wait3A_343 = arith.constant 0 : i32
      %dma_wait3A_344 = tpu.memref_slice %arg7[%dma_wait3A_342, %dma_wait3A_343] : memref<64x100000xf32, #tpu.memory_space<hbm>> -> memref<64x128xf32, #tpu.memory_space<hbm>>
      tpu.wait_dma2 semaphore(%arg21 : memref<!tpu.dma_semaphore, #tpu.memory_space<semaphore_mem>>) src(%dma_wait3A_344 : memref<64x128xf32, #tpu.memory_space<hbm>>) dst(%arg12 : memref<64x128xf32, #tpu.memory_space<vmem>>)
      %get3A_345 = arith.index_cast %add3A_339 : i32 to index
      %get3A_346 = tpu.vector_load %arg11[%get3A_345] {strides = array<i32>} : memref<144xi32, #tpu.memory_space<vmem>>, vector<16xi32>,
      %slice3A_347 = vector.extract_strided_slice %get3A_346 {offsets = [0], sizes = [1], strides = [1]} : vector<16xi32> to vector<1xi32>
      %squeeze3A_348 = vector.extract %slice3A_347[0] : i32 from vector<1xi32>
      %shift_right_arithmetic3A_349 = arith.constant 7 : i32
      %shift_right_arithmetic3A_350 = arith.shrsi %squeeze3A_348, %shift_right_arithmetic3A_349 : i32
      %shift_left3A_351 = arith.constant 7 : i32
      %shift_left3A_352 = arith.shli %shift_right_arithmetic3A_350, %shift_left3A_351 : i32
      %multiple_of3A_353 = tpu.assume_multiple %shift_left3A_352, 128 : i32
      %sub3A = arith.subi %squeeze3A_348, %multiple_of3A_353 : i32
      %broadcast_in_dim3A = vector.broadcast %sub3A : i32 to vector<16xi32>
      %shift_right_arithmetic3A_354 = arith.constant 1 : i32
      %shift_right_arithmetic3A_355 = arith.shrsi %add3A_339, %shift_right_arithmetic3A_354 : i32
      %and3A = arith.constant 1 : i32
      %and3A_356 = arith.andi %add3A_339, %and3A : i32
      %mul3A_357 = arith.constant 64 : i32
      %mul3A_358 = arith.muli %and3A_356, %mul3A_357 : i32
      %add3A_359 = arith.constant 0 : i32
      %add3A_360 = vector.broadcast %add3A_359 : i32 to vector<16xi32>
      %add3A_361 = arith.addi %iota3A, %add3A_360 : vector<16xi32>
      %gather3A = tpu.vector_load_idx %arg12[%add3A_361, %broadcast_in_dim3A] : memref<64x128xf32, #tpu.memory_space<vmem>>[vector<16xi32>, vector<16xi32>], vector<16xf32>,
      %add3A_362 = arith.constant 0 : i32
      %add3A_363 = arith.addi %mul3A_358, %add3A_362 : i32
      %swap3A = arith.index_cast %shift_right_arithmetic3A_355 : i32 to index
      %swap3A_364 = arith.index_cast %add3A_363 : i32 to index
      %swap3A_365 = tpu.vector_load %arg20[%swap3A, %swap3A_364] {strides = array<i32>} : memref<64x128xf32, #tpu.memory_space<vmem>>, vector<16xf32>,
      tpu.vector_store %arg20[%swap3A, %swap3A_364], %gather3A {strides = array<i32>} : memref<64x128xf32, #tpu.memory_space<vmem>>, vector<16xf32>,
      %add3A_366 = arith.constant 16 : i32
      %add3A_367 = vector.broadcast %add3A_366 : i32 to vector<16xi32>
      %add3A_368 = arith.addi %iota3A, %add3A_367 : vector<16xi32>
      %gather3A_369 = tpu.vector_load_idx %arg12[%add3A_368, %broadcast_in_dim3A] : memref<64x128xf32, #tpu.memory_space<vmem>>[vector<16xi32>, vector<16xi32>], vector<16xf32>,
      %add3A_370 = arith.constant 16 : i32
      %add3A_371 = arith.addi %mul3A_358, %add3A_370 : i32
      %swap3A_372 = arith.index_cast %shift_right_arithmetic3A_355 : i32 to index
      %swap3A_373 = arith.index_cast %add3A_371 : i32 to index
      %swap3A_374 = tpu.vector_load %arg20[%swap3A_372, %swap3A_373] {strides = array<i32>} : memref<64x128xf32, #tpu.memory_space<vmem>>, vector<16xf32>,
      tpu.vector_store %arg20[%swap3A_372, %swap3A_373], %gather3A_369 {strides = array<i32>} : memref<64x128xf32, #tpu.memory_space<vmem>>, vector<16xf32>,
      %add3A_375 = arith.constant 32 : i32
      %add3A_376 = vector.broadcast %add3A_375 : i32 to vector<16xi32>
      %add3A_377 = arith.addi %iota3A, %add3A_376 : vector<16xi32>
      %gather3A_378 = tpu.vector_load_idx %arg12[%add3A_377, %broadcast_in_dim3A] : memref<64x128xf32, #tpu.memory_space<vmem>>[vector<16xi32>, vector<16xi32>], vector<16xf32>,
      %add3A_379 = arith.constant 32 : i32
      %add3A_380 = arith.addi %mul3A_358, %add3A_379 : i32
      %swap3A_381 = arith.index_cast %shift_right_arithmetic3A_355 : i32 to index
      %swap3A_382 = arith.index_cast %add3A_380 : i32 to index
      %swap3A_383 = tpu.vector_load %arg20[%swap3A_381, %swap3A_382] {strides = array<i32>} : memref<64x128xf32, #tpu.memory_space<vmem>>, vector<16xf32>,
      tpu.vector_store %arg20[%swap3A_381, %swap3A_382], %gather3A_378 {strides = array<i32>} : memref<64x128xf32, #tpu.memory_space<vmem>>, vector<16xf32>,
      %add3A_384 = arith.constant 48 : i32
      %add3A_385 = vector.broadcast %add3A_384 : i32 to vector<16xi32>
      %add3A_386 = arith.addi %iota3A, %add3A_385 : vector<16xi32>
      %gather3A_387 = tpu.vector_load_idx %arg12[%add3A_386, %broadcast_in_dim3A] : memref<64x128xf32, #tpu.memory_space<vmem>>[vector<16xi32>, vector<16xi32>], vector<16xf32>,
      %add3A_388 = arith.constant 48 : i32
      %add3A_389 = arith.addi %mul3A_358, %add3A_388 : i32
      %swap3A_390 = arith.index_cast %shift_right_arithmetic3A_355 : i32 to index
      %swap3A_391 = arith.index_cast %add3A_389 : i32 to index
      %swap3A_392 = tpu.vector_load %arg20[%swap3A_390, %swap3A_391] {strides = array<i32>} : memref<64x128xf32, #tpu.memory_space<vmem>>, vector<16xf32>,
      tpu.vector_store %arg20[%swap3A_390, %swap3A_391], %gather3A_387 {strides = array<i32>} : memref<64x128xf32, #tpu.memory_space<vmem>>, vector<16xf32>,
      %add3A_393 = arith.constant 8 : i32
      %add3A_394 = arith.addi %add3A_339, %add3A_393 : i32
      %lt3A = arith.constant 128 : i32
      %lt3A_395 = arith.cmpi slt, %add3A_394, %lt3A : i32
      %convert_element_type3A = arith.extui %lt3A_395 : i1 to i32
      %cond3A = arith.constant 0 : i32
      %cond3A_396 = arith.cmpi ne, %convert_element_type3A, %cond3A : i32
      scf.if %cond3A_396 {
        %add3A_888 = arith.constant 8 : i32
        %add3A_889 = arith.addi %add3A_339, %add3A_888 : i32
        %get3A_890 = arith.index_cast %add3A_889 : i32 to index
        %get3A_891 = tpu.vector_load %arg11[%get3A_890] {strides = array<i32>} : memref<144xi32, #tpu.memory_space<vmem>>, vector<16xi32>,
        %slice3A_892 = vector.extract_strided_slice %get3A_891 {offsets = [0], sizes = [1], strides = [1]} : vector<16xi32> to vector<1xi32>
        %squeeze3A_893 = vector.extract %slice3A_892[0] : i32 from vector<1xi32>
        %shift_right_arithmetic3A_894 = arith.constant 7 : i32
        %shift_right_arithmetic3A_895 = arith.shrsi %squeeze3A_893, %shift_right_arithmetic3A_894 : i32
        %shift_left3A_896 = arith.constant 7 : i32
        %shift_left3A_897 = arith.shli %shift_right_arithmetic3A_895, %shift_left3A_896 : i32
        %multiple_of3A_898 = tpu.assume_multiple %shift_left3A_897, 128 : i32
        %dma_start3A_899 = arith.constant 0 : i32
        %dma_start3A_900 = tpu.memref_slice %arg7[%dma_start3A_899, %multiple_of3A_898] : memref<64x100000xf32, #tpu.memory_space<hbm>> -> memref<64x128xf32, #tpu.memory_space<hbm>>
        %dma_start3A_901 = arith.constant 0 : i32
        %dma_start3A_902 = tpu.memref_slice %arg7[%dma_start3A_901, %multiple_of3A_898] : memref<64x100000xf32, #tpu.memory_space<hbm>> -> memref<64x128xf32, #tpu.memory_space<hbm>>
        tpu.enqueue_dma source(%dma_start3A_902 : memref<64x128xf32, #tpu.memory_space<hbm>>) target(%arg12 : memref<64x128xf32, #tpu.memory_space<vmem>>) target_semaphore(%arg21 : memref<!tpu.dma_semaphore, #tpu.memory_space<semaphore_mem>>)
      } else {
      }
      %mul3A_397 = arith.constant 8 : i32
      %mul3A_398 = arith.muli %scan3A_334, %mul3A_397 : i32
      %add3A_399 = arith.constant 1 : i32
      %add3A_400 = arith.addi %mul3A_398, %add3A_399 : i32
      %dma_wait3A_401 = arith.constant 0 : i32
      %dma_wait3A_402 = arith.constant 0 : i32
      %dma_wait3A_403 = tpu.memref_slice %arg7[%dma_wait3A_401, %dma_wait3A_402] : memref<64x100000xf32, #tpu.memory_space<hbm>> -> memref<64x128xf32, #tpu.memory_space<hbm>>
      %dma_wait3A_404 = arith.constant 0 : i32
      %dma_wait3A_405 = arith.constant 0 : i32
      %dma_wait3A_406 = tpu.memref_slice %arg7[%dma_wait3A_404, %dma_wait3A_405] : memref<64x100000xf32, #tpu.memory_space<hbm>> -> memref<64x128xf32, #tpu.memory_space<hbm>>
      tpu.wait_dma2 semaphore(%arg22 : memref<!tpu.dma_semaphore, #tpu.memory_space<semaphore_mem>>) src(%dma_wait3A_406 : memref<64x128xf32, #tpu.memory_space<hbm>>) dst(%arg13 : memref<64x128xf32, #tpu.memory_space<vmem>>)
      %get3A_407 = arith.index_cast %add3A_400 : i32 to index
      %get3A_408 = tpu.vector_load %arg11[%get3A_407] {strides = array<i32>} : memref<144xi32, #tpu.memory_space<vmem>>, vector<16xi32>,
      %slice3A_409 = vector.extract_strided_slice %get3A_408 {offsets = [0], sizes = [1], strides = [1]} : vector<16xi32> to vector<1xi32>
      %squeeze3A_410 = vector.extract %slice3A_409[0] : i32 from vector<1xi32>
      %shift_right_arithmetic3A_411 = arith.constant 7 : i32
      %shift_right_arithmetic3A_412 = arith.shrsi %squeeze3A_410, %shift_right_arithmetic3A_411 : i32
      %shift_left3A_413 = arith.constant 7 : i32
      %shift_left3A_414 = arith.shli %shift_right_arithmetic3A_412, %shift_left3A_413 : i32
      %multiple_of3A_415 = tpu.assume_multiple %shift_left3A_414, 128 : i32
      %sub3A_416 = arith.subi %squeeze3A_410, %multiple_of3A_415 : i32
      %broadcast_in_dim3A_417 = vector.broadcast %sub3A_416 : i32 to vector<16xi32>
      %shift_right_arithmetic3A_418 = arith.constant 1 : i32
      %shift_right_arithmetic3A_419 = arith.shrsi %add3A_400, %shift_right_arithmetic3A_418 : i32
      %and3A_420 = arith.constant 1 : i32
      %and3A_421 = arith.andi %add3A_400, %and3A_420 : i32
      %mul3A_422 = arith.constant 64 : i32
      %mul3A_423 = arith.muli %and3A_421, %mul3A_422 : i32
      %add3A_424 = arith.constant 0 : i32
      %add3A_425 = vector.broadcast %add3A_424 : i32 to vector<16xi32>
      %add3A_426 = arith.addi %iota3A, %add3A_425 : vector<16xi32>
      %gather3A_427 = tpu.vector_load_idx %arg13[%add3A_426, %broadcast_in_dim3A_417] : memref<64x128xf32, #tpu.memory_space<vmem>>[vector<16xi32>, vector<16xi32>], vector<16xf32>,
      %add3A_428 = arith.constant 0 : i32
      %add3A_429 = arith.addi %mul3A_423, %add3A_428 : i32
      %swap3A_430 = arith.index_cast %shift_right_arithmetic3A_419 : i32 to index
      %swap3A_431 = arith.index_cast %add3A_429 : i32 to index
      %swap3A_432 = tpu.vector_load %arg20[%swap3A_430, %swap3A_431] {strides = array<i32>} : memref<64x128xf32, #tpu.memory_space<vmem>>, vector<16xf32>,
      tpu.vector_store %arg20[%swap3A_430, %swap3A_431], %gather3A_427 {strides = array<i32>} : memref<64x128xf32, #tpu.memory_space<vmem>>, vector<16xf32>,
      %add3A_433 = arith.constant 16 : i32
      %add3A_434 = vector.broadcast %add3A_433 : i32 to vector<16xi32>
      %add3A_435 = arith.addi %iota3A, %add3A_434 : vector<16xi32>
      %gather3A_436 = tpu.vector_load_idx %arg13[%add3A_435, %broadcast_in_dim3A_417] : memref<64x128xf32, #tpu.memory_space<vmem>>[vector<16xi32>, vector<16xi32>], vector<16xf32>,
      %add3A_437 = arith.constant 16 : i32
      %add3A_438 = arith.addi %mul3A_423, %add3A_437 : i32
      %swap3A_439 = arith.index_cast %shift_right_arithmetic3A_419 : i32 to index
      %swap3A_440 = arith.index_cast %add3A_438 : i32 to index
      %swap3A_441 = tpu.vector_load %arg20[%swap3A_439, %swap3A_440] {strides = array<i32>} : memref<64x128xf32, #tpu.memory_space<vmem>>, vector<16xf32>,
      tpu.vector_store %arg20[%swap3A_439, %swap3A_440], %gather3A_436 {strides = array<i32>} : memref<64x128xf32, #tpu.memory_space<vmem>>, vector<16xf32>,
      %add3A_442 = arith.constant 32 : i32
      %add3A_443 = vector.broadcast %add3A_442 : i32 to vector<16xi32>
      %add3A_444 = arith.addi %iota3A, %add3A_443 : vector<16xi32>
      %gather3A_445 = tpu.vector_load_idx %arg13[%add3A_444, %broadcast_in_dim3A_417] : memref<64x128xf32, #tpu.memory_space<vmem>>[vector<16xi32>, vector<16xi32>], vector<16xf32>,
      %add3A_446 = arith.constant 32 : i32
      %add3A_447 = arith.addi %mul3A_423, %add3A_446 : i32
      %swap3A_448 = arith.index_cast %shift_right_arithmetic3A_419 : i32 to index
      %swap3A_449 = arith.index_cast %add3A_447 : i32 to index
      %swap3A_450 = tpu.vector_load %arg20[%swap3A_448, %swap3A_449] {strides = array<i32>} : memref<64x128xf32, #tpu.memory_space<vmem>>, vector<16xf32>,
      tpu.vector_store %arg20[%swap3A_448, %swap3A_449], %gather3A_445 {strides = array<i32>} : memref<64x128xf32, #tpu.memory_space<vmem>>, vector<16xf32>,
      %add3A_451 = arith.constant 48 : i32
      %add3A_452 = vector.broadcast %add3A_451 : i32 to vector<16xi32>
      %add3A_453 = arith.addi %iota3A, %add3A_452 : vector<16xi32>
      %gather3A_454 = tpu.vector_load_idx %arg13[%add3A_453, %broadcast_in_dim3A_417] : memref<64x128xf32, #tpu.memory_space<vmem>>[vector<16xi32>, vector<16xi32>], vector<16xf32>,
      %add3A_455 = arith.constant 48 : i32
      %add3A_456 = arith.addi %mul3A_423, %add3A_455 : i32
      %swap3A_457 = arith.index_cast %shift_right_arithmetic3A_419 : i32 to index
      %swap3A_458 = arith.index_cast %add3A_456 : i32 to index
      %swap3A_459 = tpu.vector_load %arg20[%swap3A_457, %swap3A_458] {strides = array<i32>} : memref<64x128xf32, #tpu.memory_space<vmem>>, vector<16xf32>,
      tpu.vector_store %arg20[%swap3A_457, %swap3A_458], %gather3A_454 {strides = array<i32>} : memref<64x128xf32, #tpu.memory_space<vmem>>, vector<16xf32>,
      %add3A_460 = arith.constant 8 : i32
      %add3A_461 = arith.addi %add3A_400, %add3A_460 : i32
      %lt3A_462 = arith.constant 128 : i32
      %lt3A_463 = arith.cmpi slt, %add3A_461, %lt3A_462 : i32
      %convert_element_type3A_464 = arith.extui %lt3A_463 : i1 to i32
      %cond3A_465 = arith.constant 0 : i32
      %cond3A_466 = arith.cmpi ne, %convert_element_type3A_464, %cond3A_465 : i32
      scf.if %cond3A_466 {
        %add3A_888 = arith.constant 8 : i32
        %add3A_889 = arith.addi %add3A_400, %add3A_888 : i32
        %get3A_890 = arith.index_cast %add3A_889 : i32 to index
        %get3A_891 = tpu.vector_load %arg11[%get3A_890] {strides = array<i32>} : memref<144xi32, #tpu.memory_space<vmem>>, vector<16xi32>,
        %slice3A_892 = vector.extract_strided_slice %get3A_891 {offsets = [0], sizes = [1], strides = [1]} : vector<16xi32> to vector<1xi32>
        %squeeze3A_893 = vector.extract %slice3A_892[0] : i32 from vector<1xi32>
        %shift_right_arithmetic3A_894 = arith.constant 7 : i32
        %shift_right_arithmetic3A_895 = arith.shrsi %squeeze3A_893, %shift_right_arithmetic3A_894 : i32
        %shift_left3A_896 = arith.constant 7 : i32
        %shift_left3A_897 = arith.shli %shift_right_arithmetic3A_895, %shift_left3A_896 : i32
        %multiple_of3A_898 = tpu.assume_multiple %shift_left3A_897, 128 : i32
        %dma_start3A_899 = arith.constant 0 : i32
        %dma_start3A_900 = tpu.memref_slice %arg7[%dma_start3A_899, %multiple_of3A_898] : memref<64x100000xf32, #tpu.memory_space<hbm>> -> memref<64x128xf32, #tpu.memory_space<hbm>>
        %dma_start3A_901 = arith.constant 0 : i32
        %dma_start3A_902 = tpu.memref_slice %arg7[%dma_start3A_901, %multiple_of3A_898] : memref<64x100000xf32, #tpu.memory_space<hbm>> -> memref<64x128xf32, #tpu.memory_space<hbm>>
        tpu.enqueue_dma source(%dma_start3A_902 : memref<64x128xf32, #tpu.memory_space<hbm>>) target(%arg13 : memref<64x128xf32, #tpu.memory_space<vmem>>) target_semaphore(%arg22 : memref<!tpu.dma_semaphore, #tpu.memory_space<semaphore_mem>>)
      } else {
      }
      %mul3A_467 = arith.constant 8 : i32
      %mul3A_468 = arith.muli %scan3A_334, %mul3A_467 : i32
      %add3A_469 = arith.constant 2 : i32
      %add3A_470 = arith.addi %mul3A_468, %add3A_469 : i32
      %dma_wait3A_471 = arith.constant 0 : i32
      %dma_wait3A_472 = arith.constant 0 : i32
      %dma_wait3A_473 = tpu.memref_slice %arg7[%dma_wait3A_471, %dma_wait3A_472] : memref<64x100000xf32, #tpu.memory_space<hbm>> -> memref<64x128xf32, #tpu.memory_space<hbm>>
      %dma_wait3A_474 = arith.constant 0 : i32
      %dma_wait3A_475 = arith.constant 0 : i32
      %dma_wait3A_476 = tpu.memref_slice %arg7[%dma_wait3A_474, %dma_wait3A_475] : memref<64x100000xf32, #tpu.memory_space<hbm>> -> memref<64x128xf32, #tpu.memory_space<hbm>>
      tpu.wait_dma2 semaphore(%arg23 : memref<!tpu.dma_semaphore, #tpu.memory_space<semaphore_mem>>) src(%dma_wait3A_476 : memref<64x128xf32, #tpu.memory_space<hbm>>) dst(%arg14 : memref<64x128xf32, #tpu.memory_space<vmem>>)
      %get3A_477 = arith.index_cast %add3A_470 : i32 to index
      %get3A_478 = tpu.vector_load %arg11[%get3A_477] {strides = array<i32>} : memref<144xi32, #tpu.memory_space<vmem>>, vector<16xi32>,
      %slice3A_479 = vector.extract_strided_slice %get3A_478 {offsets = [0], sizes = [1], strides = [1]} : vector<16xi32> to vector<1xi32>
      %squeeze3A_480 = vector.extract %slice3A_479[0] : i32 from vector<1xi32>
      %shift_right_arithmetic3A_481 = arith.constant 7 : i32
      %shift_right_arithmetic3A_482 = arith.shrsi %squeeze3A_480, %shift_right_arithmetic3A_481 : i32
      %shift_left3A_483 = arith.constant 7 : i32
      %shift_left3A_484 = arith.shli %shift_right_arithmetic3A_482, %shift_left3A_483 : i32
      %multiple_of3A_485 = tpu.assume_multiple %shift_left3A_484, 128 : i32
      %sub3A_486 = arith.subi %squeeze3A_480, %multiple_of3A_485 : i32
      %broadcast_in_dim3A_487 = vector.broadcast %sub3A_486 : i32 to vector<16xi32>
      %shift_right_arithmetic3A_488 = arith.constant 1 : i32
      %shift_right_arithmetic3A_489 = arith.shrsi %add3A_470, %shift_right_arithmetic3A_488 : i32
      %and3A_490 = arith.constant 1 : i32
      %and3A_491 = arith.andi %add3A_470, %and3A_490 : i32
      %mul3A_492 = arith.constant 64 : i32
      %mul3A_493 = arith.muli %and3A_491, %mul3A_492 : i32
      %add3A_494 = arith.constant 0 : i32
      %add3A_495 = vector.broadcast %add3A_494 : i32 to vector<16xi32>
      %add3A_496 = arith.addi %iota3A, %add3A_495 : vector<16xi32>
      %gather3A_497 = tpu.vector_load_idx %arg14[%add3A_496, %broadcast_in_dim3A_487] : memref<64x128xf32, #tpu.memory_space<vmem>>[vector<16xi32>, vector<16xi32>], vector<16xf32>,
      %add3A_498 = arith.constant 0 : i32
      %add3A_499 = arith.addi %mul3A_493, %add3A_498 : i32
      %swap3A_500 = arith.index_cast %shift_right_arithmetic3A_489 : i32 to index
      %swap3A_501 = arith.index_cast %add3A_499 : i32 to index
      %swap3A_502 = tpu.vector_load %arg20[%swap3A_500, %swap3A_501] {strides = array<i32>} : memref<64x128xf32, #tpu.memory_space<vmem>>, vector<16xf32>,
      tpu.vector_store %arg20[%swap3A_500, %swap3A_501], %gather3A_497 {strides = array<i32>} : memref<64x128xf32, #tpu.memory_space<vmem>>, vector<16xf32>,
      %add3A_503 = arith.constant 16 : i32
      %add3A_504 = vector.broadcast %add3A_503 : i32 to vector<16xi32>
      %add3A_505 = arith.addi %iota3A, %add3A_504 : vector<16xi32>
      %gather3A_506 = tpu.vector_load_idx %arg14[%add3A_505, %broadcast_in_dim3A_487] : memref<64x128xf32, #tpu.memory_space<vmem>>[vector<16xi32>, vector<16xi32>], vector<16xf32>,
      %add3A_507 = arith.constant 16 : i32
      %add3A_508 = arith.addi %mul3A_493, %add3A_507 : i32
      %swap3A_509 = arith.index_cast %shift_right_arithmetic3A_489 : i32 to index
      %swap3A_510 = arith.index_cast %add3A_508 : i32 to index
      %swap3A_511 = tpu.vector_load %arg20[%swap3A_509, %swap3A_510] {strides = array<i32>} : memref<64x128xf32, #tpu.memory_space<vmem>>, vector<16xf32>,
      tpu.vector_store %arg20[%swap3A_509, %swap3A_510], %gather3A_506 {strides = array<i32>} : memref<64x128xf32, #tpu.memory_space<vmem>>, vector<16xf32>,
      %add3A_512 = arith.constant 32 : i32
      %add3A_513 = vector.broadcast %add3A_512 : i32 to vector<16xi32>
      %add3A_514 = arith.addi %iota3A, %add3A_513 : vector<16xi32>
      %gather3A_515 = tpu.vector_load_idx %arg14[%add3A_514, %broadcast_in_dim3A_487] : memref<64x128xf32, #tpu.memory_space<vmem>>[vector<16xi32>, vector<16xi32>], vector<16xf32>,
      %add3A_516 = arith.constant 32 : i32
      %add3A_517 = arith.addi %mul3A_493, %add3A_516 : i32
      %swap3A_518 = arith.index_cast %shift_right_arithmetic3A_489 : i32 to index
      %swap3A_519 = arith.index_cast %add3A_517 : i32 to index
      %swap3A_520 = tpu.vector_load %arg20[%swap3A_518, %swap3A_519] {strides = array<i32>} : memref<64x128xf32, #tpu.memory_space<vmem>>, vector<16xf32>,
      tpu.vector_store %arg20[%swap3A_518, %swap3A_519], %gather3A_515 {strides = array<i32>} : memref<64x128xf32, #tpu.memory_space<vmem>>, vector<16xf32>,
      %add3A_521 = arith.constant 48 : i32
      %add3A_522 = vector.broadcast %add3A_521 : i32 to vector<16xi32>
      %add3A_523 = arith.addi %iota3A, %add3A_522 : vector<16xi32>
      %gather3A_524 = tpu.vector_load_idx %arg14[%add3A_523, %broadcast_in_dim3A_487] : memref<64x128xf32, #tpu.memory_space<vmem>>[vector<16xi32>, vector<16xi32>], vector<16xf32>,
      %add3A_525 = arith.constant 48 : i32
      %add3A_526 = arith.addi %mul3A_493, %add3A_525 : i32
      %swap3A_527 = arith.index_cast %shift_right_arithmetic3A_489 : i32 to index
      %swap3A_528 = arith.index_cast %add3A_526 : i32 to index
      %swap3A_529 = tpu.vector_load %arg20[%swap3A_527, %swap3A_528] {strides = array<i32>} : memref<64x128xf32, #tpu.memory_space<vmem>>, vector<16xf32>,
      tpu.vector_store %arg20[%swap3A_527, %swap3A_528], %gather3A_524 {strides = array<i32>} : memref<64x128xf32, #tpu.memory_space<vmem>>, vector<16xf32>,
      %add3A_530 = arith.constant 8 : i32
      %add3A_531 = arith.addi %add3A_470, %add3A_530 : i32
      %lt3A_532 = arith.constant 128 : i32
      %lt3A_533 = arith.cmpi slt, %add3A_531, %lt3A_532 : i32
      %convert_element_type3A_534 = arith.extui %lt3A_533 : i1 to i32
      %cond3A_535 = arith.constant 0 : i32
      %cond3A_536 = arith.cmpi ne, %convert_element_type3A_534, %cond3A_535 : i32
      scf.if %cond3A_536 {
        %add3A_888 = arith.constant 8 : i32
        %add3A_889 = arith.addi %add3A_470, %add3A_888 : i32
        %get3A_890 = arith.index_cast %add3A_889 : i32 to index
        %get3A_891 = tpu.vector_load %arg11[%get3A_890] {strides = array<i32>} : memref<144xi32, #tpu.memory_space<vmem>>, vector<16xi32>,
        %slice3A_892 = vector.extract_strided_slice %get3A_891 {offsets = [0], sizes = [1], strides = [1]} : vector<16xi32> to vector<1xi32>
        %squeeze3A_893 = vector.extract %slice3A_892[0] : i32 from vector<1xi32>
        %shift_right_arithmetic3A_894 = arith.constant 7 : i32
        %shift_right_arithmetic3A_895 = arith.shrsi %squeeze3A_893, %shift_right_arithmetic3A_894 : i32
        %shift_left3A_896 = arith.constant 7 : i32
        %shift_left3A_897 = arith.shli %shift_right_arithmetic3A_895, %shift_left3A_896 : i32
        %multiple_of3A_898 = tpu.assume_multiple %shift_left3A_897, 128 : i32
        %dma_start3A_899 = arith.constant 0 : i32
        %dma_start3A_900 = tpu.memref_slice %arg7[%dma_start3A_899, %multiple_of3A_898] : memref<64x100000xf32, #tpu.memory_space<hbm>> -> memref<64x128xf32, #tpu.memory_space<hbm>>
        %dma_start3A_901 = arith.constant 0 : i32
        %dma_start3A_902 = tpu.memref_slice %arg7[%dma_start3A_901, %multiple_of3A_898] : memref<64x100000xf32, #tpu.memory_space<hbm>> -> memref<64x128xf32, #tpu.memory_space<hbm>>
        tpu.enqueue_dma source(%dma_start3A_902 : memref<64x128xf32, #tpu.memory_space<hbm>>) target(%arg14 : memref<64x128xf32, #tpu.memory_space<vmem>>) target_semaphore(%arg23 : memref<!tpu.dma_semaphore, #tpu.memory_space<semaphore_mem>>)
      } else {
      }
      %mul3A_537 = arith.constant 8 : i32
      %mul3A_538 = arith.muli %scan3A_334, %mul3A_537 : i32
      %add3A_539 = arith.constant 3 : i32
      %add3A_540 = arith.addi %mul3A_538, %add3A_539 : i32
      %dma_wait3A_541 = arith.constant 0 : i32
      %dma_wait3A_542 = arith.constant 0 : i32
      %dma_wait3A_543 = tpu.memref_slice %arg7[%dma_wait3A_541, %dma_wait3A_542] : memref<64x100000xf32, #tpu.memory_space<hbm>> -> memref<64x128xf32, #tpu.memory_space<hbm>>
      %dma_wait3A_544 = arith.constant 0 : i32
      %dma_wait3A_545 = arith.constant 0 : i32
      %dma_wait3A_546 = tpu.memref_slice %arg7[%dma_wait3A_544, %dma_wait3A_545] : memref<64x100000xf32, #tpu.memory_space<hbm>> -> memref<64x128xf32, #tpu.memory_space<hbm>>
      tpu.wait_dma2 semaphore(%arg24 : memref<!tpu.dma_semaphore, #tpu.memory_space<semaphore_mem>>) src(%dma_wait3A_546 : memref<64x128xf32, #tpu.memory_space<hbm>>) dst(%arg15 : memref<64x128xf32, #tpu.memory_space<vmem>>)
      %get3A_547 = arith.index_cast %add3A_540 : i32 to index
      %get3A_548 = tpu.vector_load %arg11[%get3A_547] {strides = array<i32>} : memref<144xi32, #tpu.memory_space<vmem>>, vector<16xi32>,
      %slice3A_549 = vector.extract_strided_slice %get3A_548 {offsets = [0], sizes = [1], strides = [1]} : vector<16xi32> to vector<1xi32>
      %squeeze3A_550 = vector.extract %slice3A_549[0] : i32 from vector<1xi32>
      %shift_right_arithmetic3A_551 = arith.constant 7 : i32
      %shift_right_arithmetic3A_552 = arith.shrsi %squeeze3A_550, %shift_right_arithmetic3A_551 : i32
      %shift_left3A_553 = arith.constant 7 : i32
      %shift_left3A_554 = arith.shli %shift_right_arithmetic3A_552, %shift_left3A_553 : i32
      %multiple_of3A_555 = tpu.assume_multiple %shift_left3A_554, 128 : i32
      %sub3A_556 = arith.subi %squeeze3A_550, %multiple_of3A_555 : i32
      %broadcast_in_dim3A_557 = vector.broadcast %sub3A_556 : i32 to vector<16xi32>
      %shift_right_arithmetic3A_558 = arith.constant 1 : i32
      %shift_right_arithmetic3A_559 = arith.shrsi %add3A_540, %shift_right_arithmetic3A_558 : i32
      %and3A_560 = arith.constant 1 : i32
      %and3A_561 = arith.andi %add3A_540, %and3A_560 : i32
      %mul3A_562 = arith.constant 64 : i32
      %mul3A_563 = arith.muli %and3A_561, %mul3A_562 : i32
      %add3A_564 = arith.constant 0 : i32
      %add3A_565 = vector.broadcast %add3A_564 : i32 to vector<16xi32>
      %add3A_566 = arith.addi %iota3A, %add3A_565 : vector<16xi32>
      %gather3A_567 = tpu.vector_load_idx %arg15[%add3A_566, %broadcast_in_dim3A_557] : memref<64x128xf32, #tpu.memory_space<vmem>>[vector<16xi32>, vector<16xi32>], vector<16xf32>,
      %add3A_568 = arith.constant 0 : i32
      %add3A_569 = arith.addi %mul3A_563, %add3A_568 : i32
      %swap3A_570 = arith.index_cast %shift_right_arithmetic3A_559 : i32 to index
      %swap3A_571 = arith.index_cast %add3A_569 : i32 to index
      %swap3A_572 = tpu.vector_load %arg20[%swap3A_570, %swap3A_571] {strides = array<i32>} : memref<64x128xf32, #tpu.memory_space<vmem>>, vector<16xf32>,
      tpu.vector_store %arg20[%swap3A_570, %swap3A_571], %gather3A_567 {strides = array<i32>} : memref<64x128xf32, #tpu.memory_space<vmem>>, vector<16xf32>,
      %add3A_573 = arith.constant 16 : i32
      %add3A_574 = vector.broadcast %add3A_573 : i32 to vector<16xi32>
      %add3A_575 = arith.addi %iota3A, %add3A_574 : vector<16xi32>
      %gather3A_576 = tpu.vector_load_idx %arg15[%add3A_575, %broadcast_in_dim3A_557] : memref<64x128xf32, #tpu.memory_space<vmem>>[vector<16xi32>, vector<16xi32>], vector<16xf32>,
      %add3A_577 = arith.constant 16 : i32
      %add3A_578 = arith.addi %mul3A_563, %add3A_577 : i32
      %swap3A_579 = arith.index_cast %shift_right_arithmetic3A_559 : i32 to index
      %swap3A_580 = arith.index_cast %add3A_578 : i32 to index
      %swap3A_581 = tpu.vector_load %arg20[%swap3A_579, %swap3A_580] {strides = array<i32>} : memref<64x128xf32, #tpu.memory_space<vmem>>, vector<16xf32>,
      tpu.vector_store %arg20[%swap3A_579, %swap3A_580], %gather3A_576 {strides = array<i32>} : memref<64x128xf32, #tpu.memory_space<vmem>>, vector<16xf32>,
      %add3A_582 = arith.constant 32 : i32
      %add3A_583 = vector.broadcast %add3A_582 : i32 to vector<16xi32>
      %add3A_584 = arith.addi %iota3A, %add3A_583 : vector<16xi32>
      %gather3A_585 = tpu.vector_load_idx %arg15[%add3A_584, %broadcast_in_dim3A_557] : memref<64x128xf32, #tpu.memory_space<vmem>>[vector<16xi32>, vector<16xi32>], vector<16xf32>,
      %add3A_586 = arith.constant 32 : i32
      %add3A_587 = arith.addi %mul3A_563, %add3A_586 : i32
      %swap3A_588 = arith.index_cast %shift_right_arithmetic3A_559 : i32 to index
      %swap3A_589 = arith.index_cast %add3A_587 : i32 to index
      %swap3A_590 = tpu.vector_load %arg20[%swap3A_588, %swap3A_589] {strides = array<i32>} : memref<64x128xf32, #tpu.memory_space<vmem>>, vector<16xf32>,
      tpu.vector_store %arg20[%swap3A_588, %swap3A_589], %gather3A_585 {strides = array<i32>} : memref<64x128xf32, #tpu.memory_space<vmem>>, vector<16xf32>,
      %add3A_591 = arith.constant 48 : i32
      %add3A_592 = vector.broadcast %add3A_591 : i32 to vector<16xi32>
      %add3A_593 = arith.addi %iota3A, %add3A_592 : vector<16xi32>
      %gather3A_594 = tpu.vector_load_idx %arg15[%add3A_593, %broadcast_in_dim3A_557] : memref<64x128xf32, #tpu.memory_space<vmem>>[vector<16xi32>, vector<16xi32>], vector<16xf32>,
      %add3A_595 = arith.constant 48 : i32
      %add3A_596 = arith.addi %mul3A_563, %add3A_595 : i32
      %swap3A_597 = arith.index_cast %shift_right_arithmetic3A_559 : i32 to index
      %swap3A_598 = arith.index_cast %add3A_596 : i32 to index
      %swap3A_599 = tpu.vector_load %arg20[%swap3A_597, %swap3A_598] {strides = array<i32>} : memref<64x128xf32, #tpu.memory_space<vmem>>, vector<16xf32>,
      tpu.vector_store %arg20[%swap3A_597, %swap3A_598], %gather3A_594 {strides = array<i32>} : memref<64x128xf32, #tpu.memory_space<vmem>>, vector<16xf32>,
      %add3A_600 = arith.constant 8 : i32
      %add3A_601 = arith.addi %add3A_540, %add3A_600 : i32
      %lt3A_602 = arith.constant 128 : i32
      %lt3A_603 = arith.cmpi slt, %add3A_601, %lt3A_602 : i32
      %convert_element_type3A_604 = arith.extui %lt3A_603 : i1 to i32
      %cond3A_605 = arith.constant 0 : i32
      %cond3A_606 = arith.cmpi ne, %convert_element_type3A_604, %cond3A_605 : i32
      scf.if %cond3A_606 {
        %add3A_888 = arith.constant 8 : i32
        %add3A_889 = arith.addi %add3A_540, %add3A_888 : i32
        %get3A_890 = arith.index_cast %add3A_889 : i32 to index
        %get3A_891 = tpu.vector_load %arg11[%get3A_890] {strides = array<i32>} : memref<144xi32, #tpu.memory_space<vmem>>, vector<16xi32>,
        %slice3A_892 = vector.extract_strided_slice %get3A_891 {offsets = [0], sizes = [1], strides = [1]} : vector<16xi32> to vector<1xi32>
        %squeeze3A_893 = vector.extract %slice3A_892[0] : i32 from vector<1xi32>
        %shift_right_arithmetic3A_894 = arith.constant 7 : i32
        %shift_right_arithmetic3A_895 = arith.shrsi %squeeze3A_893, %shift_right_arithmetic3A_894 : i32
        %shift_left3A_896 = arith.constant 7 : i32
        %shift_left3A_897 = arith.shli %shift_right_arithmetic3A_895, %shift_left3A_896 : i32
        %multiple_of3A_898 = tpu.assume_multiple %shift_left3A_897, 128 : i32
        %dma_start3A_899 = arith.constant 0 : i32
        %dma_start3A_900 = tpu.memref_slice %arg7[%dma_start3A_899, %multiple_of3A_898] : memref<64x100000xf32, #tpu.memory_space<hbm>> -> memref<64x128xf32, #tpu.memory_space<hbm>>
        %dma_start3A_901 = arith.constant 0 : i32
        %dma_start3A_902 = tpu.memref_slice %arg7[%dma_start3A_901, %multiple_of3A_898] : memref<64x100000xf32, #tpu.memory_space<hbm>> -> memref<64x128xf32, #tpu.memory_space<hbm>>
        tpu.enqueue_dma source(%dma_start3A_902 : memref<64x128xf32, #tpu.memory_space<hbm>>) target(%arg15 : memref<64x128xf32, #tpu.memory_space<vmem>>) target_semaphore(%arg24 : memref<!tpu.dma_semaphore, #tpu.memory_space<semaphore_mem>>)
      } else {
      }
      %mul3A_607 = arith.constant 8 : i32
      %mul3A_608 = arith.muli %scan3A_334, %mul3A_607 : i32
      %add3A_609 = arith.constant 4 : i32
      %add3A_610 = arith.addi %mul3A_608, %add3A_609 : i32
      %dma_wait3A_611 = arith.constant 0 : i32
      %dma_wait3A_612 = arith.constant 0 : i32
      %dma_wait3A_613 = tpu.memref_slice %arg7[%dma_wait3A_611, %dma_wait3A_612] : memref<64x100000xf32, #tpu.memory_space<hbm>> -> memref<64x128xf32, #tpu.memory_space<hbm>>
      %dma_wait3A_614 = arith.constant 0 : i32
      %dma_wait3A_615 = arith.constant 0 : i32
      %dma_wait3A_616 = tpu.memref_slice %arg7[%dma_wait3A_614, %dma_wait3A_615] : memref<64x100000xf32, #tpu.memory_space<hbm>> -> memref<64x128xf32, #tpu.memory_space<hbm>>
      tpu.wait_dma2 semaphore(%arg25 : memref<!tpu.dma_semaphore, #tpu.memory_space<semaphore_mem>>) src(%dma_wait3A_616 : memref<64x128xf32, #tpu.memory_space<hbm>>) dst(%arg16 : memref<64x128xf32, #tpu.memory_space<vmem>>)
      %get3A_617 = arith.index_cast %add3A_610 : i32 to index
      %get3A_618 = tpu.vector_load %arg11[%get3A_617] {strides = array<i32>} : memref<144xi32, #tpu.memory_space<vmem>>, vector<16xi32>,
      %slice3A_619 = vector.extract_strided_slice %get3A_618 {offsets = [0], sizes = [1], strides = [1]} : vector<16xi32> to vector<1xi32>
      %squeeze3A_620 = vector.extract %slice3A_619[0] : i32 from vector<1xi32>
      %shift_right_arithmetic3A_621 = arith.constant 7 : i32
      %shift_right_arithmetic3A_622 = arith.shrsi %squeeze3A_620, %shift_right_arithmetic3A_621 : i32
      %shift_left3A_623 = arith.constant 7 : i32
      %shift_left3A_624 = arith.shli %shift_right_arithmetic3A_622, %shift_left3A_623 : i32
      %multiple_of3A_625 = tpu.assume_multiple %shift_left3A_624, 128 : i32
      %sub3A_626 = arith.subi %squeeze3A_620, %multiple_of3A_625 : i32
      %broadcast_in_dim3A_627 = vector.broadcast %sub3A_626 : i32 to vector<16xi32>
      %shift_right_arithmetic3A_628 = arith.constant 1 : i32
      %shift_right_arithmetic3A_629 = arith.shrsi %add3A_610, %shift_right_arithmetic3A_628 : i32
      %and3A_630 = arith.constant 1 : i32
      %and3A_631 = arith.andi %add3A_610, %and3A_630 : i32
      %mul3A_632 = arith.constant 64 : i32
      %mul3A_633 = arith.muli %and3A_631, %mul3A_632 : i32
      %add3A_634 = arith.constant 0 : i32
      %add3A_635 = vector.broadcast %add3A_634 : i32 to vector<16xi32>
      %add3A_636 = arith.addi %iota3A, %add3A_635 : vector<16xi32>
      %gather3A_637 = tpu.vector_load_idx %arg16[%add3A_636, %broadcast_in_dim3A_627] : memref<64x128xf32, #tpu.memory_space<vmem>>[vector<16xi32>, vector<16xi32>], vector<16xf32>,
      %add3A_638 = arith.constant 0 : i32
      %add3A_639 = arith.addi %mul3A_633, %add3A_638 : i32
      %swap3A_640 = arith.index_cast %shift_right_arithmetic3A_629 : i32 to index
      %swap3A_641 = arith.index_cast %add3A_639 : i32 to index
      %swap3A_642 = tpu.vector_load %arg20[%swap3A_640, %swap3A_641] {strides = array<i32>} : memref<64x128xf32, #tpu.memory_space<vmem>>, vector<16xf32>,
      tpu.vector_store %arg20[%swap3A_640, %swap3A_641], %gather3A_637 {strides = array<i32>} : memref<64x128xf32, #tpu.memory_space<vmem>>, vector<16xf32>,
      %add3A_643 = arith.constant 16 : i32
      %add3A_644 = vector.broadcast %add3A_643 : i32 to vector<16xi32>
      %add3A_645 = arith.addi %iota3A, %add3A_644 : vector<16xi32>
      %gather3A_646 = tpu.vector_load_idx %arg16[%add3A_645, %broadcast_in_dim3A_627] : memref<64x128xf32, #tpu.memory_space<vmem>>[vector<16xi32>, vector<16xi32>], vector<16xf32>,
      %add3A_647 = arith.constant 16 : i32
      %add3A_648 = arith.addi %mul3A_633, %add3A_647 : i32
      %swap3A_649 = arith.index_cast %shift_right_arithmetic3A_629 : i32 to index
      %swap3A_650 = arith.index_cast %add3A_648 : i32 to index
      %swap3A_651 = tpu.vector_load %arg20[%swap3A_649, %swap3A_650] {strides = array<i32>} : memref<64x128xf32, #tpu.memory_space<vmem>>, vector<16xf32>,
      tpu.vector_store %arg20[%swap3A_649, %swap3A_650], %gather3A_646 {strides = array<i32>} : memref<64x128xf32, #tpu.memory_space<vmem>>, vector<16xf32>,
      %add3A_652 = arith.constant 32 : i32
      %add3A_653 = vector.broadcast %add3A_652 : i32 to vector<16xi32>
      %add3A_654 = arith.addi %iota3A, %add3A_653 : vector<16xi32>
      %gather3A_655 = tpu.vector_load_idx %arg16[%add3A_654, %broadcast_in_dim3A_627] : memref<64x128xf32, #tpu.memory_space<vmem>>[vector<16xi32>, vector<16xi32>], vector<16xf32>,
      %add3A_656 = arith.constant 32 : i32
      %add3A_657 = arith.addi %mul3A_633, %add3A_656 : i32
      %swap3A_658 = arith.index_cast %shift_right_arithmetic3A_629 : i32 to index
      %swap3A_659 = arith.index_cast %add3A_657 : i32 to index
      %swap3A_660 = tpu.vector_load %arg20[%swap3A_658, %swap3A_659] {strides = array<i32>} : memref<64x128xf32, #tpu.memory_space<vmem>>, vector<16xf32>,
      tpu.vector_store %arg20[%swap3A_658, %swap3A_659], %gather3A_655 {strides = array<i32>} : memref<64x128xf32, #tpu.memory_space<vmem>>, vector<16xf32>,
      %add3A_661 = arith.constant 48 : i32
      %add3A_662 = vector.broadcast %add3A_661 : i32 to vector<16xi32>
      %add3A_663 = arith.addi %iota3A, %add3A_662 : vector<16xi32>
      %gather3A_664 = tpu.vector_load_idx %arg16[%add3A_663, %broadcast_in_dim3A_627] : memref<64x128xf32, #tpu.memory_space<vmem>>[vector<16xi32>, vector<16xi32>], vector<16xf32>,
      %add3A_665 = arith.constant 48 : i32
      %add3A_666 = arith.addi %mul3A_633, %add3A_665 : i32
      %swap3A_667 = arith.index_cast %shift_right_arithmetic3A_629 : i32 to index
      %swap3A_668 = arith.index_cast %add3A_666 : i32 to index
      %swap3A_669 = tpu.vector_load %arg20[%swap3A_667, %swap3A_668] {strides = array<i32>} : memref<64x128xf32, #tpu.memory_space<vmem>>, vector<16xf32>,
      tpu.vector_store %arg20[%swap3A_667, %swap3A_668], %gather3A_664 {strides = array<i32>} : memref<64x128xf32, #tpu.memory_space<vmem>>, vector<16xf32>,
      %add3A_670 = arith.constant 8 : i32
      %add3A_671 = arith.addi %add3A_610, %add3A_670 : i32
      %lt3A_672 = arith.constant 128 : i32
      %lt3A_673 = arith.cmpi slt, %add3A_671, %lt3A_672 : i32
      %convert_element_type3A_674 = arith.extui %lt3A_673 : i1 to i32
      %cond3A_675 = arith.constant 0 : i32
      %cond3A_676 = arith.cmpi ne, %convert_element_type3A_674, %cond3A_675 : i32
      scf.if %cond3A_676 {
        %add3A_888 = arith.constant 8 : i32
        %add3A_889 = arith.addi %add3A_610, %add3A_888 : i32
        %get3A_890 = arith.index_cast %add3A_889 : i32 to index
        %get3A_891 = tpu.vector_load %arg11[%get3A_890] {strides = array<i32>} : memref<144xi32, #tpu.memory_space<vmem>>, vector<16xi32>,
        %slice3A_892 = vector.extract_strided_slice %get3A_891 {offsets = [0], sizes = [1], strides = [1]} : vector<16xi32> to vector<1xi32>
        %squeeze3A_893 = vector.extract %slice3A_892[0] : i32 from vector<1xi32>
        %shift_right_arithmetic3A_894 = arith.constant 7 : i32
        %shift_right_arithmetic3A_895 = arith.shrsi %squeeze3A_893, %shift_right_arithmetic3A_894 : i32
        %shift_left3A_896 = arith.constant 7 : i32
        %shift_left3A_897 = arith.shli %shift_right_arithmetic3A_895, %shift_left3A_896 : i32
        %multiple_of3A_898 = tpu.assume_multiple %shift_left3A_897, 128 : i32
        %dma_start3A_899 = arith.constant 0 : i32
        %dma_start3A_900 = tpu.memref_slice %arg7[%dma_start3A_899, %multiple_of3A_898] : memref<64x100000xf32, #tpu.memory_space<hbm>> -> memref<64x128xf32, #tpu.memory_space<hbm>>
        %dma_start3A_901 = arith.constant 0 : i32
        %dma_start3A_902 = tpu.memref_slice %arg7[%dma_start3A_901, %multiple_of3A_898] : memref<64x100000xf32, #tpu.memory_space<hbm>> -> memref<64x128xf32, #tpu.memory_space<hbm>>
        tpu.enqueue_dma source(%dma_start3A_902 : memref<64x128xf32, #tpu.memory_space<hbm>>) target(%arg16 : memref<64x128xf32, #tpu.memory_space<vmem>>) target_semaphore(%arg25 : memref<!tpu.dma_semaphore, #tpu.memory_space<semaphore_mem>>)
      } else {
      }
      %mul3A_677 = arith.constant 8 : i32
      %mul3A_678 = arith.muli %scan3A_334, %mul3A_677 : i32
      %add3A_679 = arith.constant 5 : i32
      %add3A_680 = arith.addi %mul3A_678, %add3A_679 : i32
      %dma_wait3A_681 = arith.constant 0 : i32
      %dma_wait3A_682 = arith.constant 0 : i32
      %dma_wait3A_683 = tpu.memref_slice %arg7[%dma_wait3A_681, %dma_wait3A_682] : memref<64x100000xf32, #tpu.memory_space<hbm>> -> memref<64x128xf32, #tpu.memory_space<hbm>>
      %dma_wait3A_684 = arith.constant 0 : i32
      %dma_wait3A_685 = arith.constant 0 : i32
      %dma_wait3A_686 = tpu.memref_slice %arg7[%dma_wait3A_684, %dma_wait3A_685] : memref<64x100000xf32, #tpu.memory_space<hbm>> -> memref<64x128xf32, #tpu.memory_space<hbm>>
      tpu.wait_dma2 semaphore(%arg26 : memref<!tpu.dma_semaphore, #tpu.memory_space<semaphore_mem>>) src(%dma_wait3A_686 : memref<64x128xf32, #tpu.memory_space<hbm>>) dst(%arg17 : memref<64x128xf32, #tpu.memory_space<vmem>>)
      %get3A_687 = arith.index_cast %add3A_680 : i32 to index
      %get3A_688 = tpu.vector_load %arg11[%get3A_687] {strides = array<i32>} : memref<144xi32, #tpu.memory_space<vmem>>, vector<16xi32>,
      %slice3A_689 = vector.extract_strided_slice %get3A_688 {offsets = [0], sizes = [1], strides = [1]} : vector<16xi32> to vector<1xi32>
      %squeeze3A_690 = vector.extract %slice3A_689[0] : i32 from vector<1xi32>
      %shift_right_arithmetic3A_691 = arith.constant 7 : i32
      %shift_right_arithmetic3A_692 = arith.shrsi %squeeze3A_690, %shift_right_arithmetic3A_691 : i32
      %shift_left3A_693 = arith.constant 7 : i32
      %shift_left3A_694 = arith.shli %shift_right_arithmetic3A_692, %shift_left3A_693 : i32
      %multiple_of3A_695 = tpu.assume_multiple %shift_left3A_694, 128 : i32
      %sub3A_696 = arith.subi %squeeze3A_690, %multiple_of3A_695 : i32
      %broadcast_in_dim3A_697 = vector.broadcast %sub3A_696 : i32 to vector<16xi32>
      %shift_right_arithmetic3A_698 = arith.constant 1 : i32
      %shift_right_arithmetic3A_699 = arith.shrsi %add3A_680, %shift_right_arithmetic3A_698 : i32
      %and3A_700 = arith.constant 1 : i32
      %and3A_701 = arith.andi %add3A_680, %and3A_700 : i32
      %mul3A_702 = arith.constant 64 : i32
      %mul3A_703 = arith.muli %and3A_701, %mul3A_702 : i32
      %add3A_704 = arith.constant 0 : i32
      %add3A_705 = vector.broadcast %add3A_704 : i32 to vector<16xi32>
      %add3A_706 = arith.addi %iota3A, %add3A_705 : vector<16xi32>
      %gather3A_707 = tpu.vector_load_idx %arg17[%add3A_706, %broadcast_in_dim3A_697] : memref<64x128xf32, #tpu.memory_space<vmem>>[vector<16xi32>, vector<16xi32>], vector<16xf32>,
      %add3A_708 = arith.constant 0 : i32
      %add3A_709 = arith.addi %mul3A_703, %add3A_708 : i32
      %swap3A_710 = arith.index_cast %shift_right_arithmetic3A_699 : i32 to index
      %swap3A_711 = arith.index_cast %add3A_709 : i32 to index
      %swap3A_712 = tpu.vector_load %arg20[%swap3A_710, %swap3A_711] {strides = array<i32>} : memref<64x128xf32, #tpu.memory_space<vmem>>, vector<16xf32>,
      tpu.vector_store %arg20[%swap3A_710, %swap3A_711], %gather3A_707 {strides = array<i32>} : memref<64x128xf32, #tpu.memory_space<vmem>>, vector<16xf32>,
      %add3A_713 = arith.constant 16 : i32
      %add3A_714 = vector.broadcast %add3A_713 : i32 to vector<16xi32>
      %add3A_715 = arith.addi %iota3A, %add3A_714 : vector<16xi32>
      %gather3A_716 = tpu.vector_load_idx %arg17[%add3A_715, %broadcast_in_dim3A_697] : memref<64x128xf32, #tpu.memory_space<vmem>>[vector<16xi32>, vector<16xi32>], vector<16xf32>,
      %add3A_717 = arith.constant 16 : i32
      %add3A_718 = arith.addi %mul3A_703, %add3A_717 : i32
      %swap3A_719 = arith.index_cast %shift_right_arithmetic3A_699 : i32 to index
      %swap3A_720 = arith.index_cast %add3A_718 : i32 to index
      %swap3A_721 = tpu.vector_load %arg20[%swap3A_719, %swap3A_720] {strides = array<i32>} : memref<64x128xf32, #tpu.memory_space<vmem>>, vector<16xf32>,
      tpu.vector_store %arg20[%swap3A_719, %swap3A_720], %gather3A_716 {strides = array<i32>} : memref<64x128xf32, #tpu.memory_space<vmem>>, vector<16xf32>,
      %add3A_722 = arith.constant 32 : i32
      %add3A_723 = vector.broadcast %add3A_722 : i32 to vector<16xi32>
      %add3A_724 = arith.addi %iota3A, %add3A_723 : vector<16xi32>
      %gather3A_725 = tpu.vector_load_idx %arg17[%add3A_724, %broadcast_in_dim3A_697] : memref<64x128xf32, #tpu.memory_space<vmem>>[vector<16xi32>, vector<16xi32>], vector<16xf32>,
      %add3A_726 = arith.constant 32 : i32
      %add3A_727 = arith.addi %mul3A_703, %add3A_726 : i32
      %swap3A_728 = arith.index_cast %shift_right_arithmetic3A_699 : i32 to index
      %swap3A_729 = arith.index_cast %add3A_727 : i32 to index
      %swap3A_730 = tpu.vector_load %arg20[%swap3A_728, %swap3A_729] {strides = array<i32>} : memref<64x128xf32, #tpu.memory_space<vmem>>, vector<16xf32>,
      tpu.vector_store %arg20[%swap3A_728, %swap3A_729], %gather3A_725 {strides = array<i32>} : memref<64x128xf32, #tpu.memory_space<vmem>>, vector<16xf32>,
      %add3A_731 = arith.constant 48 : i32
      %add3A_732 = vector.broadcast %add3A_731 : i32 to vector<16xi32>
      %add3A_733 = arith.addi %iota3A, %add3A_732 : vector<16xi32>
      %gather3A_734 = tpu.vector_load_idx %arg17[%add3A_733, %broadcast_in_dim3A_697] : memref<64x128xf32, #tpu.memory_space<vmem>>[vector<16xi32>, vector<16xi32>], vector<16xf32>,
      %add3A_735 = arith.constant 48 : i32
      %add3A_736 = arith.addi %mul3A_703, %add3A_735 : i32
      %swap3A_737 = arith.index_cast %shift_right_arithmetic3A_699 : i32 to index
      %swap3A_738 = arith.index_cast %add3A_736 : i32 to index
      %swap3A_739 = tpu.vector_load %arg20[%swap3A_737, %swap3A_738] {strides = array<i32>} : memref<64x128xf32, #tpu.memory_space<vmem>>, vector<16xf32>,
      tpu.vector_store %arg20[%swap3A_737, %swap3A_738], %gather3A_734 {strides = array<i32>} : memref<64x128xf32, #tpu.memory_space<vmem>>, vector<16xf32>,
      %add3A_740 = arith.constant 8 : i32
      %add3A_741 = arith.addi %add3A_680, %add3A_740 : i32
      %lt3A_742 = arith.constant 128 : i32
      %lt3A_743 = arith.cmpi slt, %add3A_741, %lt3A_742 : i32
      %convert_element_type3A_744 = arith.extui %lt3A_743 : i1 to i32
      %cond3A_745 = arith.constant 0 : i32
      %cond3A_746 = arith.cmpi ne, %convert_element_type3A_744, %cond3A_745 : i32
      scf.if %cond3A_746 {
        %add3A_888 = arith.constant 8 : i32
        %add3A_889 = arith.addi %add3A_680, %add3A_888 : i32
        %get3A_890 = arith.index_cast %add3A_889 : i32 to index
        %get3A_891 = tpu.vector_load %arg11[%get3A_890] {strides = array<i32>} : memref<144xi32, #tpu.memory_space<vmem>>, vector<16xi32>,
        %slice3A_892 = vector.extract_strided_slice %get3A_891 {offsets = [0], sizes = [1], strides = [1]} : vector<16xi32> to vector<1xi32>
        %squeeze3A_893 = vector.extract %slice3A_892[0] : i32 from vector<1xi32>
        %shift_right_arithmetic3A_894 = arith.constant 7 : i32
        %shift_right_arithmetic3A_895 = arith.shrsi %squeeze3A_893, %shift_right_arithmetic3A_894 : i32
        %shift_left3A_896 = arith.constant 7 : i32
        %shift_left3A_897 = arith.shli %shift_right_arithmetic3A_895, %shift_left3A_896 : i32
        %multiple_of3A_898 = tpu.assume_multiple %shift_left3A_897, 128 : i32
        %dma_start3A_899 = arith.constant 0 : i32
        %dma_start3A_900 = tpu.memref_slice %arg7[%dma_start3A_899, %multiple_of3A_898] : memref<64x100000xf32, #tpu.memory_space<hbm>> -> memref<64x128xf32, #tpu.memory_space<hbm>>
        %dma_start3A_901 = arith.constant 0 : i32
        %dma_start3A_902 = tpu.memref_slice %arg7[%dma_start3A_901, %multiple_of3A_898] : memref<64x100000xf32, #tpu.memory_space<hbm>> -> memref<64x128xf32, #tpu.memory_space<hbm>>
        tpu.enqueue_dma source(%dma_start3A_902 : memref<64x128xf32, #tpu.memory_space<hbm>>) target(%arg17 : memref<64x128xf32, #tpu.memory_space<vmem>>) target_semaphore(%arg26 : memref<!tpu.dma_semaphore, #tpu.memory_space<semaphore_mem>>)
      } else {
      }
      %mul3A_747 = arith.constant 8 : i32
      %mul3A_748 = arith.muli %scan3A_334, %mul3A_747 : i32
      %add3A_749 = arith.constant 6 : i32
      %add3A_750 = arith.addi %mul3A_748, %add3A_749 : i32
      %dma_wait3A_751 = arith.constant 0 : i32
      %dma_wait3A_752 = arith.constant 0 : i32
      %dma_wait3A_753 = tpu.memref_slice %arg7[%dma_wait3A_751, %dma_wait3A_752] : memref<64x100000xf32, #tpu.memory_space<hbm>> -> memref<64x128xf32, #tpu.memory_space<hbm>>
      %dma_wait3A_754 = arith.constant 0 : i32
      %dma_wait3A_755 = arith.constant 0 : i32
      %dma_wait3A_756 = tpu.memref_slice %arg7[%dma_wait3A_754, %dma_wait3A_755] : memref<64x100000xf32, #tpu.memory_space<hbm>> -> memref<64x128xf32, #tpu.memory_space<hbm>>
      tpu.wait_dma2 semaphore(%arg27 : memref<!tpu.dma_semaphore, #tpu.memory_space<semaphore_mem>>) src(%dma_wait3A_756 : memref<64x128xf32, #tpu.memory_space<hbm>>) dst(%arg18 : memref<64x128xf32, #tpu.memory_space<vmem>>)
      %get3A_757 = arith.index_cast %add3A_750 : i32 to index
      %get3A_758 = tpu.vector_load %arg11[%get3A_757] {strides = array<i32>} : memref<144xi32, #tpu.memory_space<vmem>>, vector<16xi32>,
      %slice3A_759 = vector.extract_strided_slice %get3A_758 {offsets = [0], sizes = [1], strides = [1]} : vector<16xi32> to vector<1xi32>
      %squeeze3A_760 = vector.extract %slice3A_759[0] : i32 from vector<1xi32>
      %shift_right_arithmetic3A_761 = arith.constant 7 : i32
      %shift_right_arithmetic3A_762 = arith.shrsi %squeeze3A_760, %shift_right_arithmetic3A_761 : i32
      %shift_left3A_763 = arith.constant 7 : i32
      %shift_left3A_764 = arith.shli %shift_right_arithmetic3A_762, %shift_left3A_763 : i32
      %multiple_of3A_765 = tpu.assume_multiple %shift_left3A_764, 128 : i32
      %sub3A_766 = arith.subi %squeeze3A_760, %multiple_of3A_765 : i32
      %broadcast_in_dim3A_767 = vector.broadcast %sub3A_766 : i32 to vector<16xi32>
      %shift_right_arithmetic3A_768 = arith.constant 1 : i32
      %shift_right_arithmetic3A_769 = arith.shrsi %add3A_750, %shift_right_arithmetic3A_768 : i32
      %and3A_770 = arith.constant 1 : i32
      %and3A_771 = arith.andi %add3A_750, %and3A_770 : i32
      %mul3A_772 = arith.constant 64 : i32
      %mul3A_773 = arith.muli %and3A_771, %mul3A_772 : i32
      %add3A_774 = arith.constant 0 : i32
      %add3A_775 = vector.broadcast %add3A_774 : i32 to vector<16xi32>
      %add3A_776 = arith.addi %iota3A, %add3A_775 : vector<16xi32>
      %gather3A_777 = tpu.vector_load_idx %arg18[%add3A_776, %broadcast_in_dim3A_767] : memref<64x128xf32, #tpu.memory_space<vmem>>[vector<16xi32>, vector<16xi32>], vector<16xf32>,
      %add3A_778 = arith.constant 0 : i32
      %add3A_779 = arith.addi %mul3A_773, %add3A_778 : i32
      %swap3A_780 = arith.index_cast %shift_right_arithmetic3A_769 : i32 to index
      %swap3A_781 = arith.index_cast %add3A_779 : i32 to index
      %swap3A_782 = tpu.vector_load %arg20[%swap3A_780, %swap3A_781] {strides = array<i32>} : memref<64x128xf32, #tpu.memory_space<vmem>>, vector<16xf32>,
      tpu.vector_store %arg20[%swap3A_780, %swap3A_781], %gather3A_777 {strides = array<i32>} : memref<64x128xf32, #tpu.memory_space<vmem>>, vector<16xf32>,
      %add3A_783 = arith.constant 16 : i32
      %add3A_784 = vector.broadcast %add3A_783 : i32 to vector<16xi32>
      %add3A_785 = arith.addi %iota3A, %add3A_784 : vector<16xi32>
      %gather3A_786 = tpu.vector_load_idx %arg18[%add3A_785, %broadcast_in_dim3A_767] : memref<64x128xf32, #tpu.memory_space<vmem>>[vector<16xi32>, vector<16xi32>], vector<16xf32>,
      %add3A_787 = arith.constant 16 : i32
      %add3A_788 = arith.addi %mul3A_773, %add3A_787 : i32
      %swap3A_789 = arith.index_cast %shift_right_arithmetic3A_769 : i32 to index
      %swap3A_790 = arith.index_cast %add3A_788 : i32 to index
      %swap3A_791 = tpu.vector_load %arg20[%swap3A_789, %swap3A_790] {strides = array<i32>} : memref<64x128xf32, #tpu.memory_space<vmem>>, vector<16xf32>,
      tpu.vector_store %arg20[%swap3A_789, %swap3A_790], %gather3A_786 {strides = array<i32>} : memref<64x128xf32, #tpu.memory_space<vmem>>, vector<16xf32>,
      %add3A_792 = arith.constant 32 : i32
      %add3A_793 = vector.broadcast %add3A_792 : i32 to vector<16xi32>
      %add3A_794 = arith.addi %iota3A, %add3A_793 : vector<16xi32>
      %gather3A_795 = tpu.vector_load_idx %arg18[%add3A_794, %broadcast_in_dim3A_767] : memref<64x128xf32, #tpu.memory_space<vmem>>[vector<16xi32>, vector<16xi32>], vector<16xf32>,
      %add3A_796 = arith.constant 32 : i32
      %add3A_797 = arith.addi %mul3A_773, %add3A_796 : i32
      %swap3A_798 = arith.index_cast %shift_right_arithmetic3A_769 : i32 to index
      %swap3A_799 = arith.index_cast %add3A_797 : i32 to index
      %swap3A_800 = tpu.vector_load %arg20[%swap3A_798, %swap3A_799] {strides = array<i32>} : memref<64x128xf32, #tpu.memory_space<vmem>>, vector<16xf32>,
      tpu.vector_store %arg20[%swap3A_798, %swap3A_799], %gather3A_795 {strides = array<i32>} : memref<64x128xf32, #tpu.memory_space<vmem>>, vector<16xf32>,
      %add3A_801 = arith.constant 48 : i32
      %add3A_802 = vector.broadcast %add3A_801 : i32 to vector<16xi32>
      %add3A_803 = arith.addi %iota3A, %add3A_802 : vector<16xi32>
      %gather3A_804 = tpu.vector_load_idx %arg18[%add3A_803, %broadcast_in_dim3A_767] : memref<64x128xf32, #tpu.memory_space<vmem>>[vector<16xi32>, vector<16xi32>], vector<16xf32>,
      %add3A_805 = arith.constant 48 : i32
      %add3A_806 = arith.addi %mul3A_773, %add3A_805 : i32
      %swap3A_807 = arith.index_cast %shift_right_arithmetic3A_769 : i32 to index
      %swap3A_808 = arith.index_cast %add3A_806 : i32 to index
      %swap3A_809 = tpu.vector_load %arg20[%swap3A_807, %swap3A_808] {strides = array<i32>} : memref<64x128xf32, #tpu.memory_space<vmem>>, vector<16xf32>,
      tpu.vector_store %arg20[%swap3A_807, %swap3A_808], %gather3A_804 {strides = array<i32>} : memref<64x128xf32, #tpu.memory_space<vmem>>, vector<16xf32>,
      %add3A_810 = arith.constant 8 : i32
      %add3A_811 = arith.addi %add3A_750, %add3A_810 : i32
      %lt3A_812 = arith.constant 128 : i32
      %lt3A_813 = arith.cmpi slt, %add3A_811, %lt3A_812 : i32
      %convert_element_type3A_814 = arith.extui %lt3A_813 : i1 to i32
      %cond3A_815 = arith.constant 0 : i32
      %cond3A_816 = arith.cmpi ne, %convert_element_type3A_814, %cond3A_815 : i32
      scf.if %cond3A_816 {
        %add3A_888 = arith.constant 8 : i32
        %add3A_889 = arith.addi %add3A_750, %add3A_888 : i32
        %get3A_890 = arith.index_cast %add3A_889 : i32 to index
        %get3A_891 = tpu.vector_load %arg11[%get3A_890] {strides = array<i32>} : memref<144xi32, #tpu.memory_space<vmem>>, vector<16xi32>,
        %slice3A_892 = vector.extract_strided_slice %get3A_891 {offsets = [0], sizes = [1], strides = [1]} : vector<16xi32> to vector<1xi32>
        %squeeze3A_893 = vector.extract %slice3A_892[0] : i32 from vector<1xi32>
        %shift_right_arithmetic3A_894 = arith.constant 7 : i32
        %shift_right_arithmetic3A_895 = arith.shrsi %squeeze3A_893, %shift_right_arithmetic3A_894 : i32
        %shift_left3A_896 = arith.constant 7 : i32
        %shift_left3A_897 = arith.shli %shift_right_arithmetic3A_895, %shift_left3A_896 : i32
        %multiple_of3A_898 = tpu.assume_multiple %shift_left3A_897, 128 : i32
        %dma_start3A_899 = arith.constant 0 : i32
        %dma_start3A_900 = tpu.memref_slice %arg7[%dma_start3A_899, %multiple_of3A_898] : memref<64x100000xf32, #tpu.memory_space<hbm>> -> memref<64x128xf32, #tpu.memory_space<hbm>>
        %dma_start3A_901 = arith.constant 0 : i32
        %dma_start3A_902 = tpu.memref_slice %arg7[%dma_start3A_901, %multiple_of3A_898] : memref<64x100000xf32, #tpu.memory_space<hbm>> -> memref<64x128xf32, #tpu.memory_space<hbm>>
        tpu.enqueue_dma source(%dma_start3A_902 : memref<64x128xf32, #tpu.memory_space<hbm>>) target(%arg18 : memref<64x128xf32, #tpu.memory_space<vmem>>) target_semaphore(%arg27 : memref<!tpu.dma_semaphore, #tpu.memory_space<semaphore_mem>>)
      } else {
      }
      %mul3A_817 = arith.constant 8 : i32
      %mul3A_818 = arith.muli %scan3A_334, %mul3A_817 : i32
      %add3A_819 = arith.constant 7 : i32
      %add3A_820 = arith.addi %mul3A_818, %add3A_819 : i32
      %dma_wait3A_821 = arith.constant 0 : i32
      %dma_wait3A_822 = arith.constant 0 : i32
      %dma_wait3A_823 = tpu.memref_slice %arg7[%dma_wait3A_821, %dma_wait3A_822] : memref<64x100000xf32, #tpu.memory_space<hbm>> -> memref<64x128xf32, #tpu.memory_space<hbm>>
      %dma_wait3A_824 = arith.constant 0 : i32
      %dma_wait3A_825 = arith.constant 0 : i32
      %dma_wait3A_826 = tpu.memref_slice %arg7[%dma_wait3A_824, %dma_wait3A_825] : memref<64x100000xf32, #tpu.memory_space<hbm>> -> memref<64x128xf32, #tpu.memory_space<hbm>>
      tpu.wait_dma2 semaphore(%arg28 : memref<!tpu.dma_semaphore, #tpu.memory_space<semaphore_mem>>) src(%dma_wait3A_826 : memref<64x128xf32, #tpu.memory_space<hbm>>) dst(%arg19 : memref<64x128xf32, #tpu.memory_space<vmem>>)
      %get3A_827 = arith.index_cast %add3A_820 : i32 to index
      %get3A_828 = tpu.vector_load %arg11[%get3A_827] {strides = array<i32>} : memref<144xi32, #tpu.memory_space<vmem>>, vector<16xi32>,
      %slice3A_829 = vector.extract_strided_slice %get3A_828 {offsets = [0], sizes = [1], strides = [1]} : vector<16xi32> to vector<1xi32>
      %squeeze3A_830 = vector.extract %slice3A_829[0] : i32 from vector<1xi32>
      %shift_right_arithmetic3A_831 = arith.constant 7 : i32
      %shift_right_arithmetic3A_832 = arith.shrsi %squeeze3A_830, %shift_right_arithmetic3A_831 : i32
      %shift_left3A_833 = arith.constant 7 : i32
      %shift_left3A_834 = arith.shli %shift_right_arithmetic3A_832, %shift_left3A_833 : i32
      %multiple_of3A_835 = tpu.assume_multiple %shift_left3A_834, 128 : i32
      %sub3A_836 = arith.subi %squeeze3A_830, %multiple_of3A_835 : i32
      %broadcast_in_dim3A_837 = vector.broadcast %sub3A_836 : i32 to vector<16xi32>
      %shift_right_arithmetic3A_838 = arith.constant 1 : i32
      %shift_right_arithmetic3A_839 = arith.shrsi %add3A_820, %shift_right_arithmetic3A_838 : i32
      %and3A_840 = arith.constant 1 : i32
      %and3A_841 = arith.andi %add3A_820, %and3A_840 : i32
      %mul3A_842 = arith.constant 64 : i32
      %mul3A_843 = arith.muli %and3A_841, %mul3A_842 : i32
      %add3A_844 = arith.constant 0 : i32
      %add3A_845 = vector.broadcast %add3A_844 : i32 to vector<16xi32>
      %add3A_846 = arith.addi %iota3A, %add3A_845 : vector<16xi32>
      %gather3A_847 = tpu.vector_load_idx %arg19[%add3A_846, %broadcast_in_dim3A_837] : memref<64x128xf32, #tpu.memory_space<vmem>>[vector<16xi32>, vector<16xi32>], vector<16xf32>,
      %add3A_848 = arith.constant 0 : i32
      %add3A_849 = arith.addi %mul3A_843, %add3A_848 : i32
      %swap3A_850 = arith.index_cast %shift_right_arithmetic3A_839 : i32 to index
      %swap3A_851 = arith.index_cast %add3A_849 : i32 to index
      %swap3A_852 = tpu.vector_load %arg20[%swap3A_850, %swap3A_851] {strides = array<i32>} : memref<64x128xf32, #tpu.memory_space<vmem>>, vector<16xf32>,
      tpu.vector_store %arg20[%swap3A_850, %swap3A_851], %gather3A_847 {strides = array<i32>} : memref<64x128xf32, #tpu.memory_space<vmem>>, vector<16xf32>,
      %add3A_853 = arith.constant 16 : i32
      %add3A_854 = vector.broadcast %add3A_853 : i32 to vector<16xi32>
      %add3A_855 = arith.addi %iota3A, %add3A_854 : vector<16xi32>
      %gather3A_856 = tpu.vector_load_idx %arg19[%add3A_855, %broadcast_in_dim3A_837] : memref<64x128xf32, #tpu.memory_space<vmem>>[vector<16xi32>, vector<16xi32>], vector<16xf32>,
      %add3A_857 = arith.constant 16 : i32
      %add3A_858 = arith.addi %mul3A_843, %add3A_857 : i32
      %swap3A_859 = arith.index_cast %shift_right_arithmetic3A_839 : i32 to index
      %swap3A_860 = arith.index_cast %add3A_858 : i32 to index
      %swap3A_861 = tpu.vector_load %arg20[%swap3A_859, %swap3A_860] {strides = array<i32>} : memref<64x128xf32, #tpu.memory_space<vmem>>, vector<16xf32>,
      tpu.vector_store %arg20[%swap3A_859, %swap3A_860], %gather3A_856 {strides = array<i32>} : memref<64x128xf32, #tpu.memory_space<vmem>>, vector<16xf32>,
      %add3A_862 = arith.constant 32 : i32
      %add3A_863 = vector.broadcast %add3A_862 : i32 to vector<16xi32>
      %add3A_864 = arith.addi %iota3A, %add3A_863 : vector<16xi32>
      %gather3A_865 = tpu.vector_load_idx %arg19[%add3A_864, %broadcast_in_dim3A_837] : memref<64x128xf32, #tpu.memory_space<vmem>>[vector<16xi32>, vector<16xi32>], vector<16xf32>,
      %add3A_866 = arith.constant 32 : i32
      %add3A_867 = arith.addi %mul3A_843, %add3A_866 : i32
      %swap3A_868 = arith.index_cast %shift_right_arithmetic3A_839 : i32 to index
      %swap3A_869 = arith.index_cast %add3A_867 : i32 to index
      %swap3A_870 = tpu.vector_load %arg20[%swap3A_868, %swap3A_869] {strides = array<i32>} : memref<64x128xf32, #tpu.memory_space<vmem>>, vector<16xf32>,
      tpu.vector_store %arg20[%swap3A_868, %swap3A_869], %gather3A_865 {strides = array<i32>} : memref<64x128xf32, #tpu.memory_space<vmem>>, vector<16xf32>,
      %add3A_871 = arith.constant 48 : i32
      %add3A_872 = vector.broadcast %add3A_871 : i32 to vector<16xi32>
      %add3A_873 = arith.addi %iota3A, %add3A_872 : vector<16xi32>
      %gather3A_874 = tpu.vector_load_idx %arg19[%add3A_873, %broadcast_in_dim3A_837] : memref<64x128xf32, #tpu.memory_space<vmem>>[vector<16xi32>, vector<16xi32>], vector<16xf32>,
      %add3A_875 = arith.constant 48 : i32
      %add3A_876 = arith.addi %mul3A_843, %add3A_875 : i32
      %swap3A_877 = arith.index_cast %shift_right_arithmetic3A_839 : i32 to index
      %swap3A_878 = arith.index_cast %add3A_876 : i32 to index
      %swap3A_879 = tpu.vector_load %arg20[%swap3A_877, %swap3A_878] {strides = array<i32>} : memref<64x128xf32, #tpu.memory_space<vmem>>, vector<16xf32>,
      tpu.vector_store %arg20[%swap3A_877, %swap3A_878], %gather3A_874 {strides = array<i32>} : memref<64x128xf32, #tpu.memory_space<vmem>>, vector<16xf32>,
      %add3A_880 = arith.constant 8 : i32
      %add3A_881 = arith.addi %add3A_820, %add3A_880 : i32
      %lt3A_882 = arith.constant 128 : i32
      %lt3A_883 = arith.cmpi slt, %add3A_881, %lt3A_882 : i32
      %convert_element_type3A_884 = arith.extui %lt3A_883 : i1 to i32
      %cond3A_885 = arith.constant 0 : i32
      %cond3A_886 = arith.cmpi ne, %convert_element_type3A_884, %cond3A_885 : i32
      scf.if %cond3A_886 {
        %add3A_888 = arith.constant 8 : i32
        %add3A_889 = arith.addi %add3A_820, %add3A_888 : i32
        %get3A_890 = arith.index_cast %add3A_889 : i32 to index
        %get3A_891 = tpu.vector_load %arg11[%get3A_890] {strides = array<i32>} : memref<144xi32, #tpu.memory_space<vmem>>, vector<16xi32>,
        %slice3A_892 = vector.extract_strided_slice %get3A_891 {offsets = [0], sizes = [1], strides = [1]} : vector<16xi32> to vector<1xi32>
        %squeeze3A_893 = vector.extract %slice3A_892[0] : i32 from vector<1xi32>
        %shift_right_arithmetic3A_894 = arith.constant 7 : i32
        %shift_right_arithmetic3A_895 = arith.shrsi %squeeze3A_893, %shift_right_arithmetic3A_894 : i32
        %shift_left3A_896 = arith.constant 7 : i32
        %shift_left3A_897 = arith.shli %shift_right_arithmetic3A_895, %shift_left3A_896 : i32
        %multiple_of3A_898 = tpu.assume_multiple %shift_left3A_897, 128 : i32
        %dma_start3A_899 = arith.constant 0 : i32
        %dma_start3A_900 = tpu.memref_slice %arg7[%dma_start3A_899, %multiple_of3A_898] : memref<64x100000xf32, #tpu.memory_space<hbm>> -> memref<64x128xf32, #tpu.memory_space<hbm>>
        %dma_start3A_901 = arith.constant 0 : i32
        %dma_start3A_902 = tpu.memref_slice %arg7[%dma_start3A_901, %multiple_of3A_898] : memref<64x100000xf32, #tpu.memory_space<hbm>> -> memref<64x128xf32, #tpu.memory_space<hbm>>
        tpu.enqueue_dma source(%dma_start3A_902 : memref<64x128xf32, #tpu.memory_space<hbm>>) target(%arg19 : memref<64x128xf32, #tpu.memory_space<vmem>>) target_semaphore(%arg28 : memref<!tpu.dma_semaphore, #tpu.memory_space<semaphore_mem>>)
      } else {
      }
      %scan3A_887 = arith.constant 0 : i32
      scf.yield %scan3A_887 : i32
    }
    %scan3A_331 = arith.constant 16 : i32
    %mul3A_332 = arith.constant 64 : i32
    %mul3A_333 = arith.muli %add3A, %mul3A_332 : i32
    "tpu.region"() ({
      %run_scoped3A = tpu.sem_alloc : memref<!tpu.dma_semaphore, #tpu.memory_space<semaphore_mem>>
      %dma_start3A_334 = arith.constant 0 : i32
      %dma_start3A_335 = tpu.memref_slice %arg10[%mul3A_333, %dma_start3A_334] : memref<2048x128xf32, #tpu.memory_space<hbm>> -> memref<64x128xf32, #tpu.memory_space<hbm>>
      %dma_start3A_336 = arith.constant 0 : i32
      %dma_start3A_337 = tpu.memref_slice %arg10[%mul3A_333, %dma_start3A_336] : memref<2048x128xf32, #tpu.memory_space<hbm>> -> memref<64x128xf32, #tpu.memory_space<hbm>>
      tpu.enqueue_dma source(%arg20 : memref<64x128xf32, #tpu.memory_space<vmem>>) target(%dma_start3A_337 : memref<64x128xf32, #tpu.memory_space<hbm>>) target_semaphore(%run_scoped3A : memref<!tpu.dma_semaphore, #tpu.memory_space<semaphore_mem>>)
      %dma_wait3A = arith.constant 0 : i32
      %dma_wait3A_338 = tpu.memref_slice %arg10[%mul3A_333, %dma_wait3A] : memref<2048x128xf32, #tpu.memory_space<hbm>> -> memref<64x128xf32, #tpu.memory_space<hbm>>
      %dma_wait3A_339 = arith.constant 0 : i32
      %dma_wait3A_340 = tpu.memref_slice %arg10[%mul3A_333, %dma_wait3A_339] : memref<2048x128xf32, #tpu.memory_space<hbm>> -> memref<64x128xf32, #tpu.memory_space<hbm>>
      tpu.wait_dma2 semaphore(%run_scoped3A : memref<!tpu.dma_semaphore, #tpu.memory_space<semaphore_mem>>) src(%arg20 : memref<64x128xf32, #tpu.memory_space<vmem>>) dst(%dma_wait3A_340 : memref<64x128xf32, #tpu.memory_space<hbm>>)
      tpu.yield
    }) : () -> ()
    return
  }
}

module attributes {stable_mosaic.version = 14 : i64} {
  func.func @_cnt_body(%arg0: i32, %arg1: i32, %arg2: memref<1024x1xi32, #tpu.memory_space<vmem>>, %arg3: memref<1024x1xi32, #tpu.memory_space<vmem>>, %arg4: memref<1x1024xi32, #tpu.memory_space<vmem>>, %arg5: memref<1x1024xi32, #tpu.memory_space<vmem>>, %arg6: memref<1024x1xf32, #tpu.memory_space<vmem>>) attributes {dimension_semantics = [#tpu.dimension_semantics<arbitrary>, #tpu.dimension_semantics<arbitrary>], iteration_bounds = array<i64: 8, 8>, scalar_prefetch = 0 : i64, scratch_operands = 0 : i64, tpu.core_type = #tpu.core_type<tc>, window_params = [{transform_indices = @transform_0, window_bounds = array<i64: 1024, 1>}, {transform_indices = @transform_1, window_bounds = array<i64: 1024, 1>}, {transform_indices = @transform_2, window_bounds = array<i64: 1, 1024>}, {transform_indices = @transform_3, window_bounds = array<i64: 1, 1024>}, {transform_indices = @transform_4, window_bounds = array<i64: 1024, 1>}]} {
    %get3A = arith.constant 0 : index
    %get3A_0 = arith.constant 0 : index
    %get3A_1 = vector.load %arg2[%get3A, %get3A_0] : memref<1024x1xi32, #tpu.memory_space<vmem>>, vector<1024x1xi32>
    %get3A_2 = arith.constant 0 : index
    %get3A_3 = arith.constant 0 : index
    %get3A_4 = vector.load %arg3[%get3A_2, %get3A_3] : memref<1024x1xi32, #tpu.memory_space<vmem>>, vector<1024x1xi32>
    %mul3A = arith.constant 4096 : i32
    %mul3A_5 = vector.broadcast %mul3A : i32 to vector<1024x1xi32>
    %mul3A_6 = arith.muli %get3A_1, %mul3A_5 : vector<1024x1xi32>
    %add3A = arith.addi %mul3A_6, %get3A_4 : vector<1024x1xi32>
    %get3A_7 = arith.constant 0 : index
    %get3A_8 = arith.constant 0 : index
    %get3A_9 = vector.load %arg4[%get3A_7, %get3A_8] : memref<1x1024xi32, #tpu.memory_space<vmem>>, vector<1x1024xi32>
    %mul3A_10 = arith.constant 4096 : i32
    %mul3A_11 = vector.broadcast %mul3A_10 : i32 to vector<1x1024xi32>
    %mul3A_12 = arith.muli %get3A_9, %mul3A_11 : vector<1x1024xi32>
    %get3A_13 = arith.constant 0 : index
    %get3A_14 = arith.constant 0 : index
    %get3A_15 = vector.load %arg5[%get3A_13, %get3A_14] : memref<1x1024xi32, #tpu.memory_space<vmem>>, vector<1x1024xi32>
    %add3A_16 = arith.addi %mul3A_12, %get3A_15 : vector<1x1024xi32>
    %eq3A = vector.broadcast %add3A : vector<1024x1xi32> to vector<1024x1024xi32>
    %eq3A_17 = vector.broadcast %add3A_16 : vector<1x1024xi32> to vector<1024x1024xi32>
    %eq3A_18 = arith.cmpi eq, %eq3A, %eq3A_17 : vector<1024x1024xi32>
    %jit3A = arith.constant 1.000000e+00 : f32
    %jit3A_19 = arith.constant 0.000000e+00 : f32
    %broadcast_in_dim3A = vector.broadcast %jit3A : f32 to vector<1024x1024xf32>
    %broadcast_in_dim3A_20 = vector.broadcast %jit3A_19 : f32 to vector<1024x1024xf32>
    %select_n3A = arith.select %eq3A_18, %broadcast_in_dim3A, %broadcast_in_dim3A_20 : vector<1024x1024xi1>, vector<1024x1024xf32>
    %reduce_sum3A = arith.constant dense<0.000000e+00> : vector<1024xf32>
    %reduce_sum3A_21 = vector.multi_reduction <add>, %select_n3A, %reduce_sum3A [1] : vector<1024x1024xf32> to vector<1024xf32>
    %broadcast_in_dim3A_22 = vector.shape_cast %reduce_sum3A_21 : vector<1024xf32> to vector<1024x1xf32>
    %eq3A_23 = arith.constant 0 : i32
    %eq3A_24 = arith.cmpi eq, %arg1, %eq3A_23 : i32
    %convert_element_type3A = arith.extui %eq3A_24 : i1 to i32
    %cond3A = arith.constant 0 : i32
    %cond3A_25 = arith.cmpi ne, %convert_element_type3A, %cond3A : i32
    scf.if %cond3A_25 {
      %eq3A_30 = arith.cmpi eq, %get3A_1, %get3A_4 : vector<1024x1xi32>
      %jit3A_31 = arith.constant 1.000000e+00 : f32
      %jit3A_32 = arith.constant 0.000000e+00 : f32
      %broadcast_in_dim3A_33 = vector.broadcast %jit3A_31 : f32 to vector<1024x1xf32>
      %broadcast_in_dim3A_34 = vector.broadcast %jit3A_32 : f32 to vector<1024x1xf32>
      %select_n3A_35 = arith.select %eq3A_30, %broadcast_in_dim3A_33, %broadcast_in_dim3A_34 : vector<1024x1xi1>, vector<1024x1xf32>
      %add3A_36 = arith.addf %broadcast_in_dim3A_22, %select_n3A_35 : vector<1024x1xf32>
      %swap3A = arith.constant 0 : index
      %swap3A_37 = arith.constant 0 : index
      %swap3A_38 = vector.load %arg6[%swap3A, %swap3A_37] : memref<1024x1xf32, #tpu.memory_space<vmem>>, vector<1024x1xf32>
      tpu.vector_store %arg6[%swap3A, %swap3A_37], %add3A_36 {strides = array<i32>} : memref<1024x1xf32, #tpu.memory_space<vmem>>, vector<1024x1xf32>,
    } else {
    }
    %ne3A = arith.constant 0 : i32
    %ne3A_26 = arith.cmpi ne, %arg1, %ne3A : i32
    %convert_element_type3A_27 = arith.extui %ne3A_26 : i1 to i32
    %cond3A_28 = arith.constant 0 : i32
    %cond3A_29 = arith.cmpi ne, %convert_element_type3A_27, %cond3A_28 : i32
    scf.if %cond3A_29 {
      %get3A_30 = arith.constant 0 : index
      %get3A_31 = arith.constant 0 : index
      %get3A_32 = vector.load %arg6[%get3A_30, %get3A_31] : memref<1024x1xf32, #tpu.memory_space<vmem>>, vector<1024x1xf32>
      %add3A_33 = arith.addf %get3A_32, %broadcast_in_dim3A_22 : vector<1024x1xf32>
      %swap3A = arith.constant 0 : index
      %swap3A_34 = arith.constant 0 : index
      %swap3A_35 = vector.load %arg6[%swap3A, %swap3A_34] : memref<1024x1xf32, #tpu.memory_space<vmem>>, vector<1024x1xf32>
      tpu.vector_store %arg6[%swap3A, %swap3A_34], %add3A_33 {strides = array<i32>} : memref<1024x1xf32, #tpu.memory_space<vmem>>, vector<1024x1xf32>,
    } else {
    }
    return
  }
  func.func @transform_0(%arg0: i32, %arg1: i32) -> (i32, i32) {
    %c0_i32 = arith.constant 0 : i32
    %c0_i32_0 = arith.constant 0 : i32
    return %arg0, %c0_i32 : i32, i32
  }
  func.func @transform_1(%arg0: i32, %arg1: i32) -> (i32, i32) {
    %c0_i32 = arith.constant 0 : i32
    %c0_i32_0 = arith.constant 0 : i32
    return %arg0, %c0_i32 : i32, i32
  }
  func.func @transform_2(%arg0: i32, %arg1: i32) -> (i32, i32) {
    %c0_i32 = arith.constant 0 : i32
    %c0_i32_0 = arith.constant 0 : i32
    return %c0_i32, %arg1 : i32, i32
  }
  func.func @transform_3(%arg0: i32, %arg1: i32) -> (i32, i32) {
    %c0_i32 = arith.constant 0 : i32
    %c0_i32_0 = arith.constant 0 : i32
    return %c0_i32, %arg1 : i32, i32
  }
  func.func @transform_4(%arg0: i32, %arg1: i32) -> (i32, i32) {
    %c0_i32 = arith.constant 0 : i32
    %c0_i32_0 = arith.constant 0 : i32
    return %arg0, %c0_i32 : i32, i32
  }
}

module attributes {stable_mosaic.version = 14 : i64} {
  func.func @_prep_body(%arg0: i32, %arg1: memref<512x64xf32, #tpu.memory_space<vmem>>, %arg2: memref<512x64xf32, #tpu.memory_space<vmem>>, %arg3: memref<512x64xf32, #tpu.memory_space<vmem>>, %arg4: memref<1024x128xf32, #tpu.memory_space<vmem>>, %arg5: memref<1024x128xf32, #tpu.memory_space<vmem>>, %arg6: memref<1024x128xf32, #tpu.memory_space<vmem>>, %arg7: memref<1024x1xi32, #tpu.memory_space<vmem>>, %arg8: memref<1024x1xi32, #tpu.memory_space<vmem>>, %arg9: memref<512x64xf32, #tpu.memory_space<vmem>>, %arg10: memref<512x64xf32, #tpu.memory_space<vmem>>, %arg11: memref<512x1xf32, #tpu.memory_space<vmem>>, %arg12: memref<1024x1xf32, #tpu.memory_space<vmem>>) attributes {dimension_semantics = [#tpu.dimension_semantics<arbitrary>], iteration_bounds = array<i64: 8>, scalar_prefetch = 0 : i64, scratch_operands = 0 : i64, tpu.core_type = #tpu.core_type<tc>, window_params = [{transform_indices = @transform_0, window_bounds = array<i64: 512, 64>}, {transform_indices = @transform_1, window_bounds = array<i64: 512, 64>}, {transform_indices = @transform_2, window_bounds = array<i64: 512, 64>}, {transform_indices = @transform_3, window_bounds = array<i64: 1024, 128>}, {transform_indices = @transform_4, window_bounds = array<i64: 1024, 128>}, {transform_indices = @transform_5, window_bounds = array<i64: 1024, 128>}, {transform_indices = @transform_6, window_bounds = array<i64: 1024, 1>}, {transform_indices = @transform_7, window_bounds = array<i64: 1024, 1>}, {transform_indices = @transform_8, window_bounds = array<i64: 512, 64>}, {transform_indices = @transform_9, window_bounds = array<i64: 512, 64>}, {transform_indices = @transform_10, window_bounds = array<i64: 512, 1>}, {transform_indices = @transform_11, window_bounds = array<i64: 1024, 1>}]} {
    %get3A = arith.constant 0 : index
    %get3A_0 = arith.constant 0 : index
    %get3A_1 = vector.load %arg1[%get3A, %get3A_0] : memref<512x64xf32, #tpu.memory_space<vmem>>, vector<512x64xf32>
    %mul3A = arith.constant 5.000000e-01 : f32
    %mul3A_2 = vector.broadcast %mul3A : f32 to vector<512x64xf32>
    %mul3A_3 = arith.mulf %mul3A_2, %get3A_1 : vector<512x64xf32>
    %get3A_4 = arith.constant 0 : index
    %get3A_5 = arith.constant 0 : index
    %get3A_6 = vector.load %arg2[%get3A_4, %get3A_5] : memref<512x64xf32, #tpu.memory_space<vmem>>, vector<512x64xf32>
    %mul3A_7 = arith.constant 5.000000e-01 : f32
    %mul3A_8 = vector.broadcast %mul3A_7 : f32 to vector<512x64xf32>
    %mul3A_9 = arith.mulf %mul3A_8, %get3A_6 : vector<512x64xf32>
    %add3A = arith.addf %mul3A_3, %mul3A_9 : vector<512x64xf32>
    %mul3A_10 = arith.mulf %add3A, %add3A : vector<512x64xf32>
    %reduce_sum3A = arith.constant dense<0.000000e+00> : vector<512xf32>
    %reduce_sum3A_11 = vector.multi_reduction <add>, %mul3A_10, %reduce_sum3A [1] : vector<512x64xf32> to vector<512xf32>
    %broadcast_in_dim3A = vector.shape_cast %reduce_sum3A_11 : vector<512xf32> to vector<512x1xf32>
    %sqrt3A = math.sqrt %broadcast_in_dim3A : vector<512x1xf32>
    %max3A = arith.constant 9.99999996E-13 : f32
    %max3A_12 = vector.broadcast %max3A : f32 to vector<512x1xf32>
    %max3A_13 = arith.maximumf %sqrt3A, %max3A_12 : vector<512x1xf32>
    %div3A = vector.broadcast %max3A_13 : vector<512x1xf32> to vector<512x64xf32>
    %div3A_14 = arith.divf %add3A, %div3A : vector<512x64xf32>
    %get3A_15 = arith.constant 0 : index
    %get3A_16 = arith.constant 0 : index
    %get3A_17 = vector.load %arg3[%get3A_15, %get3A_16] : memref<512x64xf32, #tpu.memory_space<vmem>>, vector<512x64xf32>
    %mul3A_18 = arith.mulf %get3A_17, %get3A_17 : vector<512x64xf32>
    %reduce_sum3A_19 = arith.constant dense<0.000000e+00> : vector<512xf32>
    %reduce_sum3A_20 = vector.multi_reduction <add>, %mul3A_18, %reduce_sum3A_19 [1] : vector<512x64xf32> to vector<512xf32>
    %broadcast_in_dim3A_21 = vector.shape_cast %reduce_sum3A_20 : vector<512xf32> to vector<512x1xf32>
    %sqrt3A_22 = math.sqrt %broadcast_in_dim3A_21 : vector<512x1xf32>
    %max3A_23 = arith.constant 9.99999996E-13 : f32
    %max3A_24 = vector.broadcast %max3A_23 : f32 to vector<512x1xf32>
    %max3A_25 = arith.maximumf %sqrt3A_22, %max3A_24 : vector<512x1xf32>
    %div3A_26 = vector.broadcast %max3A_25 : vector<512x1xf32> to vector<512x64xf32>
    %div3A_27 = arith.divf %get3A_17, %div3A_26 : vector<512x64xf32>
    %swap3A = arith.constant 0 : index
    %swap3A_28 = arith.constant 0 : index
    %swap3A_29 = vector.load %arg9[%swap3A, %swap3A_28] : memref<512x64xf32, #tpu.memory_space<vmem>>, vector<512x64xf32>
    tpu.vector_store %arg9[%swap3A, %swap3A_28], %div3A_14 {strides = array<i32>} : memref<512x64xf32, #tpu.memory_space<vmem>>, vector<512x64xf32>,
    %swap3A_30 = arith.constant 0 : index
    %swap3A_31 = arith.constant 0 : index
    %swap3A_32 = vector.load %arg10[%swap3A_30, %swap3A_31] : memref<512x64xf32, #tpu.memory_space<vmem>>, vector<512x64xf32>
    tpu.vector_store %arg10[%swap3A_30, %swap3A_31], %div3A_27 {strides = array<i32>} : memref<512x64xf32, #tpu.memory_space<vmem>>, vector<512x64xf32>,
    %mul3A_33 = arith.mulf %div3A_14, %div3A_27 : vector<512x64xf32>
    %reduce_sum3A_34 = arith.constant dense<0.000000e+00> : vector<512xf32>
    %reduce_sum3A_35 = vector.multi_reduction <add>, %mul3A_33, %reduce_sum3A_34 [1] : vector<512x64xf32> to vector<512xf32>
    %broadcast_in_dim3A_36 = vector.shape_cast %reduce_sum3A_35 : vector<512xf32> to vector<512x1xf32>
    %div3A_37 = arith.constant 1.000000e-01 : f32
    %div3A_38 = vector.broadcast %div3A_37 : f32 to vector<512x1xf32>
    %div3A_39 = arith.divf %broadcast_in_dim3A_36, %div3A_38 : vector<512x1xf32>
    %swap3A_40 = arith.constant 0 : index
    %swap3A_41 = arith.constant 0 : index
    %swap3A_42 = vector.load %arg11[%swap3A_40, %swap3A_41] : memref<512x1xf32, #tpu.memory_space<vmem>>, vector<512x1xf32>
    tpu.vector_store %arg11[%swap3A_40, %swap3A_41], %div3A_39 {strides = array<i32>} : memref<512x1xf32, #tpu.memory_space<vmem>>, vector<512x1xf32>,
    %get3A_43 = arith.constant 0 : index
    %get3A_44 = arith.constant 0 : index
    %get3A_45 = vector.load %arg4[%get3A_43, %get3A_44] : memref<1024x128xf32, #tpu.memory_space<vmem>>, vector<1024x128xf32>
    %get3A_46 = arith.constant 0 : index
    %get3A_47 = arith.constant 0 : index
    %get3A_48 = vector.load %arg7[%get3A_46, %get3A_47] : memref<1024x1xi32, #tpu.memory_space<vmem>>, vector<1024x1xi32>
    %and3A = arith.constant 1 : i32
    %and3A_49 = vector.broadcast %and3A : i32 to vector<1024x1xi32>
    %and3A_50 = arith.andi %get3A_48, %and3A_49 : vector<1024x1xi32>
    %eq3A = arith.constant 1 : i32
    %eq3A_51 = vector.broadcast %eq3A : i32 to vector<1024x1xi32>
    %eq3A_52 = arith.cmpi eq, %and3A_50, %eq3A_51 : vector<1024x1xi32>
    %slice3A = vector.extract_strided_slice %get3A_45 {offsets = [0, 64], sizes = [1024, 64], strides = [1, 1]} : vector<1024x128xf32> to vector<1024x64xf32>
    %slice3A_53 = vector.extract_strided_slice %get3A_45 {offsets = [0, 0], sizes = [1024, 64], strides = [1, 1]} : vector<1024x128xf32> to vector<1024x64xf32>
    %broadcast_in_dim3A_54 = vector.shape_cast %eq3A_52 : vector<1024x1xi1> to vector<1024x1xi1>
    %broadcast_in_dim3A_55 = vector.broadcast %broadcast_in_dim3A_54 : vector<1024x1xi1> to vector<1024x64xi1>
    %select_n3A = arith.select %broadcast_in_dim3A_55, %slice3A, %slice3A_53 : vector<1024x64xi1>, vector<1024x64xf32>
    %get3A_56 = arith.constant 0 : index
    %get3A_57 = arith.constant 0 : index
    %get3A_58 = vector.load %arg5[%get3A_56, %get3A_57] : memref<1024x128xf32, #tpu.memory_space<vmem>>, vector<1024x128xf32>
    %get3A_59 = arith.constant 0 : index
    %get3A_60 = arith.constant 0 : index
    %get3A_61 = vector.load %arg7[%get3A_59, %get3A_60] : memref<1024x1xi32, #tpu.memory_space<vmem>>, vector<1024x1xi32>
    %and3A_62 = arith.constant 1 : i32
    %and3A_63 = vector.broadcast %and3A_62 : i32 to vector<1024x1xi32>
    %and3A_64 = arith.andi %get3A_61, %and3A_63 : vector<1024x1xi32>
    %eq3A_65 = arith.constant 1 : i32
    %eq3A_66 = vector.broadcast %eq3A_65 : i32 to vector<1024x1xi32>
    %eq3A_67 = arith.cmpi eq, %and3A_64, %eq3A_66 : vector<1024x1xi32>
    %slice3A_68 = vector.extract_strided_slice %get3A_58 {offsets = [0, 64], sizes = [1024, 64], strides = [1, 1]} : vector<1024x128xf32> to vector<1024x64xf32>
    %slice3A_69 = vector.extract_strided_slice %get3A_58 {offsets = [0, 0], sizes = [1024, 64], strides = [1, 1]} : vector<1024x128xf32> to vector<1024x64xf32>
    %broadcast_in_dim3A_70 = vector.shape_cast %eq3A_67 : vector<1024x1xi1> to vector<1024x1xi1>
    %broadcast_in_dim3A_71 = vector.broadcast %broadcast_in_dim3A_70 : vector<1024x1xi1> to vector<1024x64xi1>
    %select_n3A_72 = arith.select %broadcast_in_dim3A_71, %slice3A_68, %slice3A_69 : vector<1024x64xi1>, vector<1024x64xf32>
    %get3A_73 = arith.constant 0 : index
    %get3A_74 = arith.constant 0 : index
    %get3A_75 = vector.load %arg6[%get3A_73, %get3A_74] : memref<1024x128xf32, #tpu.memory_space<vmem>>, vector<1024x128xf32>
    %get3A_76 = arith.constant 0 : index
    %get3A_77 = arith.constant 0 : index
    %get3A_78 = vector.load %arg8[%get3A_76, %get3A_77] : memref<1024x1xi32, #tpu.memory_space<vmem>>, vector<1024x1xi32>
    %and3A_79 = arith.constant 1 : i32
    %and3A_80 = vector.broadcast %and3A_79 : i32 to vector<1024x1xi32>
    %and3A_81 = arith.andi %get3A_78, %and3A_80 : vector<1024x1xi32>
    %eq3A_82 = arith.constant 1 : i32
    %eq3A_83 = vector.broadcast %eq3A_82 : i32 to vector<1024x1xi32>
    %eq3A_84 = arith.cmpi eq, %and3A_81, %eq3A_83 : vector<1024x1xi32>
    %slice3A_85 = vector.extract_strided_slice %get3A_75 {offsets = [0, 64], sizes = [1024, 64], strides = [1, 1]} : vector<1024x128xf32> to vector<1024x64xf32>
    %slice3A_86 = vector.extract_strided_slice %get3A_75 {offsets = [0, 0], sizes = [1024, 64], strides = [1, 1]} : vector<1024x128xf32> to vector<1024x64xf32>
    %broadcast_in_dim3A_87 = vector.shape_cast %eq3A_84 : vector<1024x1xi1> to vector<1024x1xi1>
    %broadcast_in_dim3A_88 = vector.broadcast %broadcast_in_dim3A_87 : vector<1024x1xi1> to vector<1024x64xi1>
    %select_n3A_89 = arith.select %broadcast_in_dim3A_88, %slice3A_85, %slice3A_86 : vector<1024x64xi1>, vector<1024x64xf32>
    %mul3A_90 = arith.constant 5.000000e-01 : f32
    %mul3A_91 = vector.broadcast %mul3A_90 : f32 to vector<1024x64xf32>
    %mul3A_92 = arith.mulf %mul3A_91, %select_n3A : vector<1024x64xf32>
    %mul3A_93 = arith.constant 5.000000e-01 : f32
    %mul3A_94 = vector.broadcast %mul3A_93 : f32 to vector<1024x64xf32>
    %mul3A_95 = arith.mulf %mul3A_94, %select_n3A_72 : vector<1024x64xf32>
    %add3A_96 = arith.addf %mul3A_92, %mul3A_95 : vector<1024x64xf32>
    %mul3A_97 = arith.mulf %add3A_96, %add3A_96 : vector<1024x64xf32>
    %reduce_sum3A_98 = arith.constant dense<0.000000e+00> : vector<1024xf32>
    %reduce_sum3A_99 = vector.multi_reduction <add>, %mul3A_97, %reduce_sum3A_98 [1] : vector<1024x64xf32> to vector<1024xf32>
    %broadcast_in_dim3A_100 = vector.shape_cast %reduce_sum3A_99 : vector<1024xf32> to vector<1024x1xf32>
    %sqrt3A_101 = math.sqrt %broadcast_in_dim3A_100 : vector<1024x1xf32>
    %max3A_102 = arith.constant 9.99999996E-13 : f32
    %max3A_103 = vector.broadcast %max3A_102 : f32 to vector<1024x1xf32>
    %max3A_104 = arith.maximumf %sqrt3A_101, %max3A_103 : vector<1024x1xf32>
    %mul3A_105 = arith.mulf %select_n3A_89, %select_n3A_89 : vector<1024x64xf32>
    %reduce_sum3A_106 = arith.constant dense<0.000000e+00> : vector<1024xf32>
    %reduce_sum3A_107 = vector.multi_reduction <add>, %mul3A_105, %reduce_sum3A_106 [1] : vector<1024x64xf32> to vector<1024xf32>
    %broadcast_in_dim3A_108 = vector.shape_cast %reduce_sum3A_107 : vector<1024xf32> to vector<1024x1xf32>
    %sqrt3A_109 = math.sqrt %broadcast_in_dim3A_108 : vector<1024x1xf32>
    %max3A_110 = arith.constant 9.99999996E-13 : f32
    %max3A_111 = vector.broadcast %max3A_110 : f32 to vector<1024x1xf32>
    %max3A_112 = arith.maximumf %sqrt3A_109, %max3A_111 : vector<1024x1xf32>
    %mul3A_113 = arith.mulf %add3A_96, %select_n3A_89 : vector<1024x64xf32>
    %reduce_sum3A_114 = arith.constant dense<0.000000e+00> : vector<1024xf32>
    %reduce_sum3A_115 = vector.multi_reduction <add>, %mul3A_113, %reduce_sum3A_114 [1] : vector<1024x64xf32> to vector<1024xf32>
    %broadcast_in_dim3A_116 = vector.shape_cast %reduce_sum3A_115 : vector<1024xf32> to vector<1024x1xf32>
    %mul3A_117 = arith.mulf %max3A_104, %max3A_112 : vector<1024x1xf32>
    %div3A_118 = arith.divf %broadcast_in_dim3A_116, %mul3A_117 : vector<1024x1xf32>
    %div3A_119 = arith.constant 1.000000e-01 : f32
    %div3A_120 = vector.broadcast %div3A_119 : f32 to vector<1024x1xf32>
    %div3A_121 = arith.divf %div3A_118, %div3A_120 : vector<1024x1xf32>
    %swap3A_122 = arith.constant 0 : index
    %swap3A_123 = arith.constant 0 : index
    %swap3A_124 = vector.load %arg12[%swap3A_122, %swap3A_123] : memref<1024x1xf32, #tpu.memory_space<vmem>>, vector<1024x1xf32>
    tpu.vector_store %arg12[%swap3A_122, %swap3A_123], %div3A_121 {strides = array<i32>} : memref<1024x1xf32, #tpu.memory_space<vmem>>, vector<1024x1xf32>,
    return
  }
  func.func @transform_0(%arg0: i32) -> (i32, i32) {
    %c0_i32 = arith.constant 0 : i32
    %c0_i32_0 = arith.constant 0 : i32
    return %arg0, %c0_i32 : i32, i32
  }
  func.func @transform_1(%arg0: i32) -> (i32, i32) {
    %c0_i32 = arith.constant 0 : i32
    %c0_i32_0 = arith.constant 0 : i32
    return %arg0, %c0_i32 : i32, i32
  }
  func.func @transform_2(%arg0: i32) -> (i32, i32) {
    %c0_i32 = arith.constant 0 : i32
    %c0_i32_0 = arith.constant 0 : i32
    return %arg0, %c0_i32 : i32, i32
  }
  func.func @transform_3(%arg0: i32) -> (i32, i32) {
    %c0_i32 = arith.constant 0 : i32
    %c0_i32_0 = arith.constant 0 : i32
    return %arg0, %c0_i32 : i32, i32
  }
  func.func @transform_4(%arg0: i32) -> (i32, i32) {
    %c0_i32 = arith.constant 0 : i32
    %c0_i32_0 = arith.constant 0 : i32
    return %arg0, %c0_i32 : i32, i32
  }
  func.func @transform_5(%arg0: i32) -> (i32, i32) {
    %c0_i32 = arith.constant 0 : i32
    %c0_i32_0 = arith.constant 0 : i32
    return %arg0, %c0_i32 : i32, i32
  }
  func.func @transform_6(%arg0: i32) -> (i32, i32) {
    %c0_i32 = arith.constant 0 : i32
    %c0_i32_0 = arith.constant 0 : i32
    return %arg0, %c0_i32 : i32, i32
  }
  func.func @transform_7(%arg0: i32) -> (i32, i32) {
    %c0_i32 = arith.constant 0 : i32
    %c0_i32_0 = arith.constant 0 : i32
    return %arg0, %c0_i32 : i32, i32
  }
  func.func @transform_8(%arg0: i32) -> (i32, i32) {
    %c0_i32 = arith.constant 0 : i32
    %c0_i32_0 = arith.constant 0 : i32
    return %arg0, %c0_i32 : i32, i32
  }
  func.func @transform_9(%arg0: i32) -> (i32, i32) {
    %c0_i32 = arith.constant 0 : i32
    %c0_i32_0 = arith.constant 0 : i32
    return %arg0, %c0_i32 : i32, i32
  }
  func.func @transform_10(%arg0: i32) -> (i32, i32) {
    %c0_i32 = arith.constant 0 : i32
    %c0_i32_0 = arith.constant 0 : i32
    return %arg0, %c0_i32 : i32, i32
  }
  func.func @transform_11(%arg0: i32) -> (i32, i32) {
    %c0_i32 = arith.constant 0 : i32
    %c0_i32_0 = arith.constant 0 : i32
    return %arg0, %c0_i32 : i32, i32
  }
}

module attributes {stable_mosaic.version = 14 : i64} {
  func.func @_zpass_body(%arg0: i32, %arg1: i32, %arg2: memref<512x64xf32, #tpu.memory_space<vmem>>, %arg3: memref<512x64xf32, #tpu.memory_space<vmem>>, %arg4: memref<512x1xf32, #tpu.memory_space<vmem>>, %arg5: memref<512x1xf32, #tpu.memory_space<vmem>>, %arg6: memref<1x4096xf32, #tpu.memory_space<vmem>>) attributes {dimension_semantics = [#tpu.dimension_semantics<arbitrary>, #tpu.dimension_semantics<arbitrary>], iteration_bounds = array<i64: 8, 8>, scalar_prefetch = 0 : i64, scratch_operands = 0 : i64, tpu.core_type = #tpu.core_type<tc>, window_params = [{transform_indices = @transform_0, window_bounds = array<i64: 512, 64>}, {transform_indices = @transform_1, window_bounds = array<i64: 512, 64>}, {transform_indices = @transform_2, window_bounds = array<i64: 512, 1>}, {transform_indices = @transform_3, window_bounds = array<i64: 512, 1>}, {pipeline_mode = #tpu.pipeline_mode<synchronous>, transform_indices = @transform_4, window_bounds = array<i64: 1, 4096>}]} {
    %get3A = arith.constant 0 : index
    %get3A_0 = arith.constant 0 : index
    %get3A_1 = vector.load %arg2[%get3A, %get3A_0] : memref<512x64xf32, #tpu.memory_space<vmem>>, vector<512x64xf32>
    %convert_element_type3A = arith.truncf %get3A_1 : vector<512x64xf32> to vector<512x64xbf16>
    %get3A_2 = arith.constant 0 : index
    %get3A_3 = arith.constant 0 : index
    %get3A_4 = vector.load %arg3[%get3A_2, %get3A_3] : memref<512x64xf32, #tpu.memory_space<vmem>>, vector<512x64xf32>
    %convert_element_type3A_5 = arith.truncf %get3A_4 : vector<512x64xf32> to vector<512x64xbf16>
    %dot_general3A = arith.constant dense<0.000000e+00> : vector<512x512xf32>
    %dot_general3A_6 = tpu.matmul %convert_element_type3A, %convert_element_type3A_5, %dot_general3A {dimension_numbers = #tpu.dot_dimension_numbers<[1], [1], [0], [0], [0, 0, 1, 0], [], []>, transpose_lhs_hint = false} : vector<512x64xbf16>, vector<512x64xbf16>, vector<512x512xf32> -> vector<512x512xf32>
    %mul3A = arith.constant 1.000000e+01 : f32
    %mul3A_7 = vector.broadcast %mul3A : f32 to vector<512x512xf32>
    %mul3A_8 = arith.mulf %dot_general3A_6, %mul3A_7 : vector<512x512xf32>
    %exp3A = math.exp %mul3A_8 : vector<512x512xf32>
    %reduce_sum3A = arith.constant dense<0.000000e+00> : vector<512xf32>
    %reduce_sum3A_9 = vector.multi_reduction <add>, %exp3A, %reduce_sum3A [1] : vector<512x512xf32> to vector<512xf32>
    %broadcast_in_dim3A = vector.shape_cast %reduce_sum3A_9 : vector<512xf32> to vector<512x1xf32>
    %reduce_sum3A_10 = arith.constant dense<0.000000e+00> : vector<512xf32>
    %reduce_sum3A_11 = vector.multi_reduction <add>, %mul3A_8, %reduce_sum3A_10 [1] : vector<512x512xf32> to vector<512xf32>
    %broadcast_in_dim3A_12 = vector.shape_cast %reduce_sum3A_11 : vector<512xf32> to vector<512x1xf32>
    %reduce_sum3A_13 = arith.constant dense<0.000000e+00> : vector<512xf32>
    %reduce_sum3A_14 = vector.multi_reduction <add>, %exp3A, %reduce_sum3A_13 [0] : vector<512x512xf32> to vector<512xf32>
    %broadcast_in_dim3A_15 = vector.shape_cast %reduce_sum3A_14 : vector<512xf32> to vector<1x512xf32>
    %eq3A = arith.constant 0 : i32
    %eq3A_16 = arith.cmpi eq, %arg1, %eq3A : i32
    %convert_element_type3A_17 = arith.extui %eq3A_16 : i1 to i32
    %cond3A = arith.constant 0 : i32
    %cond3A_18 = arith.cmpi ne, %convert_element_type3A_17, %cond3A : i32
    scf.if %cond3A_18 {
      %swap3A = arith.constant 0 : index
      %swap3A_33 = arith.constant 0 : index
      %swap3A_34 = vector.load %arg4[%swap3A, %swap3A_33] : memref<512x1xf32, #tpu.memory_space<vmem>>, vector<512x1xf32>
      tpu.vector_store %arg4[%swap3A, %swap3A_33], %broadcast_in_dim3A {strides = array<i32>} : memref<512x1xf32, #tpu.memory_space<vmem>>, vector<512x1xf32>,
      %swap3A_35 = arith.constant 0 : index
      %swap3A_36 = arith.constant 0 : index
      %swap3A_37 = vector.load %arg5[%swap3A_35, %swap3A_36] : memref<512x1xf32, #tpu.memory_space<vmem>>, vector<512x1xf32>
      tpu.vector_store %arg5[%swap3A_35, %swap3A_36], %broadcast_in_dim3A_12 {strides = array<i32>} : memref<512x1xf32, #tpu.memory_space<vmem>>, vector<512x1xf32>,
    } else {
    }
    %ne3A = arith.constant 0 : i32
    %ne3A_19 = arith.cmpi ne, %arg1, %ne3A : i32
    %convert_element_type3A_20 = arith.extui %ne3A_19 : i1 to i32
    %cond3A_21 = arith.constant 0 : i32
    %cond3A_22 = arith.cmpi ne, %convert_element_type3A_20, %cond3A_21 : i32
    scf.if %cond3A_22 {
      %get3A_33 = arith.constant 0 : index
      %get3A_34 = arith.constant 0 : index
      %get3A_35 = vector.load %arg4[%get3A_33, %get3A_34] : memref<512x1xf32, #tpu.memory_space<vmem>>, vector<512x1xf32>
      %add3A = arith.addf %get3A_35, %broadcast_in_dim3A : vector<512x1xf32>
      %swap3A = arith.constant 0 : index
      %swap3A_36 = arith.constant 0 : index
      %swap3A_37 = vector.load %arg4[%swap3A, %swap3A_36] : memref<512x1xf32, #tpu.memory_space<vmem>>, vector<512x1xf32>
      tpu.vector_store %arg4[%swap3A, %swap3A_36], %add3A {strides = array<i32>} : memref<512x1xf32, #tpu.memory_space<vmem>>, vector<512x1xf32>,
      %get3A_38 = arith.constant 0 : index
      %get3A_39 = arith.constant 0 : index
      %get3A_40 = vector.load %arg5[%get3A_38, %get3A_39] : memref<512x1xf32, #tpu.memory_space<vmem>>, vector<512x1xf32>
      %add3A_41 = arith.addf %get3A_40, %broadcast_in_dim3A_12 : vector<512x1xf32>
      %swap3A_42 = arith.constant 0 : index
      %swap3A_43 = arith.constant 0 : index
      %swap3A_44 = vector.load %arg5[%swap3A_42, %swap3A_43] : memref<512x1xf32, #tpu.memory_space<vmem>>, vector<512x1xf32>
      tpu.vector_store %arg5[%swap3A_42, %swap3A_43], %add3A_41 {strides = array<i32>} : memref<512x1xf32, #tpu.memory_space<vmem>>, vector<512x1xf32>,
    } else {
    }
    %eq3A_23 = arith.constant 0 : i32
    %eq3A_24 = arith.cmpi eq, %arg0, %eq3A_23 : i32
    %convert_element_type3A_25 = arith.extui %eq3A_24 : i1 to i32
    %cond3A_26 = arith.constant 0 : i32
    %cond3A_27 = arith.cmpi ne, %convert_element_type3A_25, %cond3A_26 : i32
    scf.if %cond3A_27 {
      %mul3A_33 = arith.constant 512 : i32
      %mul3A_34 = arith.muli %arg1, %mul3A_33 : i32
      %swap3A = arith.constant 0 : index
      %swap3A_35 = arith.index_cast %mul3A_34 : i32 to index
      %swap3A_36 = vector.load %arg6[%swap3A, %swap3A_35] : memref<1x4096xf32, #tpu.memory_space<vmem>>, vector<1x512xf32>
      tpu.vector_store %arg6[%swap3A, %swap3A_35], %broadcast_in_dim3A_15 {strides = array<i32>} : memref<1x4096xf32, #tpu.memory_space<vmem>>, vector<1x512xf32>,
    } else {
    }
    %ne3A_28 = arith.constant 0 : i32
    %ne3A_29 = arith.cmpi ne, %arg0, %ne3A_28 : i32
    %convert_element_type3A_30 = arith.extui %ne3A_29 : i1 to i32
    %cond3A_31 = arith.constant 0 : i32
    %cond3A_32 = arith.cmpi ne, %convert_element_type3A_30, %cond3A_31 : i32
    scf.if %cond3A_32 {
      %mul3A_33 = arith.constant 512 : i32
      %mul3A_34 = arith.muli %arg1, %mul3A_33 : i32
      %get3A_35 = arith.constant 0 : index
      %get3A_36 = arith.index_cast %mul3A_34 : i32 to index
      %get3A_37 = vector.load %arg6[%get3A_35, %get3A_36] : memref<1x4096xf32, #tpu.memory_space<vmem>>, vector<1x512xf32>
      %add3A = arith.addf %get3A_37, %broadcast_in_dim3A_15 : vector<1x512xf32>
      %swap3A = arith.constant 0 : index
      %swap3A_38 = arith.index_cast %mul3A_34 : i32 to index
      %swap3A_39 = vector.load %arg6[%swap3A, %swap3A_38] : memref<1x4096xf32, #tpu.memory_space<vmem>>, vector<1x512xf32>
      tpu.vector_store %arg6[%swap3A, %swap3A_38], %add3A {strides = array<i32>} : memref<1x4096xf32, #tpu.memory_space<vmem>>, vector<1x512xf32>,
    } else {
    }
    return
  }
  func.func @transform_0(%arg0: i32, %arg1: i32) -> (i32, i32) {
    %c0_i32 = arith.constant 0 : i32
    %c0_i32_0 = arith.constant 0 : i32
    return %arg0, %c0_i32 : i32, i32
  }
  func.func @transform_1(%arg0: i32, %arg1: i32) -> (i32, i32) {
    %c0_i32 = arith.constant 0 : i32
    %c0_i32_0 = arith.constant 0 : i32
    return %arg1, %c0_i32 : i32, i32
  }
  func.func @transform_2(%arg0: i32, %arg1: i32) -> (i32, i32) {
    %c0_i32 = arith.constant 0 : i32
    %c0_i32_0 = arith.constant 0 : i32
    return %arg0, %c0_i32 : i32, i32
  }
  func.func @transform_3(%arg0: i32, %arg1: i32) -> (i32, i32) {
    %c0_i32 = arith.constant 0 : i32
    %c0_i32_0 = arith.constant 0 : i32
    return %arg0, %c0_i32 : i32, i32
  }
  func.func @transform_4(%arg0: i32, %arg1: i32) -> (i32, i32) {
    %c0_i32 = arith.constant 0 : i32
    %c0_i32_0 = arith.constant 0 : i32
    %c0_i32_1 = arith.constant 0 : i32
    return %c0_i32, %c0_i32_0 : i32, i32
  }
}

module attributes {stable_mosaic.version = 14 : i64} {
  func.func @_pairs_body(%arg0: i32, %arg1: i32, %arg2: memref<1024x1xi32, #tpu.memory_space<vmem>>, %arg3: memref<1024x1xi32, #tpu.memory_space<vmem>>, %arg4: memref<1024x1xf32, #tpu.memory_space<vmem>>, %arg5: memref<1024x1xf32, #tpu.memory_space<vmem>>, %arg6: memref<1x1024xf32, #tpu.memory_space<vmem>>, %arg7: memref<1024x1xf32, #tpu.memory_space<vmem>>, %arg8: memref<512x1xf32, #tpu.memory_space<vmem>>, %arg9: memref<1024x4xf32, #tpu.memory_space<vmem>>) attributes {dimension_semantics = [#tpu.dimension_semantics<arbitrary>, #tpu.dimension_semantics<arbitrary>], iteration_bounds = array<i64: 8, 4>, scalar_prefetch = 0 : i64, scratch_operands = 0 : i64, tpu.core_type = #tpu.core_type<tc>, window_params = [{transform_indices = @transform_0, window_bounds = array<i64: 1024, 1>}, {transform_indices = @transform_1, window_bounds = array<i64: 1024, 1>}, {transform_indices = @transform_2, window_bounds = array<i64: 1024, 1>}, {transform_indices = @transform_3, window_bounds = array<i64: 1024, 1>}, {transform_indices = @transform_4, window_bounds = array<i64: 1, 1024>}, {transform_indices = @transform_5, window_bounds = array<i64: 1024, 1>}, {transform_indices = @transform_6, window_bounds = array<i64: 512, 1>}, {transform_indices = @transform_7, window_bounds = array<i64: 1024, 4>}]} {
    %get3A = arith.constant 0 : index
    %get3A_0 = arith.constant 0 : index
    %get3A_1 = vector.load %arg2[%get3A, %get3A_0] : memref<1024x1xi32, #tpu.memory_space<vmem>>, vector<1024x1xi32>
    %get3A_2 = arith.constant 0 : index
    %get3A_3 = arith.constant 0 : index
    %get3A_4 = vector.load %arg3[%get3A_2, %get3A_3] : memref<1024x1xi32, #tpu.memory_space<vmem>>, vector<1024x1xi32>
    %get3A_5 = arith.constant 0 : index
    %get3A_6 = arith.constant 0 : index
    %get3A_7 = vector.load %arg6[%get3A_5, %get3A_6] : memref<1x1024xf32, #tpu.memory_space<vmem>>, vector<1x1024xf32>
    %log3A = math.log %get3A_7 : vector<1x1024xf32>
    %iota3A = tpu.iota {dimensions = array<i32: 1>} : vector<1x1024xi32>
    %mul3A = arith.constant 1024 : i32
    %mul3A_8 = arith.muli %arg1, %mul3A : i32
    %add3A = vector.broadcast %mul3A_8 : i32 to vector<1x1024xi32>
    %add3A_9 = arith.addi %iota3A, %add3A : vector<1x1024xi32>
    %eq3A = vector.broadcast %get3A_4 : vector<1024x1xi32> to vector<1024x1024xi32>
    %eq3A_10 = vector.broadcast %add3A_9 : vector<1x1024xi32> to vector<1024x1024xi32>
    %eq3A_11 = arith.cmpi eq, %eq3A, %eq3A_10 : vector<1024x1024xi32>
    %jit3A = arith.constant 0.000000e+00 : f32
    %broadcast_in_dim3A = vector.shape_cast %log3A : vector<1x1024xf32> to vector<1x1024xf32>
    %broadcast_in_dim3A_12 = vector.broadcast %broadcast_in_dim3A : vector<1x1024xf32> to vector<1024x1024xf32>
    %broadcast_in_dim3A_13 = vector.broadcast %jit3A : f32 to vector<1024x1024xf32>
    %select_n3A = arith.select %eq3A_11, %broadcast_in_dim3A_12, %broadcast_in_dim3A_13 : vector<1024x1024xi1>, vector<1024x1024xf32>
    %reduce_sum3A = arith.constant dense<0.000000e+00> : vector<1024xf32>
    %reduce_sum3A_14 = vector.multi_reduction <add>, %select_n3A, %reduce_sum3A [1] : vector<1024x1024xf32> to vector<1024xf32>
    %broadcast_in_dim3A_15 = vector.shape_cast %reduce_sum3A_14 : vector<1024xf32> to vector<1024x1xf32>
    %eq3A_16 = arith.constant 0 : i32
    %eq3A_17 = arith.cmpi eq, %arg1, %eq3A_16 : i32
    %convert_element_type3A = arith.extui %eq3A_17 : i1 to i32
    %cond3A = arith.constant 0 : i32
    %cond3A_18 = arith.cmpi ne, %convert_element_type3A, %cond3A : i32
    scf.if %cond3A_18 {
      %swap3A = arith.constant 0 : index
      %swap3A_54 = arith.constant 0 : index
      %swap3A_55 = vector.load %arg7[%swap3A, %swap3A_54] : memref<1024x1xf32, #tpu.memory_space<vmem>>, vector<1024x1xf32>
      tpu.vector_store %arg7[%swap3A, %swap3A_54], %broadcast_in_dim3A_15 {strides = array<i32>} : memref<1024x1xf32, #tpu.memory_space<vmem>>, vector<1024x1xf32>,
    } else {
    }
    %ne3A = arith.constant 0 : i32
    %ne3A_19 = arith.cmpi ne, %arg1, %ne3A : i32
    %convert_element_type3A_20 = arith.extui %ne3A_19 : i1 to i32
    %cond3A_21 = arith.constant 0 : i32
    %cond3A_22 = arith.cmpi ne, %convert_element_type3A_20, %cond3A_21 : i32
    scf.if %cond3A_22 {
      %get3A_54 = arith.constant 0 : index
      %get3A_55 = arith.constant 0 : index
      %get3A_56 = vector.load %arg7[%get3A_54, %get3A_55] : memref<1024x1xf32, #tpu.memory_space<vmem>>, vector<1024x1xf32>
      %add3A_57 = arith.addf %get3A_56, %broadcast_in_dim3A_15 : vector<1024x1xf32>
      %swap3A = arith.constant 0 : index
      %swap3A_58 = arith.constant 0 : index
      %swap3A_59 = vector.load %arg7[%swap3A, %swap3A_58] : memref<1024x1xf32, #tpu.memory_space<vmem>>, vector<1024x1xf32>
      tpu.vector_store %arg7[%swap3A, %swap3A_58], %add3A_57 {strides = array<i32>} : memref<1024x1xf32, #tpu.memory_space<vmem>>, vector<1024x1xf32>,
    } else {
    }
    %iota3A_23 = tpu.iota {dimensions = array<i32: 0>} : vector<512x1xi32>
    %mul3A_24 = arith.constant 512 : i32
    %mul3A_25 = arith.muli %arg0, %mul3A_24 : i32
    %add3A_26 = vector.broadcast %mul3A_25 : i32 to vector<512x1xi32>
    %add3A_27 = arith.addi %iota3A_23, %add3A_26 : vector<512x1xi32>
    %eq3A_28 = vector.broadcast %add3A_27 : vector<512x1xi32> to vector<512x1024xi32>
    %eq3A_29 = vector.broadcast %add3A_9 : vector<1x1024xi32> to vector<512x1024xi32>
    %eq3A_30 = arith.cmpi eq, %eq3A_28, %eq3A_29 : vector<512x1024xi32>
    %jit3A_31 = arith.constant 0.000000e+00 : f32
    %broadcast_in_dim3A_32 = vector.shape_cast %log3A : vector<1x1024xf32> to vector<1x1024xf32>
    %broadcast_in_dim3A_33 = vector.broadcast %broadcast_in_dim3A_32 : vector<1x1024xf32> to vector<512x1024xf32>
    %broadcast_in_dim3A_34 = vector.broadcast %jit3A_31 : f32 to vector<512x1024xf32>
    %select_n3A_35 = arith.select %eq3A_30, %broadcast_in_dim3A_33, %broadcast_in_dim3A_34 : vector<512x1024xi1>, vector<512x1024xf32>
    %reduce_sum3A_36 = arith.constant dense<0.000000e+00> : vector<512xf32>
    %reduce_sum3A_37 = vector.multi_reduction <add>, %select_n3A_35, %reduce_sum3A_36 [1] : vector<512x1024xf32> to vector<512xf32>
    %broadcast_in_dim3A_38 = vector.shape_cast %reduce_sum3A_37 : vector<512xf32> to vector<512x1xf32>
    %eq3A_39 = arith.constant 0 : i32
    %eq3A_40 = arith.cmpi eq, %arg1, %eq3A_39 : i32
    %convert_element_type3A_41 = arith.extui %eq3A_40 : i1 to i32
    %cond3A_42 = arith.constant 0 : i32
    %cond3A_43 = arith.cmpi ne, %convert_element_type3A_41, %cond3A_42 : i32
    scf.if %cond3A_43 {
      %swap3A = arith.constant 0 : index
      %swap3A_54 = arith.constant 0 : index
      %swap3A_55 = vector.load %arg8[%swap3A, %swap3A_54] : memref<512x1xf32, #tpu.memory_space<vmem>>, vector<512x1xf32>
      tpu.vector_store %arg8[%swap3A, %swap3A_54], %broadcast_in_dim3A_38 {strides = array<i32>} : memref<512x1xf32, #tpu.memory_space<vmem>>, vector<512x1xf32>,
    } else {
    }
    %ne3A_44 = arith.constant 0 : i32
    %ne3A_45 = arith.cmpi ne, %arg1, %ne3A_44 : i32
    %convert_element_type3A_46 = arith.extui %ne3A_45 : i1 to i32
    %cond3A_47 = arith.constant 0 : i32
    %cond3A_48 = arith.cmpi ne, %convert_element_type3A_46, %cond3A_47 : i32
    scf.if %cond3A_48 {
      %get3A_54 = arith.constant 0 : index
      %get3A_55 = arith.constant 0 : index
      %get3A_56 = vector.load %arg8[%get3A_54, %get3A_55] : memref<512x1xf32, #tpu.memory_space<vmem>>, vector<512x1xf32>
      %add3A_57 = arith.addf %get3A_56, %broadcast_in_dim3A_38 : vector<512x1xf32>
      %swap3A = arith.constant 0 : index
      %swap3A_58 = arith.constant 0 : index
      %swap3A_59 = vector.load %arg8[%swap3A, %swap3A_58] : memref<512x1xf32, #tpu.memory_space<vmem>>, vector<512x1xf32>
      tpu.vector_store %arg8[%swap3A, %swap3A_58], %add3A_57 {strides = array<i32>} : memref<512x1xf32, #tpu.memory_space<vmem>>, vector<512x1xf32>,
    } else {
    }
    %eq3A_49 = arith.constant 3 : i32
    %eq3A_50 = arith.cmpi eq, %arg1, %eq3A_49 : i32
    %convert_element_type3A_51 = arith.extui %eq3A_50 : i1 to i32
    %cond3A_52 = arith.constant 0 : i32
    %cond3A_53 = arith.cmpi ne, %convert_element_type3A_51, %cond3A_52 : i32
    scf.if %cond3A_53 {
      %get3A_54 = arith.constant 0 : index
      %get3A_55 = arith.constant 0 : index
      %get3A_56 = vector.load %arg5[%get3A_54, %get3A_55] : memref<1024x1xf32, #tpu.memory_space<vmem>>, vector<1024x1xf32>
      %div3A = arith.constant 1.000000e+00 : f32
      %div3A_57 = vector.broadcast %div3A : f32 to vector<1024x1xf32>
      %div3A_58 = arith.divf %div3A_57, %get3A_56 : vector<1024x1xf32>
      %get3A_59 = arith.constant 0 : index
      %get3A_60 = arith.constant 0 : index
      %get3A_61 = vector.load %arg4[%get3A_59, %get3A_60] : memref<1024x1xf32, #tpu.memory_space<vmem>>, vector<1024x1xf32>
      %mul3A_62 = arith.constant 2.000000e+00 : f32
      %mul3A_63 = vector.broadcast %mul3A_62 : f32 to vector<1024x1xf32>
      %mul3A_64 = arith.mulf %mul3A_63, %get3A_61 : vector<1024x1xf32>
      %get3A_65 = arith.constant 0 : index
      %get3A_66 = arith.constant 0 : index
      %get3A_67 = vector.load %arg7[%get3A_65, %get3A_66] : memref<1024x1xf32, #tpu.memory_space<vmem>>, vector<1024x1xf32>
      %sub3A = arith.subf %mul3A_64, %get3A_67 : vector<1024x1xf32>
      %mul3A_68 = arith.mulf %div3A_58, %sub3A : vector<1024x1xf32>
      %eq3A_69 = arith.cmpi eq, %get3A_1, %get3A_4 : vector<1024x1xi32>
      %jit3A_70 = arith.constant 1.000000e+00 : f32
      %jit3A_71 = arith.constant 0.000000e+00 : f32
      %broadcast_in_dim3A_72 = vector.broadcast %jit3A_70 : f32 to vector<1024x1xf32>
      %broadcast_in_dim3A_73 = vector.broadcast %jit3A_71 : f32 to vector<1024x1xf32>
      %select_n3A_74 = arith.select %eq3A_69, %broadcast_in_dim3A_72, %broadcast_in_dim3A_73 : vector<1024x1xi1>, vector<1024x1xf32>
      %broadcast_in_dim3A_75 = arith.constant 0.000000e+00 : f32
      %broadcast_in_dim3A_76 = vector.broadcast %broadcast_in_dim3A_75 : f32 to vector<1024x1xf32>
      %concatenate3A = tpu.concatenate %div3A_58, %mul3A_68, %select_n3A_74, %broadcast_in_dim3A_76 in 1 : vector<1024x1xf32>, vector<1024x1xf32>, vector<1024x1xf32>, vector<1024x1xf32> -> vector<1024x4xf32>
      %swap3A = arith.constant 0 : index
      %swap3A_77 = arith.constant 0 : index
      %swap3A_78 = vector.load %arg9[%swap3A, %swap3A_77] : memref<1024x4xf32, #tpu.memory_space<vmem>>, vector<1024x4xf32>
      tpu.vector_store %arg9[%swap3A, %swap3A_77], %concatenate3A {strides = array<i32>} : memref<1024x4xf32, #tpu.memory_space<vmem>>, vector<1024x4xf32>,
    } else {
    }
    return
  }
  func.func @transform_0(%arg0: i32, %arg1: i32) -> (i32, i32) {
    %c0_i32 = arith.constant 0 : i32
    %c0_i32_0 = arith.constant 0 : i32
    return %arg0, %c0_i32 : i32, i32
  }
  func.func @transform_1(%arg0: i32, %arg1: i32) -> (i32, i32) {
    %c0_i32 = arith.constant 0 : i32
    %c0_i32_0 = arith.constant 0 : i32
    return %arg0, %c0_i32 : i32, i32
  }
  func.func @transform_2(%arg0: i32, %arg1: i32) -> (i32, i32) {
    %c0_i32 = arith.constant 0 : i32
    %c0_i32_0 = arith.constant 0 : i32
    return %arg0, %c0_i32 : i32, i32
  }
  func.func @transform_3(%arg0: i32, %arg1: i32) -> (i32, i32) {
    %c0_i32 = arith.constant 0 : i32
    %c0_i32_0 = arith.constant 0 : i32
    return %arg0, %c0_i32 : i32, i32
  }
  func.func @transform_4(%arg0: i32, %arg1: i32) -> (i32, i32) {
    %c0_i32 = arith.constant 0 : i32
    %c0_i32_0 = arith.constant 0 : i32
    return %c0_i32, %arg1 : i32, i32
  }
  func.func @transform_5(%arg0: i32, %arg1: i32) -> (i32, i32) {
    %c0_i32 = arith.constant 0 : i32
    %c0_i32_0 = arith.constant 0 : i32
    return %arg0, %c0_i32 : i32, i32
  }
  func.func @transform_6(%arg0: i32, %arg1: i32) -> (i32, i32) {
    %c0_i32 = arith.constant 0 : i32
    %c0_i32_0 = arith.constant 0 : i32
    return %arg0, %c0_i32 : i32, i32
  }
  func.func @transform_7(%arg0: i32, %arg1: i32) -> (i32, i32) {
    %c0_i32 = arith.constant 0 : i32
    %c0_i32_0 = arith.constant 0 : i32
    return %arg0, %c0_i32 : i32, i32
  }
}

module attributes {stable_mosaic.version = 14 : i64} {
  func.func @_agg_body(%arg0: i32, %arg1: i32, %arg2: memref<1x1024xi32, #tpu.memory_space<vmem>>, %arg3: memref<1024x4xf32, #tpu.memory_space<vmem>>, %arg4: memref<1024x4xf32, #tpu.memory_space<vmem>>) attributes {dimension_semantics = [#tpu.dimension_semantics<arbitrary>, #tpu.dimension_semantics<arbitrary>], iteration_bounds = array<i64: 4, 8>, scalar_prefetch = 0 : i64, scratch_operands = 0 : i64, tpu.core_type = #tpu.core_type<tc>, window_params = [{transform_indices = @transform_0, window_bounds = array<i64: 1, 1024>}, {transform_indices = @transform_1, window_bounds = array<i64: 1024, 4>}, {transform_indices = @transform_2, window_bounds = array<i64: 1024, 4>}]} {
    %iota3A = tpu.iota {dimensions = array<i32: 0>} : vector<1024x1xi32>
    %mul3A = arith.constant 1024 : i32
    %mul3A_0 = arith.muli %arg0, %mul3A : i32
    %add3A = vector.broadcast %mul3A_0 : i32 to vector<1024x1xi32>
    %add3A_1 = arith.addi %iota3A, %add3A : vector<1024x1xi32>
    %get3A = arith.constant 0 : index
    %get3A_2 = arith.constant 0 : index
    %get3A_3 = vector.load %arg2[%get3A, %get3A_2] : memref<1x1024xi32, #tpu.memory_space<vmem>>, vector<1x1024xi32>
    %eq3A = vector.broadcast %add3A_1 : vector<1024x1xi32> to vector<1024x1024xi32>
    %eq3A_4 = vector.broadcast %get3A_3 : vector<1x1024xi32> to vector<1024x1024xi32>
    %eq3A_5 = arith.cmpi eq, %eq3A, %eq3A_4 : vector<1024x1024xi32>
    %jit3A = arith.constant 1.000000e+00 : f32
    %jit3A_6 = arith.constant 0.000000e+00 : f32
    %broadcast_in_dim3A = vector.broadcast %jit3A : f32 to vector<1024x1024xf32>
    %broadcast_in_dim3A_7 = vector.broadcast %jit3A_6 : f32 to vector<1024x1024xf32>
    %select_n3A = arith.select %eq3A_5, %broadcast_in_dim3A, %broadcast_in_dim3A_7 : vector<1024x1024xi1>, vector<1024x1024xf32>
    %convert_element_type3A = arith.truncf %select_n3A : vector<1024x1024xf32> to vector<1024x1024xbf16>
    %get3A_8 = arith.constant 0 : index
    %get3A_9 = arith.constant 0 : index
    %get3A_10 = vector.load %arg3[%get3A_8, %get3A_9] : memref<1024x4xf32, #tpu.memory_space<vmem>>, vector<1024x4xf32>
    %convert_element_type3A_11 = arith.truncf %get3A_10 : vector<1024x4xf32> to vector<1024x4xbf16>
    %dot_general3A = arith.constant dense<0.000000e+00> : vector<1024x4xf32>
    %dot_general3A_12 = tpu.matmul %convert_element_type3A, %convert_element_type3A_11, %dot_general3A {dimension_numbers = #tpu.dot_dimension_numbers<[1], [0], [0], [1], [0, 0, 1, 1], [], []>, transpose_lhs_hint = false} : vector<1024x1024xbf16>, vector<1024x4xbf16>, vector<1024x4xf32> -> vector<1024x4xf32>
    %eq3A_13 = arith.constant 0 : i32
    %eq3A_14 = arith.cmpi eq, %arg1, %eq3A_13 : i32
    %convert_element_type3A_15 = arith.extui %eq3A_14 : i1 to i32
    %cond3A = arith.constant 0 : i32
    %cond3A_16 = arith.cmpi ne, %convert_element_type3A_15, %cond3A : i32
    scf.if %cond3A_16 {
      %swap3A = arith.constant 0 : index
      %swap3A_21 = arith.constant 0 : index
      %swap3A_22 = vector.load %arg4[%swap3A, %swap3A_21] : memref<1024x4xf32, #tpu.memory_space<vmem>>, vector<1024x4xf32>
      tpu.vector_store %arg4[%swap3A, %swap3A_21], %dot_general3A_12 {strides = array<i32>} : memref<1024x4xf32, #tpu.memory_space<vmem>>, vector<1024x4xf32>,
    } else {
    }
    %ne3A = arith.constant 0 : i32
    %ne3A_17 = arith.cmpi ne, %arg1, %ne3A : i32
    %convert_element_type3A_18 = arith.extui %ne3A_17 : i1 to i32
    %cond3A_19 = arith.constant 0 : i32
    %cond3A_20 = arith.cmpi ne, %convert_element_type3A_18, %cond3A_19 : i32
    scf.if %cond3A_20 {
      %get3A_21 = arith.constant 0 : index
      %get3A_22 = arith.constant 0 : index
      %get3A_23 = vector.load %arg4[%get3A_21, %get3A_22] : memref<1024x4xf32, #tpu.memory_space<vmem>>, vector<1024x4xf32>
      %add3A_24 = arith.addf %get3A_23, %dot_general3A_12 : vector<1024x4xf32>
      %swap3A = arith.constant 0 : index
      %swap3A_25 = arith.constant 0 : index
      %swap3A_26 = vector.load %arg4[%swap3A, %swap3A_25] : memref<1024x4xf32, #tpu.memory_space<vmem>>, vector<1024x4xf32>
      tpu.vector_store %arg4[%swap3A, %swap3A_25], %add3A_24 {strides = array<i32>} : memref<1024x4xf32, #tpu.memory_space<vmem>>, vector<1024x4xf32>,
    } else {
    }
    return
  }
  func.func @transform_0(%arg0: i32, %arg1: i32) -> (i32, i32) {
    %c0_i32 = arith.constant 0 : i32
    %c0_i32_0 = arith.constant 0 : i32
    return %c0_i32, %arg1 : i32, i32
  }
  func.func @transform_1(%arg0: i32, %arg1: i32) -> (i32, i32) {
    %c0_i32 = arith.constant 0 : i32
    %c0_i32_0 = arith.constant 0 : i32
    return %arg1, %c0_i32 : i32, i32
  }
  func.func @transform_2(%arg0: i32, %arg1: i32) -> (i32, i32) {
    %c0_i32 = arith.constant 0 : i32
    %c0_i32_0 = arith.constant 0 : i32
    return %arg0, %c0_i32 : i32, i32
  }
}

module attributes {stable_mosaic.version = 14 : i64} {
  func.func @_final_body(%arg0: memref<32x128xf32, #tpu.memory_space<vmem>>, %arg1: memref<32x128xf32, #tpu.memory_space<vmem>>, %arg2: memref<32x128xf32, #tpu.memory_space<vmem>>, %arg3: memref<32x128xf32, #tpu.memory_space<vmem>>, %arg4: memref<32x128xf32, #tpu.memory_space<vmem>>, %arg5: memref<32x128xf32, #tpu.memory_space<vmem>>, %arg6: memref<32x128xf32, #tpu.memory_space<vmem>>, %arg7: memref<1x1xf32, #tpu.memory_space<vmem>>) attributes {dimension_semantics = [], scalar_prefetch = 0 : i64, scratch_operands = 0 : i64, tpu.core_type = #tpu.core_type<tc>} {
    %get3A = arith.constant 0 : index
    %get3A_0 = arith.constant 0 : index
    %get3A_1 = vector.load %arg0[%get3A, %get3A_0] : memref<32x128xf32, #tpu.memory_space<vmem>>, vector<32x128xf32>
    %get3A_2 = arith.constant 0 : index
    %get3A_3 = arith.constant 0 : index
    %get3A_4 = vector.load %arg1[%get3A_2, %get3A_3] : memref<32x128xf32, #tpu.memory_space<vmem>>, vector<32x128xf32>
    %get3A_5 = arith.constant 0 : index
    %get3A_6 = arith.constant 0 : index
    %get3A_7 = vector.load %arg2[%get3A_5, %get3A_6] : memref<32x128xf32, #tpu.memory_space<vmem>>, vector<32x128xf32>
    %get3A_8 = arith.constant 0 : index
    %get3A_9 = arith.constant 0 : index
    %get3A_10 = vector.load %arg3[%get3A_8, %get3A_9] : memref<32x128xf32, #tpu.memory_space<vmem>>, vector<32x128xf32>
    %log3A = math.log %get3A_10 : vector<32x128xf32>
    %get3A_11 = arith.constant 0 : index
    %get3A_12 = arith.constant 0 : index
    %get3A_13 = vector.load %arg4[%get3A_11, %get3A_12] : memref<32x128xf32, #tpu.memory_space<vmem>>, vector<32x128xf32>
    %get3A_14 = arith.constant 0 : index
    %get3A_15 = arith.constant 0 : index
    %get3A_16 = vector.load %arg5[%get3A_14, %get3A_15] : memref<32x128xf32, #tpu.memory_space<vmem>>, vector<32x128xf32>
    %get3A_17 = arith.constant 0 : index
    %get3A_18 = arith.constant 0 : index
    %get3A_19 = vector.load %arg6[%get3A_17, %get3A_18] : memref<32x128xf32, #tpu.memory_space<vmem>>, vector<32x128xf32>
    %reduce_sum3A = vector.shape_cast %get3A_19 : vector<32x128xf32> to vector<1x32x128xf32>
    %reduce_sum3A_20 = arith.constant dense<0.000000e+00> : vector<1xf32>
    %reduce_sum3A_21 = vector.multi_reduction <add>, %reduce_sum3A, %reduce_sum3A_20 [1, 2] : vector<1x32x128xf32> to vector<1xf32>
    %reduce_sum3A_22 = vector.shape_cast %reduce_sum3A_21 : vector<1xf32> to vector<1x1x1xf32>
    %reduce_sum3A_23 = vector.extract %reduce_sum3A_22[0, 0, 0] : f32 from vector<1x1x1xf32>
    %add3A = arith.constant 1.000000e+00 : f32
    %add3A_24 = vector.broadcast %add3A : f32 to vector<32x128xf32>
    %add3A_25 = arith.addf %add3A_24, %get3A_7 : vector<32x128xf32>
    %div3A = arith.constant 1.000000e+00 : f32
    %div3A_26 = vector.broadcast %div3A : f32 to vector<32x128xf32>
    %div3A_27 = arith.divf %div3A_26, %add3A_25 : vector<32x128xf32>
    %add3A_28 = arith.addf %get3A_1, %div3A_27 : vector<32x128xf32>
    %mul3A = arith.mulf %get3A_1, %log3A : vector<32x128xf32>
    %sub3A = arith.subf %get3A_4, %mul3A : vector<32x128xf32>
    %mul3A_29 = arith.constant 2.000000e+00 : f32
    %mul3A_30 = vector.broadcast %mul3A_29 : f32 to vector<32x128xf32>
    %mul3A_31 = arith.mulf %mul3A_30, %get3A_16 : vector<32x128xf32>
    %sub3A_32 = arith.subf %mul3A_31, %log3A : vector<32x128xf32>
    %sub3A_33 = arith.subf %sub3A_32, %get3A_19 : vector<32x128xf32>
    %mul3A_34 = arith.mulf %div3A_27, %sub3A_33 : vector<32x128xf32>
    %add3A_35 = arith.addf %sub3A, %mul3A_34 : vector<32x128xf32>
    %mul3A_36 = arith.constant 2.000000e+00 : f32
    %mul3A_37 = vector.broadcast %mul3A_36 : f32 to vector<32x128xf32>
    %mul3A_38 = arith.mulf %mul3A_37, %get3A_13 : vector<32x128xf32>
    %mul3A_39 = arith.constant 4.096000e+03 : f32
    %mul3A_40 = vector.broadcast %mul3A_39 : f32 to vector<32x128xf32>
    %mul3A_41 = arith.mulf %mul3A_40, %log3A : vector<32x128xf32>
    %sub3A_42 = arith.subf %mul3A_38, %mul3A_41 : vector<32x128xf32>
    %sub3A_43 = vector.broadcast %reduce_sum3A_23 : f32 to vector<32x128xf32>
    %sub3A_44 = arith.subf %sub3A_42, %sub3A_43 : vector<32x128xf32>
    %sub3A_45 = arith.subf %sub3A_44, %add3A_35 : vector<32x128xf32>
    %sub3A_46 = arith.constant 4.096000e+03 : f32
    %sub3A_47 = vector.broadcast %sub3A_46 : f32 to vector<32x128xf32>
    %sub3A_48 = arith.subf %sub3A_47, %add3A_28 : vector<32x128xf32>
    %div3A_49 = arith.divf %add3A_35, %add3A_28 : vector<32x128xf32>
    %div3A_50 = arith.divf %sub3A_45, %sub3A_48 : vector<32x128xf32>
    %add3A_51 = arith.addf %div3A_49, %div3A_50 : vector<32x128xf32>
    %reduce_sum3A_52 = vector.shape_cast %add3A_51 : vector<32x128xf32> to vector<1x32x128xf32>
    %reduce_sum3A_53 = arith.constant dense<0.000000e+00> : vector<1xf32>
    %reduce_sum3A_54 = vector.multi_reduction <add>, %reduce_sum3A_52, %reduce_sum3A_53 [1, 2] : vector<1x32x128xf32> to vector<1xf32>
    %reduce_sum3A_55 = vector.shape_cast %reduce_sum3A_54 : vector<1xf32> to vector<1x1x1xf32>
    %reduce_sum3A_56 = vector.extract %reduce_sum3A_55[0, 0, 0] : f32 from vector<1x1x1xf32>
    %neg3A = arith.constant 0.000000e+00 : f32
    %neg3A_57 = arith.subf %neg3A, %reduce_sum3A_56 : f32
    %div3A_58 = arith.constant 4.096000e+03 : f32
    %div3A_59 = arith.divf %neg3A_57, %div3A_58 : f32
    %broadcast_in_dim3A = arith.constant 1.000000e+00 : f32
    %broadcast_in_dim3A_60 = vector.broadcast %broadcast_in_dim3A : f32 to vector<1x1xf32>
    %mul3A_61 = vector.broadcast %div3A_59 : f32 to vector<1x1xf32>
    %mul3A_62 = arith.mulf %mul3A_61, %broadcast_in_dim3A_60 : vector<1x1xf32>
    %swap3A = arith.constant 0 : index
    %swap3A_63 = arith.constant 0 : index
    %swap3A_64 = vector.load %arg7[%swap3A, %swap3A_63] : memref<1x1xf32, #tpu.memory_space<vmem>>, vector<1x1xf32>
    tpu.vector_store %arg7[%swap3A, %swap3A_63], %mul3A_62 {strides = array<i32>} : memref<1x1xf32, #tpu.memory_space<vmem>>, vector<1x1xf32>,
    return
  }
}

</mosaic_0001>

<sc_bundles>
// kernel: kernel.10.cloned.1.call-start
scs
__scs_entry_jumppad:
0x0: {  	(pc) =	sbr.rel $0x88, $3  }
0x1: {  	(tag) =	ssettag $0x0;
	lr =	simm.s32 $0x1  }
0x2: {  	[smem:$0x3F9A] =	sst lr;
	_ =	strace $0xD0000000  }
0x3: {  	_ = 	snop  }
0x4: {  	_ = 	snop  }
0x5: {  	_ = 	snop  }
0x6: {  	_ = 	snop  }
0x7: {  	_ = 	snop  }
__scs_overlays_trampoline_lowered:
0x8: {  	[smem:$0x3FA9] =	sst s0  }
0x9: {  	[smem:$0x3FAA] =	sst s1  }
0xa: {  	[smem:$0x3FAB] =	sst s2  }
0xb: {  	[smem:$0x3FAC] =	sst s3  }
0xc: {  	[smem:$0x3FAD] =	sst s4  }
0xd: {  	[smem:$0x3FAE] =	sst s5  }
0xe: {  	[smem:$0x3FAF] =	sst s6  }
0xf: {  	[smem:$0x3FB0] =	sst s7  }
0x10: {  	[smem:$0x3FB1] =	sst s8  }
0x11: {  	[smem:$0x3FB2] =	sst s9;
	s0 =	simm.s32 @!p0 $0x0  }
0x12: {  	s1 =	sld [smem:$0x3F98];
	s0 =	simm.s32 @p0 $0x1  }
0x13: {  	[smem:$0x3FB3] =	sst s0;
	s0 =	simm.s32 @!p1 $0x0  }
0x14: {  	s2 =	sld [smem:$0x3F97];
	s0 =	simm.s32 @p1 $0x1  }
0x15: {  	[smem:$0x3FB4] =	sst s0;
	s0 =	simm.s32 @!p2 $0x0  }
0x16: {  	s3 =	sld [smem:$0x3FDB];
	s0 =	simm.s32 @p2 $0x1  }
0x17: {  	s4 =	simm.s32 $0x1BF5;
	[smem:$0x3FB6] =	sst s0  }
0x18: {  	s0 =	sld [smem:$0x3F99];
	_ =	swait.ge [sflag:s4], $0x0  }
0x19: {  	s7 =	sld [smem:$0x3F9A]  }
0x1a: {  	s8 =	sadd.s32 $0xFFFFE003, lr  }
0x1b: {  	s9 =	sadd.s32 $0xFFFFFEF7, lr;
	s5 =	simm.s32 $0xFFFFFFFF;
	p2 =	slt.u32 s8, $0xFFFFF086  }
0x1c: {  	p1 =	slt.u32 s9, $0xF7A;
	s5 =	simm.s32 @!p2 $0x0  }
0x1d: {  	s5 =	simm.s32 @p1 $0x1;
	p0 =	seq.s32 s7, s2  }
0x1e: {  	s7 =	smul.u32 @!p0 $0xF7A, s2;
	p2 =	seq.s32 @!p0 s5, $0x0  }
0x1f: {  	s9 =	smul.u32 $0xF7A, s1;
	s8 =	simm.s32 @!p0 $0x1BF5;
	p2 =	por !p2, p0  }
0x20: {  	[sflag:s8] =	ssyncset.s32 @!p0 $0xFFFFF086;
	s6 =	sadd.s32 @!p0 s3, s7;
	s7 =	simm.s32 @!p0 $0x108  }
0x21: {  	s3 =	sadd.s32 s3, s9;
	s6 =	sadd.s32 @!p0 $0x88, s6;
	s7 =	simm.s32 @p2 $0x1082  }
0x22: {  	[simem:s7], [sflag:s8] =	dma.local @!p0 [hbm:s6], $0xF7A  }
0x23: {  	s9 =	sor.u32 $0xD0000000, s2;
	s6 =	simm.s32 $0x108;
	_ =	swait.ge @!p0 [sflag:s8], $0x0  }
0x24: {  	s3 =	sadd.s32 $0x88, s3;
	s6 =	simm.s32 @!p1 $0x1082;
	[sflag:s4] =	ssyncset.s32 $0xFFFFF086  }
0x25: {  	[simem:s6], [sflag:s4] =	dma.local [hbm:s3], $0xF7A  }
0x26: {  	[smem:$0x3F9A] =	sst s1;
	(tag) =	ssettag s2;
	_ =	strace s9  }
0x27: {  	s1 =	sld [smem:$0x3FAA]  }
0x28: {  	s2 =	sld [smem:$0x3FAB]  }
0x29: {  	s4 =	sld [smem:$0x3FAD]  }
0x2a: {  	p0 =	seq.s32 s5, $0x0;
	s5 =	sld [smem:$0x3FAE]  }
0x2b: {  	s6 =	sld [smem:$0x3FAF]  }
0x2c: {  	s7 =	sld [smem:$0x3FB0]  }
0x2d: {  	s3 =	simm.s32 $0x108;
	s8 =	sld [smem:$0x3FB1]  }
0x2e: {  	s3 =	simm.s32 @!p0 $0x1082;
	s9 =	sld [smem:$0x3FB2]  }
0x2f: {  	lr =	sadd.s32 s0, s3;
	s0 =	sld [smem:$0x3FA9]  }
0x30: {  	s3 =	sld [smem:$0x3FAC]  }
0x31: {  	[smem:$0x3FB5] =	sst s10  }
0x32: {  	s10 =	sld [smem:$0x3FB3];
	_ =	sdelay $0x3  }
0x33: {  	p0 =	seq.s32 s10, $0x1;
	s10 =	sld [smem:$0x3FB5];
	_ =	sdelay $0x3  }
0x34: {  	[smem:$0x3FB5] =	sst s10  }
0x35: {  	s10 =	sld [smem:$0x3FB4];
	_ =	sdelay $0x3  }
0x36: {  	p1 =	seq.s32 s10, $0x1;
	s10 =	sld [smem:$0x3FB5];
	_ =	sdelay $0x3  }
0x37: {  	[smem:$0x3FB5] =	sst s10  }
0x38: {  	s10 =	sld [smem:$0x3FB6]  }
0x39: {  	_ = 	snop;
	(pc) =	sbr.ind lr, $3  }
0x3a: {  	_ = 	snop  }
0x3b: {  	_ = 	snop  }
0x3c: {  	p2 =	seq.s32 s10, $0x1;
	s10 =	sld [smem:$0x3FB5]  }
0x3d: {  	_ =	shalt  }
0x3e: {  	_ =	shalt  }
0x3f: {  	_ =	shalt  }
0x40: {  	_ =	shalt  }
0x41: {  	_ =	shalt  }
0x42: {  	_ =	shalt  }
0x43: {  	_ =	shalt  }
0x44: {  	_ =	shalt  }
0x45: {  	_ =	shalt  }
0x46: {  	_ =	shalt  }
0x47: {  	_ =	shalt  }
0x48: {  	_ =	shalt  }
0x49: {  	_ =	shalt  }
0x4a: {  	_ =	shalt  }
0x4b: {  	_ =	shalt  }
0x4c: {  	_ =	shalt  }
0x4d: {  	_ =	shalt  }
0x4e: {  	_ =	shalt  }
0x4f: {  	_ =	shalt  }
0x50: {  	_ =	shalt  }
0x51: {  	_ =	shalt  }
0x52: {  	_ =	shalt  }
0x53: {  	_ =	shalt  }
0x54: {  	_ =	shalt  }
0x55: {  	_ =	shalt  }
0x56: {  	_ =	shalt  }
0x57: {  	_ =	shalt  }
0x58: {  	_ =	shalt  }
0x59: {  	_ =	shalt  }
0x5a: {  	_ =	shalt  }
0x5b: {  	_ =	shalt  }
0x5c: {  	_ =	shalt  }
0x5d: {  	_ =	shalt  }
0x5e: {  	_ =	shalt  }
0x5f: {  	_ =	shalt  }
0x60: {  	_ =	shalt  }
0x61: {  	_ =	shalt  }
0x62: {  	_ =	shalt  }
0x63: {  	_ =	shalt  }
0x64: {  	_ =	shalt  }
0x65: {  	_ =	shalt  }
0x66: {  	_ =	shalt  }
0x67: {  	_ =	shalt  }
0x68: {  	_ =	shalt  }
0x69: {  	_ =	shalt  }
0x6a: {  	_ =	shalt  }
0x6b: {  	_ =	shalt  }
0x6c: {  	_ =	shalt  }
0x6d: {  	_ =	shalt  }
0x6e: {  	_ =	shalt  }
0x6f: {  	_ =	shalt  }
0x70: {  	_ =	shalt  }
0x71: {  	_ =	shalt  }
0x72: {  	_ =	shalt  }
0x73: {  	_ =	shalt  }
0x74: {  	_ =	shalt  }
0x75: {  	_ =	shalt  }
0x76: {  	_ =	shalt  }
0x77: {  	_ =	shalt  }
0x78: {  	_ =	shalt  }
0x79: {  	_ =	shalt  }
0x7a: {  	_ =	shalt  }
0x7b: {  	_ =	shalt  }
0x7c: {  	_ =	shalt  }
0x7d: {  	_ =	shalt  }
0x7e: {  	_ =	shalt  }
0x7f: {  	_ =	shalt  }
0x80: {  	_ =	shalt  }
0x81: {  	_ =	shalt  }
0x82: {  	_ =	shalt  }
0x83: {  	_ =	shalt  }
0x84: {  	_ =	shalt  }
0x85: {  	_ =	shalt  }
0x86: {  	_ =	shalt  }
0x87: {  	_ =	shalt  }
.Lfunc_end0:
.L_simem_size_0:
called_computation_lowered:
.L_overlay_start_0:
0x88: {  	s2 =	sld [smem:$0x3FD9]  }
0x89: {  	s3 =	sld [smem:$0x3FFE];
	_ =	sdelay $0x1  }
0x8a: {  	s1 =	srdreg.scid  }
0x8b: {  	s0 =	sand.u32 $0x1, s1  }
0x8c: {  	s17 =	sshll.u32 s0, $0xA;
	s2 =	sadd.s32 s3, s2  }
0x8d: {  	s2 =	sadd.s32 s2, s17  }
0x8e: {  	[smem:$0x3FC1] =	sst s2  }
0x8f: {  	_ = 	snop  }
0x90: {  	s2 =	sld [smem:$0x3FC9]  }
0x91: {  	s18 =	sld [smem:$0x3FC8]  }
0x92: {  	s4 =	sld [smem:$0x3FC7]  }
0x93: {  	s5 =	sld [smem:$0x3FC5]  }
0x94: {  	s6 =	sld [smem:$0x3FC4]  }
0x95: {  	s7 =	sld [smem:$0x3FC3];
	(tm) =	ssettm $0x1  }
0x96: {  	s8 =	sld [smem:$0x3FFB];
	_ =	sdelay $0x3  }
0x97: {  	_ =	strace s8  }
0x98: {  	s8 =	sld [smem:$0x3FFC];
	_ =	sdelay $0x3  }
0x99: {  	_ =	strace s8  }
0x9a: {  	s8 =	sld [smem:$0x3FFD];
	_ =	sdelay $0x3  }
0x9b: {  	_ =	strace s8  }
0x9c: {  	_ =	strace $0x8FFFFFFF  }
0x9d: {  	s19 =	sld [smem:$0x3FDB];
	_ =	sdelay $0x1  }
0x9e: {  	s9 =	simm.s32 $_scs_section_size  }
0x9f: {  	s10 =	simm.s32 $_size__tile_overlayer_lowered;
	s11 =	simm.s32 $_tile_overlayer_lowered  }
0xa0: {  	s22 =	simm.s32 $0x1BFF;
	s21 =	sshll.u32 s11, $0x1;
	s8 =	sadd.s32 s9, s19  }
0xa1: {  	s12 =	simm.s32 $0x0;
	s20 =	sshll.u32 s10, $0x1;
	s10 =	sadd.s32 s21, s8  }
0xa2: {  	[timem:s12], [sflag:s22] =	dma.local [hbm:s10], s20  }
0xa3: {  	_ =	swait.ge [sflag:s22], s20  }
0xa4: {  	s9 =	ssub.s32 $0x0, s20;
	[sflag:s22] =	ssyncset.done $0x0  }
0xa5: {  	[sflag:s22] =	ssyncadd.s32 s9;
	_ =	sdelay $0x1  }
0xa6: {  	s23 =	simm.s32 $0x1B8B  }
0xa7: {  	_ =	swait.ge [sflag:s23], $0x1  }
0xa8: {  	[sflag:s23] =	ssyncset.done $0x0  }
0xa9: {  	s25 =	simm.s32 $0x1B8E;
	s24 =	sld [smem:$0x3FFE];
	[sflag:s23] =	ssyncadd.s32 $0xFFFFFFFF  }
0xaa: {  	s26 =	simm.s32 $execute0_lowered;
	[smem:$0x3FD2] =	sst s25  }
0xab: {  	s10 =	sshll.u32 s26, $0x1;
	_ =	strace $0x80000046;
	[dreg:$0x1] =	wrdreg $0xFFFFFFFF  }
0xac: {  	s28 =	simm.s32 $_size_execute0_lowered;
	s8 =	sadd.s32 s8, s10;
	[dreg:$0x0] =	wrdreg $0x0  }
0xad: {  	s10 =	sshll.u32 s28, $0x1;
	[dreg:$0x2] =	wrdreg s8  }
0xae: {  	[dreg:$0x3] =	wrdreg s10  }
0xaf: {  	[dreg:$0x4] =	wrdreg $0xC0  }
0xb0: {  	_ =	task [dreg:s12], $0x5FFFF  }
0xb1: {  	[dreg:$0x1] =	wrdreg $0xFFFFFFFF  }
0xb2: {  	[dreg:$0x0] =	wrdreg $0x60  }
0xb3: {  	[dreg:$0x2] =	wrdreg s2  }
0xb4: {  	[dreg:$0x3] =	wrdreg s18  }
0xb5: {  	[dreg:$0x4] =	wrdreg s4  }
0xb6: {  	[dreg:$0x5] =	wrdreg s5  }
0xb7: {  	[dreg:$0x6] =	wrdreg s6  }
0xb8: {  	[dreg:$0x7] =	wrdreg s7  }
0xb9: {  	[dreg:$0x8] =	wrdreg s24  }
0xba: {  	[dreg:$0x9] =	wrdreg $0x9  }
0xbb: {  	_ =	task.clear_ibuf [dreg:s12], $0xAFFFF;
	_ =	strace $0x90000046  }
0xbc: {  	s29 =	simm.s32 $0x9;
	_ =	strace $0x80000048  }
0xbd: {  	_ =	swait.ge [sflag:s29], $0x1  }
0xbe: {  	[sflag:s29] =	ssyncadd.s32 $0xFFFFFFFF  }
0xbf: {  	_ =	strace $0x90000048  }
0xc0: {  	_ =	sfence  }
0xc1: {  	s30 =	sld [smem:$0x0];
	_ =	sdelay $0x2  }
0xc2: {  	s31 =	sshll.u32 s1, $0xD;
	s1 =	sshrl.u32 s1, $0x2  }
0xc3: {  	s3 =	sand.u32 $0x4000, s31;
	s1 =	sadd.s32 s1, s30  }
0xc4: {  	s0 =	sor.u32 s3, s0;
	s1 =	sshll.u32 s1, $0x11  }
0xc5: {  	s0 =	sor.u32 s1, s0  }
0xc6: {  	s0 =	sadd.s32 $0x8F2B, s0  }
0xc7: {  	[sflag:s0] =	ssyncadd.remote.s32 $0x1  }
0xc8: {  	_ =	sfence.sel $0xFFFF  }
0xc9: {  	[dreg:$0x0] =	wrdreg $0xFFFFFFFF;
	(pc) =	sbr.abs _section_cstart, $3  }
0xca: {  	[dreg:$0x1] =	wrdreg $0xFFFFFFFF  }
0xcb: {  	_ =	task.clear_ibuf [dreg:s12], $0x2FFFF;
	_ =	strace $0x9FFFFFFF  }
0xcc: {  	(tm) =	ssettm $0x7FFFFFFF  }
0xcd: {  	_ =	shalt  }
tec
execute0_lowered:
.L_overlay_start_1:
0x0: {  	(tag) =	ssettag $0x1  }
0x1: {  	s0 =	rddreg [dreg:$0x0]  }
0x2: {  	s3 =	rddreg [dreg:$0x1]  }
0x3: {  	s6 =	rddreg [dreg:$0x2]  }
0x4: {  	s1 =	rddreg [dreg:$0x3]  }
0x5: {  	s2 =	rddreg [dreg:$0x4]  }
0x6: {  	s4 =	rddreg [dreg:$0x5]  }
0x7: {  	s7 =	rddreg [dreg:$0x6]  }
0x8: {  	s8 =	srdreg.scid;
	s5 =	stileid.u32  }
0x9: {  	s11 =	simm.s32 $0x0;
	s13 =	simm.s32 $0x9;
	s14 =	simm.s32 $0x400  }
0xa: {  	s15 =	simm.s32 $0x7A1400;
	s16 =	simm.s32 $0x100;
	s17 =	simm.s32 $0x2100  }
0xb: {  	s18 =	simm.s32 $0x4100;
	s19 =	simm.s32 $0x6100;
	s28 =	simm.s32 $0x4  }
0xc: {  	s29 =	simm.s32 $0x5;
	s30 =	simm.s32 $0x6;
	s31 =	simm.s32 $0x7  }
0xd: {  	s8 =	sand.u32 $0x1, s8;
	s9 =	sshll.u32 s5, $0x1;
	[smem:$0x7FF] =	sst s11  }
0xe: {  	s5 =	simm.s32 $0x0;
	s9 =	sor.u32 s8, s9;
	_ =	strace $0x80000047  }
0xf: {  	s8 =	ssub.s32 $0x2, s8;
	s10 =	sshll.u32 s9, $0xA;
	s9 =	sshll.u32 s9, $0x4  }
0x10: {  	s20 =	sshrl.u32 s8, $0x1;
	s7 =	sadd.s32 s10, s7;
	s0 =	sadd.s32 s0, s9  }
0x11: {  	s8 =	ssub.s32 s8, s20;
	s22 =	sadd.s32 s3, s9;
	[dreg:$0x8] =	wrdreg s0  }
0x12: {  	s24 =	sadd.s32 s6, s9;
	s20 =	simm.s32 $0x8100;
	[dreg:$0xa] =	wrdreg s22  }
0x13: {  	s6 =	simm.s32 $0xC3800;
	s21 =	sadd.s32 $0xC00, s7;
	[dreg:$0xc] =	wrdreg s24  }
.Ltmp0:
0x14: {  	s23 =	sadd.s32 $0x8C00, s7;
	[dreg:$0x9] =	wrdreg s21;
	(pc) =	sbr.rel .LBB2_1-.Ltmp0, $4  }
0x15: {  	v0 =	vlaneseq.u32;
	s25 =	sadd.s32 $0x10C00, s7;
	s26 =	smax.u32 s8, $0x1;
	[dreg:$0xb] =	wrdreg s23  }
0x16: {  	v0 =	vmul.u32 $0x80, v0;
	s22 =	simm.s32 $0xC100;
	s24 =	simm.s32 $0x1;
	[dreg:$0xd] =	wrdreg s25  }
0x17: {  	s0 =	simm.s32 $0x8;
	[dreg:$0xe] =	wrdreg s26;
	s21 =	simm.s32 $0xA100  }
0x18: {  	v1 =	vor.u32 $0x800, v0;
	v2 =	vor.u32 $0x1000, v0;
	v3 =	vor.u32 $0x1800, v0;
	s23 =	simm.s32 $0xE100;
	s25 =	simm.s32 $0x2;
	s26 =	simm.s32 $0x3  }
.LBB2_10:
0x19: {  	s11 =	simm.s32 $0x0;
	s3 =	rddreg [dreg:$0xd];
	s5 =	simm.s32 $0x10100  }
0x1a: {  	[hbm4b:s3+s11] =	stream.linear.scatter [tilespmem:s5], [sflag:$0x9], $0x2000, $0x38;
	[tilespmem:$0x12100] =	vst v63  }
0x1b: {  	_ =	swait.ge [sflag:s13], $0x2000  }
0x1c: {  	s10 =	rddreg [dreg:$0xf]  }
0x1d: {  	s12 =	rddreg [dreg:$0xe];
	s5 =	sadd.s32 $0x1, s10  }
0x1e: {  	p0 =	sne.s32 s5, s12  }
.Ltmp1:
0x1f: {  	_ = 	snop;
	(pc) =	sbr.rel @!p0 .LBB2_11-.Ltmp1, $3  }
0x20: {  	_ =	sdelay $0x1  }
0x21: {  	[sflag:s13] =	ssyncset.done $0x0  }
0x22: {  	[sflag:s13] =	ssyncadd.s32 $0xFFFFE000  }
.LBB2_1:
0x23: {  	[dreg:$0xf] =	wrdreg s5  }
0x24: {  	s3 =	rddreg [dreg:$0x8]  }
0x25: {  	[tilespmem:s11], [sflag:$0x9] =	stream.linear.gather [hbm4b:s3+s11], $0x80, $0x38;
	[tilespmem:$0x12100] =	vst v63  }
0x26: {  	_ =	swait.ge [sflag:s13], $0x80  }
0x27: {  	[sflag:s13] =	ssyncset.done $0x0  }
0x28: {  	[sflag:s13] =	ssyncadd.s32 $0xFFFFFF80  }
0x29: {  	v4 =	vld [tilespmem:$0x0];
	_ =	sdelay $0x4  }
0x2a: {  	(v2sf) =	vpush v4, $0x0;
	_ =	sdelay $0xe  }
0x2b: {  	s8 =	spop (v2sf)  }
0x2c: {  	s8 =	sand.u32 $0xFFFFF80, s8  }
0x2d: {  	s8 =	sadd.s32 s1, s8  }
0x2e: {  	[tilespmem:s16], [sflag:$0x1] =	stream.strided.gather [hbm4b:s8+s14], $0x2000, s15, s14, $0x38;
	[tilespmem:$0x12100] =	vst v63  }
0x2f: {  	v4 =	vld [tilespmem:$0x1];
	_ =	sdelay $0x4  }
0x30: {  	(v2sf) =	vpush v4, $0x0;
	_ =	sdelay $0xe  }
0x31: {  	s3 =	spop (v2sf)  }
0x32: {  	s8 =	sand.u32 $0xFFFFF80, s3  }
0x33: {  	s8 =	sadd.s32 s1, s8  }
0x34: {  	[tilespmem:s17], [sflag:$0x2] =	stream.strided.gather [hbm4b:s8+s14], $0x2000, s15, s14, $0x38;
	[tilespmem:$0x12100] =	vst v63  }
0x35: {  	v4 =	vld [tilespmem:$0x2];
	_ =	sdelay $0x4  }
0x36: {  	(v2sf) =	vpush v4, $0x0;
	_ =	sdelay $0xe  }
0x37: {  	s5 =	spop (v2sf)  }
0x38: {  	s8 =	sand.u32 $0xFFFFF80, s5  }
0x39: {  	s8 =	sadd.s32 s1, s8  }
0x3a: {  	[tilespmem:s18], [sflag:$0x3] =	stream.strided.gather [hbm4b:s8+s14], $0x2000, s15, s14, $0x38;
	[tilespmem:$0x12100] =	vst v63  }
0x3b: {  	v4 =	vld [tilespmem:$0x3];
	_ =	sdelay $0x4  }
0x3c: {  	(v2sf) =	vpush v4, $0x0;
	_ =	sdelay $0xe  }
0x3d: {  	s7 =	spop (v2sf)  }
0x3e: {  	s8 =	sand.u32 $0xFFFFF80, s7  }
0x3f: {  	s8 =	sadd.s32 s1, s8  }
0x40: {  	[tilespmem:s19], [sflag:$0x4] =	stream.strided.gather [hbm4b:s8+s14], $0x2000, s15, s14, $0x38;
	[tilespmem:$0x12100] =	vst v63  }
0x41: {  	v4 =	vld [tilespmem:$0x4];
	_ =	sdelay $0x4  }
0x42: {  	(v2sf) =	vpush v4, $0x0;
	_ =	sdelay $0xe  }
0x43: {  	s9 =	spop (v2sf)  }
0x44: {  	s8 =	sand.u32 $0xFFFFF80, s9  }
0x45: {  	s8 =	sadd.s32 s1, s8  }
0x46: {  	[tilespmem:s20], [sflag:$0x5] =	stream.strided.gather [hbm4b:s8+s14], $0x2000, s15, s14, $0x38;
	[tilespmem:$0x12100] =	vst v63  }
0x47: {  	v4 =	vld [tilespmem:$0x5];
	_ =	sdelay $0x4  }
0x48: {  	(v2sf) =	vpush v4, $0x0;
	_ =	sdelay $0xe  }
0x49: {  	s10 =	spop (v2sf)  }
0x4a: {  	s8 =	sand.u32 $0xFFFFF80, s10  }
0x4b: {  	s8 =	sadd.s32 s1, s8  }
0x4c: {  	[tilespmem:s21], [sflag:$0x6] =	stream.strided.gather [hbm4b:s8+s14], $0x2000, s15, s14, $0x38;
	[tilespmem:$0x12100] =	vst v63  }
0x4d: {  	v4 =	vld [tilespmem:$0x6];
	_ =	sdelay $0x4  }
0x4e: {  	(v2sf) =	vpush v4, $0x0;
	_ =	sdelay $0xe  }
0x4f: {  	s11 =	spop (v2sf)  }
0x50: {  	s8 =	sand.u32 $0xFFFFF80, s11  }
0x51: {  	s8 =	sadd.s32 s1, s8  }
0x52: {  	[tilespmem:s22], [sflag:$0x7] =	stream.strided.gather [hbm4b:s8+s14], $0x2000, s15, s14, $0x38;
	[tilespmem:$0x12100] =	vst v63  }
0x53: {  	v4 =	vld [tilespmem:$0x7];
	_ =	sdelay $0x4  }
0x54: {  	(v2sf) =	vpush v4, $0x0;
	_ =	sdelay $0xe  }
0x55: {  	s12 =	spop (v2sf)  }
0x56: {  	s8 =	sand.u32 $0xFFFFF80, s12  }
0x57: {  	s8 =	sadd.s32 s1, s8  }
0x58: {  	[tilespmem:s23], [sflag:$0x8] =	stream.strided.gather [hbm4b:s8+s14], $0x2000, s15, s14, $0x38;
	[tilespmem:$0x12100] =	vst v63  }
0x59: {  	s9 =	simm.s32 $0x10200;
	s10 =	simm.s32 $0x8;
	s8 =	simm.s32 $0x140  }
.LBB2_2:
0x5a: {  	_ =	swait.ge [sflag:s24], $0x2000  }
0x5b: {  	[sflag:s24] =	ssyncset.done $0x0  }
0x5c: {  	[sflag:s24] =	ssyncadd.s32 $0xFFFFE000  }
0x5d: {  	v4 =	vld [tilespmem:s10+$0xFFFFFFF8];
	_ =	sdelay $0x4  }
0x5e: {  	(v2sf) =	vpush v4, $0x0;
	_ =	sdelay $0xe  }
0x5f: {  	s11 =	spop (v2sf)  }
0x60: {  	s11 =	sand.u32 $0x7F, s11  }
0x61: {  	v4 =	vor.u32 s11, v0;
	_ =	sdelay $0x4  }
0x62: {  	v4 =	vld.idx.msk [tilespmem:v4+s16+$0x0], $0xffff  }
0x63: {  	v5 =	vor.u32 s11, v1;
	_ =	sdelay $0x3  }
0x64: {  	[tilespmem:s9+$0xFFFFFF00] =	vst v4  }
0x65: {  	v4 =	vld.idx.msk [tilespmem:v5+s16+$0x0], $0xffff  }
0x66: {  	v5 =	vor.u32 s11, v2;
	_ =	sdelay $0x3  }
0x67: {  	[tilespmem:s9+$0xFFFFFF10] =	vst v4  }
0x68: {  	v4 =	vld.idx.msk [tilespmem:v5+s16+$0x0], $0xffff  }
0x69: {  	v5 =	vor.u32 s11, v3;
	_ =	sdelay $0x3  }
0x6a: {  	[tilespmem:s9+$0xFFFFFF20] =	vst v4  }
0x6b: {  	v4 =	vld.idx.msk [tilespmem:v5+s16+$0x0], $0xffff;
	_ =	sdelay $0x4  }
0x6c: {  	p0 =	seq.s32 s8, $0x1F40;
	[tilespmem:s9+$0xFFFFFF30] =	vst v4  }
0x6d: {  	v4 =	vld @!p0 [tilespmem:s10+$0x0];
	_ =	sdelay $0x4  }
0x6e: {  	(v2sf) =	vpush @!p0 v4, $0x0;
	_ =	sdelay $0xe  }
0x6f: {  	s11 =	spop @!p0 (v2sf)  }
0x70: {  	s12 =	simm.s32 @!p0 $0x7A1400;
	s11 =	sand.u32 @!p0 $0xFFFFF80, s11  }
0x71: {  	s5 =	simm.s32 @!p0 $0x100;
	s3 =	sadd.s32 @!p0 s1, s11;
	s11 =	simm.s32 @!p0 $0x400  }
0x72: {  	[tilespmem:s5], [sflag:$0x1] =	stream.strided.gather @!p0 [hbm4b:s3+s11], $0x2000, s12, s11, $0x38;
	[tilespmem:$0x12100] =	vst v63  }
0x73: {  	_ =	swait.ge [sflag:s25], $0x2000  }
0x74: {  	[sflag:s25] =	ssyncset.done $0x0  }
0x75: {  	[sflag:s25] =	ssyncadd.s32 $0xFFFFE000  }
0x76: {  	v4 =	vld [tilespmem:s10+$0xFFFFFFF9];
	_ =	sdelay $0x4  }
0x77: {  	(v2sf) =	vpush v4, $0x0;
	_ =	sdelay $0xe  }
0x78: {  	s5 =	spop (v2sf)  }
0x79: {  	s3 =	sand.u32 $0x7F, s5  }
0x7a: {  	v4 =	vor.u32 s3, v0;
	_ =	sdelay $0x4  }
0x7b: {  	v4 =	vld.idx.msk [tilespmem:v4+s17+$0x0], $0xffff  }
0x7c: {  	v5 =	vor.u32 s3, v1;
	_ =	sdelay $0x3  }
0x7d: {  	[tilespmem:s9+$0xFFFFFF40] =	vst v4  }
0x7e: {  	v4 =	vld.idx.msk [tilespmem:v5+s17+$0x0], $0xffff  }
0x7f: {  	v5 =	vor.u32 s3, v2;
	_ =	sdelay $0x3  }
0x80: {  	[tilespmem:s9+$0xFFFFFF50] =	vst v4  }
0x81: {  	v4 =	vld.idx.msk [tilespmem:v5+s17+$0x0], $0xffff  }
0x82: {  	v5 =	vor.u32 s3, v3;
	_ =	sdelay $0x3  }
0x83: {  	[tilespmem:s9+$0xFFFFFF60] =	vst v4  }
0x84: {  	v4 =	vld.idx.msk [tilespmem:v5+s17+$0x0], $0xffff;
	_ =	sdelay $0x4  }
0x85: {  	[tilespmem:s9+$0xFFFFFF70] =	vst v4  }
0x86: {  	v4 =	vld @!p0 [tilespmem:s10+$0x1];
	_ =	sdelay $0x4  }
0x87: {  	(v2sf) =	vpush @!p0 v4, $0x0;
	_ =	sdelay $0xe  }
0x88: {  	s3 =	spop @!p0 (v2sf)  }
0x89: {  	s3 =	sand.u32 @!p0 $0xFFFFF80, s3  }
0x8a: {  	s5 =	simm.s32 @!p0 $0x2100;
	s3 =	sadd.s32 @!p0 s1, s3  }
0x8b: {  	[tilespmem:s5], [sflag:$0x2] =	stream.strided.gather @!p0 [hbm4b:s3+s11], $0x2000, s12, s11, $0x38;
	[tilespmem:$0x12100] =	vst v63  }
0x8c: {  	_ =	swait.ge [sflag:s26], $0x2000  }
0x8d: {  	[sflag:s26] =	ssyncset.done $0x0  }
0x8e: {  	[sflag:s26] =	ssyncadd.s32 $0xFFFFE000  }
0x8f: {  	v4 =	vld [tilespmem:s10+$0xFFFFFFFA];
	_ =	sdelay $0x4  }
0x90: {  	(v2sf) =	vpush v4, $0x0;
	_ =	sdelay $0xe  }
0x91: {  	s7 =	spop (v2sf)  }
0x92: {  	s3 =	sand.u32 $0x7F, s7  }
0x93: {  	v4 =	vor.u32 s3, v0;
	_ =	sdelay $0x4  }
0x94: {  	v4 =	vld.idx.msk [tilespmem:v4+s18+$0x0], $0xffff  }
0x95: {  	v5 =	vor.u32 s3, v1;
	_ =	sdelay $0x3  }
0x96: {  	[tilespmem:s9+$0xFFFFFF80] =	vst v4  }
0x97: {  	v4 =	vld.idx.msk [tilespmem:v5+s18+$0x0], $0xffff  }
0x98: {  	v5 =	vor.u32 s3, v2;
	_ =	sdelay $0x3  }
0x99: {  	[tilespmem:s9+$0xFFFFFF90] =	vst v4  }
0x9a: {  	v4 =	vld.idx.msk [tilespmem:v5+s18+$0x0], $0xffff  }
0x9b: {  	v5 =	vor.u32 s3, v3;
	_ =	sdelay $0x3  }
0x9c: {  	[tilespmem:s9+$0xFFFFFFA0] =	vst v4  }
0x9d: {  	v4 =	vld.idx.msk [tilespmem:v5+s18+$0x0], $0xffff;
	_ =	sdelay $0x4  }
0x9e: {  	[tilespmem:s9+$0xFFFFFFB0] =	vst v4  }
0x9f: {  	v4 =	vld @!p0 [tilespmem:s10+$0x2];
	_ =	sdelay $0x4  }
0xa0: {  	(v2sf) =	vpush @!p0 v4, $0x0;
	_ =	sdelay $0xe  }
0xa1: {  	s3 =	spop @!p0 (v2sf)  }
0xa2: {  	s3 =	sand.u32 @!p0 $0xFFFFF80, s3  }
0xa3: {  	s5 =	simm.s32 @!p0 $0x4100;
	s3 =	sadd.s32 @!p0 s1, s3  }
0xa4: {  	[tilespmem:s5], [sflag:$0x3] =	stream.strided.gather @!p0 [hbm4b:s3+s11], $0x2000, s12, s11, $0x38;
	[tilespmem:$0x12100] =	vst v63  }
0xa5: {  	_ =	swait.ge [sflag:s28], $0x2000  }
0xa6: {  	[sflag:s28] =	ssyncset.done $0x0  }
0xa7: {  	[sflag:s28] =	ssyncadd.s32 $0xFFFFE000  }
0xa8: {  	v4 =	vld [tilespmem:s10+$0xFFFFFFFB];
	_ =	sdelay $0x4  }
0xa9: {  	(v2sf) =	vpush v4, $0x0;
	_ =	sdelay $0xe  }
0xaa: {  	s5 =	spop (v2sf)  }
0xab: {  	s3 =	sand.u32 $0x7F, s5  }
0xac: {  	v4 =	vor.u32 s3, v0;
	_ =	sdelay $0x4  }
0xad: {  	v4 =	vld.idx.msk [tilespmem:v4+s19+$0x0], $0xffff  }
0xae: {  	v5 =	vor.u32 s3, v1;
	_ =	sdelay $0x3  }
0xaf: {  	[tilespmem:s9+$0xFFFFFFC0] =	vst v4  }
0xb0: {  	v4 =	vld.idx.msk [tilespmem:v5+s19+$0x0], $0xffff  }
0xb1: {  	v5 =	vor.u32 s3, v2;
	_ =	sdelay $0x1  }
0xb2: {  	s5 =	sadd.s32 $0xFFFFFF80, s8  }
0xb3: {  	s7 =	sor.u32 $0x50, s5  }
0xb4: {  	[tilespmem:s7+$0x10100] =	vst v4  }
0xb5: {  	v4 =	vld.idx.msk [tilespmem:v5+s19+$0x0], $0xffff  }
0xb6: {  	v5 =	vor.u32 s3, v3;
	_ =	sdelay $0x2  }
0xb7: {  	s7 =	sor.u32 $0x60, s5  }
0xb8: {  	[tilespmem:s7+$0x10100] =	vst v4  }
0xb9: {  	v4 =	vld.idx.msk [tilespmem:v5+s19+$0x0], $0xffff;
	_ =	sdelay $0x3  }
0xba: {  	s5 =	sor.u32 $0x70, s5  }
0xbb: {  	[tilespmem:s5+$0x10100] =	vst v4  }
0xbc: {  	v4 =	vld @!p0 [tilespmem:s10+$0x3];
	_ =	sdelay $0x4  }
0xbd: {  	(v2sf) =	vpush @!p0 v4, $0x0;
	_ =	sdelay $0xe  }
0xbe: {  	s3 =	spop @!p0 (v2sf)  }
0xbf: {  	s3 =	sand.u32 @!p0 $0xFFFFF80, s3  }
0xc0: {  	s5 =	simm.s32 @!p0 $0x6100;
	s3 =	sadd.s32 @!p0 s1, s3  }
0xc1: {  	[tilespmem:s5], [sflag:$0x4] =	stream.strided.gather @!p0 [hbm4b:s3+s11], $0x2000, s12, s11, $0x38;
	[tilespmem:$0x12100] =	vst v63  }
0xc2: {  	_ =	swait.ge [sflag:s29], $0x2000  }
0xc3: {  	[sflag:s29] =	ssyncset.done $0x0  }
0xc4: {  	[sflag:s29] =	ssyncadd.s32 $0xFFFFE000  }
0xc5: {  	v4 =	vld [tilespmem:s10+$0xFFFFFFFC];
	_ =	sdelay $0x4  }
0xc6: {  	(v2sf) =	vpush v4, $0x0;
	_ =	sdelay $0xe  }
0xc7: {  	s7 =	spop (v2sf)  }
0xc8: {  	s3 =	sand.u32 $0x7F, s7  }
0xc9: {  	v4 =	vor.u32 s3, v0;
	_ =	sdelay $0x4  }
0xca: {  	v4 =	vld.idx.msk [tilespmem:v4+s20+$0x0], $0xffff  }
0xcb: {  	v5 =	vor.u32 s3, v1;
	_ =	sdelay $0x3  }
0xcc: {  	[tilespmem:s9+$0x0] =	vst v4  }
0xcd: {  	v4 =	vld.idx.msk [tilespmem:v5+s20+$0x0], $0xffff  }
0xce: {  	v5 =	vor.u32 s3, v2;
	_ =	sdelay $0x3  }
0xcf: {  	[tilespmem:s9+$0x10] =	vst v4  }
0xd0: {  	v4 =	vld.idx.msk [tilespmem:v5+s20+$0x0], $0xffff  }
0xd1: {  	v5 =	vor.u32 s3, v3;
	_ =	sdelay $0x3  }
0xd2: {  	[tilespmem:s9+$0x20] =	vst v4  }
0xd3: {  	v4 =	vld.idx.msk [tilespmem:v5+s20+$0x0], $0xffff;
	_ =	sdelay $0x4  }
0xd4: {  	[tilespmem:s9+$0x30] =	vst v4  }
0xd5: {  	v4 =	vld @!p0 [tilespmem:s10+$0x4];
	_ =	sdelay $0x4  }
0xd6: {  	(v2sf) =	vpush @!p0 v4, $0x0;
	_ =	sdelay $0xe  }
0xd7: {  	s3 =	spop @!p0 (v2sf)  }
0xd8: {  	s3 =	sand.u32 @!p0 $0xFFFFF80, s3  }
0xd9: {  	s5 =	simm.s32 @!p0 $0x8100;
	s3 =	sadd.s32 @!p0 s1, s3  }
0xda: {  	[tilespmem:s5], [sflag:$0x5] =	stream.strided.gather @!p0 [hbm4b:s3+s11], $0x2000, s12, s11, $0x38;
	[tilespmem:$0x12100] =	vst v63  }
0xdb: {  	_ =	swait.ge [sflag:s30], $0x2000  }
0xdc: {  	[sflag:s30] =	ssyncset.done $0x0  }
0xdd: {  	[sflag:s30] =	ssyncadd.s32 $0xFFFFE000  }
0xde: {  	v4 =	vld [tilespmem:s10+$0xFFFFFFFD];
	_ =	sdelay $0x4  }
0xdf: {  	(v2sf) =	vpush v4, $0x0;
	_ =	sdelay $0xe  }
0xe0: {  	s5 =	spop (v2sf)  }
0xe1: {  	s3 =	sand.u32 $0x7F, s5  }
0xe2: {  	v4 =	vor.u32 s3, v0;
	_ =	sdelay $0x4  }
0xe3: {  	v4 =	vld.idx.msk [tilespmem:v4+s21+$0x0], $0xffff  }
0xe4: {  	v5 =	vor.u32 s3, v1;
	_ =	sdelay $0x3  }
0xe5: {  	[tilespmem:s9+$0x40] =	vst v4  }
0xe6: {  	v4 =	vld.idx.msk [tilespmem:v5+s21+$0x0], $0xffff  }
0xe7: {  	v5 =	vor.u32 s3, v2;
	_ =	sdelay $0x2  }
0xe8: {  	s7 =	sor.u32 $0x50, s8  }
0xe9: {  	[tilespmem:s7+$0x10100] =	vst v4  }
0xea: {  	v4 =	vld.idx.msk [tilespmem:v5+s21+$0x0], $0xffff  }
0xeb: {  	v5 =	vor.u32 s3, v3;
	_ =	sdelay $0x2  }
0xec: {  	s7 =	sor.u32 $0x60, s8  }
0xed: {  	[tilespmem:s7+$0x10100] =	vst v4  }
0xee: {  	v4 =	vld.idx.msk [tilespmem:v5+s21+$0x0], $0xffff;
	_ =	sdelay $0x3  }
0xef: {  	s5 =	sor.u32 $0x70, s8  }
0xf0: {  	[tilespmem:s5+$0x10100] =	vst v4  }
0xf1: {  	v4 =	vld @!p0 [tilespmem:s10+$0x5];
	_ =	sdelay $0x4  }
0xf2: {  	(v2sf) =	vpush @!p0 v4, $0x0;
	_ =	sdelay $0xe  }
0xf3: {  	s3 =	spop @!p0 (v2sf)  }
0xf4: {  	s3 =	sand.u32 @!p0 $0xFFFFF80, s3  }
0xf5: {  	s5 =	simm.s32 @!p0 $0xA100;
	s3 =	sadd.s32 @!p0 s1, s3  }
0xf6: {  	[tilespmem:s5], [sflag:$0x6] =	stream.strided.gather @!p0 [hbm4b:s3+s11], $0x2000, s12, s11, $0x38;
	[tilespmem:$0x12100] =	vst v63  }
0xf7: {  	_ =	swait.ge [sflag:s31], $0x2000  }
0xf8: {  	[sflag:s31] =	ssyncset.done $0x0  }
0xf9: {  	[sflag:s31] =	ssyncadd.s32 $0xFFFFE000  }
0xfa: {  	v4 =	vld [tilespmem:s10+$0xFFFFFFFE];
	_ =	sdelay $0x4  }
0xfb: {  	(v2sf) =	vpush v4, $0x0;
	_ =	sdelay $0xe  }
0xfc: {  	s7 =	spop (v2sf)  }
0xfd: {  	s3 =	sand.u32 $0x7F, s7  }
0xfe: {  	v4 =	vor.u32 s3, v0;
	_ =	sdelay $0x4  }
0xff: {  	v4 =	vld.idx.msk [tilespmem:v4+s22+$0x0], $0xffff  }
0x100: {  	v5 =	vor.u32 s3, v1;
	_ =	sdelay $0x3  }
0x101: {  	[tilespmem:s9+$0x80] =	vst v4  }
0x102: {  	v4 =	vld.idx.msk [tilespmem:v5+s22+$0x0], $0xffff  }
0x103: {  	v5 =	vor.u32 s3, v2;
	_ =	sdelay $0x3  }
0x104: {  	[tilespmem:s9+$0x90] =	vst v4  }
0x105: {  	v4 =	vld.idx.msk [tilespmem:v5+s22+$0x0], $0xffff  }
0x106: {  	v5 =	vor.u32 s3, v3;
	_ =	sdelay $0x3  }
0x107: {  	[tilespmem:s9+$0xA0] =	vst v4  }
0x108: {  	v4 =	vld.idx.msk [tilespmem:v5+s22+$0x0], $0xffff;
	_ =	sdelay $0x4  }
0x109: {  	[tilespmem:s9+$0xB0] =	vst v4  }
0x10a: {  	v4 =	vld @!p0 [tilespmem:s10+$0x6];
	_ =	sdelay $0x4  }
0x10b: {  	(v2sf) =	vpush @!p0 v4, $0x0;
	_ =	sdelay $0xe  }
0x10c: {  	s3 =	spop @!p0 (v2sf)  }
0x10d: {  	s3 =	sand.u32 @!p0 $0xFFFFF80, s3  }
0x10e: {  	s5 =	simm.s32 @!p0 $0xC100;
	s3 =	sadd.s32 @!p0 s1, s3  }
0x10f: {  	[tilespmem:s5], [sflag:$0x7] =	stream.strided.gather @!p0 [hbm4b:s3+s11], $0x2000, s12, s11, $0x38;
	[tilespmem:$0x12100] =	vst v63  }
0x110: {  	_ =	swait.ge [sflag:s0], $0x2000  }
0x111: {  	[sflag:s0] =	ssyncset.done $0x0  }
0x112: {  	[sflag:s0] =	ssyncadd.s32 $0xFFFFE000  }
0x113: {  	v4 =	vld [tilespmem:s10+$0xFFFFFFFF];
	_ =	sdelay $0x4  }
0x114: {  	(v2sf) =	vpush v4, $0x0;
	_ =	sdelay $0xe  }
0x115: {  	s12 =	spop (v2sf)  }
0x116: {  	s3 =	sand.u32 $0x7F, s12  }
0x117: {  	v4 =	vor.u32 s3, v0;
	_ =	sdelay $0x4  }
0x118: {  	v4 =	vld.idx.msk [tilespmem:v4+s23+$0x0], $0xffff  }
0x119: {  	v5 =	vor.u32 s3, v1;
	_ =	sdelay $0x3  }
0x11a: {  	[tilespmem:s9+$0xC0] =	vst v4  }
0x11b: {  	v4 =	vld.idx.msk [tilespmem:v5+s23+$0x0], $0xffff  }
0x11c: {  	v5 =	vor.u32 s3, v2;
	_ =	sdelay $0x3  }
0x11d: {  	[tilespmem:s9+$0xD0] =	vst v4  }
0x11e: {  	v4 =	vld.idx.msk [tilespmem:v5+s23+$0x0], $0xffff  }
0x11f: {  	v5 =	vor.u32 s3, v3;
	_ =	sdelay $0x3  }
0x120: {  	[tilespmem:s9+$0xE0] =	vst v4  }
0x121: {  	v4 =	vld.idx.msk [tilespmem:v5+s23+$0x0], $0xffff  }
.Ltmp2:
0x122: {  	_ = 	snop;
	(pc) =	sbr.rel @p0 .LBB2_4-.Ltmp2, $2  }
0x123: {  	_ =	sdelay $0x2  }
0x124: {  	[tilespmem:s9+$0xF0] =	vst v4  }
0x125: {  	v4 =	vld [tilespmem:s10+$0x7];
	_ =	sdelay $0x4  }
0x126: {  	(v2sf) =	vpush v4, $0x0;
	_ =	sdelay $0xd  }
.Ltmp3:
0x127: {  	_ = 	snop;
	(pc) =	sbr.rel .LBB2_2-.Ltmp3, $4  }
0x128: {  	s3 =	spop (v2sf)  }
0x129: {  	s8 =	sadd.s32 $0x200, s8;
	s3 =	sand.u32 $0xFFFFF80, s3  }
0x12a: {  	s10 =	sadd.s32 $0x8, s10;
	s9 =	sadd.s32 $0x200, s9;
	s3 =	sadd.s32 s1, s3  }
0x12b: {  	[tilespmem:s23], [sflag:$0x8] =	stream.strided.gather [hbm4b:s3+s14], $0x2000, s15, s14, $0x38;
	[tilespmem:$0x12100] =	vst v63  }
.LBB2_4:
0x12c: {  	s3 =	simm.s32 $0x0;
	s5 =	rddreg [dreg:$0x9];
	s7 =	simm.s32 $0x10100  }
0x12d: {  	[hbm4b:s5+s3] =	stream.linear.scatter [tilespmem:s7], [sflag:$0x9], $0x2000, $0x38;
	[tilespmem:$0x12100] =	vst v63  }
0x12e: {  	_ =	swait.ge [sflag:s13], $0x2000  }
0x12f: {  	[sflag:s13] =	ssyncset.done $0x0  }
0x130: {  	s11 =	rddreg [dreg:$0xa];
	[sflag:s13] =	ssyncadd.s32 $0xFFFFE000  }
0x131: {  	[tilespmem:s3], [sflag:$0x9] =	stream.linear.gather [hbm4b:s11+s3], $0x80, $0x38;
	[tilespmem:$0x12100] =	vst v63  }
0x132: {  	_ =	swait.ge [sflag:s13], $0x80  }
0x133: {  	[sflag:s13] =	ssyncset.done $0x0  }
0x134: {  	[sflag:s13] =	ssyncadd.s32 $0xFFFFFF80  }
0x135: {  	v4 =	vld [tilespmem:$0x0];
	_ =	sdelay $0x4  }
0x136: {  	(v2sf) =	vpush v4, $0x0;
	_ =	sdelay $0xe  }
0x137: {  	s12 =	spop (v2sf)  }
0x138: {  	s3 =	sand.u32 $0xFFFFF80, s12  }
0x139: {  	s3 =	sadd.s32 s2, s3  }
0x13a: {  	[tilespmem:s16], [sflag:$0x1] =	stream.strided.gather [hbm4b:s3+s14], $0x2000, s15, s14, $0x38;
	[tilespmem:$0x12100] =	vst v63  }
0x13b: {  	v4 =	vld [tilespmem:$0x1];
	_ =	sdelay $0x4  }
0x13c: {  	(v2sf) =	vpush v4, $0x0;
	_ =	sdelay $0xe  }
0x13d: {  	s5 =	spop (v2sf)  }
0x13e: {  	s3 =	sand.u32 $0xFFFFF80, s5  }
0x13f: {  	s3 =	sadd.s32 s2, s3  }
0x140: {  	[tilespmem:s17], [sflag:$0x2] =	stream.strided.gather [hbm4b:s3+s14], $0x2000, s15, s14, $0x38;
	[tilespmem:$0x12100] =	vst v63  }
0x141: {  	v4 =	vld [tilespmem:$0x2];
	_ =	sdelay $0x4  }
0x142: {  	(v2sf) =	vpush v4, $0x0;
	_ =	sdelay $0xe  }
0x143: {  	s7 =	spop (v2sf)  }
0x144: {  	s3 =	sand.u32 $0xFFFFF80, s7  }
0x145: {  	s3 =	sadd.s32 s2, s3  }
0x146: {  	[tilespmem:s18], [sflag:$0x3] =	stream.strided.gather [hbm4b:s3+s14], $0x2000, s15, s14, $0x38;
	[tilespmem:$0x12100] =	vst v63  }
0x147: {  	v4 =	vld [tilespmem:$0x3];
	_ =	sdelay $0x4  }
0x148: {  	(v2sf) =	vpush v4, $0x0;
	_ =	sdelay $0xe  }
0x149: {  	s8 =	spop (v2sf)  }
0x14a: {  	s3 =	sand.u32 $0xFFFFF80, s8  }
0x14b: {  	s3 =	sadd.s32 s2, s3  }
0x14c: {  	[tilespmem:s19], [sflag:$0x4] =	stream.strided.gather [hbm4b:s3+s14], $0x2000, s15, s14, $0x38;
	[tilespmem:$0x12100] =	vst v63  }
0x14d: {  	v4 =	vld [tilespmem:$0x4];
	_ =	sdelay $0x4  }
0x14e: {  	(v2sf) =	vpush v4, $0x0;
	_ =	sdelay $0xe  }
0x14f: {  	s9 =	spop (v2sf)  }
0x150: {  	s3 =	sand.u32 $0xFFFFF80, s9  }
0x151: {  	s3 =	sadd.s32 s2, s3  }
0x152: {  	[tilespmem:s20], [sflag:$0x5] =	stream.strided.gather [hbm4b:s3+s14], $0x2000, s15, s14, $0x38;
	[tilespmem:$0x12100] =	vst v63  }
0x153: {  	v4 =	vld [tilespmem:$0x5];
	_ =	sdelay $0x4  }
0x154: {  	(v2sf) =	vpush v4, $0x0;
	_ =	sdelay $0xe  }
0x155: {  	s10 =	spop (v2sf)  }
0x156: {  	s3 =	sand.u32 $0xFFFFF80, s10  }
0x157: {  	s3 =	sadd.s32 s2, s3  }
0x158: {  	[tilespmem:s21], [sflag:$0x6] =	stream.strided.gather [hbm4b:s3+s14], $0x2000, s15, s14, $0x38;
	[tilespmem:$0x12100] =	vst v63  }
0x159: {  	v4 =	vld [tilespmem:$0x6];
	_ =	sdelay $0x4  }
0x15a: {  	(v2sf) =	vpush v4, $0x0;
	_ =	sdelay $0xe  }
0x15b: {  	s11 =	spop (v2sf)  }
0x15c: {  	s3 =	sand.u32 $0xFFFFF80, s11  }
0x15d: {  	s3 =	sadd.s32 s2, s3  }
0x15e: {  	[tilespmem:s22], [sflag:$0x7] =	stream.strided.gather [hbm4b:s3+s14], $0x2000, s15, s14, $0x38;
	[tilespmem:$0x12100] =	vst v63  }
0x15f: {  	v4 =	vld [tilespmem:$0x7];
	_ =	sdelay $0x4  }
0x160: {  	(v2sf) =	vpush v4, $0x0;
	_ =	sdelay $0xe  }
0x161: {  	s12 =	spop (v2sf)  }
0x162: {  	s8 =	simm.s32 $0x140;
	s3 =	sand.u32 $0xFFFFF80, s12  }
0x163: {  	s9 =	simm.s32 $0x8;
	s10 =	simm.s32 $0x10200;
	s3 =	sadd.s32 s2, s3  }
0x164: {  	[tilespmem:s23], [sflag:$0x8] =	stream.strided.gather [hbm4b:s3+s14], $0x2000, s15, s14, $0x38;
	[tilespmem:$0x12100] =	vst v63  }
.LBB2_5:
0x165: {  	_ =	swait.ge [sflag:s24], $0x2000  }
0x166: {  	[sflag:s24] =	ssyncset.done $0x0  }
0x167: {  	[sflag:s24] =	ssyncadd.s32 $0xFFFFE000  }
0x168: {  	v4 =	vld [tilespmem:s9+$0xFFFFFFF8];
	_ =	sdelay $0x4  }
0x169: {  	(v2sf) =	vpush v4, $0x0;
	_ =	sdelay $0xe  }
0x16a: {  	s3 =	spop (v2sf)  }
0x16b: {  	s3 =	sand.u32 $0x7F, s3  }
0x16c: {  	v4 =	vor.u32 s3, v0;
	_ =	sdelay $0x4  }
0x16d: {  	v4 =	vld.idx.msk [tilespmem:v4+s16+$0x0], $0xffff  }
0x16e: {  	v5 =	vor.u32 s3, v1;
	_ =	sdelay $0x3  }
0x16f: {  	[tilespmem:s10+$0xFFFFFF00] =	vst v4  }
0x170: {  	v4 =	vld.idx.msk [tilespmem:v5+s16+$0x0], $0xffff  }
0x171: {  	v5 =	vor.u32 s3, v2;
	_ =	sdelay $0x3  }
0x172: {  	[tilespmem:s10+$0xFFFFFF10] =	vst v4  }
0x173: {  	v4 =	vld.idx.msk [tilespmem:v5+s16+$0x0], $0xffff  }
0x174: {  	v5 =	vor.u32 s3, v3;
	_ =	sdelay $0x3  }
0x175: {  	[tilespmem:s10+$0xFFFFFF20] =	vst v4  }
0x176: {  	v4 =	vld.idx.msk [tilespmem:v5+s16+$0x0], $0xffff;
	_ =	sdelay $0x4  }
0x177: {  	p0 =	seq.s32 s8, $0x1F40;
	[tilespmem:s10+$0xFFFFFF30] =	vst v4  }
0x178: {  	v4 =	vld @!p0 [tilespmem:s9+$0x0];
	_ =	sdelay $0x4  }
0x179: {  	(v2sf) =	vpush @!p0 v4, $0x0;
	_ =	sdelay $0xe  }
0x17a: {  	s3 =	spop @!p0 (v2sf)  }
0x17b: {  	s11 =	simm.s32 @!p0 $0x400;
	s3 =	sand.u32 @!p0 $0xFFFFF80, s3  }
0x17c: {  	s12 =	simm.s32 @!p0 $0x7A1400;
	s5 =	simm.s32 @!p0 $0x100;
	s3 =	sadd.s32 @!p0 s2, s3  }
0x17d: {  	[tilespmem:s5], [sflag:$0x1] =	stream.strided.gather @!p0 [hbm4b:s3+s11], $0x2000, s12, s11, $0x38;
	[tilespmem:$0x12100] =	vst v63  }
0x17e: {  	_ =	swait.ge [sflag:s25], $0x2000  }
0x17f: {  	[sflag:s25] =	ssyncset.done $0x0  }
0x180: {  	[sflag:s25] =	ssyncadd.s32 $0xFFFFE000  }
0x181: {  	v4 =	vld [tilespmem:s9+$0xFFFFFFF9];
	_ =	sdelay $0x4  }
0x182: {  	(v2sf) =	vpush v4, $0x0;
	_ =	sdelay $0xe  }
0x183: {  	s5 =	spop (v2sf)  }
0x184: {  	s3 =	sand.u32 $0x7F, s5  }
0x185: {  	v4 =	vor.u32 s3, v0;
	_ =	sdelay $0x4  }
0x186: {  	v4 =	vld.idx.msk [tilespmem:v4+s17+$0x0], $0xffff  }
0x187: {  	v5 =	vor.u32 s3, v1;
	_ =	sdelay $0x3  }
0x188: {  	[tilespmem:s10+$0xFFFFFF40] =	vst v4  }
0x189: {  	v4 =	vld.idx.msk [tilespmem:v5+s17+$0x0], $0xffff  }
0x18a: {  	v5 =	vor.u32 s3, v2;
	_ =	sdelay $0x3  }
0x18b: {  	[tilespmem:s10+$0xFFFFFF50] =	vst v4  }
0x18c: {  	v4 =	vld.idx.msk [tilespmem:v5+s17+$0x0], $0xffff  }
0x18d: {  	v5 =	vor.u32 s3, v3;
	_ =	sdelay $0x3  }
0x18e: {  	[tilespmem:s10+$0xFFFFFF60] =	vst v4  }
0x18f: {  	v4 =	vld.idx.msk [tilespmem:v5+s17+$0x0], $0xffff;
	_ =	sdelay $0x4  }
0x190: {  	[tilespmem:s10+$0xFFFFFF70] =	vst v4  }
0x191: {  	v4 =	vld @!p0 [tilespmem:s9+$0x1];
	_ =	sdelay $0x4  }
0x192: {  	(v2sf) =	vpush @!p0 v4, $0x0;
	_ =	sdelay $0xe  }
0x193: {  	s3 =	spop @!p0 (v2sf)  }
0x194: {  	s3 =	sand.u32 @!p0 $0xFFFFF80, s3  }
0x195: {  	s5 =	simm.s32 @!p0 $0x2100;
	s3 =	sadd.s32 @!p0 s2, s3  }
0x196: {  	[tilespmem:s5], [sflag:$0x2] =	stream.strided.gather @!p0 [hbm4b:s3+s11], $0x2000, s12, s11, $0x38;
	[tilespmem:$0x12100] =	vst v63  }
0x197: {  	_ =	swait.ge [sflag:s26], $0x2000  }
0x198: {  	[sflag:s26] =	ssyncset.done $0x0  }
0x199: {  	[sflag:s26] =	ssyncadd.s32 $0xFFFFE000  }
0x19a: {  	v4 =	vld [tilespmem:s9+$0xFFFFFFFA];
	_ =	sdelay $0x4  }
0x19b: {  	(v2sf) =	vpush v4, $0x0;
	_ =	sdelay $0xe  }
0x19c: {  	s7 =	spop (v2sf)  }
0x19d: {  	s3 =	sand.u32 $0x7F, s7  }
0x19e: {  	v4 =	vor.u32 s3, v0;
	_ =	sdelay $0x4  }
0x19f: {  	v4 =	vld.idx.msk [tilespmem:v4+s18+$0x0], $0xffff  }
0x1a0: {  	v5 =	vor.u32 s3, v1;
	_ =	sdelay $0x3  }
0x1a1: {  	[tilespmem:s10+$0xFFFFFF80] =	vst v4  }
0x1a2: {  	v4 =	vld.idx.msk [tilespmem:v5+s18+$0x0], $0xffff  }
0x1a3: {  	v5 =	vor.u32 s3, v2;
	_ =	sdelay $0x3  }
0x1a4: {  	[tilespmem:s10+$0xFFFFFF90] =	vst v4  }
0x1a5: {  	v4 =	vld.idx.msk [tilespmem:v5+s18+$0x0], $0xffff  }
0x1a6: {  	v5 =	vor.u32 s3, v3;
	_ =	sdelay $0x3  }
0x1a7: {  	[tilespmem:s10+$0xFFFFFFA0] =	vst v4  }
0x1a8: {  	v4 =	vld.idx.msk [tilespmem:v5+s18+$0x0], $0xffff;
	_ =	sdelay $0x4  }
0x1a9: {  	[tilespmem:s10+$0xFFFFFFB0] =	vst v4  }
0x1aa: {  	v4 =	vld @!p0 [tilespmem:s9+$0x2];
	_ =	sdelay $0x4  }
0x1ab: {  	(v2sf) =	vpush @!p0 v4, $0x0;
	_ =	sdelay $0xe  }
0x1ac: {  	s3 =	spop @!p0 (v2sf)  }
0x1ad: {  	s3 =	sand.u32 @!p0 $0xFFFFF80, s3  }
0x1ae: {  	s5 =	simm.s32 @!p0 $0x4100;
	s3 =	sadd.s32 @!p0 s2, s3  }
0x1af: {  	[tilespmem:s5], [sflag:$0x3] =	stream.strided.gather @!p0 [hbm4b:s3+s11], $0x2000, s12, s11, $0x38;
	[tilespmem:$0x12100] =	vst v63  }
0x1b0: {  	_ =	swait.ge [sflag:s28], $0x2000  }
0x1b1: {  	[sflag:s28] =	ssyncset.done $0x0  }
0x1b2: {  	[sflag:s28] =	ssyncadd.s32 $0xFFFFE000  }
0x1b3: {  	v4 =	vld [tilespmem:s9+$0xFFFFFFFB];
	_ =	sdelay $0x4  }
0x1b4: {  	(v2sf) =	vpush v4, $0x0;
	_ =	sdelay $0xe  }
0x1b5: {  	s5 =	spop (v2sf)  }
0x1b6: {  	s3 =	sand.u32 $0x7F, s5  }
0x1b7: {  	v4 =	vor.u32 s3, v0;
	_ =	sdelay $0x4  }
0x1b8: {  	v4 =	vld.idx.msk [tilespmem:v4+s19+$0x0], $0xffff  }
0x1b9: {  	v5 =	vor.u32 s3, v1;
	_ =	sdelay $0x3  }
0x1ba: {  	[tilespmem:s10+$0xFFFFFFC0] =	vst v4  }
0x1bb: {  	v4 =	vld.idx.msk [tilespmem:v5+s19+$0x0], $0xffff  }
0x1bc: {  	v5 =	vor.u32 s3, v2;
	_ =	sdelay $0x1  }
0x1bd: {  	s5 =	sadd.s32 $0xFFFFFF80, s8  }
0x1be: {  	s7 =	sor.u32 $0x50, s5  }
0x1bf: {  	[tilespmem:s7+$0x10100] =	vst v4  }
0x1c0: {  	v4 =	vld.idx.msk [tilespmem:v5+s19+$0x0], $0xffff  }
0x1c1: {  	v5 =	vor.u32 s3, v3;
	_ =	sdelay $0x2  }
0x1c2: {  	s7 =	sor.u32 $0x60, s5  }
0x1c3: {  	[tilespmem:s7+$0x10100] =	vst v4  }
0x1c4: {  	v4 =	vld.idx.msk [tilespmem:v5+s19+$0x0], $0xffff;
	_ =	sdelay $0x3  }
0x1c5: {  	s5 =	sor.u32 $0x70, s5  }
0x1c6: {  	[tilespmem:s5+$0x10100] =	vst v4  }
0x1c7: {  	v4 =	vld @!p0 [tilespmem:s9+$0x3];
	_ =	sdelay $0x4  }
0x1c8: {  	(v2sf) =	vpush @!p0 v4, $0x0;
	_ =	sdelay $0xe  }
0x1c9: {  	s3 =	spop @!p0 (v2sf)  }
0x1ca: {  	s3 =	sand.u32 @!p0 $0xFFFFF80, s3  }
0x1cb: {  	s5 =	simm.s32 @!p0 $0x6100;
	s3 =	sadd.s32 @!p0 s2, s3  }
0x1cc: {  	[tilespmem:s5], [sflag:$0x4] =	stream.strided.gather @!p0 [hbm4b:s3+s11], $0x2000, s12, s11, $0x38;
	[tilespmem:$0x12100] =	vst v63  }
0x1cd: {  	_ =	swait.ge [sflag:s29], $0x2000  }
0x1ce: {  	[sflag:s29] =	ssyncset.done $0x0  }
0x1cf: {  	[sflag:s29] =	ssyncadd.s32 $0xFFFFE000  }
0x1d0: {  	v4 =	vld [tilespmem:s9+$0xFFFFFFFC];
	_ =	sdelay $0x4  }
0x1d1: {  	(v2sf) =	vpush v4, $0x0;
	_ =	sdelay $0xe  }
0x1d2: {  	s7 =	spop (v2sf)  }
0x1d3: {  	s3 =	sand.u32 $0x7F, s7  }
0x1d4: {  	v4 =	vor.u32 s3, v0;
	_ =	sdelay $0x4  }
0x1d5: {  	v4 =	vld.idx.msk [tilespmem:v4+s20+$0x0], $0xffff  }
0x1d6: {  	v5 =	vor.u32 s3, v1;
	_ =	sdelay $0x3  }
0x1d7: {  	[tilespmem:s10+$0x0] =	vst v4  }
0x1d8: {  	v4 =	vld.idx.msk [tilespmem:v5+s20+$0x0], $0xffff  }
0x1d9: {  	v5 =	vor.u32 s3, v2;
	_ =	sdelay $0x3  }
0x1da: {  	[tilespmem:s10+$0x10] =	vst v4  }
0x1db: {  	v4 =	vld.idx.msk [tilespmem:v5+s20+$0x0], $0xffff  }
0x1dc: {  	v5 =	vor.u32 s3, v3;
	_ =	sdelay $0x3  }
0x1dd: {  	[tilespmem:s10+$0x20] =	vst v4  }
0x1de: {  	v4 =	vld.idx.msk [tilespmem:v5+s20+$0x0], $0xffff;
	_ =	sdelay $0x4  }
0x1df: {  	[tilespmem:s10+$0x30] =	vst v4  }
0x1e0: {  	v4 =	vld @!p0 [tilespmem:s9+$0x4];
	_ =	sdelay $0x4  }
0x1e1: {  	(v2sf) =	vpush @!p0 v4, $0x0;
	_ =	sdelay $0xe  }
0x1e2: {  	s3 =	spop @!p0 (v2sf)  }
0x1e3: {  	s3 =	sand.u32 @!p0 $0xFFFFF80, s3  }
0x1e4: {  	s5 =	simm.s32 @!p0 $0x8100;
	s3 =	sadd.s32 @!p0 s2, s3  }
0x1e5: {  	[tilespmem:s5], [sflag:$0x5] =	stream.strided.gather @!p0 [hbm4b:s3+s11], $0x2000, s12, s11, $0x38;
	[tilespmem:$0x12100] =	vst v63  }
0x1e6: {  	_ =	swait.ge [sflag:s30], $0x2000  }
0x1e7: {  	[sflag:s30] =	ssyncset.done $0x0  }
0x1e8: {  	[sflag:s30] =	ssyncadd.s32 $0xFFFFE000  }
0x1e9: {  	v4 =	vld [tilespmem:s9+$0xFFFFFFFD];
	_ =	sdelay $0x4  }
0x1ea: {  	(v2sf) =	vpush v4, $0x0;
	_ =	sdelay $0xe  }
0x1eb: {  	s5 =	spop (v2sf)  }
0x1ec: {  	s3 =	sand.u32 $0x7F, s5  }
0x1ed: {  	v4 =	vor.u32 s3, v0;
	_ =	sdelay $0x4  }
0x1ee: {  	v4 =	vld.idx.msk [tilespmem:v4+s21+$0x0], $0xffff  }
0x1ef: {  	v5 =	vor.u32 s3, v1;
	_ =	sdelay $0x3  }
0x1f0: {  	[tilespmem:s10+$0x40] =	vst v4  }
0x1f1: {  	v4 =	vld.idx.msk [tilespmem:v5+s21+$0x0], $0xffff  }
0x1f2: {  	v5 =	vor.u32 s3, v2;
	_ =	sdelay $0x2  }
0x1f3: {  	s7 =	sor.u32 $0x50, s8  }
0x1f4: {  	[tilespmem:s7+$0x10100] =	vst v4  }
0x1f5: {  	v4 =	vld.idx.msk [tilespmem:v5+s21+$0x0], $0xffff  }
0x1f6: {  	v5 =	vor.u32 s3, v3;
	_ =	sdelay $0x2  }
0x1f7: {  	s7 =	sor.u32 $0x60, s8  }
0x1f8: {  	[tilespmem:s7+$0x10100] =	vst v4  }
0x1f9: {  	v4 =	vld.idx.msk [tilespmem:v5+s21+$0x0], $0xffff;
	_ =	sdelay $0x3  }
0x1fa: {  	s5 =	sor.u32 $0x70, s8  }
0x1fb: {  	[tilespmem:s5+$0x10100] =	vst v4  }
0x1fc: {  	v4 =	vld @!p0 [tilespmem:s9+$0x5];
	_ =	sdelay $0x4  }
0x1fd: {  	(v2sf) =	vpush @!p0 v4, $0x0;
	_ =	sdelay $0xe  }
0x1fe: {  	s3 =	spop @!p0 (v2sf)  }
0x1ff: {  	s3 =	sand.u32 @!p0 $0xFFFFF80, s3  }
0x200: {  	s5 =	simm.s32 @!p0 $0xA100;
	s3 =	sadd.s32 @!p0 s2, s3  }
0x201: {  	[tilespmem:s5], [sflag:$0x6] =	stream.strided.gather @!p0 [hbm4b:s3+s11], $0x2000, s12, s11, $0x38;
	[tilespmem:$0x12100] =	vst v63  }
0x202: {  	_ =	swait.ge [sflag:s31], $0x2000  }
0x203: {  	[sflag:s31] =	ssyncset.done $0x0  }
0x204: {  	[sflag:s31] =	ssyncadd.s32 $0xFFFFE000  }
0x205: {  	v4 =	vld [tilespmem:s9+$0xFFFFFFFE];
	_ =	sdelay $0x4  }
0x206: {  	(v2sf) =	vpush v4, $0x0;
	_ =	sdelay $0xe  }
0x207: {  	s7 =	spop (v2sf)  }
0x208: {  	s3 =	sand.u32 $0x7F, s7  }
0x209: {  	v4 =	vor.u32 s3, v0;
	_ =	sdelay $0x4  }
0x20a: {  	v4 =	vld.idx.msk [tilespmem:v4+s22+$0x0], $0xffff  }
0x20b: {  	v5 =	vor.u32 s3, v1;
	_ =	sdelay $0x3  }
0x20c: {  	[tilespmem:s10+$0x80] =	vst v4  }
0x20d: {  	v4 =	vld.idx.msk [tilespmem:v5+s22+$0x0], $0xffff  }
0x20e: {  	v5 =	vor.u32 s3, v2;
	_ =	sdelay $0x3  }
0x20f: {  	[tilespmem:s10+$0x90] =	vst v4  }
0x210: {  	v4 =	vld.idx.msk [tilespmem:v5+s22+$0x0], $0xffff  }
0x211: {  	v5 =	vor.u32 s3, v3;
	_ =	sdelay $0x3  }
0x212: {  	[tilespmem:s10+$0xA0] =	vst v4  }
0x213: {  	v4 =	vld.idx.msk [tilespmem:v5+s22+$0x0], $0xffff;
	_ =	sdelay $0x4  }
0x214: {  	[tilespmem:s10+$0xB0] =	vst v4  }
0x215: {  	v4 =	vld @!p0 [tilespmem:s9+$0x6];
	_ =	sdelay $0x4  }
0x216: {  	(v2sf) =	vpush @!p0 v4, $0x0;
	_ =	sdelay $0xe  }
0x217: {  	s3 =	spop @!p0 (v2sf)  }
0x218: {  	s3 =	sand.u32 @!p0 $0xFFFFF80, s3  }
0x219: {  	s5 =	simm.s32 @!p0 $0xC100;
	s3 =	sadd.s32 @!p0 s2, s3  }
0x21a: {  	[tilespmem:s5], [sflag:$0x7] =	stream.strided.gather @!p0 [hbm4b:s3+s11], $0x2000, s12, s11, $0x38;
	[tilespmem:$0x12100] =	vst v63  }
0x21b: {  	_ =	swait.ge [sflag:s0], $0x2000  }
0x21c: {  	[sflag:s0] =	ssyncset.done $0x0  }
0x21d: {  	[sflag:s0] =	ssyncadd.s32 $0xFFFFE000  }
0x21e: {  	v4 =	vld [tilespmem:s9+$0xFFFFFFFF];
	_ =	sdelay $0x4  }
0x21f: {  	(v2sf) =	vpush v4, $0x0;
	_ =	sdelay $0xe  }
0x220: {  	s12 =	spop (v2sf)  }
0x221: {  	s3 =	sand.u32 $0x7F, s12  }
0x222: {  	v4 =	vor.u32 s3, v0;
	_ =	sdelay $0x4  }
0x223: {  	v4 =	vld.idx.msk [tilespmem:v4+s23+$0x0], $0xffff  }
0x224: {  	v5 =	vor.u32 s3, v1;
	_ =	sdelay $0x3  }
0x225: {  	[tilespmem:s10+$0xC0] =	vst v4  }
0x226: {  	v4 =	vld.idx.msk [tilespmem:v5+s23+$0x0], $0xffff  }
0x227: {  	v5 =	vor.u32 s3, v2;
	_ =	sdelay $0x3  }
0x228: {  	[tilespmem:s10+$0xD0] =	vst v4  }
0x229: {  	v4 =	vld.idx.msk [tilespmem:v5+s23+$0x0], $0xffff  }
0x22a: {  	v5 =	vor.u32 s3, v3;
	_ =	sdelay $0x3  }
0x22b: {  	[tilespmem:s10+$0xE0] =	vst v4  }
0x22c: {  	v4 =	vld.idx.msk [tilespmem:v5+s23+$0x0], $0xffff  }
.Ltmp4:
0x22d: {  	_ = 	snop;
	(pc) =	sbr.rel @p0 .LBB2_7-.Ltmp4, $2  }
0x22e: {  	_ =	sdelay $0x2  }
0x22f: {  	[tilespmem:s10+$0xF0] =	vst v4  }
0x230: {  	v4 =	vld [tilespmem:s9+$0x7];
	_ =	sdelay $0x4  }
0x231: {  	(v2sf) =	vpush v4, $0x0;
	_ =	sdelay $0xd  }
.Ltmp5:
0x232: {  	_ = 	snop;
	(pc) =	sbr.rel .LBB2_5-.Ltmp5, $4  }
0x233: {  	s3 =	spop (v2sf)  }
0x234: {  	s8 =	sadd.s32 $0x200, s8;
	s3 =	sand.u32 $0xFFFFF80, s3  }
0x235: {  	s9 =	sadd.s32 $0x8, s9;
	s10 =	sadd.s32 $0x200, s10;
	s3 =	sadd.s32 s2, s3  }
0x236: {  	[tilespmem:s23], [sflag:$0x8] =	stream.strided.gather [hbm4b:s3+s14], $0x2000, s15, s14, $0x38;
	[tilespmem:$0x12100] =	vst v63  }
.LBB2_7:
0x237: {  	s3 =	simm.s32 $0x0;
	s5 =	rddreg [dreg:$0xb];
	s7 =	simm.s32 $0x10100  }
0x238: {  	[hbm4b:s5+s3] =	stream.linear.scatter [tilespmem:s7], [sflag:$0x9], $0x2000, $0x38;
	[tilespmem:$0x12100] =	vst v63  }
0x239: {  	_ =	swait.ge [sflag:s13], $0x2000  }
0x23a: {  	[sflag:s13] =	ssyncset.done $0x0  }
0x23b: {  	s11 =	rddreg [dreg:$0xc];
	[sflag:s13] =	ssyncadd.s32 $0xFFFFE000  }
0x23c: {  	[tilespmem:s3], [sflag:$0x9] =	stream.linear.gather [hbm4b:s11+s3], $0x80, $0x38;
	[tilespmem:$0x12100] =	vst v63  }
0x23d: {  	_ =	swait.ge [sflag:s13], $0x80  }
0x23e: {  	[sflag:s13] =	ssyncset.done $0x0  }
0x23f: {  	[sflag:s13] =	ssyncadd.s32 $0xFFFFFF80  }
0x240: {  	v4 =	vld [tilespmem:$0x0];
	_ =	sdelay $0x4  }
0x241: {  	(v2sf) =	vpush v4, $0x0;
	_ =	sdelay $0xe  }
0x242: {  	s12 =	spop (v2sf)  }
0x243: {  	s3 =	sand.u32 $0xFFFFF80, s12  }
0x244: {  	s3 =	sadd.s32 s4, s3  }
0x245: {  	[tilespmem:s16], [sflag:$0x1] =	stream.strided.gather [hbm4b:s3+s14], $0x2000, s6, s14, $0x38;
	[tilespmem:$0x12100] =	vst v63  }
0x246: {  	v4 =	vld [tilespmem:$0x1];
	_ =	sdelay $0x4  }
0x247: {  	(v2sf) =	vpush v4, $0x0;
	_ =	sdelay $0xe  }
0x248: {  	s5 =	spop (v2sf)  }
0x249: {  	s3 =	sand.u32 $0xFFFFF80, s5  }
0x24a: {  	s3 =	sadd.s32 s4, s3  }
0x24b: {  	[tilespmem:s17], [sflag:$0x2] =	stream.strided.gather [hbm4b:s3+s14], $0x2000, s6, s14, $0x38;
	[tilespmem:$0x12100] =	vst v63  }
0x24c: {  	v4 =	vld [tilespmem:$0x2];
	_ =	sdelay $0x4  }
0x24d: {  	(v2sf) =	vpush v4, $0x0;
	_ =	sdelay $0xe  }
0x24e: {  	s7 =	spop (v2sf)  }
0x24f: {  	s3 =	sand.u32 $0xFFFFF80, s7  }
0x250: {  	s3 =	sadd.s32 s4, s3  }
0x251: {  	[tilespmem:s18], [sflag:$0x3] =	stream.strided.gather [hbm4b:s3+s14], $0x2000, s6, s14, $0x38;
	[tilespmem:$0x12100] =	vst v63  }
0x252: {  	v4 =	vld [tilespmem:$0x3];
	_ =	sdelay $0x4  }
0x253: {  	(v2sf) =	vpush v4, $0x0;
	_ =	sdelay $0xe  }
0x254: {  	s8 =	spop (v2sf)  }
0x255: {  	s3 =	sand.u32 $0xFFFFF80, s8  }
0x256: {  	s3 =	sadd.s32 s4, s3  }
0x257: {  	[tilespmem:s19], [sflag:$0x4] =	stream.strided.gather [hbm4b:s3+s14], $0x2000, s6, s14, $0x38;
	[tilespmem:$0x12100] =	vst v63  }
0x258: {  	v4 =	vld [tilespmem:$0x4];
	_ =	sdelay $0x4  }
0x259: {  	(v2sf) =	vpush v4, $0x0;
	_ =	sdelay $0xe  }
0x25a: {  	s9 =	spop (v2sf)  }
0x25b: {  	s3 =	sand.u32 $0xFFFFF80, s9  }
0x25c: {  	s3 =	sadd.s32 s4, s3  }
0x25d: {  	[tilespmem:s20], [sflag:$0x5] =	stream.strided.gather [hbm4b:s3+s14], $0x2000, s6, s14, $0x38;
	[tilespmem:$0x12100] =	vst v63  }
0x25e: {  	v4 =	vld [tilespmem:$0x5];
	_ =	sdelay $0x4  }
0x25f: {  	(v2sf) =	vpush v4, $0x0;
	_ =	sdelay $0xe  }
0x260: {  	s10 =	spop (v2sf)  }
0x261: {  	s3 =	sand.u32 $0xFFFFF80, s10  }
0x262: {  	s3 =	sadd.s32 s4, s3  }
0x263: {  	[tilespmem:s21], [sflag:$0x6] =	stream.strided.gather [hbm4b:s3+s14], $0x2000, s6, s14, $0x38;
	[tilespmem:$0x12100] =	vst v63  }
0x264: {  	v4 =	vld [tilespmem:$0x6];
	_ =	sdelay $0x4  }
0x265: {  	(v2sf) =	vpush v4, $0x0;
	_ =	sdelay $0xe  }
0x266: {  	s11 =	spop (v2sf)  }
0x267: {  	s3 =	sand.u32 $0xFFFFF80, s11  }
0x268: {  	s3 =	sadd.s32 s4, s3  }
0x269: {  	[tilespmem:s22], [sflag:$0x7] =	stream.strided.gather [hbm4b:s3+s14], $0x2000, s6, s14, $0x38;
	[tilespmem:$0x12100] =	vst v63  }
0x26a: {  	v4 =	vld [tilespmem:$0x7];
	_ =	sdelay $0x4  }
0x26b: {  	(v2sf) =	vpush v4, $0x0;
	_ =	sdelay $0xe  }
0x26c: {  	s12 =	spop (v2sf)  }
0x26d: {  	s8 =	simm.s32 $0x140;
	s3 =	sand.u32 $0xFFFFF80, s12  }
0x26e: {  	s9 =	simm.s32 $0x8;
	s10 =	simm.s32 $0x10200;
	s3 =	sadd.s32 s4, s3  }
0x26f: {  	[tilespmem:s23], [sflag:$0x8] =	stream.strided.gather [hbm4b:s3+s14], $0x2000, s6, s14, $0x38;
	[tilespmem:$0x12100] =	vst v63  }
.LBB2_8:
0x270: {  	_ =	swait.ge [sflag:s24], $0x2000  }
0x271: {  	[sflag:s24] =	ssyncset.done $0x0  }
0x272: {  	[sflag:s24] =	ssyncadd.s32 $0xFFFFE000  }
0x273: {  	v4 =	vld [tilespmem:s9+$0xFFFFFFF8];
	_ =	sdelay $0x4  }
0x274: {  	(v2sf) =	vpush v4, $0x0;
	_ =	sdelay $0xe  }
0x275: {  	s3 =	spop (v2sf)  }
0x276: {  	s3 =	sand.u32 $0x7F, s3  }
0x277: {  	v4 =	vor.u32 s3, v0;
	_ =	sdelay $0x4  }
0x278: {  	v4 =	vld.idx.msk [tilespmem:v4+s16+$0x0], $0xffff  }
0x279: {  	v5 =	vor.u32 s3, v1;
	_ =	sdelay $0x3  }
0x27a: {  	[tilespmem:s10+$0xFFFFFF00] =	vst v4  }
0x27b: {  	v4 =	vld.idx.msk [tilespmem:v5+s16+$0x0], $0xffff  }
0x27c: {  	v5 =	vor.u32 s3, v2;
	_ =	sdelay $0x3  }
0x27d: {  	[tilespmem:s10+$0xFFFFFF10] =	vst v4  }
0x27e: {  	v4 =	vld.idx.msk [tilespmem:v5+s16+$0x0], $0xffff  }
0x27f: {  	v5 =	vor.u32 s3, v3;
	_ =	sdelay $0x3  }
0x280: {  	[tilespmem:s10+$0xFFFFFF20] =	vst v4  }
0x281: {  	v4 =	vld.idx.msk [tilespmem:v5+s16+$0x0], $0xffff;
	_ =	sdelay $0x4  }
0x282: {  	p0 =	seq.s32 s8, $0x1F40;
	[tilespmem:s10+$0xFFFFFF30] =	vst v4  }
0x283: {  	v4 =	vld @!p0 [tilespmem:s9+$0x0];
	_ =	sdelay $0x4  }
0x284: {  	(v2sf) =	vpush @!p0 v4, $0x0;
	_ =	sdelay $0xe  }
0x285: {  	s3 =	spop @!p0 (v2sf)  }
0x286: {  	s11 =	simm.s32 @!p0 $0x400;
	s3 =	sand.u32 @!p0 $0xFFFFF80, s3  }
0x287: {  	s12 =	simm.s32 @!p0 $0xC3800;
	s5 =	simm.s32 @!p0 $0x100;
	s3 =	sadd.s32 @!p0 s4, s3  }
0x288: {  	[tilespmem:s5], [sflag:$0x1] =	stream.strided.gather @!p0 [hbm4b:s3+s11], $0x2000, s12, s11, $0x38;
	[tilespmem:$0x12100] =	vst v63  }
0x289: {  	_ =	swait.ge [sflag:s25], $0x2000  }
0x28a: {  	[sflag:s25] =	ssyncset.done $0x0  }
0x28b: {  	[sflag:s25] =	ssyncadd.s32 $0xFFFFE000  }
0x28c: {  	v4 =	vld [tilespmem:s9+$0xFFFFFFF9];
	_ =	sdelay $0x4  }
0x28d: {  	(v2sf) =	vpush v4, $0x0;
	_ =	sdelay $0xe  }
0x28e: {  	s5 =	spop (v2sf)  }
0x28f: {  	s3 =	sand.u32 $0x7F, s5  }
0x290: {  	v4 =	vor.u32 s3, v0;
	_ =	sdelay $0x4  }
0x291: {  	v4 =	vld.idx.msk [tilespmem:v4+s17+$0x0], $0xffff  }
0x292: {  	v5 =	vor.u32 s3, v1;
	_ =	sdelay $0x3  }
0x293: {  	[tilespmem:s10+$0xFFFFFF40] =	vst v4  }
0x294: {  	v4 =	vld.idx.msk [tilespmem:v5+s17+$0x0], $0xffff  }
0x295: {  	v5 =	vor.u32 s3, v2;
	_ =	sdelay $0x3  }
0x296: {  	[tilespmem:s10+$0xFFFFFF50] =	vst v4  }
0x297: {  	v4 =	vld.idx.msk [tilespmem:v5+s17+$0x0], $0xffff  }
0x298: {  	v5 =	vor.u32 s3, v3;
	_ =	sdelay $0x3  }
0x299: {  	[tilespmem:s10+$0xFFFFFF60] =	vst v4  }
0x29a: {  	v4 =	vld.idx.msk [tilespmem:v5+s17+$0x0], $0xffff;
	_ =	sdelay $0x4  }
0x29b: {  	[tilespmem:s10+$0xFFFFFF70] =	vst v4  }
0x29c: {  	v4 =	vld @!p0 [tilespmem:s9+$0x1];
	_ =	sdelay $0x4  }
0x29d: {  	(v2sf) =	vpush @!p0 v4, $0x0;
	_ =	sdelay $0xe  }
0x29e: {  	s3 =	spop @!p0 (v2sf)  }
0x29f: {  	s3 =	sand.u32 @!p0 $0xFFFFF80, s3  }
0x2a0: {  	s5 =	simm.s32 @!p0 $0x2100;
	s3 =	sadd.s32 @!p0 s4, s3  }
0x2a1: {  	[tilespmem:s5], [sflag:$0x2] =	stream.strided.gather @!p0 [hbm4b:s3+s11], $0x2000, s12, s11, $0x38;
	[tilespmem:$0x12100] =	vst v63  }
0x2a2: {  	_ =	swait.ge [sflag:s26], $0x2000  }
0x2a3: {  	[sflag:s26] =	ssyncset.done $0x0  }
0x2a4: {  	[sflag:s26] =	ssyncadd.s32 $0xFFFFE000  }
0x2a5: {  	v4 =	vld [tilespmem:s9+$0xFFFFFFFA];
	_ =	sdelay $0x4  }
0x2a6: {  	(v2sf) =	vpush v4, $0x0;
	_ =	sdelay $0xe  }
0x2a7: {  	s7 =	spop (v2sf)  }
0x2a8: {  	s3 =	sand.u32 $0x7F, s7  }
0x2a9: {  	v4 =	vor.u32 s3, v0;
	_ =	sdelay $0x4  }
0x2aa: {  	v4 =	vld.idx.msk [tilespmem:v4+s18+$0x0], $0xffff  }
0x2ab: {  	v5 =	vor.u32 s3, v1;
	_ =	sdelay $0x3  }
0x2ac: {  	[tilespmem:s10+$0xFFFFFF80] =	vst v4  }
0x2ad: {  	v4 =	vld.idx.msk [tilespmem:v5+s18+$0x0], $0xffff  }
0x2ae: {  	v5 =	vor.u32 s3, v2;
	_ =	sdelay $0x3  }
0x2af: {  	[tilespmem:s10+$0xFFFFFF90] =	vst v4  }
0x2b0: {  	v4 =	vld.idx.msk [tilespmem:v5+s18+$0x0], $0xffff  }
0x2b1: {  	v5 =	vor.u32 s3, v3;
	_ =	sdelay $0x3  }
0x2b2: {  	[tilespmem:s10+$0xFFFFFFA0] =	vst v4  }
0x2b3: {  	v4 =	vld.idx.msk [tilespmem:v5+s18+$0x0], $0xffff;
	_ =	sdelay $0x4  }
0x2b4: {  	[tilespmem:s10+$0xFFFFFFB0] =	vst v4  }
0x2b5: {  	v4 =	vld @!p0 [tilespmem:s9+$0x2];
	_ =	sdelay $0x4  }
0x2b6: {  	(v2sf) =	vpush @!p0 v4, $0x0;
	_ =	sdelay $0xe  }
0x2b7: {  	s3 =	spop @!p0 (v2sf)  }
0x2b8: {  	s3 =	sand.u32 @!p0 $0xFFFFF80, s3  }
0x2b9: {  	s5 =	simm.s32 @!p0 $0x4100;
	s3 =	sadd.s32 @!p0 s4, s3  }
0x2ba: {  	[tilespmem:s5], [sflag:$0x3] =	stream.strided.gather @!p0 [hbm4b:s3+s11], $0x2000, s12, s11, $0x38;
	[tilespmem:$0x12100] =	vst v63  }
0x2bb: {  	_ =	swait.ge [sflag:s28], $0x2000  }
0x2bc: {  	[sflag:s28] =	ssyncset.done $0x0  }
0x2bd: {  	[sflag:s28] =	ssyncadd.s32 $0xFFFFE000  }
0x2be: {  	v4 =	vld [tilespmem:s9+$0xFFFFFFFB];
	_ =	sdelay $0x4  }
0x2bf: {  	(v2sf) =	vpush v4, $0x0;
	_ =	sdelay $0xe  }
0x2c0: {  	s5 =	spop (v2sf)  }
0x2c1: {  	s3 =	sand.u32 $0x7F, s5  }
0x2c2: {  	v4 =	vor.u32 s3, v0;
	_ =	sdelay $0x4  }
0x2c3: {  	v4 =	vld.idx.msk [tilespmem:v4+s19+$0x0], $0xffff  }
0x2c4: {  	v5 =	vor.u32 s3, v1;
	_ =	sdelay $0x3  }
0x2c5: {  	[tilespmem:s10+$0xFFFFFFC0] =	vst v4  }
0x2c6: {  	v4 =	vld.idx.msk [tilespmem:v5+s19+$0x0], $0xffff  }
0x2c7: {  	v5 =	vor.u32 s3, v2;
	_ =	sdelay $0x1  }
0x2c8: {  	s5 =	sadd.s32 $0xFFFFFF80, s8  }
0x2c9: {  	s7 =	sor.u32 $0x50, s5  }
0x2ca: {  	[tilespmem:s7+$0x10100] =	vst v4  }
0x2cb: {  	v4 =	vld.idx.msk [tilespmem:v5+s19+$0x0], $0xffff  }
0x2cc: {  	v5 =	vor.u32 s3, v3;
	_ =	sdelay $0x2  }
0x2cd: {  	s7 =	sor.u32 $0x60, s5  }
0x2ce: {  	[tilespmem:s7+$0x10100] =	vst v4  }
0x2cf: {  	v4 =	vld.idx.msk [tilespmem:v5+s19+$0x0], $0xffff;
	_ =	sdelay $0x3  }
0x2d0: {  	s5 =	sor.u32 $0x70, s5  }
0x2d1: {  	[tilespmem:s5+$0x10100] =	vst v4  }
0x2d2: {  	v4 =	vld @!p0 [tilespmem:s9+$0x3];
	_ =	sdelay $0x4  }
0x2d3: {  	(v2sf) =	vpush @!p0 v4, $0x0;
	_ =	sdelay $0xe  }
0x2d4: {  	s3 =	spop @!p0 (v2sf)  }
0x2d5: {  	s3 =	sand.u32 @!p0 $0xFFFFF80, s3  }
0x2d6: {  	s5 =	simm.s32 @!p0 $0x6100;
	s3 =	sadd.s32 @!p0 s4, s3  }
0x2d7: {  	[tilespmem:s5], [sflag:$0x4] =	stream.strided.gather @!p0 [hbm4b:s3+s11], $0x2000, s12, s11, $0x38;
	[tilespmem:$0x12100] =	vst v63  }
0x2d8: {  	_ =	swait.ge [sflag:s29], $0x2000  }
0x2d9: {  	[sflag:s29] =	ssyncset.done $0x0  }
0x2da: {  	[sflag:s29] =	ssyncadd.s32 $0xFFFFE000  }
0x2db: {  	v4 =	vld [tilespmem:s9+$0xFFFFFFFC];
	_ =	sdelay $0x4  }
0x2dc: {  	(v2sf) =	vpush v4, $0x0;
	_ =	sdelay $0xe  }
0x2dd: {  	s7 =	spop (v2sf)  }
0x2de: {  	s3 =	sand.u32 $0x7F, s7  }
0x2df: {  	v4 =	vor.u32 s3, v0;
	_ =	sdelay $0x4  }
0x2e0: {  	v4 =	vld.idx.msk [tilespmem:v4+s20+$0x0], $0xffff  }
0x2e1: {  	v5 =	vor.u32 s3, v1;
	_ =	sdelay $0x3  }
0x2e2: {  	[tilespmem:s10+$0x0] =	vst v4  }
0x2e3: {  	v4 =	vld.idx.msk [tilespmem:v5+s20+$0x0], $0xffff  }
0x2e4: {  	v5 =	vor.u32 s3, v2;
	_ =	sdelay $0x3  }
0x2e5: {  	[tilespmem:s10+$0x10] =	vst v4  }
0x2e6: {  	v4 =	vld.idx.msk [tilespmem:v5+s20+$0x0], $0xffff  }
0x2e7: {  	v5 =	vor.u32 s3, v3;
	_ =	sdelay $0x3  }
0x2e8: {  	[tilespmem:s10+$0x20] =	vst v4  }
0x2e9: {  	v4 =	vld.idx.msk [tilespmem:v5+s20+$0x0], $0xffff;
	_ =	sdelay $0x4  }
0x2ea: {  	[tilespmem:s10+$0x30] =	vst v4  }
0x2eb: {  	v4 =	vld @!p0 [tilespmem:s9+$0x4];
	_ =	sdelay $0x4  }
0x2ec: {  	(v2sf) =	vpush @!p0 v4, $0x0;
	_ =	sdelay $0xe  }
0x2ed: {  	s3 =	spop @!p0 (v2sf)  }
0x2ee: {  	s3 =	sand.u32 @!p0 $0xFFFFF80, s3  }
0x2ef: {  	s5 =	simm.s32 @!p0 $0x8100;
	s3 =	sadd.s32 @!p0 s4, s3  }
0x2f0: {  	[tilespmem:s5], [sflag:$0x5] =	stream.strided.gather @!p0 [hbm4b:s3+s11], $0x2000, s12, s11, $0x38;
	[tilespmem:$0x12100] =	vst v63  }
0x2f1: {  	_ =	swait.ge [sflag:s30], $0x2000  }
0x2f2: {  	[sflag:s30] =	ssyncset.done $0x0  }
0x2f3: {  	[sflag:s30] =	ssyncadd.s32 $0xFFFFE000  }
0x2f4: {  	v4 =	vld [tilespmem:s9+$0xFFFFFFFD];
	_ =	sdelay $0x4  }
0x2f5: {  	(v2sf) =	vpush v4, $0x0;
	_ =	sdelay $0xe  }
0x2f6: {  	s5 =	spop (v2sf)  }
0x2f7: {  	s3 =	sand.u32 $0x7F, s5  }
0x2f8: {  	v4 =	vor.u32 s3, v0;
	_ =	sdelay $0x4  }
0x2f9: {  	v4 =	vld.idx.msk [tilespmem:v4+s21+$0x0], $0xffff  }
0x2fa: {  	v5 =	vor.u32 s3, v1;
	_ =	sdelay $0x3  }
0x2fb: {  	[tilespmem:s10+$0x40] =	vst v4  }
0x2fc: {  	v4 =	vld.idx.msk [tilespmem:v5+s21+$0x0], $0xffff  }
0x2fd: {  	v5 =	vor.u32 s3, v2;
	_ =	sdelay $0x2  }
0x2fe: {  	s7 =	sor.u32 $0x50, s8  }
0x2ff: {  	[tilespmem:s7+$0x10100] =	vst v4  }
0x300: {  	v4 =	vld.idx.msk [tilespmem:v5+s21+$0x0], $0xffff  }
0x301: {  	v5 =	vor.u32 s3, v3;
	_ =	sdelay $0x2  }
0x302: {  	s7 =	sor.u32 $0x60, s8  }
0x303: {  	[tilespmem:s7+$0x10100] =	vst v4  }
0x304: {  	v4 =	vld.idx.msk [tilespmem:v5+s21+$0x0], $0xffff;
	_ =	sdelay $0x3  }
0x305: {  	s5 =	sor.u32 $0x70, s8  }
0x306: {  	[tilespmem:s5+$0x10100] =	vst v4  }
0x307: {  	v4 =	vld @!p0 [tilespmem:s9+$0x5];
	_ =	sdelay $0x4  }
0x308: {  	(v2sf) =	vpush @!p0 v4, $0x0;
	_ =	sdelay $0xe  }
0x309: {  	s3 =	spop @!p0 (v2sf)  }
0x30a: {  	s3 =	sand.u32 @!p0 $0xFFFFF80, s3  }
0x30b: {  	s5 =	simm.s32 @!p0 $0xA100;
	s3 =	sadd.s32 @!p0 s4, s3  }
0x30c: {  	[tilespmem:s5], [sflag:$0x6] =	stream.strided.gather @!p0 [hbm4b:s3+s11], $0x2000, s12, s11, $0x38;
	[tilespmem:$0x12100] =	vst v63  }
0x30d: {  	_ =	swait.ge [sflag:s31], $0x2000  }
0x30e: {  	[sflag:s31] =	ssyncset.done $0x0  }
0x30f: {  	[sflag:s31] =	ssyncadd.s32 $0xFFFFE000  }
0x310: {  	v4 =	vld [tilespmem:s9+$0xFFFFFFFE];
	_ =	sdelay $0x4  }
0x311: {  	(v2sf) =	vpush v4, $0x0;
	_ =	sdelay $0xe  }
0x312: {  	s7 =	spop (v2sf)  }
0x313: {  	s3 =	sand.u32 $0x7F, s7  }
0x314: {  	v4 =	vor.u32 s3, v0;
	_ =	sdelay $0x4  }
0x315: {  	v4 =	vld.idx.msk [tilespmem:v4+s22+$0x0], $0xffff  }
0x316: {  	v5 =	vor.u32 s3, v1;
	_ =	sdelay $0x3  }
0x317: {  	[tilespmem:s10+$0x80] =	vst v4  }
0x318: {  	v4 =	vld.idx.msk [tilespmem:v5+s22+$0x0], $0xffff  }
0x319: {  	v5 =	vor.u32 s3, v2;
	_ =	sdelay $0x3  }
0x31a: {  	[tilespmem:s10+$0x90] =	vst v4  }
0x31b: {  	v4 =	vld.idx.msk [tilespmem:v5+s22+$0x0], $0xffff  }
0x31c: {  	v5 =	vor.u32 s3, v3;
	_ =	sdelay $0x3  }
0x31d: {  	[tilespmem:s10+$0xA0] =	vst v4  }
0x31e: {  	v4 =	vld.idx.msk [tilespmem:v5+s22+$0x0], $0xffff;
	_ =	sdelay $0x4  }
0x31f: {  	[tilespmem:s10+$0xB0] =	vst v4  }
0x320: {  	v4 =	vld @!p0 [tilespmem:s9+$0x6];
	_ =	sdelay $0x4  }
0x321: {  	(v2sf) =	vpush @!p0 v4, $0x0;
	_ =	sdelay $0xe  }
0x322: {  	s3 =	spop @!p0 (v2sf)  }
0x323: {  	s3 =	sand.u32 @!p0 $0xFFFFF80, s3  }
0x324: {  	s5 =	simm.s32 @!p0 $0xC100;
	s3 =	sadd.s32 @!p0 s4, s3  }
0x325: {  	[tilespmem:s5], [sflag:$0x7] =	stream.strided.gather @!p0 [hbm4b:s3+s11], $0x2000, s12, s11, $0x38;
	[tilespmem:$0x12100] =	vst v63  }
0x326: {  	_ =	swait.ge [sflag:s0], $0x2000  }
0x327: {  	[sflag:s0] =	ssyncset.done $0x0  }
0x328: {  	[sflag:s0] =	ssyncadd.s32 $0xFFFFE000  }
0x329: {  	v4 =	vld [tilespmem:s9+$0xFFFFFFFF];
	_ =	sdelay $0x4  }
0x32a: {  	(v2sf) =	vpush v4, $0x0;
	_ =	sdelay $0xe  }
0x32b: {  	s12 =	spop (v2sf)  }
0x32c: {  	s3 =	sand.u32 $0x7F, s12  }
0x32d: {  	v4 =	vor.u32 s3, v0;
	_ =	sdelay $0x4  }
0x32e: {  	v4 =	vld.idx.msk [tilespmem:v4+s23+$0x0], $0xffff  }
0x32f: {  	v5 =	vor.u32 s3, v1;
	_ =	sdelay $0x3  }
0x330: {  	[tilespmem:s10+$0xC0] =	vst v4  }
0x331: {  	v4 =	vld.idx.msk [tilespmem:v5+s23+$0x0], $0xffff  }
0x332: {  	v5 =	vor.u32 s3, v2;
	_ =	sdelay $0x3  }
0x333: {  	[tilespmem:s10+$0xD0] =	vst v4  }
0x334: {  	v4 =	vld.idx.msk [tilespmem:v5+s23+$0x0], $0xffff  }
0x335: {  	v5 =	vor.u32 s3, v3;
	_ =	sdelay $0x3  }
0x336: {  	[tilespmem:s10+$0xE0] =	vst v4  }
0x337: {  	v4 =	vld.idx.msk [tilespmem:v5+s23+$0x0], $0xffff  }
.Ltmp6:
0x338: {  	_ = 	snop;
	(pc) =	sbr.rel @p0 .LBB2_10-.Ltmp6, $2  }
0x339: {  	_ =	sdelay $0x2  }
0x33a: {  	[tilespmem:s10+$0xF0] =	vst v4  }
0x33b: {  	v4 =	vld [tilespmem:s9+$0x7];
	_ =	sdelay $0x4  }
0x33c: {  	(v2sf) =	vpush v4, $0x0;
	_ =	sdelay $0xd  }
.Ltmp7:
0x33d: {  	_ = 	snop;
	(pc) =	sbr.rel .LBB2_8-.Ltmp7, $4  }
0x33e: {  	s3 =	spop (v2sf)  }
0x33f: {  	s8 =	sadd.s32 $0x200, s8;
	s3 =	sand.u32 $0xFFFFF80, s3  }
0x340: {  	s9 =	sadd.s32 $0x8, s9;
	s10 =	sadd.s32 $0x200, s10;
	s3 =	sadd.s32 s4, s3  }
0x341: {  	[tilespmem:s23], [sflag:$0x8] =	stream.strided.gather [hbm4b:s3+s14], $0x2000, s6, s14, $0x38;
	[tilespmem:$0x12100] =	vst v63  }
.LBB2_11:
0x342: {  	_ =	sfence.sel $0x180000  }
0x343: {  	[bflag:$0x0] =	sbarrier.arrive $0xFFFF  }
0x344: {  	_ =	strace $0x90000047  }
0x345: {  	s0 =	stileid.u32;
	[bflag:$0x2] =	sbarrier.arrive $0xFFFF  }
0x346: {  	p0 =	sne.s32 s0, $0x0;
	s0 =	rddreg [dreg:$0x7]  }
0x347: {  	s0 =	sadd.s32 @!p0 $0x100000, s0  }
0x348: {  	[sflag:s0] =	ssyncadd.tile.s32 @!p0 $0x1;
	_ =	shalt  }
.Lfunc_end2:
_tile_overlayer_lowered:
.L_overlay_start_2:
0x349: {  	(tag) =	ssettag $0x2  }
0x34a: {  	s0 =	rddreg [dreg:$0x0];
	s2 =	stileid.u32  }
0x34b: {  	s1 =	rddreg [dreg:$0x1];
	p0 =	sne.s32 s2, $0x0  }
0x34c: {  	s3 =	rddreg [dreg:$0x2];
	[bflag:$0x3] =	sbarrier.arrive $0xFFFF;
	s2 =	simm.s32 @!p0 $0x1C09  }
0x34d: {  	[timem:s3], [sflag:s2] =	dma.local @!p0 [hbm:s0], s1  }
0x34e: {  	s0 =	simm.s32 @!p0 $0x9  }
0x34f: {  	_ =	swait.ge @!p0 [sflag:s0], s1  }
0x350: {  	s1 =	ssub.s32 @!p0 $0x0, s1;
	[sflag:s0] =	ssyncset.done @!p0 $0x0  }
0x351: {  	[sflag:s0] =	ssyncadd.s32 @!p0 s1  }
0x352: {  	[bflag:$0x3] =	sbarrier.arrive $0xFFFF  }
0x353: {  	_ =	shalt  }

// kernel: kernel.13.cloned.1.call-start
scs
__scs_entry_jumppad:
0x0: {  	(pc) =	sbr.rel $0x88, $3  }
0x1: {  	(tag) =	ssettag $0x0;
	lr =	simm.s32 $0x1  }
0x2: {  	[smem:$0x3F9A] =	sst lr;
	_ =	strace $0xD0000000  }
0x3: {  	_ = 	snop  }
0x4: {  	_ = 	snop  }
0x5: {  	_ = 	snop  }
0x6: {  	_ = 	snop  }
0x7: {  	_ = 	snop  }
__scs_overlays_trampoline_lowered:
0x8: {  	[smem:$0x3FA9] =	sst s0  }
0x9: {  	[smem:$0x3FAA] =	sst s1  }
0xa: {  	[smem:$0x3FAB] =	sst s2  }
0xb: {  	[smem:$0x3FAC] =	sst s3  }
0xc: {  	[smem:$0x3FAD] =	sst s4  }
0xd: {  	[smem:$0x3FAE] =	sst s5  }
0xe: {  	[smem:$0x3FAF] =	sst s6  }
0xf: {  	[smem:$0x3FB0] =	sst s7  }
0x10: {  	[smem:$0x3FB1] =	sst s8  }
0x11: {  	[smem:$0x3FB2] =	sst s9;
	s0 =	simm.s32 @!p0 $0x0  }
0x12: {  	s1 =	sld [smem:$0x3F98];
	s0 =	simm.s32 @p0 $0x1  }
0x13: {  	[smem:$0x3FB3] =	sst s0;
	s0 =	simm.s32 @!p1 $0x0  }
0x14: {  	s2 =	sld [smem:$0x3F97];
	s0 =	simm.s32 @p1 $0x1  }
0x15: {  	[smem:$0x3FB4] =	sst s0;
	s0 =	simm.s32 @!p2 $0x0  }
0x16: {  	s3 =	sld [smem:$0x3FDB];
	s0 =	simm.s32 @p2 $0x1  }
0x17: {  	s4 =	simm.s32 $0x1BF5;
	[smem:$0x3FB6] =	sst s0  }
0x18: {  	s0 =	sld [smem:$0x3F99];
	_ =	swait.ge [sflag:s4], $0x0  }
0x19: {  	s7 =	sld [smem:$0x3F9A]  }
0x1a: {  	s8 =	sadd.s32 $0xFFFFE003, lr  }
0x1b: {  	s9 =	sadd.s32 $0xFFFFFEF7, lr;
	s5 =	simm.s32 $0xFFFFFFFF;
	p2 =	slt.u32 s8, $0xFFFFF086  }
0x1c: {  	p1 =	slt.u32 s9, $0xF7A;
	s5 =	simm.s32 @!p2 $0x0  }
0x1d: {  	s5 =	simm.s32 @p1 $0x1;
	p0 =	seq.s32 s7, s2  }
0x1e: {  	s7 =	smul.u32 @!p0 $0xF7A, s2;
	p2 =	seq.s32 @!p0 s5, $0x0  }
0x1f: {  	s9 =	smul.u32 $0xF7A, s1;
	s8 =	simm.s32 @!p0 $0x1BF5;
	p2 =	por !p2, p0  }
0x20: {  	[sflag:s8] =	ssyncset.s32 @!p0 $0xFFFFF086;
	s6 =	sadd.s32 @!p0 s3, s7;
	s7 =	simm.s32 @!p0 $0x108  }
0x21: {  	s3 =	sadd.s32 s3, s9;
	s6 =	sadd.s32 @!p0 $0x88, s6;
	s7 =	simm.s32 @p2 $0x1082  }
0x22: {  	[simem:s7], [sflag:s8] =	dma.local @!p0 [hbm:s6], $0xF7A  }
0x23: {  	s9 =	sor.u32 $0xD0000000, s2;
	s6 =	simm.s32 $0x108;
	_ =	swait.ge @!p0 [sflag:s8], $0x0  }
0x24: {  	s3 =	sadd.s32 $0x88, s3;
	s6 =	simm.s32 @!p1 $0x1082;
	[sflag:s4] =	ssyncset.s32 $0xFFFFF086  }
0x25: {  	[simem:s6], [sflag:s4] =	dma.local [hbm:s3], $0xF7A  }
0x26: {  	[smem:$0x3F9A] =	sst s1;
	(tag) =	ssettag s2;
	_ =	strace s9  }
0x27: {  	s1 =	sld [smem:$0x3FAA]  }
0x28: {  	s2 =	sld [smem:$0x3FAB]  }
0x29: {  	s4 =	sld [smem:$0x3FAD]  }
0x2a: {  	p0 =	seq.s32 s5, $0x0;
	s5 =	sld [smem:$0x3FAE]  }
0x2b: {  	s6 =	sld [smem:$0x3FAF]  }
0x2c: {  	s7 =	sld [smem:$0x3FB0]  }
0x2d: {  	s3 =	simm.s32 $0x108;
	s8 =	sld [smem:$0x3FB1]  }
0x2e: {  	s3 =	simm.s32 @!p0 $0x1082;
	s9 =	sld [smem:$0x3FB2]  }
0x2f: {  	lr =	sadd.s32 s0, s3;
	s0 =	sld [smem:$0x3FA9]  }
0x30: {  	s3 =	sld [smem:$0x3FAC]  }
0x31: {  	[smem:$0x3FB5] =	sst s10  }
0x32: {  	s10 =	sld [smem:$0x3FB3];
	_ =	sdelay $0x3  }
0x33: {  	p0 =	seq.s32 s10, $0x1;
	s10 =	sld [smem:$0x3FB5];
	_ =	sdelay $0x3  }
0x34: {  	[smem:$0x3FB5] =	sst s10  }
0x35: {  	s10 =	sld [smem:$0x3FB4];
	_ =	sdelay $0x3  }
0x36: {  	p1 =	seq.s32 s10, $0x1;
	s10 =	sld [smem:$0x3FB5];
	_ =	sdelay $0x3  }
0x37: {  	[smem:$0x3FB5] =	sst s10  }
0x38: {  	s10 =	sld [smem:$0x3FB6]  }
0x39: {  	_ = 	snop;
	(pc) =	sbr.ind lr, $3  }
0x3a: {  	_ = 	snop  }
0x3b: {  	_ = 	snop  }
0x3c: {  	p2 =	seq.s32 s10, $0x1;
	s10 =	sld [smem:$0x3FB5]  }
0x3d: {  	_ =	shalt  }
0x3e: {  	_ =	shalt  }
0x3f: {  	_ =	shalt  }
0x40: {  	_ =	shalt  }
0x41: {  	_ =	shalt  }
0x42: {  	_ =	shalt  }
0x43: {  	_ =	shalt  }
0x44: {  	_ =	shalt  }
0x45: {  	_ =	shalt  }
0x46: {  	_ =	shalt  }
0x47: {  	_ =	shalt  }
0x48: {  	_ =	shalt  }
0x49: {  	_ =	shalt  }
0x4a: {  	_ =	shalt  }
0x4b: {  	_ =	shalt  }
0x4c: {  	_ =	shalt  }
0x4d: {  	_ =	shalt  }
0x4e: {  	_ =	shalt  }
0x4f: {  	_ =	shalt  }
0x50: {  	_ =	shalt  }
0x51: {  	_ =	shalt  }
0x52: {  	_ =	shalt  }
0x53: {  	_ =	shalt  }
0x54: {  	_ =	shalt  }
0x55: {  	_ =	shalt  }
0x56: {  	_ =	shalt  }
0x57: {  	_ =	shalt  }
0x58: {  	_ =	shalt  }
0x59: {  	_ =	shalt  }
0x5a: {  	_ =	shalt  }
0x5b: {  	_ =	shalt  }
0x5c: {  	_ =	shalt  }
0x5d: {  	_ =	shalt  }
0x5e: {  	_ =	shalt  }
0x5f: {  	_ =	shalt  }
0x60: {  	_ =	shalt  }
0x61: {  	_ =	shalt  }
0x62: {  	_ =	shalt  }
0x63: {  	_ =	shalt  }
0x64: {  	_ =	shalt  }
0x65: {  	_ =	shalt  }
0x66: {  	_ =	shalt  }
0x67: {  	_ =	shalt  }
0x68: {  	_ =	shalt  }
0x69: {  	_ =	shalt  }
0x6a: {  	_ =	shalt  }
0x6b: {  	_ =	shalt  }
0x6c: {  	_ =	shalt  }
0x6d: {  	_ =	shalt  }
0x6e: {  	_ =	shalt  }
0x6f: {  	_ =	shalt  }
0x70: {  	_ =	shalt  }
0x71: {  	_ =	shalt  }
0x72: {  	_ =	shalt  }
0x73: {  	_ =	shalt  }
0x74: {  	_ =	shalt  }
0x75: {  	_ =	shalt  }
0x76: {  	_ =	shalt  }
0x77: {  	_ =	shalt  }
0x78: {  	_ =	shalt  }
0x79: {  	_ =	shalt  }
0x7a: {  	_ =	shalt  }
0x7b: {  	_ =	shalt  }
0x7c: {  	_ =	shalt  }
0x7d: {  	_ =	shalt  }
0x7e: {  	_ =	shalt  }
0x7f: {  	_ =	shalt  }
0x80: {  	_ =	shalt  }
0x81: {  	_ =	shalt  }
0x82: {  	_ =	shalt  }
0x83: {  	_ =	shalt  }
0x84: {  	_ =	shalt  }
0x85: {  	_ =	shalt  }
0x86: {  	_ =	shalt  }
0x87: {  	_ =	shalt  }
.Lfunc_end0:
.L_simem_size_0:
called_computation.1_lowered:
.L_overlay_start_0:
0x88: {  	s2 =	sld [smem:$0x3FD9]  }
0x89: {  	s3 =	sld [smem:$0x3FFE];
	_ =	sdelay $0x1  }
0x8a: {  	s1 =	srdreg.scid  }
0x8b: {  	s0 =	sand.u32 $0x1, s1  }
0x8c: {  	s16 =	sshll.u32 s0, $0xA;
	s2 =	sadd.s32 s3, s2  }
0x8d: {  	s2 =	sadd.s32 s2, s16  }
0x8e: {  	[smem:$0x3FC1] =	sst s2  }
0x8f: {  	_ = 	snop  }
0x90: {  	(tm) =	ssettm $0x1  }
0x91: {  	s17 =	sld [smem:$0x3FFB];
	_ =	sdelay $0x3  }
0x92: {  	_ =	strace s17  }
0x93: {  	s2 =	sld [smem:$0x3FFC];
	_ =	sdelay $0x3  }
0x94: {  	_ =	strace s2  }
0x95: {  	s2 =	sld [smem:$0x3FFD];
	_ =	sdelay $0x3  }
0x96: {  	_ =	strace s2  }
0x97: {  	_ =	strace $0x8FFFFFFF  }
0x98: {  	s18 =	sld [smem:$0x3FDB];
	_ =	sdelay $0x1  }
0x99: {  	s19 =	simm.s32 $_scs_section_size  }
0x9a: {  	s4 =	simm.s32 $_size__tile_overlayer_lowered;
	s5 =	simm.s32 $_tile_overlayer_lowered  }
0x9b: {  	s22 =	simm.s32 $0x1BFF;
	s21 =	sshll.u32 s5, $0x1;
	s2 =	sadd.s32 s19, s18  }
0x9c: {  	s6 =	simm.s32 $0x0;
	s20 =	sshll.u32 s4, $0x1;
	s4 =	sadd.s32 s21, s2  }
0x9d: {  	[timem:s6], [sflag:s22] =	dma.local [hbm:s4], s20  }
0x9e: {  	_ =	swait.ge [sflag:s22], s20  }
0x9f: {  	s3 =	ssub.s32 $0x0, s20;
	[sflag:s22] =	ssyncset.done $0x0  }
0xa0: {  	[sflag:s22] =	ssyncadd.s32 s3;
	_ =	sdelay $0x1  }
0xa1: {  	s23 =	simm.s32 $0x1B8B  }
0xa2: {  	_ =	swait.ge [sflag:s23], $0x1  }
0xa3: {  	[sflag:s23] =	ssyncset.done $0x0  }
0xa4: {  	s25 =	simm.s32 $0x1B8E;
	s24 =	sld [smem:$0x3FFE];
	[sflag:s23] =	ssyncadd.s32 $0xFFFFFFFF  }
0xa5: {  	s26 =	simm.s32 $execute0_lowered;
	[smem:$0x3FD2] =	sst s25  }
0xa6: {  	s4 =	sshll.u32 s26, $0x1;
	_ =	strace $0x80000049;
	[dreg:$0x1] =	wrdreg $0xFFFFFFFF  }
0xa7: {  	s28 =	simm.s32 $_size_execute0_lowered;
	s2 =	sadd.s32 s2, s4;
	[dreg:$0x0] =	wrdreg $0x0  }
0xa8: {  	s4 =	sshll.u32 s28, $0x1;
	[dreg:$0x2] =	wrdreg s2  }
0xa9: {  	[dreg:$0x3] =	wrdreg s4  }
0xaa: {  	[dreg:$0x4] =	wrdreg $0xC0  }
0xab: {  	_ =	task [dreg:s6], $0x5FFFF  }
0xac: {  	[dreg:$0x1] =	wrdreg $0xFFFFFFFF  }
0xad: {  	[dreg:$0x0] =	wrdreg $0x60  }
0xae: {  	[dreg:$0x2] =	wrdreg s24  }
0xaf: {  	[dreg:$0x3] =	wrdreg $0x9  }
0xb0: {  	_ =	task.clear_ibuf [dreg:s6], $0x4FFFF;
	_ =	strace $0x90000049  }
0xb1: {  	s29 =	simm.s32 $0x9;
	_ =	strace $0x8000004B  }
0xb2: {  	_ =	swait.ge [sflag:s29], $0x1  }
0xb3: {  	[sflag:s29] =	ssyncadd.s32 $0xFFFFFFFF  }
0xb4: {  	_ =	strace $0x9000004B  }
0xb5: {  	_ =	sfence  }
0xb6: {  	s30 =	sld [smem:$0x0];
	_ =	sdelay $0x2  }
0xb7: {  	s31 =	sshll.u32 s1, $0xD;
	s1 =	sshrl.u32 s1, $0x2  }
0xb8: {  	s3 =	sand.u32 $0x4000, s31;
	s1 =	sadd.s32 s1, s30  }
0xb9: {  	s0 =	sor.u32 s3, s0;
	s1 =	sshll.u32 s1, $0x11  }
0xba: {  	s0 =	sor.u32 s1, s0  }
0xbb: {  	s0 =	sadd.s32 $0x8F2B, s0  }
0xbc: {  	[sflag:s0] =	ssyncadd.remote.s32 $0x1  }
0xbd: {  	_ =	sfence.sel $0xFFFF  }
0xbe: {  	[dreg:$0x0] =	wrdreg $0xFFFFFFFF;
	(pc) =	sbr.abs _section_cstart, $3  }
0xbf: {  	[dreg:$0x1] =	wrdreg $0xFFFFFFFF  }
0xc0: {  	_ =	task.clear_ibuf [dreg:s6], $0x2FFFF;
	_ =	strace $0x9FFFFFFF  }
0xc1: {  	(tm) =	ssettm $0x7FFFFFFF  }
tec
execute0_lowered:
.L_overlay_start_1:
0x0: {  	(tag) =	ssettag $0x1  }
0x1: {  	s6 =	rddreg [dreg:$0x0]  }
0x2: {  	s0 =	rddreg [dreg:$0x1];
	s1 =	simm.s32 $0x0  }
0x3: {  	s7 =	srdreg.scid;
	s4 =	stileid.u32;
	s19 =	simm.s32 $0x100  }
0x4: {  	s20 =	simm.s32 $0x1;
	[smem:$0x7FF] =	sst s1;
	s8 =	sadd.s32 $0x18C00, s6  }
0x5: {  	s14 =	sadd.s32 $0x19000, s6;
	s2 =	sadd.s32 $0xC00, s6;
	s3 =	sadd.s32 $0x8C00, s6  }
0x6: {  	s5 =	sadd.s32 $0x10C00, s6;
	s9 =	sadd.s32 $0x19400, s6;
	s7 =	sand.u32 $0x1, s7  }
0x7: {  	s11 =	sadd.s32 $0x39400, s6;
	s12 =	sshll.u32 s4, $0x9;
	s10 =	ssub.s32 $0x2, s7  }
0x8: {  	s15 =	sadd.s32 $0x59400, s6;
	s7 =	sshll.u32 s7, $0x8;
	s30 =	sshrl.u32 s10, $0x1  }
0x9: {  	_ =	strace $0x8000004A;
	s7 =	sor.u32 s7, s12;
	s16 =	ssub.s32 s10, s30  }
0xa: {  	s12 =	sshrl.u32 s7, $0x3;
	s31 =	sor.u32 $0x80, s7;
	s13 =	sshll.u32 s7, $0x4  }
0xb: {  	s6 =	sadd.s32 s8, s12;
	s17 =	sshrl.u32 s31, $0x3;
	s7 =	sadd.s32 s9, s13  }
0xc: {  	s18 =	sshll.u32 s31, $0x4;
	s10 =	sadd.s32 s11, s13;
	s12 =	sadd.s32 s14, s12  }
0xd: {  	s13 =	sadd.s32 s15, s13;
	s16 =	smax.u32 s16, $0x1;
	s8 =	sadd.s32 s8, s17  }
0xe: {  	s9 =	sadd.s32 s9, s18;
	s11 =	sadd.s32 s11, s18;
	s14 =	sadd.s32 s14, s17  }
0xf: {  	s15 =	sadd.s32 s15, s18;
	s17 =	simm.s32 $0x2;
	s18 =	simm.s32 $0x80  }
.LBB2_1:
0x10: {  	[tilespmem:s1], [sflag:$0x2] =	stream.linear.gather [hbm4b:s6+s1], $0x80, $0x38;
	[tilespmem:$0x4100] =	vst v63  }
0x11: {  	_ =	swait.ge [sflag:s17], $0x80  }
0x12: {  	[sflag:s17] =	ssyncset.done $0x0  }
0x13: {  	[sflag:s17] =	ssyncadd.s32 $0xFFFFFF80  }
0x14: {  	v0 =	vld [tilespmem:$0x0]  }
0x15: {  	v1 =	vld [tilespmem:$0x10]  }
0x16: {  	v2 =	vld [tilespmem:$0x20]  }
0x17: {  	v3 =	vld [tilespmem:$0x30]  }
0x18: {  	v4 =	vld [tilespmem:$0x40]  }
0x19: {  	v5 =	vld [tilespmem:$0x50];
	v0 =	vshra.s32 v0, $0x1  }
0x1a: {  	v37 =	vld [tilespmem:$0x60];
	v36 =	vshra.s32 v1, $0x1;
	[tilespmem:$0x80] =	vst v0  }
0x1b: {  	v39 =	vld [tilespmem:$0x70];
	v38 =	vshra.s32 v2, $0x1;
	[tilespmem:$0x90] =	vst v36  }
0x1c: {  	v40 =	vshra.s32 v3, $0x1;
	[tilespmem:$0xA0] =	vst v38  }
0x1d: {  	v41 =	vshra.s32 v4, $0x1;
	[tilespmem:$0xB0] =	vst v40  }
0x1e: {  	v42 =	vshra.s32 v5, $0x1;
	[tilespmem:$0xC0] =	vst v41  }
0x1f: {  	v43 =	vshra.s32 v37, $0x1;
	[tilespmem:$0xD0] =	vst v42  }
0x20: {  	v44 =	vshra.s32 v39, $0x1;
	[tilespmem:$0xE0] =	vst v43  }
0x21: {  	[tilespmem:$0xF0] =	vst v44  }
0x22: {  	[tilespmem:s19], [sflag:$0x1] =	stream.indirect.gather [hbm4b:s2+s18], $0x80, s18, s18, $0xb8;
	[tilespmem:$0x4100] =	vst v63  }
0x23: {  	_ =	swait.ge [sflag:s20], $0x4000  }
0x24: {  	[sflag:s20] =	ssyncset.done $0x0  }
0x25: {  	[sflag:s20] =	ssyncadd.s32 $0xFFFFC000  }
0x26: {  	[hbm4b:s7+s1] =	stream.linear.scatter [tilespmem:s19], [sflag:$0x2], $0x4000, $0x38;
	[tilespmem:$0x4100] =	vst v63  }
0x27: {  	_ =	swait.ge [sflag:s17], $0x4000  }
0x28: {  	[sflag:s17] =	ssyncset.done $0x0  }
0x29: {  	[sflag:s17] =	ssyncadd.s32 $0xFFFFC000  }
0x2a: {  	[tilespmem:s1], [sflag:$0x2] =	stream.linear.gather [hbm4b:s8+s1], $0x80, $0x38;
	[tilespmem:$0x4100] =	vst v63  }
0x2b: {  	_ =	swait.ge [sflag:s17], $0x80  }
0x2c: {  	[sflag:s17] =	ssyncset.done $0x0  }
0x2d: {  	[sflag:s17] =	ssyncadd.s32 $0xFFFFFF80  }
0x2e: {  	v45 =	vld [tilespmem:$0x0]  }
0x2f: {  	v46 =	vld [tilespmem:$0x10]  }
0x30: {  	v47 =	vld [tilespmem:$0x20]  }
0x31: {  	v48 =	vld [tilespmem:$0x30]  }
0x32: {  	v49 =	vld [tilespmem:$0x40]  }
0x33: {  	v50 =	vld [tilespmem:$0x50];
	v0 =	vshra.s32 v45, $0x1  }
0x34: {  	v52 =	vld [tilespmem:$0x60];
	v51 =	vshra.s32 v46, $0x1;
	[tilespmem:$0x80] =	vst v0  }
0x35: {  	v54 =	vld [tilespmem:$0x70];
	v53 =	vshra.s32 v47, $0x1;
	[tilespmem:$0x90] =	vst v51  }
0x36: {  	v55 =	vshra.s32 v48, $0x1;
	[tilespmem:$0xA0] =	vst v53  }
0x37: {  	v56 =	vshra.s32 v49, $0x1;
	[tilespmem:$0xB0] =	vst v55  }
0x38: {  	v57 =	vshra.s32 v50, $0x1;
	[tilespmem:$0xC0] =	vst v56  }
0x39: {  	v58 =	vshra.s32 v52, $0x1;
	[tilespmem:$0xD0] =	vst v57  }
0x3a: {  	v59 =	vshra.s32 v54, $0x1;
	[tilespmem:$0xE0] =	vst v58  }
0x3b: {  	[tilespmem:$0xF0] =	vst v59  }
0x3c: {  	[tilespmem:s19], [sflag:$0x1] =	stream.indirect.gather [hbm4b:s2+s18], $0x80, s18, s18, $0xb8;
	[tilespmem:$0x4100] =	vst v63  }
0x3d: {  	_ =	swait.ge [sflag:s20], $0x4000  }
0x3e: {  	[sflag:s20] =	ssyncset.done $0x0  }
0x3f: {  	[sflag:s20] =	ssyncadd.s32 $0xFFFFC000  }
0x40: {  	[hbm4b:s9+s1] =	stream.linear.scatter [tilespmem:s19], [sflag:$0x2], $0x4000, $0x38;
	[tilespmem:$0x4100] =	vst v63  }
0x41: {  	_ =	swait.ge [sflag:s17], $0x4000  }
0x42: {  	[sflag:s17] =	ssyncset.done $0x0  }
0x43: {  	[sflag:s17] =	ssyncadd.s32 $0xFFFFC000  }
0x44: {  	[tilespmem:s1], [sflag:$0x2] =	stream.linear.gather [hbm4b:s6+s1], $0x80, $0x38;
	[tilespmem:$0x4100] =	vst v63  }
0x45: {  	_ =	swait.ge [sflag:s17], $0x80  }
0x46: {  	[sflag:s17] =	ssyncset.done $0x0  }
0x47: {  	[sflag:s17] =	ssyncadd.s32 $0xFFFFFF80  }
0x48: {  	v60 =	vld [tilespmem:$0x0]  }
0x49: {  	v61 =	vld [tilespmem:$0x10]  }
0x4a: {  	v62 =	vld [tilespmem:$0x20]  }
0x4b: {  	v63 =	vld [tilespmem:$0x30]  }
0x4c: {  	v8 =	vld [tilespmem:$0x40]  }
0x4d: {  	v9 =	vld [tilespmem:$0x50];
	v0 =	vshra.s32 v60, $0x1  }
0x4e: {  	v11 =	vld [tilespmem:$0x60];
	v10 =	vshra.s32 v61, $0x1;
	[tilespmem:$0x80] =	vst v0  }
0x4f: {  	v13 =	vld [tilespmem:$0x70];
	v12 =	vshra.s32 v62, $0x1;
	[tilespmem:$0x90] =	vst v10  }
0x50: {  	v14 =	vshra.s32 v63, $0x1;
	[tilespmem:$0xA0] =	vst v12  }
0x51: {  	v15 =	vshra.s32 v8, $0x1;
	[tilespmem:$0xB0] =	vst v14  }
0x52: {  	v16 =	vshra.s32 v9, $0x1;
	[tilespmem:$0xC0] =	vst v15  }
0x53: {  	v17 =	vshra.s32 v11, $0x1;
	[tilespmem:$0xD0] =	vst v16  }
0x54: {  	v18 =	vshra.s32 v13, $0x1;
	[tilespmem:$0xE0] =	vst v17  }
0x55: {  	[tilespmem:$0xF0] =	vst v18  }
0x56: {  	[tilespmem:s19], [sflag:$0x1] =	stream.indirect.gather [hbm4b:s3+s18], $0x80, s18, s18, $0xb8;
	[tilespmem:$0x4100] =	vst v63  }
0x57: {  	_ =	swait.ge [sflag:s20], $0x4000  }
0x58: {  	[sflag:s20] =	ssyncset.done $0x0  }
0x59: {  	[sflag:s20] =	ssyncadd.s32 $0xFFFFC000  }
0x5a: {  	[hbm4b:s10+s1] =	stream.linear.scatter [tilespmem:s19], [sflag:$0x2], $0x4000, $0x38;
	[tilespmem:$0x4100] =	vst v63  }
0x5b: {  	_ =	swait.ge [sflag:s17], $0x4000  }
0x5c: {  	[sflag:s17] =	ssyncset.done $0x0  }
0x5d: {  	[sflag:s17] =	ssyncadd.s32 $0xFFFFC000  }
0x5e: {  	[tilespmem:s1], [sflag:$0x2] =	stream.linear.gather [hbm4b:s8+s1], $0x80, $0x38;
	[tilespmem:$0x4100] =	vst v63  }
0x5f: {  	_ =	swait.ge [sflag:s17], $0x80  }
0x60: {  	[sflag:s17] =	ssyncset.done $0x0  }
0x61: {  	[sflag:s17] =	ssyncadd.s32 $0xFFFFFF80  }
0x62: {  	v19 =	vld [tilespmem:$0x0]  }
0x63: {  	v20 =	vld [tilespmem:$0x10]  }
0x64: {  	v21 =	vld [tilespmem:$0x20]  }
0x65: {  	v22 =	vld [tilespmem:$0x30]  }
0x66: {  	v23 =	vld [tilespmem:$0x40]  }
0x67: {  	v24 =	vld [tilespmem:$0x50];
	v0 =	vshra.s32 v19, $0x1  }
0x68: {  	v26 =	vld [tilespmem:$0x60];
	v25 =	vshra.s32 v20, $0x1;
	[tilespmem:$0x80] =	vst v0  }
0x69: {  	v28 =	vld [tilespmem:$0x70];
	v27 =	vshra.s32 v21, $0x1;
	[tilespmem:$0x90] =	vst v25  }
0x6a: {  	v29 =	vshra.s32 v22, $0x1;
	[tilespmem:$0xA0] =	vst v27  }
0x6b: {  	v30 =	vshra.s32 v23, $0x1;
	[tilespmem:$0xB0] =	vst v29  }
0x6c: {  	v31 =	vshra.s32 v24, $0x1;
	[tilespmem:$0xC0] =	vst v30  }
0x6d: {  	v32 =	vshra.s32 v26, $0x1;
	[tilespmem:$0xD0] =	vst v31  }
0x6e: {  	v33 =	vshra.s32 v28, $0x1;
	[tilespmem:$0xE0] =	vst v32  }
0x6f: {  	[tilespmem:$0xF0] =	vst v33  }
0x70: {  	[tilespmem:s19], [sflag:$0x1] =	stream.indirect.gather [hbm4b:s3+s18], $0x80, s18, s18, $0xb8;
	[tilespmem:$0x4100] =	vst v63  }
0x71: {  	_ =	swait.ge [sflag:s20], $0x4000  }
0x72: {  	[sflag:s20] =	ssyncset.done $0x0  }
0x73: {  	[sflag:s20] =	ssyncadd.s32 $0xFFFFC000  }
0x74: {  	[hbm4b:s11+s1] =	stream.linear.scatter [tilespmem:s19], [sflag:$0x2], $0x4000, $0x38;
	[tilespmem:$0x4100] =	vst v63  }
0x75: {  	_ =	swait.ge [sflag:s17], $0x4000  }
0x76: {  	[sflag:s17] =	ssyncset.done $0x0  }
0x77: {  	[sflag:s17] =	ssyncadd.s32 $0xFFFFC000  }
0x78: {  	[tilespmem:s1], [sflag:$0x2] =	stream.linear.gather [hbm4b:s12+s1], $0x80, $0x38;
	[tilespmem:$0x4100] =	vst v63  }
0x79: {  	_ =	swait.ge [sflag:s17], $0x80  }
0x7a: {  	[sflag:s17] =	ssyncset.done $0x0  }
0x7b: {  	[sflag:s17] =	ssyncadd.s32 $0xFFFFFF80  }
0x7c: {  	v34 =	vld [tilespmem:$0x0]  }
0x7d: {  	v35 =	vld [tilespmem:$0x10]  }
0x7e: {  	v36 =	vld [tilespmem:$0x20]  }
0x7f: {  	v37 =	vld [tilespmem:$0x30]  }
0x80: {  	v38 =	vld [tilespmem:$0x40]  }
0x81: {  	v39 =	vld [tilespmem:$0x50];
	v0 =	vshra.s32 v34, $0x1  }
0x82: {  	v41 =	vld [tilespmem:$0x60];
	v40 =	vshra.s32 v35, $0x1;
	[tilespmem:$0x80] =	vst v0  }
0x83: {  	v43 =	vld [tilespmem:$0x70];
	v42 =	vshra.s32 v36, $0x1;
	[tilespmem:$0x90] =	vst v40  }
0x84: {  	v44 =	vshra.s32 v37, $0x1;
	[tilespmem:$0xA0] =	vst v42  }
0x85: {  	v45 =	vshra.s32 v38, $0x1;
	[tilespmem:$0xB0] =	vst v44  }
0x86: {  	v46 =	vshra.s32 v39, $0x1;
	[tilespmem:$0xC0] =	vst v45  }
0x87: {  	v47 =	vshra.s32 v41, $0x1;
	[tilespmem:$0xD0] =	vst v46  }
0x88: {  	v48 =	vshra.s32 v43, $0x1;
	[tilespmem:$0xE0] =	vst v47  }
0x89: {  	[tilespmem:$0xF0] =	vst v48  }
0x8a: {  	[tilespmem:s19], [sflag:$0x1] =	stream.indirect.gather [hbm4b:s5+s18], $0x80, s18, s18, $0xb8;
	[tilespmem:$0x4100] =	vst v63  }
0x8b: {  	_ =	swait.ge [sflag:s20], $0x4000  }
0x8c: {  	[sflag:s20] =	ssyncset.done $0x0  }
0x8d: {  	[sflag:s20] =	ssyncadd.s32 $0xFFFFC000  }
0x8e: {  	[hbm4b:s13+s1] =	stream.linear.scatter [tilespmem:s19], [sflag:$0x2], $0x4000, $0x38;
	[tilespmem:$0x4100] =	vst v63  }
0x8f: {  	_ =	swait.ge [sflag:s17], $0x4000  }
0x90: {  	[sflag:s17] =	ssyncset.done $0x0  }
0x91: {  	[sflag:s17] =	ssyncadd.s32 $0xFFFFC000  }
0x92: {  	[tilespmem:s1], [sflag:$0x2] =	stream.linear.gather [hbm4b:s14+s1], $0x80, $0x38;
	[tilespmem:$0x4100] =	vst v63  }
0x93: {  	_ =	swait.ge [sflag:s17], $0x80  }
0x94: {  	[sflag:s17] =	ssyncset.done $0x0  }
0x95: {  	[sflag:s17] =	ssyncadd.s32 $0xFFFFFF80  }
0x96: {  	v49 =	vld [tilespmem:$0x0]  }
0x97: {  	v50 =	vld [tilespmem:$0x10]  }
0x98: {  	v51 =	vld [tilespmem:$0x20]  }
0x99: {  	v52 =	vld [tilespmem:$0x30]  }
0x9a: {  	v53 =	vld [tilespmem:$0x40]  }
0x9b: {  	v54 =	vld [tilespmem:$0x50];
	v0 =	vshra.s32 v49, $0x1  }
0x9c: {  	v56 =	vld [tilespmem:$0x60];
	v55 =	vshra.s32 v50, $0x1;
	[tilespmem:$0x80] =	vst v0  }
0x9d: {  	v58 =	vld [tilespmem:$0x70];
	v57 =	vshra.s32 v51, $0x1;
	[tilespmem:$0x90] =	vst v55  }
0x9e: {  	v59 =	vshra.s32 v52, $0x1;
	[tilespmem:$0xA0] =	vst v57  }
0x9f: {  	v60 =	vshra.s32 v53, $0x1;
	[tilespmem:$0xB0] =	vst v59  }
0xa0: {  	v61 =	vshra.s32 v54, $0x1;
	[tilespmem:$0xC0] =	vst v60  }
0xa1: {  	v62 =	vshra.s32 v56, $0x1;
	[tilespmem:$0xD0] =	vst v61  }
0xa2: {  	v63 =	vshra.s32 v58, $0x1;
	[tilespmem:$0xE0] =	vst v62  }
0xa3: {  	[tilespmem:$0xF0] =	vst v63  }
0xa4: {  	[tilespmem:s19], [sflag:$0x1] =	stream.indirect.gather [hbm4b:s5+s18], $0x80, s18, s18, $0xb8;
	[tilespmem:$0x4100] =	vst v63  }
0xa5: {  	_ =	swait.ge [sflag:s20], $0x4000  }
0xa6: {  	p0 =	sne.s32 s16, $0x1;
	[sflag:s20] =	ssyncset.done $0x0  }
.Ltmp0:
0xa7: {  	[sflag:s20] =	ssyncadd.s32 $0xFFFFC000;
	(pc) =	sbr.rel @p0 .LBB2_1-.Ltmp0, $4  }
0xa8: {  	[hbm4b:s15+s1] =	stream.linear.scatter [tilespmem:s19], [sflag:$0x2], $0x4000, $0x38;
	[tilespmem:$0x4100] =	vst v63  }
0xa9: {  	_ =	swait.ge [sflag:s17], $0x4000  }
0xaa: {  	[sflag:s17] =	ssyncset.done $0x0  }
0xab: {  	s16 =	sadd.s32 $0xFFFFFFFF, s16;
	[sflag:s17] =	ssyncadd.s32 $0xFFFFC000  }
0xac: {  	_ =	sfence.sel $0x180000  }
0xad: {  	[bflag:$0x0] =	sbarrier.arrive $0xFFFF  }
0xae: {  	p0 =	sne.s32 s4, $0x0;
	_ =	strace $0x9000004A  }
0xaf: {  	s0 =	sadd.s32 @!p0 $0x100000, s0;
	[bflag:$0x2] =	sbarrier.arrive $0xFFFF  }
0xb0: {  	[sflag:s0] =	ssyncadd.tile.s32 @!p0 $0x1;
	_ =	shalt  }
.Lfunc_end2:
_tile_overlayer_lowered:
.L_overlay_start_2:
0xb1: {  	(tag) =	ssettag $0x2  }
0xb2: {  	s0 =	rddreg [dreg:$0x0];
	s2 =	stileid.u32  }
0xb3: {  	s1 =	rddreg [dreg:$0x1];
	p0 =	sne.s32 s2, $0x0  }
0xb4: {  	s3 =	rddreg [dreg:$0x2];
	[bflag:$0x3] =	sbarrier.arrive $0xFFFF;
	s2 =	simm.s32 @!p0 $0x1C02  }
0xb5: {  	[timem:s3], [sflag:s2] =	dma.local @!p0 [hbm:s0], s1  }
0xb6: {  	s0 =	simm.s32 @!p0 $0x2  }
0xb7: {  	_ =	swait.ge @!p0 [sflag:s0], s1  }
0xb8: {  	s1 =	ssub.s32 @!p0 $0x0, s1;
	[sflag:s0] =	ssyncset.done @!p0 $0x0  }
0xb9: {  	[sflag:s0] =	ssyncadd.s32 @!p0 s1  }
0xba: {  	[bflag:$0x3] =	sbarrier.arrive $0xFFFF  }
0xbb: {  	_ =	shalt  }

</sc_bundles>
